<compile_context>
chip_gen: v7x
topology: tpu7x:2x2x1
jax: 0.10.2.dev20260603
libtpu: 0.0.44.dev20260713+nightly
codegen_flags: <defaults>
</compile_context>

<pallas_src>
import functools

import jax
import jax.numpy as jnp
from jax import lax
from jax.experimental import pallas as pl
from jax.experimental.pallas import tpu as pltpu
from jax.experimental.pallas import tpu_sc as plsc

N = 10000
E = 320000
D = 128
T = 16
NB = 8
CUT = 4.0

NC = 2
NS = 16
NW = NC * NS
EPW = E // NW
CH = 80
NCH = EPW // CH

F32 = jnp.float32
I32 = jnp.int32

_MESH = plsc.VectorSubcoreMesh(
    core_axis_name="c", subcore_axis_name="s", num_cores=NC, num_subcores=NS)


def _worker_id():
    return lax.axis_index("s") * NC + lax.axis_index("c")


def _ew_mul(dst, a, b):
    def row(r, _):
        for rr in range(2):
            ri = r * 2 + rr
            for k in range(D // 16):
                sl = pl.ds(k * 16, 16)
                dst[ri, sl] = a[ri, sl] * b[ri, sl]
        return 0
    lax.fori_loop(0, CH // 2, row, 0)


@functools.partial(
    pl.kernel,
    out_type=jax.ShapeDtypeStruct((NW, NCH, CH, 4), F32),
    mesh=_MESH,
    scratch_types=[
        pltpu.VMEM((NCH, CH), I32),
        pltpu.VMEM((NCH, CH), I32),
        pltpu.VMEM((N,), F32),
        pltpu.VMEM((N,), F32),
        pltpu.VMEM((N,), F32),
        pltpu.VMEM((CH, 4), F32),
    ],
    compiler_params=pltpu.CompilerParams(needs_layout_passes=False),
)
def _sc_vec(px_hbm, py_hbm, pz_hbm, j_hbm, i_hbm, vec_hbm,
            jv, iv, px, py, pz, vbuf):
    w = _worker_id()
    pltpu.sync_copy(j_hbm.at[w], jv)
    pltpu.sync_copy(i_hbm.at[w], iv)
    pltpu.sync_copy(px_hbm, px)
    pltpu.sync_copy(py_hbm, py)
    pltpu.sync_copy(pz_hbm, pz)

    def body(c, _):
        for g in range(CH // 16):
            sl = pl.ds(g * 16, 16)
            j16 = jv[c, sl]
            i16 = iv[c, sl]
            e16 = lax.broadcasted_iota(I32, (16,), 0) + (g * 16)
            for comp, pref in ((0, px), (1, py), (2, pz)):
                vj = plsc.load_gather(pref, [j16])
                vi = plsc.load_gather(pref, [i16])
                cs = jnp.full((16,), comp, I32)
                plsc.store_scatter(vbuf, [e16, cs], vj - vi)
        pltpu.sync_copy(vbuf, vec_hbm.at[w, c])
        return 0
    lax.fori_loop(0, NCH, body, 0)


@functools.partial(
    pl.kernel,
    out_type=jax.ShapeDtypeStruct((NC, N, D), F32),
    mesh=_MESH,
    scratch_types=[
        pltpu.VMEM((1, CH), I32),
        pltpu.VMEM((1, CH), I32),
        pltpu.VMEM((CH, D), F32),
        pltpu.VMEM((CH, D), F32),
        pltpu.VMEM_SHARED((N, D), F32),
        pltpu.SemaphoreType.DMA,
        pltpu.SemaphoreType.DMA,
    ],
)
def _sc_fwd_msg(w_hbm, hm_hbm, j_hbm, i_hbm, z_hbm, out_hbm,
                jbuf, ibuf, wbuf, hmbuf, acc, s1, s2):
    cid = lax.axis_index("c")
    sid = lax.axis_index("s")
    w = sid * NC + cid

    @pl.when(sid == 0)
    def _():
        pltpu.sync_copy(z_hbm, acc)
    plsc.subcore_barrier()

    def body(c, _):
        pltpu.sync_copy(j_hbm.at[w, c], jbuf.at[0])
        pltpu.sync_copy(i_hbm.at[w, c], ibuf.at[0])
        cw = pltpu.async_copy(w_hbm.at[w, c], wbuf, s1)
        chm = pltpu.async_copy(hm_hbm.at[jbuf.at[0]], hmbuf, s2)
        cw.wait()
        chm.wait()
        _ew_mul(wbuf, wbuf, hmbuf)
        pltpu.sync_copy(wbuf, acc.at[ibuf.at[0]], add=True)
        return 0
    lax.fori_loop(0, NCH, body, 0)

    plsc.subcore_barrier()

    @pl.when(sid == 0)
    def _():
        pltpu.sync_copy(acc, out_hbm.at[cid])


@functools.partial(
    pl.kernel,
    out_type=(jax.ShapeDtypeStruct((NW, NCH, CH, D), F32),
              jax.ShapeDtypeStruct((NC, N, D), F32)),
    mesh=_MESH,
    scratch_types=[
        pltpu.VMEM((1, CH), I32),
        pltpu.VMEM((1, CH), I32),
        pltpu.VMEM((CH, D), F32),
        pltpu.VMEM((CH, D), F32),
        pltpu.VMEM((CH, D), F32),
        pltpu.VMEM_SHARED((N, D), F32),
        pltpu.SemaphoreType.DMA,
        pltpu.SemaphoreType.DMA,
        pltpu.SemaphoreType.DMA,
    ],
)
def _sc_bwd2(w_hbm, hm_hbm, dg_hbm, j_hbm, i_hbm, z_hbm, dw_hbm, out_hbm,
             jbuf, ibuf, wbuf, hmbuf, dgbuf, acc, s1, s2, s3):
    cid = lax.axis_index("c")
    sid = lax.axis_index("s")
    w = sid * NC + cid

    @pl.when(sid == 0)
    def _():
        pltpu.sync_copy(z_hbm, acc)
    plsc.subcore_barrier()

    def body(c, _):
        pltpu.sync_copy(j_hbm.at[w, c], jbuf.at[0])
        pltpu.sync_copy(i_hbm.at[w, c], ibuf.at[0])
        cw = pltpu.async_copy(w_hbm.at[w, c], wbuf, s1)
        chm = pltpu.async_copy(hm_hbm.at[jbuf.at[0]], hmbuf, s2)
        cdg = pltpu.async_copy(dg_hbm.at[ibuf.at[0]], dgbuf, s3)
        cw.wait()
        chm.wait()
        cdg.wait()
        _ew_mul(hmbuf, dgbuf, hmbuf)
        pltpu.sync_copy(hmbuf, dw_hbm.at[w, c])
        _ew_mul(dgbuf, dgbuf, wbuf)
        pltpu.sync_copy(dgbuf, acc.at[jbuf.at[0]], add=True)
        return 0
    lax.fori_loop(0, NCH, body, 0)

    plsc.subcore_barrier()

    @pl.when(sid == 0)
    def _():
        pltpu.sync_copy(acc, out_hbm.at[cid])


@functools.partial(
    pl.kernel,
    out_type=jax.ShapeDtypeStruct((NW, NCH, CH, D), F32),
    mesh=_MESH,
    scratch_types=[
        pltpu.VMEM((NCH, CH), I32),
        pltpu.VMEM((NCH, CH), I32),
        pltpu.VMEM((CH, D), F32),
        pltpu.VMEM((CH, D), F32),
        pltpu.VMEM((CH, D), F32),
        pltpu.SemaphoreType.DMA,
        pltpu.SemaphoreType.DMA,
    ],
)
def _sc_bwd1(hm_hbm, dg_hbm, j_hbm, i_hbm, dw_hbm,
             jv, iv, hmbuf, dgbuf, dwbuf, s1, s2):
    w = _worker_id()
    pltpu.sync_copy(j_hbm.at[w], jv)
    pltpu.sync_copy(i_hbm.at[w], iv)

    def body(c, _):
        chm = pltpu.async_copy(hm_hbm.at[jv.at[c]], hmbuf, s1)
        cdg = pltpu.async_copy(dg_hbm.at[iv.at[c]], dgbuf, s2)
        chm.wait()
        cdg.wait()
        _ew_mul(dwbuf, dgbuf, hmbuf)
        pltpu.sync_copy(dwbuf, dw_hbm.at[w, c])
        return 0
    lax.fori_loop(0, NCH, body, 0)


@functools.partial(
    pl.kernel,
    out_type=jax.ShapeDtypeStruct((NW, 3, N), F32),
    mesh=_MESH,
    scratch_types=[
        pltpu.VMEM((NCH, CH), I32),
        pltpu.VMEM((NCH, CH), I32),
        pltpu.VMEM((CH, 4), F32),
        pltpu.VMEM((1, N), F32),
        pltpu.VMEM((1, N), F32),
        pltpu.VMEM((1, N), F32),
    ],
    compiler_params=pltpu.CompilerParams(needs_layout_passes=False),
)
def _sc_force(dv_hbm, j_hbm, i_hbm, out_hbm, jv, iv, dvbuf, fx, fy, fz):
    w = _worker_id()
    pltpu.sync_copy(j_hbm.at[w], jv)
    pltpu.sync_copy(i_hbm.at[w], iv)

    def zero(t, _):
        z16 = jnp.zeros((16,), F32)
        sl = pl.ds(t * 16, 16)
        fx[0, sl] = z16
        fy[0, sl] = z16
        fz[0, sl] = z16
        return 0
    lax.fori_loop(0, N // 16, zero, 0)

    z16i = jnp.zeros((16,), I32)

    def body(c, _):
        pltpu.sync_copy(dv_hbm.at[w, c], dvbuf)
        for g in range(CH // 16):
            sl = pl.ds(g * 16, 16)
            j16 = jv[c, sl]
            i16 = iv[c, sl]
            e16 = lax.broadcasted_iota(I32, (16,), 0) + (g * 16)
            for comp, acc in ((0, fx), (1, fy), (2, fz)):
                cs = jnp.full((16,), comp, I32)
                v = plsc.load_gather(dvbuf, [e16, cs])
                plsc.addupdate_scatter(acc, [z16i, j16], -v)
                plsc.addupdate_scatter(acc, [z16i, i16], v)
        return 0
    lax.fori_loop(0, NCH, body, 0)

    pltpu.sync_copy(fx, out_hbm.at[w, pl.ds(0, 1)])
    pltpu.sync_copy(fy, out_hbm.at[w, pl.ds(1, 1)])
    pltpu.sync_copy(fz, out_hbm.at[w, pl.ds(2, 1)])


BLK = 3200


def _silu(x):
    return x * jax.nn.sigmoid(x)


def _radial_parts_t(vt):
    vx, vy, vz = vt[0:1], vt[1:2], vt[2:3]
    r2 = vx * vx + vy * vy + vz * vz + 1e-6
    r = jnp.sqrt(r2)
    rinv = 1.0 / r
    rm = jnp.minimum(r, CUT)
    mask = (r < CUT).astype(F32)
    env = 0.5 * (jnp.cos(jnp.pi * rm / CUT) + 1.0) * mask
    nvec = (lax.broadcasted_iota(I32, (NB, 1), 0) + 1).astype(F32)
    theta = (jnp.pi / CUT) * r * nvec
    return vx, vy, vz, r, rinv, rm, mask, env, nvec, theta


def _tc_radial_fwd(vt_ref, wa12_ref, wbd_ref, w1_ref, w2_ref):
    vx, vy, vz, r, rinv, rm, mask, env, nvec, theta = _radial_parts_t(vt_ref[...])
    k = jnp.sqrt(2.0 / CUT)
    rbt = k * jnp.sin(theta) * (rinv * env)
    a12 = lax.dot_general(rbt, wa12_ref[...], (((0,), (0,)), ((), ())),
                          preferred_element_type=F32, precision=lax.Precision.HIGHEST)
    w12 = jnp.dot(_silu(a12), wbd_ref[...], preferred_element_type=F32, precision=lax.Precision.HIGHEST)
    w1_ref[...] = w12[:, :D]
    w2_ref[...] = w12[:, D:]


def _tc_radial_bwd(vt_ref, dw1_ref, dw2_ref, wa12_ref, wbdT_ref, wa12T_ref,
                   dvt_ref):
    vx, vy, vz, r, rinv, rm, mask, env, nvec, theta = _radial_parts_t(vt_ref[...])
    k = jnp.sqrt(2.0 / CUT)
    sth = jnp.sin(theta)
    cth = jnp.cos(theta)

    def dsilu(a):
        s = jax.nn.sigmoid(a)
        return s * (1.0 + a * (1.0 - s))

    rbt = k * sth * (rinv * env)
    a12 = lax.dot_general(rbt, wa12_ref[...], (((0,), (0,)), ((), ())),
                          preferred_element_type=F32, precision=lax.Precision.HIGHEST)
    dw12 = jnp.concatenate([dw1_ref[...], dw2_ref[...]], axis=1)
    ds12 = jnp.dot(dw12, wbdT_ref[...], preferred_element_type=F32, precision=lax.Precision.HIGHEST)
    da12 = ds12 * dsilu(a12)
    drbt = lax.dot_general(wa12T_ref[...], da12, (((0,), (1,)), ((), ())),
                           preferred_element_type=F32, precision=lax.Precision.HIGHEST)

    denv = -0.5 * (jnp.pi / CUT) * jnp.sin(jnp.pi * rm / CUT) * mask
    drb_dr = (k * env * ((nvec * (jnp.pi / CUT)) * cth * rinv - sth * rinv * rinv)
              + k * sth * rinv * denv)
    dr = jnp.sum(drbt * drb_dr, axis=0, keepdims=True)
    g = dr * rinv
    zrow = jnp.zeros_like(g)
    dvt_ref[...] = jnp.concatenate([g * vx, g * vy, g * vz, zrow], axis=0)


def _tc_node1(at_ref, emb_ref, wm1_ref, h0_ref, hm1_ref):
    oh = (at_ref[...] == lax.broadcasted_iota(I32, (N, T), 1)).astype(F32)
    h0 = jnp.dot(oh, emb_ref[...], preferred_element_type=F32, precision=lax.Precision.HIGHEST)
    h0_ref[...] = h0
    hm1_ref[...] = jnp.dot(h0, wm1_ref[...], preferred_element_type=F32, precision=lax.Precision.HIGHEST)


def _tc_node2(aggp_ref, h0_ref, wu1_ref, wm2_ref, u1_ref, h1_ref, hm2_ref):
    agg = aggp_ref[0] + aggp_ref[1]
    u1 = jnp.dot(agg, wu1_ref[...], preferred_element_type=F32, precision=lax.Precision.HIGHEST)
    h1 = h0_ref[...] + _silu(u1)
    u1_ref[...] = u1
    h1_ref[...] = h1
    hm2_ref[...] = jnp.dot(h1, wm2_ref[...], preferred_element_type=F32, precision=lax.Precision.HIGHEST)


def _tc_node3(aggp_ref, h1_ref, wu2_ref, wout_ref, woutT_ref, wu2T_ref,
              e_ref, dg2_ref):
    agg = aggp_ref[0] + aggp_ref[1]
    u2 = jnp.dot(agg, wu2_ref[...], preferred_element_type=F32, precision=lax.Precision.HIGHEST)
    s = jax.nn.sigmoid(u2)
    h2 = h1_ref[...] + u2 * s
    e_ref[...] = jnp.sum(
        jnp.dot(h2, wout_ref[...], preferred_element_type=F32, precision=lax.Precision.HIGHEST)).reshape(1, 1)
    du2 = woutT_ref[...] * (s * (1.0 + u2 * (1.0 - s)))
    dg2_ref[...] = jnp.dot(du2, wu2T_ref[...], preferred_element_type=F32, precision=lax.Precision.HIGHEST)


def _tc_node4(dhmp_ref, u1_ref, wm2T_ref, wu1T_ref, woutT_ref, dg1_ref):
    dhm2 = dhmp_ref[0] + dhmp_ref[1]
    dh1 = woutT_ref[...] + jnp.dot(dhm2, wm2T_ref[...], preferred_element_type=F32, precision=lax.Precision.HIGHEST)
    u1 = u1_ref[...]
    s = jax.nn.sigmoid(u1)
    du1 = dh1 * (s * (1.0 + u1 * (1.0 - s)))
    dg1_ref[...] = jnp.dot(du1, wu1T_ref[...], preferred_element_type=F32, precision=lax.Precision.HIGHEST)


def _tc_fsum(fp_ref, out_ref):
    acc = fp_ref[0]
    for k in range(1, NW):
        acc = acc + fp_ref[k]
    out_ref[...] = acc


def _eblk(width):
    return pl.BlockSpec((BLK, width), lambda b: (b, 0))


def _tblk(rows):
    return pl.BlockSpec((rows, BLK), lambda b: (0, b))


def _full(shape):
    return pl.BlockSpec(shape, lambda b: tuple(0 for _ in shape))


def kernel(pos, emb, Wr1a, Wr1b, Wm1, Wu1, Wr2a, Wr2b, Wm2, Wu2, Wout,
           edge_index, atomic_numbers):
    j3 = edge_index[0].reshape(NW, NCH, CH)
    i3 = edge_index[1].reshape(NW, NCH, CH)
    zND = jnp.zeros((N, D), F32)
    at2 = atomic_numbers.reshape(N, 1)
    WoutT = Wout.T
    Wu1T, Wu2T, Wm2T = Wu1.T, Wu2.T, Wm2.T
    Wa12 = jnp.concatenate([Wr1a, Wr2a], axis=1)
    z64 = jnp.zeros((64, D), F32)
    Wbd = jnp.concatenate(
        [jnp.concatenate([Wr1b, z64], axis=0),
         jnp.concatenate([z64, Wr2b], axis=0)], axis=1)
    WbdT = Wbd.T
    Wa12T = Wa12.T

    vec4 = _sc_vec(pos[:, 0], pos[:, 1], pos[:, 2], j3, i3)
    vecT = vec4.reshape(E, 4).T

    w1, w2 = pl.pallas_call(
        _tc_radial_fwd,
        grid=(E // BLK,),
        in_specs=[_tblk(4), _full((NB, D)), _full((D, 2 * D))],
        out_specs=[_eblk(D), _eblk(D)],
        out_shape=[jax.ShapeDtypeStruct((E, D), F32),
                   jax.ShapeDtypeStruct((E, D), F32)],
    )(vecT, Wa12, Wbd)

    h0, hm1 = pl.pallas_call(
        _tc_node1,
        out_shape=[jax.ShapeDtypeStruct((N, D), F32),
                   jax.ShapeDtypeStruct((N, D), F32)],
    )(at2, emb, Wm1)

    agg1p = _sc_fwd_msg(w1.reshape(NW, NCH, CH, D), hm1, j3, i3, zND)

    u1, h1, hm2 = pl.pallas_call(
        _tc_node2,
        out_shape=[jax.ShapeDtypeStruct((N, D), F32)] * 3,
    )(agg1p, h0, Wu1, Wm2)

    agg2p = _sc_fwd_msg(w2.reshape(NW, NCH, CH, D), hm2, j3, i3, zND)

    e11, dg2 = pl.pallas_call(
        _tc_node3,
        out_shape=[jax.ShapeDtypeStruct((1, 1), F32),
                   jax.ShapeDtypeStruct((N, D), F32)],
    )(agg2p, h1, Wu2, Wout, WoutT, Wu2T)

    dw2_4, dhm2p = _sc_bwd2(w2.reshape(NW, NCH, CH, D), hm2, dg2, j3, i3, zND)

    dg1 = pl.pallas_call(
        _tc_node4,
        out_shape=jax.ShapeDtypeStruct((N, D), F32),
    )(dhm2p, u1, Wm2T, Wu1T, WoutT)

    dw1_4 = _sc_bwd1(hm1, dg1, j3, i3)

    dvT = pl.pallas_call(
        _tc_radial_bwd,
        grid=(E // BLK,),
        in_specs=[_tblk(4), _eblk(D), _eblk(D), _full((NB, D)),
                  _full((2 * D, D)), _full((D, NB))],
        out_specs=[_tblk(4)],
        out_shape=[jax.ShapeDtypeStruct((4, E), F32)],
    )(vecT, dw1_4.reshape(E, D), dw2_4.reshape(E, D),
      Wa12, WbdT, Wa12T)[0]
    dv = dvT.T

    fp = _sc_force(dv.reshape(NW, NCH, CH, 4), j3, i3)

    fsum = pl.pallas_call(
        _tc_fsum,
        out_shape=jax.ShapeDtypeStruct((3, N), F32),
    )(fp)

    forces = fsum.T
    energy = e11.reshape(1)
    return (energy, forces)

# --- scband reference (transcript-rebuilt; emitter-appended) ---
"""Pipeline reference for scband-nequip-wrap-26147760898179 (READ-ONLY COPY).

The authoritative reference and input builder live on the scoring server;
editing this copy changes nothing except your own understanding.
"""

import jax, jax.numpy as jnp
import numpy as np

N = 10000
E = 320000
D = 128
T = 16
NB = 8
CUT = 4.0


def setup_inputs(seed: int = 0) -> dict:
    key = jax.random.key(seed)
    ks = jax.random.split(key, 14)
    pos = jax.random.uniform(ks[0], (N, 3), dtype=jnp.float32) * 6.0
    edge_index = jax.random.randint(ks[1], (2, E), 0, N, dtype=jnp.int32)
    atomic_numbers = jax.random.randint(ks[2], (N,), 0, T, dtype=jnp.int32)
    emb = jax.random.normal(ks[3], (T, D), dtype=jnp.float32) * 0.1
    Wr1a = jax.random.normal(ks[4], (NB, 64), dtype=jnp.float32) * (NB ** -0.5)
    Wr1b = jax.random.normal(ks[5], (64, D), dtype=jnp.float32) * (64 ** -0.5)
    Wm1 = jax.random.normal(ks[6], (D, D), dtype=jnp.float32) * (D ** -0.5)
    Wu1 = jax.random.normal(ks[7], (D, D), dtype=jnp.float32) * (D ** -0.5)
    Wr2a = jax.random.normal(ks[8], (NB, 64), dtype=jnp.float32) * (NB ** -0.5)
    Wr2b = jax.random.normal(ks[9], (64, D), dtype=jnp.float32) * (64 ** -0.5)
    Wm2 = jax.random.normal(ks[10], (D, D), dtype=jnp.float32) * (D ** -0.5)
    Wu2 = jax.random.normal(ks[11], (D, D), dtype=jnp.float32) * (D ** -0.5)
    Wout = jax.random.normal(ks[12], (D, 1), dtype=jnp.float32) * (D ** -0.5)
    return {"pos": pos, "emb": emb, "Wr1a": Wr1a, "Wr1b": Wr1b, "Wm1": Wm1, "Wu1": Wu1,
            "Wr2a": Wr2a, "Wr2b": Wr2b, "Wm2": Wm2, "Wu2": Wu2, "Wout": Wout,
            "edge_index": edge_index, "atomic_numbers": atomic_numbers}


def _energy(pos, emb, Wr1a, Wr1b, Wm1, Wu1, Wr2a, Wr2b, Wm2, Wu2, Wout, edge_index, atomic_numbers):
    j = edge_index[0]
    i = edge_index[1]
    vec = pos[j] - pos[i]
    r = jnp.sqrt(jnp.sum(vec * vec, axis=1) + 1e-6)
    env = 0.5 * (jnp.cos(jnp.pi * jnp.minimum(r, CUT) / CUT) + 1.0) * (r < CUT).astype(pos.dtype)
    n = jnp.arange(1, NB + 1, dtype=pos.dtype)
    rb = jnp.sqrt(2.0 / CUT) * jnp.sin(n[None, :] * jnp.pi * r[:, None] / CUT) / r[:, None]
    rb = rb * env[:, None]
    h = emb[atomic_numbers]
    for (Wra, Wrb, Wm, Wu) in ((Wr1a, Wr1b, Wm1, Wu1), (Wr2a, Wr2b, Wm2, Wu2)):
        w_e = jax.nn.silu(rb @ Wra) @ Wrb
        msg = w_e * (h[j] @ Wm)
        agg = jnp.zeros_like(h).at[i].add(msg)
        h = h + jax.nn.silu(agg @ Wu)
    atom_e = h @ Wout
    return jnp.sum(atom_e)


def reference(pos, emb, Wr1a, Wr1b, Wm1, Wu1, Wr2a, Wr2b, Wm2, Wu2, Wout, edge_index, atomic_numbers):
    efun = lambda p: _energy(p, emb, Wr1a, Wr1b, Wm1, Wu1, Wr2a, Wr2b, Wm2, Wu2, Wout, edge_index, atomic_numbers)
    energy, gpos = jax.value_and_grad(efun)(pos)
    forces = -gpos
    return (energy.reshape(1), forces)

if __name__ == "__main__":
    import jax
    _d = setup_inputs()
    print(jax.jit(kernel)(*tuple(_d.values())))

</pallas_src>

<mosaic_0001>
#map = affine_map<(d0, d1) -> (0, 0, 0, 0)>
#map1 = affine_map<(d0, d1) -> (0, 0)>
#map2 = affine_map<(d0, d1) -> (0, 0, 0)>
module attributes {stable_mosaic.version = 14 : i64} {
  func.func @_sc_bwd2(%arg0: i32, %arg1: i32, %arg2: memref<32x125x80x128xf32, #tpu.memory_space<hbm>>, %arg3: memref<10000x128xf32, #tpu.memory_space<hbm>>, %arg4: memref<10000x128xf32, #tpu.memory_space<hbm>>, %arg5: memref<32x125x80xi32, #tpu.memory_space<hbm>>, %arg6: memref<32x125x80xi32, #tpu.memory_space<hbm>>, %arg7: memref<10000x128xf32, #tpu.memory_space<hbm>>, %arg8: memref<32x125x80x128xf32, #tpu.memory_space<hbm>>, %arg9: memref<2x10000x128xf32, #tpu.memory_space<hbm>>, %arg10: memref<1x80xi32, #tpu.memory_space<vmem>>, %arg11: memref<1x80xi32, #tpu.memory_space<vmem>>, %arg12: memref<80x128xf32, #tpu.memory_space<vmem>>, %arg13: memref<80x128xf32, #tpu.memory_space<vmem>>, %arg14: memref<80x128xf32, #tpu.memory_space<vmem>>, %arg15: memref<10000x128xf32, #tpu.memory_space<vmem_shared>>, %arg16: memref<!tpu.dma_semaphore, #tpu.memory_space<semaphore_mem>>, %arg17: memref<!tpu.dma_semaphore, #tpu.memory_space<semaphore_mem>>, %arg18: memref<!tpu.dma_semaphore, #tpu.memory_space<semaphore_mem>>) attributes {dimension_semantics = [#tpu.dimension_semantics<core_parallel>, #tpu.dimension_semantics<subcore_parallel>], iteration_bounds = array<i64: 2, 16>, scalar_prefetch = 0 : i64, scratch_operands = 9 : i64, tpu.core_type = #tpu.core_type<sc_vector_subcore>, window_params = [{transform_indices = #map}, {transform_indices = #map1}, {transform_indices = #map1}, {transform_indices = #map2}, {transform_indices = #map2}, {transform_indices = #map1}, {transform_indices = #map}, {transform_indices = #map2}]} {
    %mul3A = arith.constant 2 : i32
    %mul3A_0 = arith.muli %arg1, %mul3A : i32
    %add3A = arith.addi %mul3A_0, %arg0 : i32
    %eq3A = arith.constant 0 : i32
    %eq3A_1 = arith.cmpi eq, %arg1, %eq3A : i32
    %convert_element_type3A = arith.extui %eq3A_1 : i1 to i32
    %cond3A = arith.constant 0 : i32
    %cond3A_2 = arith.cmpi ne, %convert_element_type3A, %cond3A : i32
    scf.if %cond3A_2 {
      "tpu.region"() ({
        %run_scoped3A = tpu.sem_alloc : memref<!tpu.dma_semaphore, #tpu.memory_space<semaphore_mem>>
        tpu.enqueue_dma source(%arg7 : memref<10000x128xf32, #tpu.memory_space<hbm>>) target(%arg15 : memref<10000x128xf32, #tpu.memory_space<vmem_shared>>) target_semaphore(%run_scoped3A : memref<!tpu.dma_semaphore, #tpu.memory_space<semaphore_mem>>)
        tpu.wait_dma2 semaphore(%run_scoped3A : memref<!tpu.dma_semaphore, #tpu.memory_space<semaphore_mem>>) src(%arg7 : memref<10000x128xf32, #tpu.memory_space<hbm>>) dst(%arg15 : memref<10000x128xf32, #tpu.memory_space<vmem_shared>>)
        tpu.yield
      }) : () -> ()
    } else {
    }
    %barrier3A = arith.constant 0 : index
    tpu.barrier barrier_id(%barrier3A)
    %scan3A = arith.constant 0 : i32
    %scan3A_3 = arith.constant 0 : i32
    %scan3A_4 = arith.constant 125 : i32
    %scan3A_5 = arith.addi %scan3A_3, %scan3A_4 : i32
    %scan3A_6 = arith.constant 1 : i32
    %scan3A_7 = scf.for %scan3A_15 = %scan3A_3 to %scan3A_5 step %scan3A_6 iter_args(%scan3A_16 = %scan3A) -> (i32)  : i32 {
      %run_scoped3A = arith.constant 0 : i32
      "tpu.region"() ({
        %run_scoped3A_76 = tpu.sem_alloc : memref<!tpu.dma_semaphore, #tpu.memory_space<semaphore_mem>>
        %dma_start3A_77 = arith.constant 0 : i32
        %dma_start3A_78 = tpu.memref_slice %arg10[%run_scoped3A, %dma_start3A_77] : memref<1x80xi32, #tpu.memory_space<vmem>> -> memref<1x80xi32, #tpu.memory_space<vmem>>
        %dma_start3A_79 = tpu.memref_squeeze %dma_start3A_78 : memref<1x80xi32, #tpu.memory_space<vmem>> -> memref<80xi32, #tpu.memory_space<vmem>>
        %dma_start3A_80 = arith.constant 0 : i32
        %dma_start3A_81 = tpu.memref_slice %arg5[%add3A, %scan3A_15, %dma_start3A_80] : memref<32x125x80xi32, #tpu.memory_space<hbm>> -> memref<1x1x80xi32, #tpu.memory_space<hbm>>
        %dma_start3A_82 = tpu.memref_squeeze %dma_start3A_81 : memref<1x1x80xi32, #tpu.memory_space<hbm>> -> memref<80xi32, #tpu.memory_space<hbm>>
        %dma_start3A_83 = arith.constant 0 : i32
        %dma_start3A_84 = tpu.memref_slice %arg10[%run_scoped3A, %dma_start3A_83] : memref<1x80xi32, #tpu.memory_space<vmem>> -> memref<1x80xi32, #tpu.memory_space<vmem>>
        %dma_start3A_85 = tpu.memref_squeeze %dma_start3A_84 : memref<1x80xi32, #tpu.memory_space<vmem>> -> memref<80xi32, #tpu.memory_space<vmem>>
        %dma_start3A_86 = arith.constant 0 : i32
        %dma_start3A_87 = tpu.memref_slice %arg5[%add3A, %scan3A_15, %dma_start3A_86] : memref<32x125x80xi32, #tpu.memory_space<hbm>> -> memref<1x1x80xi32, #tpu.memory_space<hbm>>
        %dma_start3A_88 = tpu.memref_squeeze %dma_start3A_87 : memref<1x1x80xi32, #tpu.memory_space<hbm>> -> memref<80xi32, #tpu.memory_space<hbm>>
        tpu.enqueue_dma source(%dma_start3A_88 : memref<80xi32, #tpu.memory_space<hbm>>) target(%dma_start3A_85 : memref<80xi32, #tpu.memory_space<vmem>>) target_semaphore(%run_scoped3A_76 : memref<!tpu.dma_semaphore, #tpu.memory_space<semaphore_mem>>)
        %dma_wait3A_89 = arith.constant 0 : i32
        %dma_wait3A_90 = tpu.memref_slice %arg10[%run_scoped3A, %dma_wait3A_89] : memref<1x80xi32, #tpu.memory_space<vmem>> -> memref<1x80xi32, #tpu.memory_space<vmem>>
        %dma_wait3A_91 = tpu.memref_squeeze %dma_wait3A_90 : memref<1x80xi32, #tpu.memory_space<vmem>> -> memref<80xi32, #tpu.memory_space<vmem>>
        %dma_wait3A_92 = arith.constant 0 : i32
        %dma_wait3A_93 = tpu.memref_slice %arg5[%add3A, %scan3A_15, %dma_wait3A_92] : memref<32x125x80xi32, #tpu.memory_space<hbm>> -> memref<1x1x80xi32, #tpu.memory_space<hbm>>
        %dma_wait3A_94 = tpu.memref_squeeze %dma_wait3A_93 : memref<1x1x80xi32, #tpu.memory_space<hbm>> -> memref<80xi32, #tpu.memory_space<hbm>>
        %dma_wait3A_95 = arith.constant 0 : i32
        %dma_wait3A_96 = tpu.memref_slice %arg10[%run_scoped3A, %dma_wait3A_95] : memref<1x80xi32, #tpu.memory_space<vmem>> -> memref<1x80xi32, #tpu.memory_space<vmem>>
        %dma_wait3A_97 = tpu.memref_squeeze %dma_wait3A_96 : memref<1x80xi32, #tpu.memory_space<vmem>> -> memref<80xi32, #tpu.memory_space<vmem>>
        %dma_wait3A_98 = arith.constant 0 : i32
        %dma_wait3A_99 = tpu.memref_slice %arg5[%add3A, %scan3A_15, %dma_wait3A_98] : memref<32x125x80xi32, #tpu.memory_space<hbm>> -> memref<1x1x80xi32, #tpu.memory_space<hbm>>
        %dma_wait3A_100 = tpu.memref_squeeze %dma_wait3A_99 : memref<1x1x80xi32, #tpu.memory_space<hbm>> -> memref<80xi32, #tpu.memory_space<hbm>>
        tpu.wait_dma2 semaphore(%run_scoped3A_76 : memref<!tpu.dma_semaphore, #tpu.memory_space<semaphore_mem>>) src(%dma_wait3A_100 : memref<80xi32, #tpu.memory_space<hbm>>) dst(%dma_wait3A_97 : memref<80xi32, #tpu.memory_space<vmem>>)
        tpu.yield
      }) : () -> ()
      %run_scoped3A_17 = arith.constant 0 : i32
      "tpu.region"() ({
        %run_scoped3A_76 = tpu.sem_alloc : memref<!tpu.dma_semaphore, #tpu.memory_space<semaphore_mem>>
        %dma_start3A_77 = arith.constant 0 : i32
        %dma_start3A_78 = tpu.memref_slice %arg11[%run_scoped3A_17, %dma_start3A_77] : memref<1x80xi32, #tpu.memory_space<vmem>> -> memref<1x80xi32, #tpu.memory_space<vmem>>
        %dma_start3A_79 = tpu.memref_squeeze %dma_start3A_78 : memref<1x80xi32, #tpu.memory_space<vmem>> -> memref<80xi32, #tpu.memory_space<vmem>>
        %dma_start3A_80 = arith.constant 0 : i32
        %dma_start3A_81 = tpu.memref_slice %arg6[%add3A, %scan3A_15, %dma_start3A_80] : memref<32x125x80xi32, #tpu.memory_space<hbm>> -> memref<1x1x80xi32, #tpu.memory_space<hbm>>
        %dma_start3A_82 = tpu.memref_squeeze %dma_start3A_81 : memref<1x1x80xi32, #tpu.memory_space<hbm>> -> memref<80xi32, #tpu.memory_space<hbm>>
        %dma_start3A_83 = arith.constant 0 : i32
        %dma_start3A_84 = tpu.memref_slice %arg11[%run_scoped3A_17, %dma_start3A_83] : memref<1x80xi32, #tpu.memory_space<vmem>> -> memref<1x80xi32, #tpu.memory_space<vmem>>
        %dma_start3A_85 = tpu.memref_squeeze %dma_start3A_84 : memref<1x80xi32, #tpu.memory_space<vmem>> -> memref<80xi32, #tpu.memory_space<vmem>>
        %dma_start3A_86 = arith.constant 0 : i32
        %dma_start3A_87 = tpu.memref_slice %arg6[%add3A, %scan3A_15, %dma_start3A_86] : memref<32x125x80xi32, #tpu.memory_space<hbm>> -> memref<1x1x80xi32, #tpu.memory_space<hbm>>
        %dma_start3A_88 = tpu.memref_squeeze %dma_start3A_87 : memref<1x1x80xi32, #tpu.memory_space<hbm>> -> memref<80xi32, #tpu.memory_space<hbm>>
        tpu.enqueue_dma source(%dma_start3A_88 : memref<80xi32, #tpu.memory_space<hbm>>) target(%dma_start3A_85 : memref<80xi32, #tpu.memory_space<vmem>>) target_semaphore(%run_scoped3A_76 : memref<!tpu.dma_semaphore, #tpu.memory_space<semaphore_mem>>)
        %dma_wait3A_89 = arith.constant 0 : i32
        %dma_wait3A_90 = tpu.memref_slice %arg11[%run_scoped3A_17, %dma_wait3A_89] : memref<1x80xi32, #tpu.memory_space<vmem>> -> memref<1x80xi32, #tpu.memory_space<vmem>>
        %dma_wait3A_91 = tpu.memref_squeeze %dma_wait3A_90 : memref<1x80xi32, #tpu.memory_space<vmem>> -> memref<80xi32, #tpu.memory_space<vmem>>
        %dma_wait3A_92 = arith.constant 0 : i32
        %dma_wait3A_93 = tpu.memref_slice %arg6[%add3A, %scan3A_15, %dma_wait3A_92] : memref<32x125x80xi32, #tpu.memory_space<hbm>> -> memref<1x1x80xi32, #tpu.memory_space<hbm>>
        %dma_wait3A_94 = tpu.memref_squeeze %dma_wait3A_93 : memref<1x1x80xi32, #tpu.memory_space<hbm>> -> memref<80xi32, #tpu.memory_space<hbm>>
        %dma_wait3A_95 = arith.constant 0 : i32
        %dma_wait3A_96 = tpu.memref_slice %arg11[%run_scoped3A_17, %dma_wait3A_95] : memref<1x80xi32, #tpu.memory_space<vmem>> -> memref<1x80xi32, #tpu.memory_space<vmem>>
        %dma_wait3A_97 = tpu.memref_squeeze %dma_wait3A_96 : memref<1x80xi32, #tpu.memory_space<vmem>> -> memref<80xi32, #tpu.memory_space<vmem>>
        %dma_wait3A_98 = arith.constant 0 : i32
        %dma_wait3A_99 = tpu.memref_slice %arg6[%add3A, %scan3A_15, %dma_wait3A_98] : memref<32x125x80xi32, #tpu.memory_space<hbm>> -> memref<1x1x80xi32, #tpu.memory_space<hbm>>
        %dma_wait3A_100 = tpu.memref_squeeze %dma_wait3A_99 : memref<1x1x80xi32, #tpu.memory_space<hbm>> -> memref<80xi32, #tpu.memory_space<hbm>>
        tpu.wait_dma2 semaphore(%run_scoped3A_76 : memref<!tpu.dma_semaphore, #tpu.memory_space<semaphore_mem>>) src(%dma_wait3A_100 : memref<80xi32, #tpu.memory_space<hbm>>) dst(%dma_wait3A_97 : memref<80xi32, #tpu.memory_space<vmem>>)
        tpu.yield
      }) : () -> ()
      %dma_start3A = arith.constant 0 : i32
      %dma_start3A_18 = arith.constant 0 : i32
      %dma_start3A_19 = tpu.memref_slice %arg2[%add3A, %scan3A_15, %dma_start3A, %dma_start3A_18] : memref<32x125x80x128xf32, #tpu.memory_space<hbm>> -> memref<1x1x80x128xf32, #tpu.memory_space<hbm>>
      %dma_start3A_20 = tpu.memref_squeeze %dma_start3A_19 : memref<1x1x80x128xf32, #tpu.memory_space<hbm>> -> memref<80x128xf32, #tpu.memory_space<hbm>>
      %dma_start3A_21 = arith.constant 0 : i32
      %dma_start3A_22 = arith.constant 0 : i32
      %dma_start3A_23 = tpu.memref_slice %arg2[%add3A, %scan3A_15, %dma_start3A_21, %dma_start3A_22] : memref<32x125x80x128xf32, #tpu.memory_space<hbm>> -> memref<1x1x80x128xf32, #tpu.memory_space<hbm>>
      %dma_start3A_24 = tpu.memref_squeeze %dma_start3A_23 : memref<1x1x80x128xf32, #tpu.memory_space<hbm>> -> memref<80x128xf32, #tpu.memory_space<hbm>>
      tpu.enqueue_dma source(%dma_start3A_24 : memref<80x128xf32, #tpu.memory_space<hbm>>) target(%arg12 : memref<80x128xf32, #tpu.memory_space<vmem>>) target_semaphore(%arg16 : memref<!tpu.dma_semaphore, #tpu.memory_space<semaphore_mem>>)
      %dma_start3A_25 = arith.constant 0 : i32
      %dma_start3A_26 = arith.constant 0 : i32
      %dma_start3A_27 = tpu.memref_slice %arg10[%dma_start3A_25, %dma_start3A_26] : memref<1x80xi32, #tpu.memory_space<vmem>> -> memref<1x80xi32, #tpu.memory_space<vmem>>
      %dma_start3A_28 = tpu.memref_squeeze %dma_start3A_27 : memref<1x80xi32, #tpu.memory_space<vmem>> -> memref<80xi32, #tpu.memory_space<vmem>>
      %dma_start3A_29 = arith.constant 0 : i32
      %dma_start3A_30 = arith.constant 0 : i32
      %dma_start3A_31 = tpu.memref_slice %arg3[%dma_start3A_29, %dma_start3A_30] : memref<10000x128xf32, #tpu.memory_space<hbm>> -> memref<10000x128xf32, #tpu.memory_space<hbm>>
      tpu.enqueue_indirect_dma source(%dma_start3A_31 : memref<10000x128xf32, #tpu.memory_space<hbm>>) target(%arg13 : memref<80x128xf32, #tpu.memory_space<vmem>>) offsets(%dma_start3A_28 : memref<80xi32, #tpu.memory_space<vmem>>) semaphore(%arg17 : memref<!tpu.dma_semaphore, #tpu.memory_space<semaphore_mem>>)
      %dma_start3A_32 = arith.constant 0 : i32
      %dma_start3A_33 = arith.constant 0 : i32
      %dma_start3A_34 = tpu.memref_slice %arg11[%dma_start3A_32, %dma_start3A_33] : memref<1x80xi32, #tpu.memory_space<vmem>> -> memref<1x80xi32, #tpu.memory_space<vmem>>
      %dma_start3A_35 = tpu.memref_squeeze %dma_start3A_34 : memref<1x80xi32, #tpu.memory_space<vmem>> -> memref<80xi32, #tpu.memory_space<vmem>>
      %dma_start3A_36 = arith.constant 0 : i32
      %dma_start3A_37 = arith.constant 0 : i32
      %dma_start3A_38 = tpu.memref_slice %arg4[%dma_start3A_36, %dma_start3A_37] : memref<10000x128xf32, #tpu.memory_space<hbm>> -> memref<10000x128xf32, #tpu.memory_space<hbm>>
      tpu.enqueue_indirect_dma source(%dma_start3A_38 : memref<10000x128xf32, #tpu.memory_space<hbm>>) target(%arg14 : memref<80x128xf32, #tpu.memory_space<vmem>>) offsets(%dma_start3A_35 : memref<80xi32, #tpu.memory_space<vmem>>) semaphore(%arg18 : memref<!tpu.dma_semaphore, #tpu.memory_space<semaphore_mem>>)
      %dma_wait3A = arith.constant 0 : i32
      %dma_wait3A_39 = arith.constant 0 : i32
      %dma_wait3A_40 = tpu.memref_slice %arg2[%add3A, %scan3A_15, %dma_wait3A, %dma_wait3A_39] : memref<32x125x80x128xf32, #tpu.memory_space<hbm>> -> memref<1x1x80x128xf32, #tpu.memory_space<hbm>>
      %dma_wait3A_41 = tpu.memref_squeeze %dma_wait3A_40 : memref<1x1x80x128xf32, #tpu.memory_space<hbm>> -> memref<80x128xf32, #tpu.memory_space<hbm>>
      %dma_wait3A_42 = arith.constant 0 : i32
      %dma_wait3A_43 = arith.constant 0 : i32
      %dma_wait3A_44 = tpu.memref_slice %arg2[%add3A, %scan3A_15, %dma_wait3A_42, %dma_wait3A_43] : memref<32x125x80x128xf32, #tpu.memory_space<hbm>> -> memref<1x1x80x128xf32, #tpu.memory_space<hbm>>
      %dma_wait3A_45 = tpu.memref_squeeze %dma_wait3A_44 : memref<1x1x80x128xf32, #tpu.memory_space<hbm>> -> memref<80x128xf32, #tpu.memory_space<hbm>>
      tpu.wait_dma2 semaphore(%arg16 : memref<!tpu.dma_semaphore, #tpu.memory_space<semaphore_mem>>) src(%dma_wait3A_45 : memref<80x128xf32, #tpu.memory_space<hbm>>) dst(%arg12 : memref<80x128xf32, #tpu.memory_space<vmem>>)
      %dma_wait3A_46 = arith.constant 0 : i32
      %dma_wait3A_47 = arith.constant 0 : i32
      %dma_wait3A_48 = tpu.memref_slice %arg10[%dma_wait3A_46, %dma_wait3A_47] : memref<1x80xi32, #tpu.memory_space<vmem>> -> memref<1x80xi32, #tpu.memory_space<vmem>>
      %dma_wait3A_49 = tpu.memref_squeeze %dma_wait3A_48 : memref<1x80xi32, #tpu.memory_space<vmem>> -> memref<80xi32, #tpu.memory_space<vmem>>
      %dma_wait3A_50 = arith.constant 0 : i32
      %dma_wait3A_51 = arith.constant 0 : i32
      %dma_wait3A_52 = tpu.memref_slice %arg3[%dma_wait3A_50, %dma_wait3A_51] : memref<10000x128xf32, #tpu.memory_space<hbm>> -> memref<10000x128xf32, #tpu.memory_space<hbm>>
      tpu.wait_indirect_dma semaphore(%arg17 : memref<!tpu.dma_semaphore, #tpu.memory_space<semaphore_mem>>) src(%dma_wait3A_52 : memref<10000x128xf32, #tpu.memory_space<hbm>>) dst(%arg13 : memref<80x128xf32, #tpu.memory_space<vmem>>)
      %dma_wait3A_53 = arith.constant 0 : i32
      %dma_wait3A_54 = arith.constant 0 : i32
      %dma_wait3A_55 = tpu.memref_slice %arg11[%dma_wait3A_53, %dma_wait3A_54] : memref<1x80xi32, #tpu.memory_space<vmem>> -> memref<1x80xi32, #tpu.memory_space<vmem>>
      %dma_wait3A_56 = tpu.memref_squeeze %dma_wait3A_55 : memref<1x80xi32, #tpu.memory_space<vmem>> -> memref<80xi32, #tpu.memory_space<vmem>>
      %dma_wait3A_57 = arith.constant 0 : i32
      %dma_wait3A_58 = arith.constant 0 : i32
      %dma_wait3A_59 = tpu.memref_slice %arg4[%dma_wait3A_57, %dma_wait3A_58] : memref<10000x128xf32, #tpu.memory_space<hbm>> -> memref<10000x128xf32, #tpu.memory_space<hbm>>
      tpu.wait_indirect_dma semaphore(%arg18 : memref<!tpu.dma_semaphore, #tpu.memory_space<semaphore_mem>>) src(%dma_wait3A_59 : memref<10000x128xf32, #tpu.memory_space<hbm>>) dst(%arg14 : memref<80x128xf32, #tpu.memory_space<vmem>>)
      %scan3A_60 = arith.constant 0 : i32
      %scan3A_61 = arith.constant 0 : i32
      %scan3A_62 = arith.constant 40 : i32
      %scan3A_63 = arith.addi %scan3A_61, %scan3A_62 : i32
      %scan3A_64 = arith.constant 1 : i32
      %scan3A_65 = scf.for %scan3A_76 = %scan3A_61 to %scan3A_63 step %scan3A_64 iter_args(%scan3A_77 = %scan3A_60) -> (i32)  : i32 {
        %mul3A_78 = arith.constant 2 : i32
        %mul3A_79 = arith.muli %scan3A_76, %mul3A_78 : i32
        %add3A_80 = arith.constant 0 : i32
        %add3A_81 = arith.addi %mul3A_79, %add3A_80 : i32
        %get3A = arith.index_cast %add3A_81 : i32 to index
        %get3A_82 = arith.constant 0 : index
        %get3A_83 = tpu.vector_load %arg14[%get3A, %get3A_82] {strides = array<i32>} : memref<80x128xf32, #tpu.memory_space<vmem>>, vector<1x16xf32>,
        %get3A_84 = vector.shape_cast %get3A_83 : vector<1x16xf32> to vector<16xf32>
        %get3A_85 = arith.index_cast %add3A_81 : i32 to index
        %get3A_86 = arith.constant 0 : index
        %get3A_87 = tpu.vector_load %arg13[%get3A_85, %get3A_86] {strides = array<i32>} : memref<80x128xf32, #tpu.memory_space<vmem>>, vector<1x16xf32>,
        %get3A_88 = vector.shape_cast %get3A_87 : vector<1x16xf32> to vector<16xf32>
        %mul3A_89 = arith.mulf %get3A_84, %get3A_88 : vector<16xf32>
        %swap3A = arith.index_cast %add3A_81 : i32 to index
        %swap3A_90 = arith.constant 0 : index
        %swap3A_91 = tpu.vector_load %arg13[%swap3A, %swap3A_90] {strides = array<i32>} : memref<80x128xf32, #tpu.memory_space<vmem>>, vector<1x16xf32>,
        %swap3A_92 = vector.shape_cast %swap3A_91 : vector<1x16xf32> to vector<16xf32>
        %swap3A_93 = vector.shape_cast %mul3A_89 : vector<16xf32> to vector<1x16xf32>
        tpu.vector_store %arg13[%swap3A, %swap3A_90], %swap3A_93 {strides = array<i32>} : memref<80x128xf32, #tpu.memory_space<vmem>>, vector<1x16xf32>,
        %get3A_94 = arith.index_cast %add3A_81 : i32 to index
        %get3A_95 = arith.constant 16 : index
        %get3A_96 = tpu.vector_load %arg14[%get3A_94, %get3A_95] {strides = array<i32>} : memref<80x128xf32, #tpu.memory_space<vmem>>, vector<1x16xf32>,
        %get3A_97 = vector.shape_cast %get3A_96 : vector<1x16xf32> to vector<16xf32>
        %get3A_98 = arith.index_cast %add3A_81 : i32 to index
        %get3A_99 = arith.constant 16 : index
        %get3A_100 = tpu.vector_load %arg13[%get3A_98, %get3A_99] {strides = array<i32>} : memref<80x128xf32, #tpu.memory_space<vmem>>, vector<1x16xf32>,
        %get3A_101 = vector.shape_cast %get3A_100 : vector<1x16xf32> to vector<16xf32>
        %mul3A_102 = arith.mulf %get3A_97, %get3A_101 : vector<16xf32>
        %swap3A_103 = arith.index_cast %add3A_81 : i32 to index
        %swap3A_104 = arith.constant 16 : index
        %swap3A_105 = tpu.vector_load %arg13[%swap3A_103, %swap3A_104] {strides = array<i32>} : memref<80x128xf32, #tpu.memory_space<vmem>>, vector<1x16xf32>,
        %swap3A_106 = vector.shape_cast %swap3A_105 : vector<1x16xf32> to vector<16xf32>
        %swap3A_107 = vector.shape_cast %mul3A_102 : vector<16xf32> to vector<1x16xf32>
        tpu.vector_store %arg13[%swap3A_103, %swap3A_104], %swap3A_107 {strides = array<i32>} : memref<80x128xf32, #tpu.memory_space<vmem>>, vector<1x16xf32>,
        %get3A_108 = arith.index_cast %add3A_81 : i32 to index
        %get3A_109 = arith.constant 32 : index
        %get3A_110 = tpu.vector_load %arg14[%get3A_108, %get3A_109] {strides = array<i32>} : memref<80x128xf32, #tpu.memory_space<vmem>>, vector<1x16xf32>,
        %get3A_111 = vector.shape_cast %get3A_110 : vector<1x16xf32> to vector<16xf32>
        %get3A_112 = arith.index_cast %add3A_81 : i32 to index
        %get3A_113 = arith.constant 32 : index
        %get3A_114 = tpu.vector_load %arg13[%get3A_112, %get3A_113] {strides = array<i32>} : memref<80x128xf32, #tpu.memory_space<vmem>>, vector<1x16xf32>,
        %get3A_115 = vector.shape_cast %get3A_114 : vector<1x16xf32> to vector<16xf32>
        %mul3A_116 = arith.mulf %get3A_111, %get3A_115 : vector<16xf32>
        %swap3A_117 = arith.index_cast %add3A_81 : i32 to index
        %swap3A_118 = arith.constant 32 : index
        %swap3A_119 = tpu.vector_load %arg13[%swap3A_117, %swap3A_118] {strides = array<i32>} : memref<80x128xf32, #tpu.memory_space<vmem>>, vector<1x16xf32>,
        %swap3A_120 = vector.shape_cast %swap3A_119 : vector<1x16xf32> to vector<16xf32>
        %swap3A_121 = vector.shape_cast %mul3A_116 : vector<16xf32> to vector<1x16xf32>
        tpu.vector_store %arg13[%swap3A_117, %swap3A_118], %swap3A_121 {strides = array<i32>} : memref<80x128xf32, #tpu.memory_space<vmem>>, vector<1x16xf32>,
        %get3A_122 = arith.index_cast %add3A_81 : i32 to index
        %get3A_123 = arith.constant 48 : index
        %get3A_124 = tpu.vector_load %arg14[%get3A_122, %get3A_123] {strides = array<i32>} : memref<80x128xf32, #tpu.memory_space<vmem>>, vector<1x16xf32>,
        %get3A_125 = vector.shape_cast %get3A_124 : vector<1x16xf32> to vector<16xf32>
        %get3A_126 = arith.index_cast %add3A_81 : i32 to index
        %get3A_127 = arith.constant 48 : index
        %get3A_128 = tpu.vector_load %arg13[%get3A_126, %get3A_127] {strides = array<i32>} : memref<80x128xf32, #tpu.memory_space<vmem>>, vector<1x16xf32>,
        %get3A_129 = vector.shape_cast %get3A_128 : vector<1x16xf32> to vector<16xf32>
        %mul3A_130 = arith.mulf %get3A_125, %get3A_129 : vector<16xf32>
        %swap3A_131 = arith.index_cast %add3A_81 : i32 to index
        %swap3A_132 = arith.constant 48 : index
        %swap3A_133 = tpu.vector_load %arg13[%swap3A_131, %swap3A_132] {strides = array<i32>} : memref<80x128xf32, #tpu.memory_space<vmem>>, vector<1x16xf32>,
        %swap3A_134 = vector.shape_cast %swap3A_133 : vector<1x16xf32> to vector<16xf32>
        %swap3A_135 = vector.shape_cast %mul3A_130 : vector<16xf32> to vector<1x16xf32>
        tpu.vector_store %arg13[%swap3A_131, %swap3A_132], %swap3A_135 {strides = array<i32>} : memref<80x128xf32, #tpu.memory_space<vmem>>, vector<1x16xf32>,
        %get3A_136 = arith.index_cast %add3A_81 : i32 to index
        %get3A_137 = arith.constant 64 : index
        %get3A_138 = tpu.vector_load %arg14[%get3A_136, %get3A_137] {strides = array<i32>} : memref<80x128xf32, #tpu.memory_space<vmem>>, vector<1x16xf32>,
        %get3A_139 = vector.shape_cast %get3A_138 : vector<1x16xf32> to vector<16xf32>
        %get3A_140 = arith.index_cast %add3A_81 : i32 to index
        %get3A_141 = arith.constant 64 : index
        %get3A_142 = tpu.vector_load %arg13[%get3A_140, %get3A_141] {strides = array<i32>} : memref<80x128xf32, #tpu.memory_space<vmem>>, vector<1x16xf32>,
        %get3A_143 = vector.shape_cast %get3A_142 : vector<1x16xf32> to vector<16xf32>
        %mul3A_144 = arith.mulf %get3A_139, %get3A_143 : vector<16xf32>
        %swap3A_145 = arith.index_cast %add3A_81 : i32 to index
        %swap3A_146 = arith.constant 64 : index
        %swap3A_147 = tpu.vector_load %arg13[%swap3A_145, %swap3A_146] {strides = array<i32>} : memref<80x128xf32, #tpu.memory_space<vmem>>, vector<1x16xf32>,
        %swap3A_148 = vector.shape_cast %swap3A_147 : vector<1x16xf32> to vector<16xf32>
        %swap3A_149 = vector.shape_cast %mul3A_144 : vector<16xf32> to vector<1x16xf32>
        tpu.vector_store %arg13[%swap3A_145, %swap3A_146], %swap3A_149 {strides = array<i32>} : memref<80x128xf32, #tpu.memory_space<vmem>>, vector<1x16xf32>,
        %get3A_150 = arith.index_cast %add3A_81 : i32 to index
        %get3A_151 = arith.constant 80 : index
        %get3A_152 = tpu.vector_load %arg14[%get3A_150, %get3A_151] {strides = array<i32>} : memref<80x128xf32, #tpu.memory_space<vmem>>, vector<1x16xf32>,
        %get3A_153 = vector.shape_cast %get3A_152 : vector<1x16xf32> to vector<16xf32>
        %get3A_154 = arith.index_cast %add3A_81 : i32 to index
        %get3A_155 = arith.constant 80 : index
        %get3A_156 = tpu.vector_load %arg13[%get3A_154, %get3A_155] {strides = array<i32>} : memref<80x128xf32, #tpu.memory_space<vmem>>, vector<1x16xf32>,
        %get3A_157 = vector.shape_cast %get3A_156 : vector<1x16xf32> to vector<16xf32>
        %mul3A_158 = arith.mulf %get3A_153, %get3A_157 : vector<16xf32>
        %swap3A_159 = arith.index_cast %add3A_81 : i32 to index
        %swap3A_160 = arith.constant 80 : index
        %swap3A_161 = tpu.vector_load %arg13[%swap3A_159, %swap3A_160] {strides = array<i32>} : memref<80x128xf32, #tpu.memory_space<vmem>>, vector<1x16xf32>,
        %swap3A_162 = vector.shape_cast %swap3A_161 : vector<1x16xf32> to vector<16xf32>
        %swap3A_163 = vector.shape_cast %mul3A_158 : vector<16xf32> to vector<1x16xf32>
        tpu.vector_store %arg13[%swap3A_159, %swap3A_160], %swap3A_163 {strides = array<i32>} : memref<80x128xf32, #tpu.memory_space<vmem>>, vector<1x16xf32>,
        %get3A_164 = arith.index_cast %add3A_81 : i32 to index
        %get3A_165 = arith.constant 96 : index
        %get3A_166 = tpu.vector_load %arg14[%get3A_164, %get3A_165] {strides = array<i32>} : memref<80x128xf32, #tpu.memory_space<vmem>>, vector<1x16xf32>,
        %get3A_167 = vector.shape_cast %get3A_166 : vector<1x16xf32> to vector<16xf32>
        %get3A_168 = arith.index_cast %add3A_81 : i32 to index
        %get3A_169 = arith.constant 96 : index
        %get3A_170 = tpu.vector_load %arg13[%get3A_168, %get3A_169] {strides = array<i32>} : memref<80x128xf32, #tpu.memory_space<vmem>>, vector<1x16xf32>,
        %get3A_171 = vector.shape_cast %get3A_170 : vector<1x16xf32> to vector<16xf32>
        %mul3A_172 = arith.mulf %get3A_167, %get3A_171 : vector<16xf32>
        %swap3A_173 = arith.index_cast %add3A_81 : i32 to index
        %swap3A_174 = arith.constant 96 : index
        %swap3A_175 = tpu.vector_load %arg13[%swap3A_173, %swap3A_174] {strides = array<i32>} : memref<80x128xf32, #tpu.memory_space<vmem>>, vector<1x16xf32>,
        %swap3A_176 = vector.shape_cast %swap3A_175 : vector<1x16xf32> to vector<16xf32>
        %swap3A_177 = vector.shape_cast %mul3A_172 : vector<16xf32> to vector<1x16xf32>
        tpu.vector_store %arg13[%swap3A_173, %swap3A_174], %swap3A_177 {strides = array<i32>} : memref<80x128xf32, #tpu.memory_space<vmem>>, vector<1x16xf32>,
        %get3A_178 = arith.index_cast %add3A_81 : i32 to index
        %get3A_179 = arith.constant 112 : index
        %get3A_180 = tpu.vector_load %arg14[%get3A_178, %get3A_179] {strides = array<i32>} : memref<80x128xf32, #tpu.memory_space<vmem>>, vector<1x16xf32>,
        %get3A_181 = vector.shape_cast %get3A_180 : vector<1x16xf32> to vector<16xf32>
        %get3A_182 = arith.index_cast %add3A_81 : i32 to index
        %get3A_183 = arith.constant 112 : index
        %get3A_184 = tpu.vector_load %arg13[%get3A_182, %get3A_183] {strides = array<i32>} : memref<80x128xf32, #tpu.memory_space<vmem>>, vector<1x16xf32>,
        %get3A_185 = vector.shape_cast %get3A_184 : vector<1x16xf32> to vector<16xf32>
        %mul3A_186 = arith.mulf %get3A_181, %get3A_185 : vector<16xf32>
        %swap3A_187 = arith.index_cast %add3A_81 : i32 to index
        %swap3A_188 = arith.constant 112 : index
        %swap3A_189 = tpu.vector_load %arg13[%swap3A_187, %swap3A_188] {strides = array<i32>} : memref<80x128xf32, #tpu.memory_space<vmem>>, vector<1x16xf32>,
        %swap3A_190 = vector.shape_cast %swap3A_189 : vector<1x16xf32> to vector<16xf32>
        %swap3A_191 = vector.shape_cast %mul3A_186 : vector<16xf32> to vector<1x16xf32>
        tpu.vector_store %arg13[%swap3A_187, %swap3A_188], %swap3A_191 {strides = array<i32>} : memref<80x128xf32, #tpu.memory_space<vmem>>, vector<1x16xf32>,
        %mul3A_192 = arith.constant 2 : i32
        %mul3A_193 = arith.muli %scan3A_76, %mul3A_192 : i32
        %add3A_194 = arith.constant 1 : i32
        %add3A_195 = arith.addi %mul3A_193, %add3A_194 : i32
        %get3A_196 = arith.index_cast %add3A_195 : i32 to index
        %get3A_197 = arith.constant 0 : index
        %get3A_198 = tpu.vector_load %arg14[%get3A_196, %get3A_197] {strides = array<i32>} : memref<80x128xf32, #tpu.memory_space<vmem>>, vector<1x16xf32>,
        %get3A_199 = vector.shape_cast %get3A_198 : vector<1x16xf32> to vector<16xf32>
        %get3A_200 = arith.index_cast %add3A_195 : i32 to index
        %get3A_201 = arith.constant 0 : index
        %get3A_202 = tpu.vector_load %arg13[%get3A_200, %get3A_201] {strides = array<i32>} : memref<80x128xf32, #tpu.memory_space<vmem>>, vector<1x16xf32>,
        %get3A_203 = vector.shape_cast %get3A_202 : vector<1x16xf32> to vector<16xf32>
        %mul3A_204 = arith.mulf %get3A_199, %get3A_203 : vector<16xf32>
        %swap3A_205 = arith.index_cast %add3A_195 : i32 to index
        %swap3A_206 = arith.constant 0 : index
        %swap3A_207 = tpu.vector_load %arg13[%swap3A_205, %swap3A_206] {strides = array<i32>} : memref<80x128xf32, #tpu.memory_space<vmem>>, vector<1x16xf32>,
        %swap3A_208 = vector.shape_cast %swap3A_207 : vector<1x16xf32> to vector<16xf32>
        %swap3A_209 = vector.shape_cast %mul3A_204 : vector<16xf32> to vector<1x16xf32>
        tpu.vector_store %arg13[%swap3A_205, %swap3A_206], %swap3A_209 {strides = array<i32>} : memref<80x128xf32, #tpu.memory_space<vmem>>, vector<1x16xf32>,
        %get3A_210 = arith.index_cast %add3A_195 : i32 to index
        %get3A_211 = arith.constant 16 : index
        %get3A_212 = tpu.vector_load %arg14[%get3A_210, %get3A_211] {strides = array<i32>} : memref<80x128xf32, #tpu.memory_space<vmem>>, vector<1x16xf32>,
        %get3A_213 = vector.shape_cast %get3A_212 : vector<1x16xf32> to vector<16xf32>
        %get3A_214 = arith.index_cast %add3A_195 : i32 to index
        %get3A_215 = arith.constant 16 : index
        %get3A_216 = tpu.vector_load %arg13[%get3A_214, %get3A_215] {strides = array<i32>} : memref<80x128xf32, #tpu.memory_space<vmem>>, vector<1x16xf32>,
        %get3A_217 = vector.shape_cast %get3A_216 : vector<1x16xf32> to vector<16xf32>
        %mul3A_218 = arith.mulf %get3A_213, %get3A_217 : vector<16xf32>
        %swap3A_219 = arith.index_cast %add3A_195 : i32 to index
        %swap3A_220 = arith.constant 16 : index
        %swap3A_221 = tpu.vector_load %arg13[%swap3A_219, %swap3A_220] {strides = array<i32>} : memref<80x128xf32, #tpu.memory_space<vmem>>, vector<1x16xf32>,
        %swap3A_222 = vector.shape_cast %swap3A_221 : vector<1x16xf32> to vector<16xf32>
        %swap3A_223 = vector.shape_cast %mul3A_218 : vector<16xf32> to vector<1x16xf32>
        tpu.vector_store %arg13[%swap3A_219, %swap3A_220], %swap3A_223 {strides = array<i32>} : memref<80x128xf32, #tpu.memory_space<vmem>>, vector<1x16xf32>,
        %get3A_224 = arith.index_cast %add3A_195 : i32 to index
        %get3A_225 = arith.constant 32 : index
        %get3A_226 = tpu.vector_load %arg14[%get3A_224, %get3A_225] {strides = array<i32>} : memref<80x128xf32, #tpu.memory_space<vmem>>, vector<1x16xf32>,
        %get3A_227 = vector.shape_cast %get3A_226 : vector<1x16xf32> to vector<16xf32>
        %get3A_228 = arith.index_cast %add3A_195 : i32 to index
        %get3A_229 = arith.constant 32 : index
        %get3A_230 = tpu.vector_load %arg13[%get3A_228, %get3A_229] {strides = array<i32>} : memref<80x128xf32, #tpu.memory_space<vmem>>, vector<1x16xf32>,
        %get3A_231 = vector.shape_cast %get3A_230 : vector<1x16xf32> to vector<16xf32>
        %mul3A_232 = arith.mulf %get3A_227, %get3A_231 : vector<16xf32>
        %swap3A_233 = arith.index_cast %add3A_195 : i32 to index
        %swap3A_234 = arith.constant 32 : index
        %swap3A_235 = tpu.vector_load %arg13[%swap3A_233, %swap3A_234] {strides = array<i32>} : memref<80x128xf32, #tpu.memory_space<vmem>>, vector<1x16xf32>,
        %swap3A_236 = vector.shape_cast %swap3A_235 : vector<1x16xf32> to vector<16xf32>
        %swap3A_237 = vector.shape_cast %mul3A_232 : vector<16xf32> to vector<1x16xf32>
        tpu.vector_store %arg13[%swap3A_233, %swap3A_234], %swap3A_237 {strides = array<i32>} : memref<80x128xf32, #tpu.memory_space<vmem>>, vector<1x16xf32>,
        %get3A_238 = arith.index_cast %add3A_195 : i32 to index
        %get3A_239 = arith.constant 48 : index
        %get3A_240 = tpu.vector_load %arg14[%get3A_238, %get3A_239] {strides = array<i32>} : memref<80x128xf32, #tpu.memory_space<vmem>>, vector<1x16xf32>,
        %get3A_241 = vector.shape_cast %get3A_240 : vector<1x16xf32> to vector<16xf32>
        %get3A_242 = arith.index_cast %add3A_195 : i32 to index
        %get3A_243 = arith.constant 48 : index
        %get3A_244 = tpu.vector_load %arg13[%get3A_242, %get3A_243] {strides = array<i32>} : memref<80x128xf32, #tpu.memory_space<vmem>>, vector<1x16xf32>,
        %get3A_245 = vector.shape_cast %get3A_244 : vector<1x16xf32> to vector<16xf32>
        %mul3A_246 = arith.mulf %get3A_241, %get3A_245 : vector<16xf32>
        %swap3A_247 = arith.index_cast %add3A_195 : i32 to index
        %swap3A_248 = arith.constant 48 : index
        %swap3A_249 = tpu.vector_load %arg13[%swap3A_247, %swap3A_248] {strides = array<i32>} : memref<80x128xf32, #tpu.memory_space<vmem>>, vector<1x16xf32>,
        %swap3A_250 = vector.shape_cast %swap3A_249 : vector<1x16xf32> to vector<16xf32>
        %swap3A_251 = vector.shape_cast %mul3A_246 : vector<16xf32> to vector<1x16xf32>
        tpu.vector_store %arg13[%swap3A_247, %swap3A_248], %swap3A_251 {strides = array<i32>} : memref<80x128xf32, #tpu.memory_space<vmem>>, vector<1x16xf32>,
        %get3A_252 = arith.index_cast %add3A_195 : i32 to index
        %get3A_253 = arith.constant 64 : index
        %get3A_254 = tpu.vector_load %arg14[%get3A_252, %get3A_253] {strides = array<i32>} : memref<80x128xf32, #tpu.memory_space<vmem>>, vector<1x16xf32>,
        %get3A_255 = vector.shape_cast %get3A_254 : vector<1x16xf32> to vector<16xf32>
        %get3A_256 = arith.index_cast %add3A_195 : i32 to index
        %get3A_257 = arith.constant 64 : index
        %get3A_258 = tpu.vector_load %arg13[%get3A_256, %get3A_257] {strides = array<i32>} : memref<80x128xf32, #tpu.memory_space<vmem>>, vector<1x16xf32>,
        %get3A_259 = vector.shape_cast %get3A_258 : vector<1x16xf32> to vector<16xf32>
        %mul3A_260 = arith.mulf %get3A_255, %get3A_259 : vector<16xf32>
        %swap3A_261 = arith.index_cast %add3A_195 : i32 to index
        %swap3A_262 = arith.constant 64 : index
        %swap3A_263 = tpu.vector_load %arg13[%swap3A_261, %swap3A_262] {strides = array<i32>} : memref<80x128xf32, #tpu.memory_space<vmem>>, vector<1x16xf32>,
        %swap3A_264 = vector.shape_cast %swap3A_263 : vector<1x16xf32> to vector<16xf32>
        %swap3A_265 = vector.shape_cast %mul3A_260 : vector<16xf32> to vector<1x16xf32>
        tpu.vector_store %arg13[%swap3A_261, %swap3A_262], %swap3A_265 {strides = array<i32>} : memref<80x128xf32, #tpu.memory_space<vmem>>, vector<1x16xf32>,
        %get3A_266 = arith.index_cast %add3A_195 : i32 to index
        %get3A_267 = arith.constant 80 : index
        %get3A_268 = tpu.vector_load %arg14[%get3A_266, %get3A_267] {strides = array<i32>} : memref<80x128xf32, #tpu.memory_space<vmem>>, vector<1x16xf32>,
        %get3A_269 = vector.shape_cast %get3A_268 : vector<1x16xf32> to vector<16xf32>
        %get3A_270 = arith.index_cast %add3A_195 : i32 to index
        %get3A_271 = arith.constant 80 : index
        %get3A_272 = tpu.vector_load %arg13[%get3A_270, %get3A_271] {strides = array<i32>} : memref<80x128xf32, #tpu.memory_space<vmem>>, vector<1x16xf32>,
        %get3A_273 = vector.shape_cast %get3A_272 : vector<1x16xf32> to vector<16xf32>
        %mul3A_274 = arith.mulf %get3A_269, %get3A_273 : vector<16xf32>
        %swap3A_275 = arith.index_cast %add3A_195 : i32 to index
        %swap3A_276 = arith.constant 80 : index
        %swap3A_277 = tpu.vector_load %arg13[%swap3A_275, %swap3A_276] {strides = array<i32>} : memref<80x128xf32, #tpu.memory_space<vmem>>, vector<1x16xf32>,
        %swap3A_278 = vector.shape_cast %swap3A_277 : vector<1x16xf32> to vector<16xf32>
        %swap3A_279 = vector.shape_cast %mul3A_274 : vector<16xf32> to vector<1x16xf32>
        tpu.vector_store %arg13[%swap3A_275, %swap3A_276], %swap3A_279 {strides = array<i32>} : memref<80x128xf32, #tpu.memory_space<vmem>>, vector<1x16xf32>,
        %get3A_280 = arith.index_cast %add3A_195 : i32 to index
        %get3A_281 = arith.constant 96 : index
        %get3A_282 = tpu.vector_load %arg14[%get3A_280, %get3A_281] {strides = array<i32>} : memref<80x128xf32, #tpu.memory_space<vmem>>, vector<1x16xf32>,
        %get3A_283 = vector.shape_cast %get3A_282 : vector<1x16xf32> to vector<16xf32>
        %get3A_284 = arith.index_cast %add3A_195 : i32 to index
        %get3A_285 = arith.constant 96 : index
        %get3A_286 = tpu.vector_load %arg13[%get3A_284, %get3A_285] {strides = array<i32>} : memref<80x128xf32, #tpu.memory_space<vmem>>, vector<1x16xf32>,
        %get3A_287 = vector.shape_cast %get3A_286 : vector<1x16xf32> to vector<16xf32>
        %mul3A_288 = arith.mulf %get3A_283, %get3A_287 : vector<16xf32>
        %swap3A_289 = arith.index_cast %add3A_195 : i32 to index
        %swap3A_290 = arith.constant 96 : index
        %swap3A_291 = tpu.vector_load %arg13[%swap3A_289, %swap3A_290] {strides = array<i32>} : memref<80x128xf32, #tpu.memory_space<vmem>>, vector<1x16xf32>,
        %swap3A_292 = vector.shape_cast %swap3A_291 : vector<1x16xf32> to vector<16xf32>
        %swap3A_293 = vector.shape_cast %mul3A_288 : vector<16xf32> to vector<1x16xf32>
        tpu.vector_store %arg13[%swap3A_289, %swap3A_290], %swap3A_293 {strides = array<i32>} : memref<80x128xf32, #tpu.memory_space<vmem>>, vector<1x16xf32>,
        %get3A_294 = arith.index_cast %add3A_195 : i32 to index
        %get3A_295 = arith.constant 112 : index
        %get3A_296 = tpu.vector_load %arg14[%get3A_294, %get3A_295] {strides = array<i32>} : memref<80x128xf32, #tpu.memory_space<vmem>>, vector<1x16xf32>,
        %get3A_297 = vector.shape_cast %get3A_296 : vector<1x16xf32> to vector<16xf32>
        %get3A_298 = arith.index_cast %add3A_195 : i32 to index
        %get3A_299 = arith.constant 112 : index
        %get3A_300 = tpu.vector_load %arg13[%get3A_298, %get3A_299] {strides = array<i32>} : memref<80x128xf32, #tpu.memory_space<vmem>>, vector<1x16xf32>,
        %get3A_301 = vector.shape_cast %get3A_300 : vector<1x16xf32> to vector<16xf32>
        %mul3A_302 = arith.mulf %get3A_297, %get3A_301 : vector<16xf32>
        %swap3A_303 = arith.index_cast %add3A_195 : i32 to index
        %swap3A_304 = arith.constant 112 : index
        %swap3A_305 = tpu.vector_load %arg13[%swap3A_303, %swap3A_304] {strides = array<i32>} : memref<80x128xf32, #tpu.memory_space<vmem>>, vector<1x16xf32>,
        %swap3A_306 = vector.shape_cast %swap3A_305 : vector<1x16xf32> to vector<16xf32>
        %swap3A_307 = vector.shape_cast %mul3A_302 : vector<16xf32> to vector<1x16xf32>
        tpu.vector_store %arg13[%swap3A_303, %swap3A_304], %swap3A_307 {strides = array<i32>} : memref<80x128xf32, #tpu.memory_space<vmem>>, vector<1x16xf32>,
        %scan3A_308 = arith.constant 0 : i32
        scf.yield %scan3A_308 : i32
      }
      %scan3A_66 = arith.constant 40 : i32
      "tpu.region"() ({
        %run_scoped3A_76 = tpu.sem_alloc : memref<!tpu.dma_semaphore, #tpu.memory_space<semaphore_mem>>
        %dma_start3A_77 = arith.constant 0 : i32
        %dma_start3A_78 = arith.constant 0 : i32
        %dma_start3A_79 = tpu.memref_slice %arg8[%add3A, %scan3A_15, %dma_start3A_77, %dma_start3A_78] : memref<32x125x80x128xf32, #tpu.memory_space<hbm>> -> memref<1x1x80x128xf32, #tpu.memory_space<hbm>>
        %dma_start3A_80 = tpu.memref_squeeze %dma_start3A_79 : memref<1x1x80x128xf32, #tpu.memory_space<hbm>> -> memref<80x128xf32, #tpu.memory_space<hbm>>
        %dma_start3A_81 = arith.constant 0 : i32
        %dma_start3A_82 = arith.constant 0 : i32
        %dma_start3A_83 = tpu.memref_slice %arg8[%add3A, %scan3A_15, %dma_start3A_81, %dma_start3A_82] : memref<32x125x80x128xf32, #tpu.memory_space<hbm>> -> memref<1x1x80x128xf32, #tpu.memory_space<hbm>>
        %dma_start3A_84 = tpu.memref_squeeze %dma_start3A_83 : memref<1x1x80x128xf32, #tpu.memory_space<hbm>> -> memref<80x128xf32, #tpu.memory_space<hbm>>
        tpu.enqueue_dma source(%arg13 : memref<80x128xf32, #tpu.memory_space<vmem>>) target(%dma_start3A_84 : memref<80x128xf32, #tpu.memory_space<hbm>>) target_semaphore(%run_scoped3A_76 : memref<!tpu.dma_semaphore, #tpu.memory_space<semaphore_mem>>)
        %dma_wait3A_85 = arith.constant 0 : i32
        %dma_wait3A_86 = arith.constant 0 : i32
        %dma_wait3A_87 = tpu.memref_slice %arg8[%add3A, %scan3A_15, %dma_wait3A_85, %dma_wait3A_86] : memref<32x125x80x128xf32, #tpu.memory_space<hbm>> -> memref<1x1x80x128xf32, #tpu.memory_space<hbm>>
        %dma_wait3A_88 = tpu.memref_squeeze %dma_wait3A_87 : memref<1x1x80x128xf32, #tpu.memory_space<hbm>> -> memref<80x128xf32, #tpu.memory_space<hbm>>
        %dma_wait3A_89 = arith.constant 0 : i32
        %dma_wait3A_90 = arith.constant 0 : i32
        %dma_wait3A_91 = tpu.memref_slice %arg8[%add3A, %scan3A_15, %dma_wait3A_89, %dma_wait3A_90] : memref<32x125x80x128xf32, #tpu.memory_space<hbm>> -> memref<1x1x80x128xf32, #tpu.memory_space<hbm>>
        %dma_wait3A_92 = tpu.memref_squeeze %dma_wait3A_91 : memref<1x1x80x128xf32, #tpu.memory_space<hbm>> -> memref<80x128xf32, #tpu.memory_space<hbm>>
        tpu.wait_dma2 semaphore(%run_scoped3A_76 : memref<!tpu.dma_semaphore, #tpu.memory_space<semaphore_mem>>) src(%arg13 : memref<80x128xf32, #tpu.memory_space<vmem>>) dst(%dma_wait3A_92 : memref<80x128xf32, #tpu.memory_space<hbm>>)
        tpu.yield
      }) : () -> ()
      %scan3A_67 = arith.constant 0 : i32
      %scan3A_68 = arith.constant 0 : i32
      %scan3A_69 = arith.constant 40 : i32
      %scan3A_70 = arith.addi %scan3A_68, %scan3A_69 : i32
      %scan3A_71 = arith.constant 1 : i32
      %scan3A_72 = scf.for %scan3A_76 = %scan3A_68 to %scan3A_70 step %scan3A_71 iter_args(%scan3A_77 = %scan3A_67) -> (i32)  : i32 {
        %mul3A_78 = arith.constant 2 : i32
        %mul3A_79 = arith.muli %scan3A_76, %mul3A_78 : i32
        %add3A_80 = arith.constant 0 : i32
        %add3A_81 = arith.addi %mul3A_79, %add3A_80 : i32
        %get3A = arith.index_cast %add3A_81 : i32 to index
        %get3A_82 = arith.constant 0 : index
        %get3A_83 = tpu.vector_load %arg14[%get3A, %get3A_82] {strides = array<i32>} : memref<80x128xf32, #tpu.memory_space<vmem>>, vector<1x16xf32>,
        %get3A_84 = vector.shape_cast %get3A_83 : vector<1x16xf32> to vector<16xf32>
        %get3A_85 = arith.index_cast %add3A_81 : i32 to index
        %get3A_86 = arith.constant 0 : index
        %get3A_87 = tpu.vector_load %arg12[%get3A_85, %get3A_86] {strides = array<i32>} : memref<80x128xf32, #tpu.memory_space<vmem>>, vector<1x16xf32>,
        %get3A_88 = vector.shape_cast %get3A_87 : vector<1x16xf32> to vector<16xf32>
        %mul3A_89 = arith.mulf %get3A_84, %get3A_88 : vector<16xf32>
        %swap3A = arith.index_cast %add3A_81 : i32 to index
        %swap3A_90 = arith.constant 0 : index
        %swap3A_91 = tpu.vector_load %arg14[%swap3A, %swap3A_90] {strides = array<i32>} : memref<80x128xf32, #tpu.memory_space<vmem>>, vector<1x16xf32>,
        %swap3A_92 = vector.shape_cast %swap3A_91 : vector<1x16xf32> to vector<16xf32>
        %swap3A_93 = vector.shape_cast %mul3A_89 : vector<16xf32> to vector<1x16xf32>
        tpu.vector_store %arg14[%swap3A, %swap3A_90], %swap3A_93 {strides = array<i32>} : memref<80x128xf32, #tpu.memory_space<vmem>>, vector<1x16xf32>,
        %get3A_94 = arith.index_cast %add3A_81 : i32 to index
        %get3A_95 = arith.constant 16 : index
        %get3A_96 = tpu.vector_load %arg14[%get3A_94, %get3A_95] {strides = array<i32>} : memref<80x128xf32, #tpu.memory_space<vmem>>, vector<1x16xf32>,
        %get3A_97 = vector.shape_cast %get3A_96 : vector<1x16xf32> to vector<16xf32>
        %get3A_98 = arith.index_cast %add3A_81 : i32 to index
        %get3A_99 = arith.constant 16 : index
        %get3A_100 = tpu.vector_load %arg12[%get3A_98, %get3A_99] {strides = array<i32>} : memref<80x128xf32, #tpu.memory_space<vmem>>, vector<1x16xf32>,
        %get3A_101 = vector.shape_cast %get3A_100 : vector<1x16xf32> to vector<16xf32>
        %mul3A_102 = arith.mulf %get3A_97, %get3A_101 : vector<16xf32>
        %swap3A_103 = arith.index_cast %add3A_81 : i32 to index
        %swap3A_104 = arith.constant 16 : index
        %swap3A_105 = tpu.vector_load %arg14[%swap3A_103, %swap3A_104] {strides = array<i32>} : memref<80x128xf32, #tpu.memory_space<vmem>>, vector<1x16xf32>,
        %swap3A_106 = vector.shape_cast %swap3A_105 : vector<1x16xf32> to vector<16xf32>
        %swap3A_107 = vector.shape_cast %mul3A_102 : vector<16xf32> to vector<1x16xf32>
        tpu.vector_store %arg14[%swap3A_103, %swap3A_104], %swap3A_107 {strides = array<i32>} : memref<80x128xf32, #tpu.memory_space<vmem>>, vector<1x16xf32>,
        %get3A_108 = arith.index_cast %add3A_81 : i32 to index
        %get3A_109 = arith.constant 32 : index
        %get3A_110 = tpu.vector_load %arg14[%get3A_108, %get3A_109] {strides = array<i32>} : memref<80x128xf32, #tpu.memory_space<vmem>>, vector<1x16xf32>,
        %get3A_111 = vector.shape_cast %get3A_110 : vector<1x16xf32> to vector<16xf32>
        %get3A_112 = arith.index_cast %add3A_81 : i32 to index
        %get3A_113 = arith.constant 32 : index
        %get3A_114 = tpu.vector_load %arg12[%get3A_112, %get3A_113] {strides = array<i32>} : memref<80x128xf32, #tpu.memory_space<vmem>>, vector<1x16xf32>,
        %get3A_115 = vector.shape_cast %get3A_114 : vector<1x16xf32> to vector<16xf32>
        %mul3A_116 = arith.mulf %get3A_111, %get3A_115 : vector<16xf32>
        %swap3A_117 = arith.index_cast %add3A_81 : i32 to index
        %swap3A_118 = arith.constant 32 : index
        %swap3A_119 = tpu.vector_load %arg14[%swap3A_117, %swap3A_118] {strides = array<i32>} : memref<80x128xf32, #tpu.memory_space<vmem>>, vector<1x16xf32>,
        %swap3A_120 = vector.shape_cast %swap3A_119 : vector<1x16xf32> to vector<16xf32>
        %swap3A_121 = vector.shape_cast %mul3A_116 : vector<16xf32> to vector<1x16xf32>
        tpu.vector_store %arg14[%swap3A_117, %swap3A_118], %swap3A_121 {strides = array<i32>} : memref<80x128xf32, #tpu.memory_space<vmem>>, vector<1x16xf32>,
        %get3A_122 = arith.index_cast %add3A_81 : i32 to index
        %get3A_123 = arith.constant 48 : index
        %get3A_124 = tpu.vector_load %arg14[%get3A_122, %get3A_123] {strides = array<i32>} : memref<80x128xf32, #tpu.memory_space<vmem>>, vector<1x16xf32>,
        %get3A_125 = vector.shape_cast %get3A_124 : vector<1x16xf32> to vector<16xf32>
        %get3A_126 = arith.index_cast %add3A_81 : i32 to index
        %get3A_127 = arith.constant 48 : index
        %get3A_128 = tpu.vector_load %arg12[%get3A_126, %get3A_127] {strides = array<i32>} : memref<80x128xf32, #tpu.memory_space<vmem>>, vector<1x16xf32>,
        %get3A_129 = vector.shape_cast %get3A_128 : vector<1x16xf32> to vector<16xf32>
        %mul3A_130 = arith.mulf %get3A_125, %get3A_129 : vector<16xf32>
        %swap3A_131 = arith.index_cast %add3A_81 : i32 to index
        %swap3A_132 = arith.constant 48 : index
        %swap3A_133 = tpu.vector_load %arg14[%swap3A_131, %swap3A_132] {strides = array<i32>} : memref<80x128xf32, #tpu.memory_space<vmem>>, vector<1x16xf32>,
        %swap3A_134 = vector.shape_cast %swap3A_133 : vector<1x16xf32> to vector<16xf32>
        %swap3A_135 = vector.shape_cast %mul3A_130 : vector<16xf32> to vector<1x16xf32>
        tpu.vector_store %arg14[%swap3A_131, %swap3A_132], %swap3A_135 {strides = array<i32>} : memref<80x128xf32, #tpu.memory_space<vmem>>, vector<1x16xf32>,
        %get3A_136 = arith.index_cast %add3A_81 : i32 to index
        %get3A_137 = arith.constant 64 : index
        %get3A_138 = tpu.vector_load %arg14[%get3A_136, %get3A_137] {strides = array<i32>} : memref<80x128xf32, #tpu.memory_space<vmem>>, vector<1x16xf32>,
        %get3A_139 = vector.shape_cast %get3A_138 : vector<1x16xf32> to vector<16xf32>
        %get3A_140 = arith.index_cast %add3A_81 : i32 to index
        %get3A_141 = arith.constant 64 : index
        %get3A_142 = tpu.vector_load %arg12[%get3A_140, %get3A_141] {strides = array<i32>} : memref<80x128xf32, #tpu.memory_space<vmem>>, vector<1x16xf32>,
        %get3A_143 = vector.shape_cast %get3A_142 : vector<1x16xf32> to vector<16xf32>
        %mul3A_144 = arith.mulf %get3A_139, %get3A_143 : vector<16xf32>
        %swap3A_145 = arith.index_cast %add3A_81 : i32 to index
        %swap3A_146 = arith.constant 64 : index
        %swap3A_147 = tpu.vector_load %arg14[%swap3A_145, %swap3A_146] {strides = array<i32>} : memref<80x128xf32, #tpu.memory_space<vmem>>, vector<1x16xf32>,
        %swap3A_148 = vector.shape_cast %swap3A_147 : vector<1x16xf32> to vector<16xf32>
        %swap3A_149 = vector.shape_cast %mul3A_144 : vector<16xf32> to vector<1x16xf32>
        tpu.vector_store %arg14[%swap3A_145, %swap3A_146], %swap3A_149 {strides = array<i32>} : memref<80x128xf32, #tpu.memory_space<vmem>>, vector<1x16xf32>,
        %get3A_150 = arith.index_cast %add3A_81 : i32 to index
        %get3A_151 = arith.constant 80 : index
        %get3A_152 = tpu.vector_load %arg14[%get3A_150, %get3A_151] {strides = array<i32>} : memref<80x128xf32, #tpu.memory_space<vmem>>, vector<1x16xf32>,
        %get3A_153 = vector.shape_cast %get3A_152 : vector<1x16xf32> to vector<16xf32>
        %get3A_154 = arith.index_cast %add3A_81 : i32 to index
        %get3A_155 = arith.constant 80 : index
        %get3A_156 = tpu.vector_load %arg12[%get3A_154, %get3A_155] {strides = array<i32>} : memref<80x128xf32, #tpu.memory_space<vmem>>, vector<1x16xf32>,
        %get3A_157 = vector.shape_cast %get3A_156 : vector<1x16xf32> to vector<16xf32>
        %mul3A_158 = arith.mulf %get3A_153, %get3A_157 : vector<16xf32>
        %swap3A_159 = arith.index_cast %add3A_81 : i32 to index
        %swap3A_160 = arith.constant 80 : index
        %swap3A_161 = tpu.vector_load %arg14[%swap3A_159, %swap3A_160] {strides = array<i32>} : memref<80x128xf32, #tpu.memory_space<vmem>>, vector<1x16xf32>,
        %swap3A_162 = vector.shape_cast %swap3A_161 : vector<1x16xf32> to vector<16xf32>
        %swap3A_163 = vector.shape_cast %mul3A_158 : vector<16xf32> to vector<1x16xf32>
        tpu.vector_store %arg14[%swap3A_159, %swap3A_160], %swap3A_163 {strides = array<i32>} : memref<80x128xf32, #tpu.memory_space<vmem>>, vector<1x16xf32>,
        %get3A_164 = arith.index_cast %add3A_81 : i32 to index
        %get3A_165 = arith.constant 96 : index
        %get3A_166 = tpu.vector_load %arg14[%get3A_164, %get3A_165] {strides = array<i32>} : memref<80x128xf32, #tpu.memory_space<vmem>>, vector<1x16xf32>,
        %get3A_167 = vector.shape_cast %get3A_166 : vector<1x16xf32> to vector<16xf32>
        %get3A_168 = arith.index_cast %add3A_81 : i32 to index
        %get3A_169 = arith.constant 96 : index
        %get3A_170 = tpu.vector_load %arg12[%get3A_168, %get3A_169] {strides = array<i32>} : memref<80x128xf32, #tpu.memory_space<vmem>>, vector<1x16xf32>,
        %get3A_171 = vector.shape_cast %get3A_170 : vector<1x16xf32> to vector<16xf32>
        %mul3A_172 = arith.mulf %get3A_167, %get3A_171 : vector<16xf32>
        %swap3A_173 = arith.index_cast %add3A_81 : i32 to index
        %swap3A_174 = arith.constant 96 : index
        %swap3A_175 = tpu.vector_load %arg14[%swap3A_173, %swap3A_174] {strides = array<i32>} : memref<80x128xf32, #tpu.memory_space<vmem>>, vector<1x16xf32>,
        %swap3A_176 = vector.shape_cast %swap3A_175 : vector<1x16xf32> to vector<16xf32>
        %swap3A_177 = vector.shape_cast %mul3A_172 : vector<16xf32> to vector<1x16xf32>
        tpu.vector_store %arg14[%swap3A_173, %swap3A_174], %swap3A_177 {strides = array<i32>} : memref<80x128xf32, #tpu.memory_space<vmem>>, vector<1x16xf32>,
        %get3A_178 = arith.index_cast %add3A_81 : i32 to index
        %get3A_179 = arith.constant 112 : index
        %get3A_180 = tpu.vector_load %arg14[%get3A_178, %get3A_179] {strides = array<i32>} : memref<80x128xf32, #tpu.memory_space<vmem>>, vector<1x16xf32>,
        %get3A_181 = vector.shape_cast %get3A_180 : vector<1x16xf32> to vector<16xf32>
        %get3A_182 = arith.index_cast %add3A_81 : i32 to index
        %get3A_183 = arith.constant 112 : index
        %get3A_184 = tpu.vector_load %arg12[%get3A_182, %get3A_183] {strides = array<i32>} : memref<80x128xf32, #tpu.memory_space<vmem>>, vector<1x16xf32>,
        %get3A_185 = vector.shape_cast %get3A_184 : vector<1x16xf32> to vector<16xf32>
        %mul3A_186 = arith.mulf %get3A_181, %get3A_185 : vector<16xf32>
        %swap3A_187 = arith.index_cast %add3A_81 : i32 to index
        %swap3A_188 = arith.constant 112 : index
        %swap3A_189 = tpu.vector_load %arg14[%swap3A_187, %swap3A_188] {strides = array<i32>} : memref<80x128xf32, #tpu.memory_space<vmem>>, vector<1x16xf32>,
        %swap3A_190 = vector.shape_cast %swap3A_189 : vector<1x16xf32> to vector<16xf32>
        %swap3A_191 = vector.shape_cast %mul3A_186 : vector<16xf32> to vector<1x16xf32>
        tpu.vector_store %arg14[%swap3A_187, %swap3A_188], %swap3A_191 {strides = array<i32>} : memref<80x128xf32, #tpu.memory_space<vmem>>, vector<1x16xf32>,
        %mul3A_192 = arith.constant 2 : i32
        %mul3A_193 = arith.muli %scan3A_76, %mul3A_192 : i32
        %add3A_194 = arith.constant 1 : i32
        %add3A_195 = arith.addi %mul3A_193, %add3A_194 : i32
        %get3A_196 = arith.index_cast %add3A_195 : i32 to index
        %get3A_197 = arith.constant 0 : index
        %get3A_198 = tpu.vector_load %arg14[%get3A_196, %get3A_197] {strides = array<i32>} : memref<80x128xf32, #tpu.memory_space<vmem>>, vector<1x16xf32>,
        %get3A_199 = vector.shape_cast %get3A_198 : vector<1x16xf32> to vector<16xf32>
        %get3A_200 = arith.index_cast %add3A_195 : i32 to index
        %get3A_201 = arith.constant 0 : index
        %get3A_202 = tpu.vector_load %arg12[%get3A_200, %get3A_201] {strides = array<i32>} : memref<80x128xf32, #tpu.memory_space<vmem>>, vector<1x16xf32>,
        %get3A_203 = vector.shape_cast %get3A_202 : vector<1x16xf32> to vector<16xf32>
        %mul3A_204 = arith.mulf %get3A_199, %get3A_203 : vector<16xf32>
        %swap3A_205 = arith.index_cast %add3A_195 : i32 to index
        %swap3A_206 = arith.constant 0 : index
        %swap3A_207 = tpu.vector_load %arg14[%swap3A_205, %swap3A_206] {strides = array<i32>} : memref<80x128xf32, #tpu.memory_space<vmem>>, vector<1x16xf32>,
        %swap3A_208 = vector.shape_cast %swap3A_207 : vector<1x16xf32> to vector<16xf32>
        %swap3A_209 = vector.shape_cast %mul3A_204 : vector<16xf32> to vector<1x16xf32>
        tpu.vector_store %arg14[%swap3A_205, %swap3A_206], %swap3A_209 {strides = array<i32>} : memref<80x128xf32, #tpu.memory_space<vmem>>, vector<1x16xf32>,
        %get3A_210 = arith.index_cast %add3A_195 : i32 to index
        %get3A_211 = arith.constant 16 : index
        %get3A_212 = tpu.vector_load %arg14[%get3A_210, %get3A_211] {strides = array<i32>} : memref<80x128xf32, #tpu.memory_space<vmem>>, vector<1x16xf32>,
        %get3A_213 = vector.shape_cast %get3A_212 : vector<1x16xf32> to vector<16xf32>
        %get3A_214 = arith.index_cast %add3A_195 : i32 to index
        %get3A_215 = arith.constant 16 : index
        %get3A_216 = tpu.vector_load %arg12[%get3A_214, %get3A_215] {strides = array<i32>} : memref<80x128xf32, #tpu.memory_space<vmem>>, vector<1x16xf32>,
        %get3A_217 = vector.shape_cast %get3A_216 : vector<1x16xf32> to vector<16xf32>
        %mul3A_218 = arith.mulf %get3A_213, %get3A_217 : vector<16xf32>
        %swap3A_219 = arith.index_cast %add3A_195 : i32 to index
        %swap3A_220 = arith.constant 16 : index
        %swap3A_221 = tpu.vector_load %arg14[%swap3A_219, %swap3A_220] {strides = array<i32>} : memref<80x128xf32, #tpu.memory_space<vmem>>, vector<1x16xf32>,
        %swap3A_222 = vector.shape_cast %swap3A_221 : vector<1x16xf32> to vector<16xf32>
        %swap3A_223 = vector.shape_cast %mul3A_218 : vector<16xf32> to vector<1x16xf32>
        tpu.vector_store %arg14[%swap3A_219, %swap3A_220], %swap3A_223 {strides = array<i32>} : memref<80x128xf32, #tpu.memory_space<vmem>>, vector<1x16xf32>,
        %get3A_224 = arith.index_cast %add3A_195 : i32 to index
        %get3A_225 = arith.constant 32 : index
        %get3A_226 = tpu.vector_load %arg14[%get3A_224, %get3A_225] {strides = array<i32>} : memref<80x128xf32, #tpu.memory_space<vmem>>, vector<1x16xf32>,
        %get3A_227 = vector.shape_cast %get3A_226 : vector<1x16xf32> to vector<16xf32>
        %get3A_228 = arith.index_cast %add3A_195 : i32 to index
        %get3A_229 = arith.constant 32 : index
        %get3A_230 = tpu.vector_load %arg12[%get3A_228, %get3A_229] {strides = array<i32>} : memref<80x128xf32, #tpu.memory_space<vmem>>, vector<1x16xf32>,
        %get3A_231 = vector.shape_cast %get3A_230 : vector<1x16xf32> to vector<16xf32>
        %mul3A_232 = arith.mulf %get3A_227, %get3A_231 : vector<16xf32>
        %swap3A_233 = arith.index_cast %add3A_195 : i32 to index
        %swap3A_234 = arith.constant 32 : index
        %swap3A_235 = tpu.vector_load %arg14[%swap3A_233, %swap3A_234] {strides = array<i32>} : memref<80x128xf32, #tpu.memory_space<vmem>>, vector<1x16xf32>,
        %swap3A_236 = vector.shape_cast %swap3A_235 : vector<1x16xf32> to vector<16xf32>
        %swap3A_237 = vector.shape_cast %mul3A_232 : vector<16xf32> to vector<1x16xf32>
        tpu.vector_store %arg14[%swap3A_233, %swap3A_234], %swap3A_237 {strides = array<i32>} : memref<80x128xf32, #tpu.memory_space<vmem>>, vector<1x16xf32>,
        %get3A_238 = arith.index_cast %add3A_195 : i32 to index
        %get3A_239 = arith.constant 48 : index
        %get3A_240 = tpu.vector_load %arg14[%get3A_238, %get3A_239] {strides = array<i32>} : memref<80x128xf32, #tpu.memory_space<vmem>>, vector<1x16xf32>,
        %get3A_241 = vector.shape_cast %get3A_240 : vector<1x16xf32> to vector<16xf32>
        %get3A_242 = arith.index_cast %add3A_195 : i32 to index
        %get3A_243 = arith.constant 48 : index
        %get3A_244 = tpu.vector_load %arg12[%get3A_242, %get3A_243] {strides = array<i32>} : memref<80x128xf32, #tpu.memory_space<vmem>>, vector<1x16xf32>,
        %get3A_245 = vector.shape_cast %get3A_244 : vector<1x16xf32> to vector<16xf32>
        %mul3A_246 = arith.mulf %get3A_241, %get3A_245 : vector<16xf32>
        %swap3A_247 = arith.index_cast %add3A_195 : i32 to index
        %swap3A_248 = arith.constant 48 : index
        %swap3A_249 = tpu.vector_load %arg14[%swap3A_247, %swap3A_248] {strides = array<i32>} : memref<80x128xf32, #tpu.memory_space<vmem>>, vector<1x16xf32>,
        %swap3A_250 = vector.shape_cast %swap3A_249 : vector<1x16xf32> to vector<16xf32>
        %swap3A_251 = vector.shape_cast %mul3A_246 : vector<16xf32> to vector<1x16xf32>
        tpu.vector_store %arg14[%swap3A_247, %swap3A_248], %swap3A_251 {strides = array<i32>} : memref<80x128xf32, #tpu.memory_space<vmem>>, vector<1x16xf32>,
        %get3A_252 = arith.index_cast %add3A_195 : i32 to index
        %get3A_253 = arith.constant 64 : index
        %get3A_254 = tpu.vector_load %arg14[%get3A_252, %get3A_253] {strides = array<i32>} : memref<80x128xf32, #tpu.memory_space<vmem>>, vector<1x16xf32>,
        %get3A_255 = vector.shape_cast %get3A_254 : vector<1x16xf32> to vector<16xf32>
        %get3A_256 = arith.index_cast %add3A_195 : i32 to index
        %get3A_257 = arith.constant 64 : index
        %get3A_258 = tpu.vector_load %arg12[%get3A_256, %get3A_257] {strides = array<i32>} : memref<80x128xf32, #tpu.memory_space<vmem>>, vector<1x16xf32>,
        %get3A_259 = vector.shape_cast %get3A_258 : vector<1x16xf32> to vector<16xf32>
        %mul3A_260 = arith.mulf %get3A_255, %get3A_259 : vector<16xf32>
        %swap3A_261 = arith.index_cast %add3A_195 : i32 to index
        %swap3A_262 = arith.constant 64 : index
        %swap3A_263 = tpu.vector_load %arg14[%swap3A_261, %swap3A_262] {strides = array<i32>} : memref<80x128xf32, #tpu.memory_space<vmem>>, vector<1x16xf32>,
        %swap3A_264 = vector.shape_cast %swap3A_263 : vector<1x16xf32> to vector<16xf32>
        %swap3A_265 = vector.shape_cast %mul3A_260 : vector<16xf32> to vector<1x16xf32>
        tpu.vector_store %arg14[%swap3A_261, %swap3A_262], %swap3A_265 {strides = array<i32>} : memref<80x128xf32, #tpu.memory_space<vmem>>, vector<1x16xf32>,
        %get3A_266 = arith.index_cast %add3A_195 : i32 to index
        %get3A_267 = arith.constant 80 : index
        %get3A_268 = tpu.vector_load %arg14[%get3A_266, %get3A_267] {strides = array<i32>} : memref<80x128xf32, #tpu.memory_space<vmem>>, vector<1x16xf32>,
        %get3A_269 = vector.shape_cast %get3A_268 : vector<1x16xf32> to vector<16xf32>
        %get3A_270 = arith.index_cast %add3A_195 : i32 to index
        %get3A_271 = arith.constant 80 : index
        %get3A_272 = tpu.vector_load %arg12[%get3A_270, %get3A_271] {strides = array<i32>} : memref<80x128xf32, #tpu.memory_space<vmem>>, vector<1x16xf32>,
        %get3A_273 = vector.shape_cast %get3A_272 : vector<1x16xf32> to vector<16xf32>
        %mul3A_274 = arith.mulf %get3A_269, %get3A_273 : vector<16xf32>
        %swap3A_275 = arith.index_cast %add3A_195 : i32 to index
        %swap3A_276 = arith.constant 80 : index
        %swap3A_277 = tpu.vector_load %arg14[%swap3A_275, %swap3A_276] {strides = array<i32>} : memref<80x128xf32, #tpu.memory_space<vmem>>, vector<1x16xf32>,
        %swap3A_278 = vector.shape_cast %swap3A_277 : vector<1x16xf32> to vector<16xf32>
        %swap3A_279 = vector.shape_cast %mul3A_274 : vector<16xf32> to vector<1x16xf32>
        tpu.vector_store %arg14[%swap3A_275, %swap3A_276], %swap3A_279 {strides = array<i32>} : memref<80x128xf32, #tpu.memory_space<vmem>>, vector<1x16xf32>,
        %get3A_280 = arith.index_cast %add3A_195 : i32 to index
        %get3A_281 = arith.constant 96 : index
        %get3A_282 = tpu.vector_load %arg14[%get3A_280, %get3A_281] {strides = array<i32>} : memref<80x128xf32, #tpu.memory_space<vmem>>, vector<1x16xf32>,
        %get3A_283 = vector.shape_cast %get3A_282 : vector<1x16xf32> to vector<16xf32>
        %get3A_284 = arith.index_cast %add3A_195 : i32 to index
        %get3A_285 = arith.constant 96 : index
        %get3A_286 = tpu.vector_load %arg12[%get3A_284, %get3A_285] {strides = array<i32>} : memref<80x128xf32, #tpu.memory_space<vmem>>, vector<1x16xf32>,
        %get3A_287 = vector.shape_cast %get3A_286 : vector<1x16xf32> to vector<16xf32>
        %mul3A_288 = arith.mulf %get3A_283, %get3A_287 : vector<16xf32>
        %swap3A_289 = arith.index_cast %add3A_195 : i32 to index
        %swap3A_290 = arith.constant 96 : index
        %swap3A_291 = tpu.vector_load %arg14[%swap3A_289, %swap3A_290] {strides = array<i32>} : memref<80x128xf32, #tpu.memory_space<vmem>>, vector<1x16xf32>,
        %swap3A_292 = vector.shape_cast %swap3A_291 : vector<1x16xf32> to vector<16xf32>
        %swap3A_293 = vector.shape_cast %mul3A_288 : vector<16xf32> to vector<1x16xf32>
        tpu.vector_store %arg14[%swap3A_289, %swap3A_290], %swap3A_293 {strides = array<i32>} : memref<80x128xf32, #tpu.memory_space<vmem>>, vector<1x16xf32>,
        %get3A_294 = arith.index_cast %add3A_195 : i32 to index
        %get3A_295 = arith.constant 112 : index
        %get3A_296 = tpu.vector_load %arg14[%get3A_294, %get3A_295] {strides = array<i32>} : memref<80x128xf32, #tpu.memory_space<vmem>>, vector<1x16xf32>,
        %get3A_297 = vector.shape_cast %get3A_296 : vector<1x16xf32> to vector<16xf32>
        %get3A_298 = arith.index_cast %add3A_195 : i32 to index
        %get3A_299 = arith.constant 112 : index
        %get3A_300 = tpu.vector_load %arg12[%get3A_298, %get3A_299] {strides = array<i32>} : memref<80x128xf32, #tpu.memory_space<vmem>>, vector<1x16xf32>,
        %get3A_301 = vector.shape_cast %get3A_300 : vector<1x16xf32> to vector<16xf32>
        %mul3A_302 = arith.mulf %get3A_297, %get3A_301 : vector<16xf32>
        %swap3A_303 = arith.index_cast %add3A_195 : i32 to index
        %swap3A_304 = arith.constant 112 : index
        %swap3A_305 = tpu.vector_load %arg14[%swap3A_303, %swap3A_304] {strides = array<i32>} : memref<80x128xf32, #tpu.memory_space<vmem>>, vector<1x16xf32>,
        %swap3A_306 = vector.shape_cast %swap3A_305 : vector<1x16xf32> to vector<16xf32>
        %swap3A_307 = vector.shape_cast %mul3A_302 : vector<16xf32> to vector<1x16xf32>
        tpu.vector_store %arg14[%swap3A_303, %swap3A_304], %swap3A_307 {strides = array<i32>} : memref<80x128xf32, #tpu.memory_space<vmem>>, vector<1x16xf32>,
        %scan3A_308 = arith.constant 0 : i32
        scf.yield %scan3A_308 : i32
      }
      %scan3A_73 = arith.constant 40 : i32
      %run_scoped3A_74 = arith.constant 0 : i32
      "tpu.region"() ({
        %run_scoped3A_76 = tpu.sem_alloc : memref<!tpu.dma_semaphore, #tpu.memory_space<semaphore_mem>>
        %dma_start3A_77 = arith.constant 0 : i32
        %dma_start3A_78 = tpu.memref_slice %arg10[%run_scoped3A_74, %dma_start3A_77] : memref<1x80xi32, #tpu.memory_space<vmem>> -> memref<1x80xi32, #tpu.memory_space<vmem>>
        %dma_start3A_79 = tpu.memref_squeeze %dma_start3A_78 : memref<1x80xi32, #tpu.memory_space<vmem>> -> memref<80xi32, #tpu.memory_space<vmem>>
        %dma_start3A_80 = arith.constant 0 : i32
        %dma_start3A_81 = arith.constant 0 : i32
        %dma_start3A_82 = tpu.memref_slice %arg15[%dma_start3A_80, %dma_start3A_81] : memref<10000x128xf32, #tpu.memory_space<vmem_shared>> -> memref<10000x128xf32, #tpu.memory_space<vmem_shared>>
        tpu.enqueue_indirect_dma source(%arg14 : memref<80x128xf32, #tpu.memory_space<vmem>>) target(%dma_start3A_82 : memref<10000x128xf32, #tpu.memory_space<vmem_shared>>) offsets(%dma_start3A_79 : memref<80xi32, #tpu.memory_space<vmem>>) semaphore(%run_scoped3A_76 : memref<!tpu.dma_semaphore, #tpu.memory_space<semaphore_mem>>) {add = true}
        %dma_wait3A_83 = arith.constant 0 : i32
        %dma_wait3A_84 = tpu.memref_slice %arg10[%run_scoped3A_74, %dma_wait3A_83] : memref<1x80xi32, #tpu.memory_space<vmem>> -> memref<1x80xi32, #tpu.memory_space<vmem>>
        %dma_wait3A_85 = tpu.memref_squeeze %dma_wait3A_84 : memref<1x80xi32, #tpu.memory_space<vmem>> -> memref<80xi32, #tpu.memory_space<vmem>>
        %dma_wait3A_86 = arith.constant 0 : i32
        %dma_wait3A_87 = arith.constant 0 : i32
        %dma_wait3A_88 = tpu.memref_slice %arg15[%dma_wait3A_86, %dma_wait3A_87] : memref<10000x128xf32, #tpu.memory_space<vmem_shared>> -> memref<10000x128xf32, #tpu.memory_space<vmem_shared>>
        tpu.wait_indirect_dma semaphore(%run_scoped3A_76 : memref<!tpu.dma_semaphore, #tpu.memory_space<semaphore_mem>>) src(%arg14 : memref<80x128xf32, #tpu.memory_space<vmem>>) dst(%dma_wait3A_88 : memref<10000x128xf32, #tpu.memory_space<vmem_shared>>)
        tpu.yield
      }) : () -> ()
      %scan3A_75 = arith.constant 0 : i32
      scf.yield %scan3A_75 : i32
    }
    %scan3A_8 = arith.constant 125 : i32
    %barrier3A_9 = arith.constant 0 : index
    tpu.barrier barrier_id(%barrier3A_9)
    %eq3A_10 = arith.constant 0 : i32
    %eq3A_11 = arith.cmpi eq, %arg1, %eq3A_10 : i32
    %convert_element_type3A_12 = arith.extui %eq3A_11 : i1 to i32
    %cond3A_13 = arith.constant 0 : i32
    %cond3A_14 = arith.cmpi ne, %convert_element_type3A_12, %cond3A_13 : i32
    scf.if %cond3A_14 {
      "tpu.region"() ({
        %run_scoped3A = tpu.sem_alloc : memref<!tpu.dma_semaphore, #tpu.memory_space<semaphore_mem>>
        %dma_start3A = arith.constant 0 : i32
        %dma_start3A_15 = arith.constant 0 : i32
        %dma_start3A_16 = tpu.memref_slice %arg9[%arg0, %dma_start3A, %dma_start3A_15] : memref<2x10000x128xf32, #tpu.memory_space<hbm>> -> memref<1x10000x128xf32, #tpu.memory_space<hbm>>
        %dma_start3A_17 = tpu.memref_squeeze %dma_start3A_16 : memref<1x10000x128xf32, #tpu.memory_space<hbm>> -> memref<10000x128xf32, #tpu.memory_space<hbm>>
        tpu.enqueue_dma source(%arg15 : memref<10000x128xf32, #tpu.memory_space<vmem_shared>>) target(%dma_start3A_17 : memref<10000x128xf32, #tpu.memory_space<hbm>>) target_semaphore(%run_scoped3A : memref<!tpu.dma_semaphore, #tpu.memory_space<semaphore_mem>>)
        %dma_wait3A = arith.constant 0 : i32
        %dma_wait3A_18 = arith.constant 0 : i32
        %dma_wait3A_19 = tpu.memref_slice %arg9[%arg0, %dma_wait3A, %dma_wait3A_18] : memref<2x10000x128xf32, #tpu.memory_space<hbm>> -> memref<1x10000x128xf32, #tpu.memory_space<hbm>>
        %dma_wait3A_20 = tpu.memref_squeeze %dma_wait3A_19 : memref<1x10000x128xf32, #tpu.memory_space<hbm>> -> memref<10000x128xf32, #tpu.memory_space<hbm>>
        tpu.wait_dma2 semaphore(%run_scoped3A : memref<!tpu.dma_semaphore, #tpu.memory_space<semaphore_mem>>) src(%arg15 : memref<10000x128xf32, #tpu.memory_space<vmem_shared>>) dst(%dma_wait3A_20 : memref<10000x128xf32, #tpu.memory_space<hbm>>)
        tpu.yield
      }) : () -> ()
    } else {
    }
    return
  }
}

#map = affine_map<(d0, d1) -> (0)>
#map1 = affine_map<(d0, d1) -> (0, 0, 0)>
#map2 = affine_map<(d0, d1) -> (0, 0, 0, 0)>
module attributes {stable_mosaic.version = 14 : i64} {
  func.func @_sc_vec(%arg0: i32, %arg1: i32, %arg2: memref<10000xf32, #tpu.memory_space<hbm>>, %arg3: memref<10000xf32, #tpu.memory_space<hbm>>, %arg4: memref<10000xf32, #tpu.memory_space<hbm>>, %arg5: memref<32x125x80xi32, #tpu.memory_space<hbm>>, %arg6: memref<32x125x80xi32, #tpu.memory_space<hbm>>, %arg7: memref<32x125x80x4xf32, #tpu.memory_space<hbm>>, %arg8: memref<125x80xi32, #tpu.memory_space<vmem>>, %arg9: memref<125x80xi32, #tpu.memory_space<vmem>>, %arg10: memref<10000xf32, #tpu.memory_space<vmem>>, %arg11: memref<10000xf32, #tpu.memory_space<vmem>>, %arg12: memref<10000xf32, #tpu.memory_space<vmem>>, %arg13: memref<80x4xf32, #tpu.memory_space<vmem>>) attributes {dimension_semantics = [#tpu.dimension_semantics<core_parallel>, #tpu.dimension_semantics<subcore_parallel>], iteration_bounds = array<i64: 2, 16>, scalar_prefetch = 0 : i64, scratch_operands = 6 : i64, tpu.core_type = #tpu.core_type<sc_vector_subcore>, window_params = [{transform_indices = #map}, {transform_indices = #map}, {transform_indices = #map}, {transform_indices = #map1}, {transform_indices = #map1}, {transform_indices = #map2}]} {
    %mul3A = arith.constant 2 : i32
    %mul3A_0 = arith.muli %arg1, %mul3A : i32
    %add3A = arith.addi %mul3A_0, %arg0 : i32
    "tpu.region"() ({
      %run_scoped3A = tpu.sem_alloc : memref<!tpu.dma_semaphore, #tpu.memory_space<semaphore_mem>>
      %dma_start3A = arith.constant 0 : i32
      %dma_start3A_7 = arith.constant 0 : i32
      %dma_start3A_8 = tpu.memref_slice %arg5[%add3A, %dma_start3A, %dma_start3A_7] : memref<32x125x80xi32, #tpu.memory_space<hbm>> -> memref<1x125x80xi32, #tpu.memory_space<hbm>>
      %dma_start3A_9 = tpu.memref_squeeze %dma_start3A_8 : memref<1x125x80xi32, #tpu.memory_space<hbm>> -> memref<125x80xi32, #tpu.memory_space<hbm>>
      %dma_start3A_10 = arith.constant 0 : i32
      %dma_start3A_11 = arith.constant 0 : i32
      %dma_start3A_12 = tpu.memref_slice %arg5[%add3A, %dma_start3A_10, %dma_start3A_11] : memref<32x125x80xi32, #tpu.memory_space<hbm>> -> memref<1x125x80xi32, #tpu.memory_space<hbm>>
      %dma_start3A_13 = tpu.memref_squeeze %dma_start3A_12 : memref<1x125x80xi32, #tpu.memory_space<hbm>> -> memref<125x80xi32, #tpu.memory_space<hbm>>
      tpu.enqueue_dma source(%dma_start3A_13 : memref<125x80xi32, #tpu.memory_space<hbm>>) target(%arg8 : memref<125x80xi32, #tpu.memory_space<vmem>>) target_semaphore(%run_scoped3A : memref<!tpu.dma_semaphore, #tpu.memory_space<semaphore_mem>>)
      %dma_wait3A = arith.constant 0 : i32
      %dma_wait3A_14 = arith.constant 0 : i32
      %dma_wait3A_15 = tpu.memref_slice %arg5[%add3A, %dma_wait3A, %dma_wait3A_14] : memref<32x125x80xi32, #tpu.memory_space<hbm>> -> memref<1x125x80xi32, #tpu.memory_space<hbm>>
      %dma_wait3A_16 = tpu.memref_squeeze %dma_wait3A_15 : memref<1x125x80xi32, #tpu.memory_space<hbm>> -> memref<125x80xi32, #tpu.memory_space<hbm>>
      %dma_wait3A_17 = arith.constant 0 : i32
      %dma_wait3A_18 = arith.constant 0 : i32
      %dma_wait3A_19 = tpu.memref_slice %arg5[%add3A, %dma_wait3A_17, %dma_wait3A_18] : memref<32x125x80xi32, #tpu.memory_space<hbm>> -> memref<1x125x80xi32, #tpu.memory_space<hbm>>
      %dma_wait3A_20 = tpu.memref_squeeze %dma_wait3A_19 : memref<1x125x80xi32, #tpu.memory_space<hbm>> -> memref<125x80xi32, #tpu.memory_space<hbm>>
      tpu.wait_dma2 semaphore(%run_scoped3A : memref<!tpu.dma_semaphore, #tpu.memory_space<semaphore_mem>>) src(%dma_wait3A_20 : memref<125x80xi32, #tpu.memory_space<hbm>>) dst(%arg8 : memref<125x80xi32, #tpu.memory_space<vmem>>)
      tpu.yield
    }) : () -> ()
    "tpu.region"() ({
      %run_scoped3A = tpu.sem_alloc : memref<!tpu.dma_semaphore, #tpu.memory_space<semaphore_mem>>
      %dma_start3A = arith.constant 0 : i32
      %dma_start3A_7 = arith.constant 0 : i32
      %dma_start3A_8 = tpu.memref_slice %arg6[%add3A, %dma_start3A, %dma_start3A_7] : memref<32x125x80xi32, #tpu.memory_space<hbm>> -> memref<1x125x80xi32, #tpu.memory_space<hbm>>
      %dma_start3A_9 = tpu.memref_squeeze %dma_start3A_8 : memref<1x125x80xi32, #tpu.memory_space<hbm>> -> memref<125x80xi32, #tpu.memory_space<hbm>>
      %dma_start3A_10 = arith.constant 0 : i32
      %dma_start3A_11 = arith.constant 0 : i32
      %dma_start3A_12 = tpu.memref_slice %arg6[%add3A, %dma_start3A_10, %dma_start3A_11] : memref<32x125x80xi32, #tpu.memory_space<hbm>> -> memref<1x125x80xi32, #tpu.memory_space<hbm>>
      %dma_start3A_13 = tpu.memref_squeeze %dma_start3A_12 : memref<1x125x80xi32, #tpu.memory_space<hbm>> -> memref<125x80xi32, #tpu.memory_space<hbm>>
      tpu.enqueue_dma source(%dma_start3A_13 : memref<125x80xi32, #tpu.memory_space<hbm>>) target(%arg9 : memref<125x80xi32, #tpu.memory_space<vmem>>) target_semaphore(%run_scoped3A : memref<!tpu.dma_semaphore, #tpu.memory_space<semaphore_mem>>)
      %dma_wait3A = arith.constant 0 : i32
      %dma_wait3A_14 = arith.constant 0 : i32
      %dma_wait3A_15 = tpu.memref_slice %arg6[%add3A, %dma_wait3A, %dma_wait3A_14] : memref<32x125x80xi32, #tpu.memory_space<hbm>> -> memref<1x125x80xi32, #tpu.memory_space<hbm>>
      %dma_wait3A_16 = tpu.memref_squeeze %dma_wait3A_15 : memref<1x125x80xi32, #tpu.memory_space<hbm>> -> memref<125x80xi32, #tpu.memory_space<hbm>>
      %dma_wait3A_17 = arith.constant 0 : i32
      %dma_wait3A_18 = arith.constant 0 : i32
      %dma_wait3A_19 = tpu.memref_slice %arg6[%add3A, %dma_wait3A_17, %dma_wait3A_18] : memref<32x125x80xi32, #tpu.memory_space<hbm>> -> memref<1x125x80xi32, #tpu.memory_space<hbm>>
      %dma_wait3A_20 = tpu.memref_squeeze %dma_wait3A_19 : memref<1x125x80xi32, #tpu.memory_space<hbm>> -> memref<125x80xi32, #tpu.memory_space<hbm>>
      tpu.wait_dma2 semaphore(%run_scoped3A : memref<!tpu.dma_semaphore, #tpu.memory_space<semaphore_mem>>) src(%dma_wait3A_20 : memref<125x80xi32, #tpu.memory_space<hbm>>) dst(%arg9 : memref<125x80xi32, #tpu.memory_space<vmem>>)
      tpu.yield
    }) : () -> ()
    "tpu.region"() ({
      %run_scoped3A = tpu.sem_alloc : memref<!tpu.dma_semaphore, #tpu.memory_space<semaphore_mem>>
      tpu.enqueue_dma source(%arg2 : memref<10000xf32, #tpu.memory_space<hbm>>) target(%arg10 : memref<10000xf32, #tpu.memory_space<vmem>>) target_semaphore(%run_scoped3A : memref<!tpu.dma_semaphore, #tpu.memory_space<semaphore_mem>>)
      tpu.wait_dma2 semaphore(%run_scoped3A : memref<!tpu.dma_semaphore, #tpu.memory_space<semaphore_mem>>) src(%arg2 : memref<10000xf32, #tpu.memory_space<hbm>>) dst(%arg10 : memref<10000xf32, #tpu.memory_space<vmem>>)
      tpu.yield
    }) : () -> ()
    "tpu.region"() ({
      %run_scoped3A = tpu.sem_alloc : memref<!tpu.dma_semaphore, #tpu.memory_space<semaphore_mem>>
      tpu.enqueue_dma source(%arg3 : memref<10000xf32, #tpu.memory_space<hbm>>) target(%arg11 : memref<10000xf32, #tpu.memory_space<vmem>>) target_semaphore(%run_scoped3A : memref<!tpu.dma_semaphore, #tpu.memory_space<semaphore_mem>>)
      tpu.wait_dma2 semaphore(%run_scoped3A : memref<!tpu.dma_semaphore, #tpu.memory_space<semaphore_mem>>) src(%arg3 : memref<10000xf32, #tpu.memory_space<hbm>>) dst(%arg11 : memref<10000xf32, #tpu.memory_space<vmem>>)
      tpu.yield
    }) : () -> ()
    "tpu.region"() ({
      %run_scoped3A = tpu.sem_alloc : memref<!tpu.dma_semaphore, #tpu.memory_space<semaphore_mem>>
      tpu.enqueue_dma source(%arg4 : memref<10000xf32, #tpu.memory_space<hbm>>) target(%arg12 : memref<10000xf32, #tpu.memory_space<vmem>>) target_semaphore(%run_scoped3A : memref<!tpu.dma_semaphore, #tpu.memory_space<semaphore_mem>>)
      tpu.wait_dma2 semaphore(%run_scoped3A : memref<!tpu.dma_semaphore, #tpu.memory_space<semaphore_mem>>) src(%arg4 : memref<10000xf32, #tpu.memory_space<hbm>>) dst(%arg12 : memref<10000xf32, #tpu.memory_space<vmem>>)
      tpu.yield
    }) : () -> ()
    %scan3A = arith.constant 0 : i32
    %scan3A_1 = arith.constant 0 : i32
    %scan3A_2 = arith.constant 125 : i32
    %scan3A_3 = arith.addi %scan3A_1, %scan3A_2 : i32
    %scan3A_4 = arith.constant 1 : i32
    %scan3A_5 = scf.for %scan3A_7 = %scan3A_1 to %scan3A_3 step %scan3A_4 iter_args(%scan3A_8 = %scan3A) -> (i32)  : i32 {
      %get3A = arith.index_cast %scan3A_7 : i32 to index
      %get3A_9 = arith.constant 0 : index
      %get3A_10 = tpu.vector_load %arg8[%get3A, %get3A_9] {strides = array<i32>} : memref<125x80xi32, #tpu.memory_space<vmem>>, vector<16xi32>,
      %get3A_11 = arith.index_cast %scan3A_7 : i32 to index
      %get3A_12 = arith.constant 0 : index
      %get3A_13 = tpu.vector_load %arg9[%get3A_11, %get3A_12] {strides = array<i32>} : memref<125x80xi32, #tpu.memory_space<vmem>>, vector<16xi32>,
      %iota3A = tpu.iota {dimensions = array<i32: 0>} : vector<16xi32>
      %add3A_14 = arith.constant 0 : i32
      %add3A_15 = vector.broadcast %add3A_14 : i32 to vector<16xi32>
      %add3A_16 = arith.addi %iota3A, %add3A_15 : vector<16xi32>
      %gather3A = tpu.vector_load_idx %arg10[%get3A_10] : memref<10000xf32, #tpu.memory_space<vmem>>[vector<16xi32>], vector<16xf32>,
      %gather3A_17 = tpu.vector_load_idx %arg10[%get3A_13] : memref<10000xf32, #tpu.memory_space<vmem>>[vector<16xi32>], vector<16xf32>,
      %broadcast_in_dim3A = arith.constant 0 : i32
      %broadcast_in_dim3A_18 = vector.broadcast %broadcast_in_dim3A : i32 to vector<16xi32>
      %sub3A = arith.subf %gather3A, %gather3A_17 : vector<16xf32>
      tpu.vector_store_idx %arg13[%add3A_16, %broadcast_in_dim3A_18], %sub3A : memref<80x4xf32, #tpu.memory_space<vmem>>[vector<16xi32>, vector<16xi32>], vector<16xf32>,
      %gather3A_19 = tpu.vector_load_idx %arg11[%get3A_10] : memref<10000xf32, #tpu.memory_space<vmem>>[vector<16xi32>], vector<16xf32>,
      %gather3A_20 = tpu.vector_load_idx %arg11[%get3A_13] : memref<10000xf32, #tpu.memory_space<vmem>>[vector<16xi32>], vector<16xf32>,
      %broadcast_in_dim3A_21 = arith.constant 1 : i32
      %broadcast_in_dim3A_22 = vector.broadcast %broadcast_in_dim3A_21 : i32 to vector<16xi32>
      %sub3A_23 = arith.subf %gather3A_19, %gather3A_20 : vector<16xf32>
      tpu.vector_store_idx %arg13[%add3A_16, %broadcast_in_dim3A_22], %sub3A_23 : memref<80x4xf32, #tpu.memory_space<vmem>>[vector<16xi32>, vector<16xi32>], vector<16xf32>,
      %gather3A_24 = tpu.vector_load_idx %arg12[%get3A_10] : memref<10000xf32, #tpu.memory_space<vmem>>[vector<16xi32>], vector<16xf32>,
      %gather3A_25 = tpu.vector_load_idx %arg12[%get3A_13] : memref<10000xf32, #tpu.memory_space<vmem>>[vector<16xi32>], vector<16xf32>,
      %broadcast_in_dim3A_26 = arith.constant 2 : i32
      %broadcast_in_dim3A_27 = vector.broadcast %broadcast_in_dim3A_26 : i32 to vector<16xi32>
      %sub3A_28 = arith.subf %gather3A_24, %gather3A_25 : vector<16xf32>
      tpu.vector_store_idx %arg13[%add3A_16, %broadcast_in_dim3A_27], %sub3A_28 : memref<80x4xf32, #tpu.memory_space<vmem>>[vector<16xi32>, vector<16xi32>], vector<16xf32>,
      %get3A_29 = arith.index_cast %scan3A_7 : i32 to index
      %get3A_30 = arith.constant 16 : index
      %get3A_31 = tpu.vector_load %arg8[%get3A_29, %get3A_30] {strides = array<i32>} : memref<125x80xi32, #tpu.memory_space<vmem>>, vector<16xi32>,
      %get3A_32 = arith.index_cast %scan3A_7 : i32 to index
      %get3A_33 = arith.constant 16 : index
      %get3A_34 = tpu.vector_load %arg9[%get3A_32, %get3A_33] {strides = array<i32>} : memref<125x80xi32, #tpu.memory_space<vmem>>, vector<16xi32>,
      %iota3A_35 = tpu.iota {dimensions = array<i32: 0>} : vector<16xi32>
      %add3A_36 = arith.constant 16 : i32
      %add3A_37 = vector.broadcast %add3A_36 : i32 to vector<16xi32>
      %add3A_38 = arith.addi %iota3A_35, %add3A_37 : vector<16xi32>
      %gather3A_39 = tpu.vector_load_idx %arg10[%get3A_31] : memref<10000xf32, #tpu.memory_space<vmem>>[vector<16xi32>], vector<16xf32>,
      %gather3A_40 = tpu.vector_load_idx %arg10[%get3A_34] : memref<10000xf32, #tpu.memory_space<vmem>>[vector<16xi32>], vector<16xf32>,
      %broadcast_in_dim3A_41 = arith.constant 0 : i32
      %broadcast_in_dim3A_42 = vector.broadcast %broadcast_in_dim3A_41 : i32 to vector<16xi32>
      %sub3A_43 = arith.subf %gather3A_39, %gather3A_40 : vector<16xf32>
      tpu.vector_store_idx %arg13[%add3A_38, %broadcast_in_dim3A_42], %sub3A_43 : memref<80x4xf32, #tpu.memory_space<vmem>>[vector<16xi32>, vector<16xi32>], vector<16xf32>,
      %gather3A_44 = tpu.vector_load_idx %arg11[%get3A_31] : memref<10000xf32, #tpu.memory_space<vmem>>[vector<16xi32>], vector<16xf32>,
      %gather3A_45 = tpu.vector_load_idx %arg11[%get3A_34] : memref<10000xf32, #tpu.memory_space<vmem>>[vector<16xi32>], vector<16xf32>,
      %broadcast_in_dim3A_46 = arith.constant 1 : i32
      %broadcast_in_dim3A_47 = vector.broadcast %broadcast_in_dim3A_46 : i32 to vector<16xi32>
      %sub3A_48 = arith.subf %gather3A_44, %gather3A_45 : vector<16xf32>
      tpu.vector_store_idx %arg13[%add3A_38, %broadcast_in_dim3A_47], %sub3A_48 : memref<80x4xf32, #tpu.memory_space<vmem>>[vector<16xi32>, vector<16xi32>], vector<16xf32>,
      %gather3A_49 = tpu.vector_load_idx %arg12[%get3A_31] : memref<10000xf32, #tpu.memory_space<vmem>>[vector<16xi32>], vector<16xf32>,
      %gather3A_50 = tpu.vector_load_idx %arg12[%get3A_34] : memref<10000xf32, #tpu.memory_space<vmem>>[vector<16xi32>], vector<16xf32>,
      %broadcast_in_dim3A_51 = arith.constant 2 : i32
      %broadcast_in_dim3A_52 = vector.broadcast %broadcast_in_dim3A_51 : i32 to vector<16xi32>
      %sub3A_53 = arith.subf %gather3A_49, %gather3A_50 : vector<16xf32>
      tpu.vector_store_idx %arg13[%add3A_38, %broadcast_in_dim3A_52], %sub3A_53 : memref<80x4xf32, #tpu.memory_space<vmem>>[vector<16xi32>, vector<16xi32>], vector<16xf32>,
      %get3A_54 = arith.index_cast %scan3A_7 : i32 to index
      %get3A_55 = arith.constant 32 : index
      %get3A_56 = tpu.vector_load %arg8[%get3A_54, %get3A_55] {strides = array<i32>} : memref<125x80xi32, #tpu.memory_space<vmem>>, vector<16xi32>,
      %get3A_57 = arith.index_cast %scan3A_7 : i32 to index
      %get3A_58 = arith.constant 32 : index
      %get3A_59 = tpu.vector_load %arg9[%get3A_57, %get3A_58] {strides = array<i32>} : memref<125x80xi32, #tpu.memory_space<vmem>>, vector<16xi32>,
      %iota3A_60 = tpu.iota {dimensions = array<i32: 0>} : vector<16xi32>
      %add3A_61 = arith.constant 32 : i32
      %add3A_62 = vector.broadcast %add3A_61 : i32 to vector<16xi32>
      %add3A_63 = arith.addi %iota3A_60, %add3A_62 : vector<16xi32>
      %gather3A_64 = tpu.vector_load_idx %arg10[%get3A_56] : memref<10000xf32, #tpu.memory_space<vmem>>[vector<16xi32>], vector<16xf32>,
      %gather3A_65 = tpu.vector_load_idx %arg10[%get3A_59] : memref<10000xf32, #tpu.memory_space<vmem>>[vector<16xi32>], vector<16xf32>,
      %broadcast_in_dim3A_66 = arith.constant 0 : i32
      %broadcast_in_dim3A_67 = vector.broadcast %broadcast_in_dim3A_66 : i32 to vector<16xi32>
      %sub3A_68 = arith.subf %gather3A_64, %gather3A_65 : vector<16xf32>
      tpu.vector_store_idx %arg13[%add3A_63, %broadcast_in_dim3A_67], %sub3A_68 : memref<80x4xf32, #tpu.memory_space<vmem>>[vector<16xi32>, vector<16xi32>], vector<16xf32>,
      %gather3A_69 = tpu.vector_load_idx %arg11[%get3A_56] : memref<10000xf32, #tpu.memory_space<vmem>>[vector<16xi32>], vector<16xf32>,
      %gather3A_70 = tpu.vector_load_idx %arg11[%get3A_59] : memref<10000xf32, #tpu.memory_space<vmem>>[vector<16xi32>], vector<16xf32>,
      %broadcast_in_dim3A_71 = arith.constant 1 : i32
      %broadcast_in_dim3A_72 = vector.broadcast %broadcast_in_dim3A_71 : i32 to vector<16xi32>
      %sub3A_73 = arith.subf %gather3A_69, %gather3A_70 : vector<16xf32>
      tpu.vector_store_idx %arg13[%add3A_63, %broadcast_in_dim3A_72], %sub3A_73 : memref<80x4xf32, #tpu.memory_space<vmem>>[vector<16xi32>, vector<16xi32>], vector<16xf32>,
      %gather3A_74 = tpu.vector_load_idx %arg12[%get3A_56] : memref<10000xf32, #tpu.memory_space<vmem>>[vector<16xi32>], vector<16xf32>,
      %gather3A_75 = tpu.vector_load_idx %arg12[%get3A_59] : memref<10000xf32, #tpu.memory_space<vmem>>[vector<16xi32>], vector<16xf32>,
      %broadcast_in_dim3A_76 = arith.constant 2 : i32
      %broadcast_in_dim3A_77 = vector.broadcast %broadcast_in_dim3A_76 : i32 to vector<16xi32>
      %sub3A_78 = arith.subf %gather3A_74, %gather3A_75 : vector<16xf32>
      tpu.vector_store_idx %arg13[%add3A_63, %broadcast_in_dim3A_77], %sub3A_78 : memref<80x4xf32, #tpu.memory_space<vmem>>[vector<16xi32>, vector<16xi32>], vector<16xf32>,
      %get3A_79 = arith.index_cast %scan3A_7 : i32 to index
      %get3A_80 = arith.constant 48 : index
      %get3A_81 = tpu.vector_load %arg8[%get3A_79, %get3A_80] {strides = array<i32>} : memref<125x80xi32, #tpu.memory_space<vmem>>, vector<16xi32>,
      %get3A_82 = arith.index_cast %scan3A_7 : i32 to index
      %get3A_83 = arith.constant 48 : index
      %get3A_84 = tpu.vector_load %arg9[%get3A_82, %get3A_83] {strides = array<i32>} : memref<125x80xi32, #tpu.memory_space<vmem>>, vector<16xi32>,
      %iota3A_85 = tpu.iota {dimensions = array<i32: 0>} : vector<16xi32>
      %add3A_86 = arith.constant 48 : i32
      %add3A_87 = vector.broadcast %add3A_86 : i32 to vector<16xi32>
      %add3A_88 = arith.addi %iota3A_85, %add3A_87 : vector<16xi32>
      %gather3A_89 = tpu.vector_load_idx %arg10[%get3A_81] : memref<10000xf32, #tpu.memory_space<vmem>>[vector<16xi32>], vector<16xf32>,
      %gather3A_90 = tpu.vector_load_idx %arg10[%get3A_84] : memref<10000xf32, #tpu.memory_space<vmem>>[vector<16xi32>], vector<16xf32>,
      %broadcast_in_dim3A_91 = arith.constant 0 : i32
      %broadcast_in_dim3A_92 = vector.broadcast %broadcast_in_dim3A_91 : i32 to vector<16xi32>
      %sub3A_93 = arith.subf %gather3A_89, %gather3A_90 : vector<16xf32>
      tpu.vector_store_idx %arg13[%add3A_88, %broadcast_in_dim3A_92], %sub3A_93 : memref<80x4xf32, #tpu.memory_space<vmem>>[vector<16xi32>, vector<16xi32>], vector<16xf32>,
      %gather3A_94 = tpu.vector_load_idx %arg11[%get3A_81] : memref<10000xf32, #tpu.memory_space<vmem>>[vector<16xi32>], vector<16xf32>,
      %gather3A_95 = tpu.vector_load_idx %arg11[%get3A_84] : memref<10000xf32, #tpu.memory_space<vmem>>[vector<16xi32>], vector<16xf32>,
      %broadcast_in_dim3A_96 = arith.constant 1 : i32
      %broadcast_in_dim3A_97 = vector.broadcast %broadcast_in_dim3A_96 : i32 to vector<16xi32>
      %sub3A_98 = arith.subf %gather3A_94, %gather3A_95 : vector<16xf32>
      tpu.vector_store_idx %arg13[%add3A_88, %broadcast_in_dim3A_97], %sub3A_98 : memref<80x4xf32, #tpu.memory_space<vmem>>[vector<16xi32>, vector<16xi32>], vector<16xf32>,
      %gather3A_99 = tpu.vector_load_idx %arg12[%get3A_81] : memref<10000xf32, #tpu.memory_space<vmem>>[vector<16xi32>], vector<16xf32>,
      %gather3A_100 = tpu.vector_load_idx %arg12[%get3A_84] : memref<10000xf32, #tpu.memory_space<vmem>>[vector<16xi32>], vector<16xf32>,
      %broadcast_in_dim3A_101 = arith.constant 2 : i32
      %broadcast_in_dim3A_102 = vector.broadcast %broadcast_in_dim3A_101 : i32 to vector<16xi32>
      %sub3A_103 = arith.subf %gather3A_99, %gather3A_100 : vector<16xf32>
      tpu.vector_store_idx %arg13[%add3A_88, %broadcast_in_dim3A_102], %sub3A_103 : memref<80x4xf32, #tpu.memory_space<vmem>>[vector<16xi32>, vector<16xi32>], vector<16xf32>,
      %get3A_104 = arith.index_cast %scan3A_7 : i32 to index
      %get3A_105 = arith.constant 64 : index
      %get3A_106 = tpu.vector_load %arg8[%get3A_104, %get3A_105] {strides = array<i32>} : memref<125x80xi32, #tpu.memory_space<vmem>>, vector<16xi32>,
      %get3A_107 = arith.index_cast %scan3A_7 : i32 to index
      %get3A_108 = arith.constant 64 : index
      %get3A_109 = tpu.vector_load %arg9[%get3A_107, %get3A_108] {strides = array<i32>} : memref<125x80xi32, #tpu.memory_space<vmem>>, vector<16xi32>,
      %iota3A_110 = tpu.iota {dimensions = array<i32: 0>} : vector<16xi32>
      %add3A_111 = arith.constant 64 : i32
      %add3A_112 = vector.broadcast %add3A_111 : i32 to vector<16xi32>
      %add3A_113 = arith.addi %iota3A_110, %add3A_112 : vector<16xi32>
      %gather3A_114 = tpu.vector_load_idx %arg10[%get3A_106] : memref<10000xf32, #tpu.memory_space<vmem>>[vector<16xi32>], vector<16xf32>,
      %gather3A_115 = tpu.vector_load_idx %arg10[%get3A_109] : memref<10000xf32, #tpu.memory_space<vmem>>[vector<16xi32>], vector<16xf32>,
      %broadcast_in_dim3A_116 = arith.constant 0 : i32
      %broadcast_in_dim3A_117 = vector.broadcast %broadcast_in_dim3A_116 : i32 to vector<16xi32>
      %sub3A_118 = arith.subf %gather3A_114, %gather3A_115 : vector<16xf32>
      tpu.vector_store_idx %arg13[%add3A_113, %broadcast_in_dim3A_117], %sub3A_118 : memref<80x4xf32, #tpu.memory_space<vmem>>[vector<16xi32>, vector<16xi32>], vector<16xf32>,
      %gather3A_119 = tpu.vector_load_idx %arg11[%get3A_106] : memref<10000xf32, #tpu.memory_space<vmem>>[vector<16xi32>], vector<16xf32>,
      %gather3A_120 = tpu.vector_load_idx %arg11[%get3A_109] : memref<10000xf32, #tpu.memory_space<vmem>>[vector<16xi32>], vector<16xf32>,
      %broadcast_in_dim3A_121 = arith.constant 1 : i32
      %broadcast_in_dim3A_122 = vector.broadcast %broadcast_in_dim3A_121 : i32 to vector<16xi32>
      %sub3A_123 = arith.subf %gather3A_119, %gather3A_120 : vector<16xf32>
      tpu.vector_store_idx %arg13[%add3A_113, %broadcast_in_dim3A_122], %sub3A_123 : memref<80x4xf32, #tpu.memory_space<vmem>>[vector<16xi32>, vector<16xi32>], vector<16xf32>,
      %gather3A_124 = tpu.vector_load_idx %arg12[%get3A_106] : memref<10000xf32, #tpu.memory_space<vmem>>[vector<16xi32>], vector<16xf32>,
      %gather3A_125 = tpu.vector_load_idx %arg12[%get3A_109] : memref<10000xf32, #tpu.memory_space<vmem>>[vector<16xi32>], vector<16xf32>,
      %broadcast_in_dim3A_126 = arith.constant 2 : i32
      %broadcast_in_dim3A_127 = vector.broadcast %broadcast_in_dim3A_126 : i32 to vector<16xi32>
      %sub3A_128 = arith.subf %gather3A_124, %gather3A_125 : vector<16xf32>
      tpu.vector_store_idx %arg13[%add3A_113, %broadcast_in_dim3A_127], %sub3A_128 : memref<80x4xf32, #tpu.memory_space<vmem>>[vector<16xi32>, vector<16xi32>], vector<16xf32>,
      "tpu.region"() ({
        %run_scoped3A = tpu.sem_alloc : memref<!tpu.dma_semaphore, #tpu.memory_space<semaphore_mem>>
        %dma_start3A = arith.constant 0 : i32
        %dma_start3A_130 = arith.constant 0 : i32
        %dma_start3A_131 = tpu.memref_slice %arg7[%add3A, %scan3A_7, %dma_start3A, %dma_start3A_130] : memref<32x125x80x4xf32, #tpu.memory_space<hbm>> -> memref<1x1x80x4xf32, #tpu.memory_space<hbm>>
        %dma_start3A_132 = tpu.memref_squeeze %dma_start3A_131 : memref<1x1x80x4xf32, #tpu.memory_space<hbm>> -> memref<80x4xf32, #tpu.memory_space<hbm>>
        %dma_start3A_133 = arith.constant 0 : i32
        %dma_start3A_134 = arith.constant 0 : i32
        %dma_start3A_135 = tpu.memref_slice %arg7[%add3A, %scan3A_7, %dma_start3A_133, %dma_start3A_134] : memref<32x125x80x4xf32, #tpu.memory_space<hbm>> -> memref<1x1x80x4xf32, #tpu.memory_space<hbm>>
        %dma_start3A_136 = tpu.memref_squeeze %dma_start3A_135 : memref<1x1x80x4xf32, #tpu.memory_space<hbm>> -> memref<80x4xf32, #tpu.memory_space<hbm>>
        tpu.enqueue_dma source(%arg13 : memref<80x4xf32, #tpu.memory_space<vmem>>) target(%dma_start3A_136 : memref<80x4xf32, #tpu.memory_space<hbm>>) target_semaphore(%run_scoped3A : memref<!tpu.dma_semaphore, #tpu.memory_space<semaphore_mem>>)
        %dma_wait3A = arith.constant 0 : i32
        %dma_wait3A_137 = arith.constant 0 : i32
        %dma_wait3A_138 = tpu.memref_slice %arg7[%add3A, %scan3A_7, %dma_wait3A, %dma_wait3A_137] : memref<32x125x80x4xf32, #tpu.memory_space<hbm>> -> memref<1x1x80x4xf32, #tpu.memory_space<hbm>>
        %dma_wait3A_139 = tpu.memref_squeeze %dma_wait3A_138 : memref<1x1x80x4xf32, #tpu.memory_space<hbm>> -> memref<80x4xf32, #tpu.memory_space<hbm>>
        %dma_wait3A_140 = arith.constant 0 : i32
        %dma_wait3A_141 = arith.constant 0 : i32
        %dma_wait3A_142 = tpu.memref_slice %arg7[%add3A, %scan3A_7, %dma_wait3A_140, %dma_wait3A_141] : memref<32x125x80x4xf32, #tpu.memory_space<hbm>> -> memref<1x1x80x4xf32, #tpu.memory_space<hbm>>
        %dma_wait3A_143 = tpu.memref_squeeze %dma_wait3A_142 : memref<1x1x80x4xf32, #tpu.memory_space<hbm>> -> memref<80x4xf32, #tpu.memory_space<hbm>>
        tpu.wait_dma2 semaphore(%run_scoped3A : memref<!tpu.dma_semaphore, #tpu.memory_space<semaphore_mem>>) src(%arg13 : memref<80x4xf32, #tpu.memory_space<vmem>>) dst(%dma_wait3A_143 : memref<80x4xf32, #tpu.memory_space<hbm>>)
        tpu.yield
      }) : () -> ()
      %scan3A_129 = arith.constant 0 : i32
      scf.yield %scan3A_129 : i32
    }
    %scan3A_6 = arith.constant 125 : i32
    return
  }
}

#map = affine_map<(d0, d1) -> (0, 0, 0, 0)>
#map1 = affine_map<(d0, d1) -> (0, 0)>
#map2 = affine_map<(d0, d1) -> (0, 0, 0)>
module attributes {stable_mosaic.version = 14 : i64} {
  func.func @_sc_fwd_msg(%arg0: i32, %arg1: i32, %arg2: memref<32x125x80x128xf32, #tpu.memory_space<hbm>>, %arg3: memref<10000x128xf32, #tpu.memory_space<hbm>>, %arg4: memref<32x125x80xi32, #tpu.memory_space<hbm>>, %arg5: memref<32x125x80xi32, #tpu.memory_space<hbm>>, %arg6: memref<10000x128xf32, #tpu.memory_space<hbm>>, %arg7: memref<2x10000x128xf32, #tpu.memory_space<hbm>>, %arg8: memref<1x80xi32, #tpu.memory_space<vmem>>, %arg9: memref<1x80xi32, #tpu.memory_space<vmem>>, %arg10: memref<80x128xf32, #tpu.memory_space<vmem>>, %arg11: memref<80x128xf32, #tpu.memory_space<vmem>>, %arg12: memref<10000x128xf32, #tpu.memory_space<vmem_shared>>, %arg13: memref<!tpu.dma_semaphore, #tpu.memory_space<semaphore_mem>>, %arg14: memref<!tpu.dma_semaphore, #tpu.memory_space<semaphore_mem>>) attributes {dimension_semantics = [#tpu.dimension_semantics<core_parallel>, #tpu.dimension_semantics<subcore_parallel>], iteration_bounds = array<i64: 2, 16>, scalar_prefetch = 0 : i64, scratch_operands = 7 : i64, tpu.core_type = #tpu.core_type<sc_vector_subcore>, window_params = [{transform_indices = #map}, {transform_indices = #map1}, {transform_indices = #map2}, {transform_indices = #map2}, {transform_indices = #map1}, {transform_indices = #map2}]} {
    %mul3A = arith.constant 2 : i32
    %mul3A_0 = arith.muli %arg1, %mul3A : i32
    %add3A = arith.addi %mul3A_0, %arg0 : i32
    %eq3A = arith.constant 0 : i32
    %eq3A_1 = arith.cmpi eq, %arg1, %eq3A : i32
    %convert_element_type3A = arith.extui %eq3A_1 : i1 to i32
    %cond3A = arith.constant 0 : i32
    %cond3A_2 = arith.cmpi ne, %convert_element_type3A, %cond3A : i32
    scf.if %cond3A_2 {
      "tpu.region"() ({
        %run_scoped3A = tpu.sem_alloc : memref<!tpu.dma_semaphore, #tpu.memory_space<semaphore_mem>>
        tpu.enqueue_dma source(%arg6 : memref<10000x128xf32, #tpu.memory_space<hbm>>) target(%arg12 : memref<10000x128xf32, #tpu.memory_space<vmem_shared>>) target_semaphore(%run_scoped3A : memref<!tpu.dma_semaphore, #tpu.memory_space<semaphore_mem>>)
        tpu.wait_dma2 semaphore(%run_scoped3A : memref<!tpu.dma_semaphore, #tpu.memory_space<semaphore_mem>>) src(%arg6 : memref<10000x128xf32, #tpu.memory_space<hbm>>) dst(%arg12 : memref<10000x128xf32, #tpu.memory_space<vmem_shared>>)
        tpu.yield
      }) : () -> ()
    } else {
    }
    %barrier3A = arith.constant 0 : index
    tpu.barrier barrier_id(%barrier3A)
    %scan3A = arith.constant 0 : i32
    %scan3A_3 = arith.constant 0 : i32
    %scan3A_4 = arith.constant 125 : i32
    %scan3A_5 = arith.addi %scan3A_3, %scan3A_4 : i32
    %scan3A_6 = arith.constant 1 : i32
    %scan3A_7 = scf.for %scan3A_15 = %scan3A_3 to %scan3A_5 step %scan3A_6 iter_args(%scan3A_16 = %scan3A) -> (i32)  : i32 {
      %run_scoped3A = arith.constant 0 : i32
      "tpu.region"() ({
        %run_scoped3A_55 = tpu.sem_alloc : memref<!tpu.dma_semaphore, #tpu.memory_space<semaphore_mem>>
        %dma_start3A_56 = arith.constant 0 : i32
        %dma_start3A_57 = tpu.memref_slice %arg8[%run_scoped3A, %dma_start3A_56] : memref<1x80xi32, #tpu.memory_space<vmem>> -> memref<1x80xi32, #tpu.memory_space<vmem>>
        %dma_start3A_58 = tpu.memref_squeeze %dma_start3A_57 : memref<1x80xi32, #tpu.memory_space<vmem>> -> memref<80xi32, #tpu.memory_space<vmem>>
        %dma_start3A_59 = arith.constant 0 : i32
        %dma_start3A_60 = tpu.memref_slice %arg4[%add3A, %scan3A_15, %dma_start3A_59] : memref<32x125x80xi32, #tpu.memory_space<hbm>> -> memref<1x1x80xi32, #tpu.memory_space<hbm>>
        %dma_start3A_61 = tpu.memref_squeeze %dma_start3A_60 : memref<1x1x80xi32, #tpu.memory_space<hbm>> -> memref<80xi32, #tpu.memory_space<hbm>>
        %dma_start3A_62 = arith.constant 0 : i32
        %dma_start3A_63 = tpu.memref_slice %arg8[%run_scoped3A, %dma_start3A_62] : memref<1x80xi32, #tpu.memory_space<vmem>> -> memref<1x80xi32, #tpu.memory_space<vmem>>
        %dma_start3A_64 = tpu.memref_squeeze %dma_start3A_63 : memref<1x80xi32, #tpu.memory_space<vmem>> -> memref<80xi32, #tpu.memory_space<vmem>>
        %dma_start3A_65 = arith.constant 0 : i32
        %dma_start3A_66 = tpu.memref_slice %arg4[%add3A, %scan3A_15, %dma_start3A_65] : memref<32x125x80xi32, #tpu.memory_space<hbm>> -> memref<1x1x80xi32, #tpu.memory_space<hbm>>
        %dma_start3A_67 = tpu.memref_squeeze %dma_start3A_66 : memref<1x1x80xi32, #tpu.memory_space<hbm>> -> memref<80xi32, #tpu.memory_space<hbm>>
        tpu.enqueue_dma source(%dma_start3A_67 : memref<80xi32, #tpu.memory_space<hbm>>) target(%dma_start3A_64 : memref<80xi32, #tpu.memory_space<vmem>>) target_semaphore(%run_scoped3A_55 : memref<!tpu.dma_semaphore, #tpu.memory_space<semaphore_mem>>)
        %dma_wait3A_68 = arith.constant 0 : i32
        %dma_wait3A_69 = tpu.memref_slice %arg8[%run_scoped3A, %dma_wait3A_68] : memref<1x80xi32, #tpu.memory_space<vmem>> -> memref<1x80xi32, #tpu.memory_space<vmem>>
        %dma_wait3A_70 = tpu.memref_squeeze %dma_wait3A_69 : memref<1x80xi32, #tpu.memory_space<vmem>> -> memref<80xi32, #tpu.memory_space<vmem>>
        %dma_wait3A_71 = arith.constant 0 : i32
        %dma_wait3A_72 = tpu.memref_slice %arg4[%add3A, %scan3A_15, %dma_wait3A_71] : memref<32x125x80xi32, #tpu.memory_space<hbm>> -> memref<1x1x80xi32, #tpu.memory_space<hbm>>
        %dma_wait3A_73 = tpu.memref_squeeze %dma_wait3A_72 : memref<1x1x80xi32, #tpu.memory_space<hbm>> -> memref<80xi32, #tpu.memory_space<hbm>>
        %dma_wait3A_74 = arith.constant 0 : i32
        %dma_wait3A_75 = tpu.memref_slice %arg8[%run_scoped3A, %dma_wait3A_74] : memref<1x80xi32, #tpu.memory_space<vmem>> -> memref<1x80xi32, #tpu.memory_space<vmem>>
        %dma_wait3A_76 = tpu.memref_squeeze %dma_wait3A_75 : memref<1x80xi32, #tpu.memory_space<vmem>> -> memref<80xi32, #tpu.memory_space<vmem>>
        %dma_wait3A_77 = arith.constant 0 : i32
        %dma_wait3A_78 = tpu.memref_slice %arg4[%add3A, %scan3A_15, %dma_wait3A_77] : memref<32x125x80xi32, #tpu.memory_space<hbm>> -> memref<1x1x80xi32, #tpu.memory_space<hbm>>
        %dma_wait3A_79 = tpu.memref_squeeze %dma_wait3A_78 : memref<1x1x80xi32, #tpu.memory_space<hbm>> -> memref<80xi32, #tpu.memory_space<hbm>>
        tpu.wait_dma2 semaphore(%run_scoped3A_55 : memref<!tpu.dma_semaphore, #tpu.memory_space<semaphore_mem>>) src(%dma_wait3A_79 : memref<80xi32, #tpu.memory_space<hbm>>) dst(%dma_wait3A_76 : memref<80xi32, #tpu.memory_space<vmem>>)
        tpu.yield
      }) : () -> ()
      %run_scoped3A_17 = arith.constant 0 : i32
      "tpu.region"() ({
        %run_scoped3A_55 = tpu.sem_alloc : memref<!tpu.dma_semaphore, #tpu.memory_space<semaphore_mem>>
        %dma_start3A_56 = arith.constant 0 : i32
        %dma_start3A_57 = tpu.memref_slice %arg9[%run_scoped3A_17, %dma_start3A_56] : memref<1x80xi32, #tpu.memory_space<vmem>> -> memref<1x80xi32, #tpu.memory_space<vmem>>
        %dma_start3A_58 = tpu.memref_squeeze %dma_start3A_57 : memref<1x80xi32, #tpu.memory_space<vmem>> -> memref<80xi32, #tpu.memory_space<vmem>>
        %dma_start3A_59 = arith.constant 0 : i32
        %dma_start3A_60 = tpu.memref_slice %arg5[%add3A, %scan3A_15, %dma_start3A_59] : memref<32x125x80xi32, #tpu.memory_space<hbm>> -> memref<1x1x80xi32, #tpu.memory_space<hbm>>
        %dma_start3A_61 = tpu.memref_squeeze %dma_start3A_60 : memref<1x1x80xi32, #tpu.memory_space<hbm>> -> memref<80xi32, #tpu.memory_space<hbm>>
        %dma_start3A_62 = arith.constant 0 : i32
        %dma_start3A_63 = tpu.memref_slice %arg9[%run_scoped3A_17, %dma_start3A_62] : memref<1x80xi32, #tpu.memory_space<vmem>> -> memref<1x80xi32, #tpu.memory_space<vmem>>
        %dma_start3A_64 = tpu.memref_squeeze %dma_start3A_63 : memref<1x80xi32, #tpu.memory_space<vmem>> -> memref<80xi32, #tpu.memory_space<vmem>>
        %dma_start3A_65 = arith.constant 0 : i32
        %dma_start3A_66 = tpu.memref_slice %arg5[%add3A, %scan3A_15, %dma_start3A_65] : memref<32x125x80xi32, #tpu.memory_space<hbm>> -> memref<1x1x80xi32, #tpu.memory_space<hbm>>
        %dma_start3A_67 = tpu.memref_squeeze %dma_start3A_66 : memref<1x1x80xi32, #tpu.memory_space<hbm>> -> memref<80xi32, #tpu.memory_space<hbm>>
        tpu.enqueue_dma source(%dma_start3A_67 : memref<80xi32, #tpu.memory_space<hbm>>) target(%dma_start3A_64 : memref<80xi32, #tpu.memory_space<vmem>>) target_semaphore(%run_scoped3A_55 : memref<!tpu.dma_semaphore, #tpu.memory_space<semaphore_mem>>)
        %dma_wait3A_68 = arith.constant 0 : i32
        %dma_wait3A_69 = tpu.memref_slice %arg9[%run_scoped3A_17, %dma_wait3A_68] : memref<1x80xi32, #tpu.memory_space<vmem>> -> memref<1x80xi32, #tpu.memory_space<vmem>>
        %dma_wait3A_70 = tpu.memref_squeeze %dma_wait3A_69 : memref<1x80xi32, #tpu.memory_space<vmem>> -> memref<80xi32, #tpu.memory_space<vmem>>
        %dma_wait3A_71 = arith.constant 0 : i32
        %dma_wait3A_72 = tpu.memref_slice %arg5[%add3A, %scan3A_15, %dma_wait3A_71] : memref<32x125x80xi32, #tpu.memory_space<hbm>> -> memref<1x1x80xi32, #tpu.memory_space<hbm>>
        %dma_wait3A_73 = tpu.memref_squeeze %dma_wait3A_72 : memref<1x1x80xi32, #tpu.memory_space<hbm>> -> memref<80xi32, #tpu.memory_space<hbm>>
        %dma_wait3A_74 = arith.constant 0 : i32
        %dma_wait3A_75 = tpu.memref_slice %arg9[%run_scoped3A_17, %dma_wait3A_74] : memref<1x80xi32, #tpu.memory_space<vmem>> -> memref<1x80xi32, #tpu.memory_space<vmem>>
        %dma_wait3A_76 = tpu.memref_squeeze %dma_wait3A_75 : memref<1x80xi32, #tpu.memory_space<vmem>> -> memref<80xi32, #tpu.memory_space<vmem>>
        %dma_wait3A_77 = arith.constant 0 : i32
        %dma_wait3A_78 = tpu.memref_slice %arg5[%add3A, %scan3A_15, %dma_wait3A_77] : memref<32x125x80xi32, #tpu.memory_space<hbm>> -> memref<1x1x80xi32, #tpu.memory_space<hbm>>
        %dma_wait3A_79 = tpu.memref_squeeze %dma_wait3A_78 : memref<1x1x80xi32, #tpu.memory_space<hbm>> -> memref<80xi32, #tpu.memory_space<hbm>>
        tpu.wait_dma2 semaphore(%run_scoped3A_55 : memref<!tpu.dma_semaphore, #tpu.memory_space<semaphore_mem>>) src(%dma_wait3A_79 : memref<80xi32, #tpu.memory_space<hbm>>) dst(%dma_wait3A_76 : memref<80xi32, #tpu.memory_space<vmem>>)
        tpu.yield
      }) : () -> ()
      %dma_start3A = arith.constant 0 : i32
      %dma_start3A_18 = arith.constant 0 : i32
      %dma_start3A_19 = tpu.memref_slice %arg2[%add3A, %scan3A_15, %dma_start3A, %dma_start3A_18] : memref<32x125x80x128xf32, #tpu.memory_space<hbm>> -> memref<1x1x80x128xf32, #tpu.memory_space<hbm>>
      %dma_start3A_20 = tpu.memref_squeeze %dma_start3A_19 : memref<1x1x80x128xf32, #tpu.memory_space<hbm>> -> memref<80x128xf32, #tpu.memory_space<hbm>>
      %dma_start3A_21 = arith.constant 0 : i32
      %dma_start3A_22 = arith.constant 0 : i32
      %dma_start3A_23 = tpu.memref_slice %arg2[%add3A, %scan3A_15, %dma_start3A_21, %dma_start3A_22] : memref<32x125x80x128xf32, #tpu.memory_space<hbm>> -> memref<1x1x80x128xf32, #tpu.memory_space<hbm>>
      %dma_start3A_24 = tpu.memref_squeeze %dma_start3A_23 : memref<1x1x80x128xf32, #tpu.memory_space<hbm>> -> memref<80x128xf32, #tpu.memory_space<hbm>>
      tpu.enqueue_dma source(%dma_start3A_24 : memref<80x128xf32, #tpu.memory_space<hbm>>) target(%arg10 : memref<80x128xf32, #tpu.memory_space<vmem>>) target_semaphore(%arg13 : memref<!tpu.dma_semaphore, #tpu.memory_space<semaphore_mem>>)
      %dma_start3A_25 = arith.constant 0 : i32
      %dma_start3A_26 = arith.constant 0 : i32
      %dma_start3A_27 = tpu.memref_slice %arg8[%dma_start3A_25, %dma_start3A_26] : memref<1x80xi32, #tpu.memory_space<vmem>> -> memref<1x80xi32, #tpu.memory_space<vmem>>
      %dma_start3A_28 = tpu.memref_squeeze %dma_start3A_27 : memref<1x80xi32, #tpu.memory_space<vmem>> -> memref<80xi32, #tpu.memory_space<vmem>>
      %dma_start3A_29 = arith.constant 0 : i32
      %dma_start3A_30 = arith.constant 0 : i32
      %dma_start3A_31 = tpu.memref_slice %arg3[%dma_start3A_29, %dma_start3A_30] : memref<10000x128xf32, #tpu.memory_space<hbm>> -> memref<10000x128xf32, #tpu.memory_space<hbm>>
      tpu.enqueue_indirect_dma source(%dma_start3A_31 : memref<10000x128xf32, #tpu.memory_space<hbm>>) target(%arg11 : memref<80x128xf32, #tpu.memory_space<vmem>>) offsets(%dma_start3A_28 : memref<80xi32, #tpu.memory_space<vmem>>) semaphore(%arg14 : memref<!tpu.dma_semaphore, #tpu.memory_space<semaphore_mem>>)
      %dma_wait3A = arith.constant 0 : i32
      %dma_wait3A_32 = arith.constant 0 : i32
      %dma_wait3A_33 = tpu.memref_slice %arg2[%add3A, %scan3A_15, %dma_wait3A, %dma_wait3A_32] : memref<32x125x80x128xf32, #tpu.memory_space<hbm>> -> memref<1x1x80x128xf32, #tpu.memory_space<hbm>>
      %dma_wait3A_34 = tpu.memref_squeeze %dma_wait3A_33 : memref<1x1x80x128xf32, #tpu.memory_space<hbm>> -> memref<80x128xf32, #tpu.memory_space<hbm>>
      %dma_wait3A_35 = arith.constant 0 : i32
      %dma_wait3A_36 = arith.constant 0 : i32
      %dma_wait3A_37 = tpu.memref_slice %arg2[%add3A, %scan3A_15, %dma_wait3A_35, %dma_wait3A_36] : memref<32x125x80x128xf32, #tpu.memory_space<hbm>> -> memref<1x1x80x128xf32, #tpu.memory_space<hbm>>
      %dma_wait3A_38 = tpu.memref_squeeze %dma_wait3A_37 : memref<1x1x80x128xf32, #tpu.memory_space<hbm>> -> memref<80x128xf32, #tpu.memory_space<hbm>>
      tpu.wait_dma2 semaphore(%arg13 : memref<!tpu.dma_semaphore, #tpu.memory_space<semaphore_mem>>) src(%dma_wait3A_38 : memref<80x128xf32, #tpu.memory_space<hbm>>) dst(%arg10 : memref<80x128xf32, #tpu.memory_space<vmem>>)
      %dma_wait3A_39 = arith.constant 0 : i32
      %dma_wait3A_40 = arith.constant 0 : i32
      %dma_wait3A_41 = tpu.memref_slice %arg8[%dma_wait3A_39, %dma_wait3A_40] : memref<1x80xi32, #tpu.memory_space<vmem>> -> memref<1x80xi32, #tpu.memory_space<vmem>>
      %dma_wait3A_42 = tpu.memref_squeeze %dma_wait3A_41 : memref<1x80xi32, #tpu.memory_space<vmem>> -> memref<80xi32, #tpu.memory_space<vmem>>
      %dma_wait3A_43 = arith.constant 0 : i32
      %dma_wait3A_44 = arith.constant 0 : i32
      %dma_wait3A_45 = tpu.memref_slice %arg3[%dma_wait3A_43, %dma_wait3A_44] : memref<10000x128xf32, #tpu.memory_space<hbm>> -> memref<10000x128xf32, #tpu.memory_space<hbm>>
      tpu.wait_indirect_dma semaphore(%arg14 : memref<!tpu.dma_semaphore, #tpu.memory_space<semaphore_mem>>) src(%dma_wait3A_45 : memref<10000x128xf32, #tpu.memory_space<hbm>>) dst(%arg11 : memref<80x128xf32, #tpu.memory_space<vmem>>)
      %scan3A_46 = arith.constant 0 : i32
      %scan3A_47 = arith.constant 0 : i32
      %scan3A_48 = arith.constant 40 : i32
      %scan3A_49 = arith.addi %scan3A_47, %scan3A_48 : i32
      %scan3A_50 = arith.constant 1 : i32
      %scan3A_51 = scf.for %scan3A_55 = %scan3A_47 to %scan3A_49 step %scan3A_50 iter_args(%scan3A_56 = %scan3A_46) -> (i32)  : i32 {
        %mul3A_57 = arith.constant 2 : i32
        %mul3A_58 = arith.muli %scan3A_55, %mul3A_57 : i32
        %add3A_59 = arith.constant 0 : i32
        %add3A_60 = arith.addi %mul3A_58, %add3A_59 : i32
        %get3A = arith.index_cast %add3A_60 : i32 to index
        %get3A_61 = arith.constant 0 : index
        %get3A_62 = tpu.vector_load %arg10[%get3A, %get3A_61] {strides = array<i32>} : memref<80x128xf32, #tpu.memory_space<vmem>>, vector<1x16xf32>,
        %get3A_63 = vector.shape_cast %get3A_62 : vector<1x16xf32> to vector<16xf32>
        %get3A_64 = arith.index_cast %add3A_60 : i32 to index
        %get3A_65 = arith.constant 0 : index
        %get3A_66 = tpu.vector_load %arg11[%get3A_64, %get3A_65] {strides = array<i32>} : memref<80x128xf32, #tpu.memory_space<vmem>>, vector<1x16xf32>,
        %get3A_67 = vector.shape_cast %get3A_66 : vector<1x16xf32> to vector<16xf32>
        %mul3A_68 = arith.mulf %get3A_63, %get3A_67 : vector<16xf32>
        %swap3A = arith.index_cast %add3A_60 : i32 to index
        %swap3A_69 = arith.constant 0 : index
        %swap3A_70 = tpu.vector_load %arg10[%swap3A, %swap3A_69] {strides = array<i32>} : memref<80x128xf32, #tpu.memory_space<vmem>>, vector<1x16xf32>,
        %swap3A_71 = vector.shape_cast %swap3A_70 : vector<1x16xf32> to vector<16xf32>
        %swap3A_72 = vector.shape_cast %mul3A_68 : vector<16xf32> to vector<1x16xf32>
        tpu.vector_store %arg10[%swap3A, %swap3A_69], %swap3A_72 {strides = array<i32>} : memref<80x128xf32, #tpu.memory_space<vmem>>, vector<1x16xf32>,
        %get3A_73 = arith.index_cast %add3A_60 : i32 to index
        %get3A_74 = arith.constant 16 : index
        %get3A_75 = tpu.vector_load %arg10[%get3A_73, %get3A_74] {strides = array<i32>} : memref<80x128xf32, #tpu.memory_space<vmem>>, vector<1x16xf32>,
        %get3A_76 = vector.shape_cast %get3A_75 : vector<1x16xf32> to vector<16xf32>
        %get3A_77 = arith.index_cast %add3A_60 : i32 to index
        %get3A_78 = arith.constant 16 : index
        %get3A_79 = tpu.vector_load %arg11[%get3A_77, %get3A_78] {strides = array<i32>} : memref<80x128xf32, #tpu.memory_space<vmem>>, vector<1x16xf32>,
        %get3A_80 = vector.shape_cast %get3A_79 : vector<1x16xf32> to vector<16xf32>
        %mul3A_81 = arith.mulf %get3A_76, %get3A_80 : vector<16xf32>
        %swap3A_82 = arith.index_cast %add3A_60 : i32 to index
        %swap3A_83 = arith.constant 16 : index
        %swap3A_84 = tpu.vector_load %arg10[%swap3A_82, %swap3A_83] {strides = array<i32>} : memref<80x128xf32, #tpu.memory_space<vmem>>, vector<1x16xf32>,
        %swap3A_85 = vector.shape_cast %swap3A_84 : vector<1x16xf32> to vector<16xf32>
        %swap3A_86 = vector.shape_cast %mul3A_81 : vector<16xf32> to vector<1x16xf32>
        tpu.vector_store %arg10[%swap3A_82, %swap3A_83], %swap3A_86 {strides = array<i32>} : memref<80x128xf32, #tpu.memory_space<vmem>>, vector<1x16xf32>,
        %get3A_87 = arith.index_cast %add3A_60 : i32 to index
        %get3A_88 = arith.constant 32 : index
        %get3A_89 = tpu.vector_load %arg10[%get3A_87, %get3A_88] {strides = array<i32>} : memref<80x128xf32, #tpu.memory_space<vmem>>, vector<1x16xf32>,
        %get3A_90 = vector.shape_cast %get3A_89 : vector<1x16xf32> to vector<16xf32>
        %get3A_91 = arith.index_cast %add3A_60 : i32 to index
        %get3A_92 = arith.constant 32 : index
        %get3A_93 = tpu.vector_load %arg11[%get3A_91, %get3A_92] {strides = array<i32>} : memref<80x128xf32, #tpu.memory_space<vmem>>, vector<1x16xf32>,
        %get3A_94 = vector.shape_cast %get3A_93 : vector<1x16xf32> to vector<16xf32>
        %mul3A_95 = arith.mulf %get3A_90, %get3A_94 : vector<16xf32>
        %swap3A_96 = arith.index_cast %add3A_60 : i32 to index
        %swap3A_97 = arith.constant 32 : index
        %swap3A_98 = tpu.vector_load %arg10[%swap3A_96, %swap3A_97] {strides = array<i32>} : memref<80x128xf32, #tpu.memory_space<vmem>>, vector<1x16xf32>,
        %swap3A_99 = vector.shape_cast %swap3A_98 : vector<1x16xf32> to vector<16xf32>
        %swap3A_100 = vector.shape_cast %mul3A_95 : vector<16xf32> to vector<1x16xf32>
        tpu.vector_store %arg10[%swap3A_96, %swap3A_97], %swap3A_100 {strides = array<i32>} : memref<80x128xf32, #tpu.memory_space<vmem>>, vector<1x16xf32>,
        %get3A_101 = arith.index_cast %add3A_60 : i32 to index
        %get3A_102 = arith.constant 48 : index
        %get3A_103 = tpu.vector_load %arg10[%get3A_101, %get3A_102] {strides = array<i32>} : memref<80x128xf32, #tpu.memory_space<vmem>>, vector<1x16xf32>,
        %get3A_104 = vector.shape_cast %get3A_103 : vector<1x16xf32> to vector<16xf32>
        %get3A_105 = arith.index_cast %add3A_60 : i32 to index
        %get3A_106 = arith.constant 48 : index
        %get3A_107 = tpu.vector_load %arg11[%get3A_105, %get3A_106] {strides = array<i32>} : memref<80x128xf32, #tpu.memory_space<vmem>>, vector<1x16xf32>,
        %get3A_108 = vector.shape_cast %get3A_107 : vector<1x16xf32> to vector<16xf32>
        %mul3A_109 = arith.mulf %get3A_104, %get3A_108 : vector<16xf32>
        %swap3A_110 = arith.index_cast %add3A_60 : i32 to index
        %swap3A_111 = arith.constant 48 : index
        %swap3A_112 = tpu.vector_load %arg10[%swap3A_110, %swap3A_111] {strides = array<i32>} : memref<80x128xf32, #tpu.memory_space<vmem>>, vector<1x16xf32>,
        %swap3A_113 = vector.shape_cast %swap3A_112 : vector<1x16xf32> to vector<16xf32>
        %swap3A_114 = vector.shape_cast %mul3A_109 : vector<16xf32> to vector<1x16xf32>
        tpu.vector_store %arg10[%swap3A_110, %swap3A_111], %swap3A_114 {strides = array<i32>} : memref<80x128xf32, #tpu.memory_space<vmem>>, vector<1x16xf32>,
        %get3A_115 = arith.index_cast %add3A_60 : i32 to index
        %get3A_116 = arith.constant 64 : index
        %get3A_117 = tpu.vector_load %arg10[%get3A_115, %get3A_116] {strides = array<i32>} : memref<80x128xf32, #tpu.memory_space<vmem>>, vector<1x16xf32>,
        %get3A_118 = vector.shape_cast %get3A_117 : vector<1x16xf32> to vector<16xf32>
        %get3A_119 = arith.index_cast %add3A_60 : i32 to index
        %get3A_120 = arith.constant 64 : index
        %get3A_121 = tpu.vector_load %arg11[%get3A_119, %get3A_120] {strides = array<i32>} : memref<80x128xf32, #tpu.memory_space<vmem>>, vector<1x16xf32>,
        %get3A_122 = vector.shape_cast %get3A_121 : vector<1x16xf32> to vector<16xf32>
        %mul3A_123 = arith.mulf %get3A_118, %get3A_122 : vector<16xf32>
        %swap3A_124 = arith.index_cast %add3A_60 : i32 to index
        %swap3A_125 = arith.constant 64 : index
        %swap3A_126 = tpu.vector_load %arg10[%swap3A_124, %swap3A_125] {strides = array<i32>} : memref<80x128xf32, #tpu.memory_space<vmem>>, vector<1x16xf32>,
        %swap3A_127 = vector.shape_cast %swap3A_126 : vector<1x16xf32> to vector<16xf32>
        %swap3A_128 = vector.shape_cast %mul3A_123 : vector<16xf32> to vector<1x16xf32>
        tpu.vector_store %arg10[%swap3A_124, %swap3A_125], %swap3A_128 {strides = array<i32>} : memref<80x128xf32, #tpu.memory_space<vmem>>, vector<1x16xf32>,
        %get3A_129 = arith.index_cast %add3A_60 : i32 to index
        %get3A_130 = arith.constant 80 : index
        %get3A_131 = tpu.vector_load %arg10[%get3A_129, %get3A_130] {strides = array<i32>} : memref<80x128xf32, #tpu.memory_space<vmem>>, vector<1x16xf32>,
        %get3A_132 = vector.shape_cast %get3A_131 : vector<1x16xf32> to vector<16xf32>
        %get3A_133 = arith.index_cast %add3A_60 : i32 to index
        %get3A_134 = arith.constant 80 : index
        %get3A_135 = tpu.vector_load %arg11[%get3A_133, %get3A_134] {strides = array<i32>} : memref<80x128xf32, #tpu.memory_space<vmem>>, vector<1x16xf32>,
        %get3A_136 = vector.shape_cast %get3A_135 : vector<1x16xf32> to vector<16xf32>
        %mul3A_137 = arith.mulf %get3A_132, %get3A_136 : vector<16xf32>
        %swap3A_138 = arith.index_cast %add3A_60 : i32 to index
        %swap3A_139 = arith.constant 80 : index
        %swap3A_140 = tpu.vector_load %arg10[%swap3A_138, %swap3A_139] {strides = array<i32>} : memref<80x128xf32, #tpu.memory_space<vmem>>, vector<1x16xf32>,
        %swap3A_141 = vector.shape_cast %swap3A_140 : vector<1x16xf32> to vector<16xf32>
        %swap3A_142 = vector.shape_cast %mul3A_137 : vector<16xf32> to vector<1x16xf32>
        tpu.vector_store %arg10[%swap3A_138, %swap3A_139], %swap3A_142 {strides = array<i32>} : memref<80x128xf32, #tpu.memory_space<vmem>>, vector<1x16xf32>,
        %get3A_143 = arith.index_cast %add3A_60 : i32 to index
        %get3A_144 = arith.constant 96 : index
        %get3A_145 = tpu.vector_load %arg10[%get3A_143, %get3A_144] {strides = array<i32>} : memref<80x128xf32, #tpu.memory_space<vmem>>, vector<1x16xf32>,
        %get3A_146 = vector.shape_cast %get3A_145 : vector<1x16xf32> to vector<16xf32>
        %get3A_147 = arith.index_cast %add3A_60 : i32 to index
        %get3A_148 = arith.constant 96 : index
        %get3A_149 = tpu.vector_load %arg11[%get3A_147, %get3A_148] {strides = array<i32>} : memref<80x128xf32, #tpu.memory_space<vmem>>, vector<1x16xf32>,
        %get3A_150 = vector.shape_cast %get3A_149 : vector<1x16xf32> to vector<16xf32>
        %mul3A_151 = arith.mulf %get3A_146, %get3A_150 : vector<16xf32>
        %swap3A_152 = arith.index_cast %add3A_60 : i32 to index
        %swap3A_153 = arith.constant 96 : index
        %swap3A_154 = tpu.vector_load %arg10[%swap3A_152, %swap3A_153] {strides = array<i32>} : memref<80x128xf32, #tpu.memory_space<vmem>>, vector<1x16xf32>,
        %swap3A_155 = vector.shape_cast %swap3A_154 : vector<1x16xf32> to vector<16xf32>
        %swap3A_156 = vector.shape_cast %mul3A_151 : vector<16xf32> to vector<1x16xf32>
        tpu.vector_store %arg10[%swap3A_152, %swap3A_153], %swap3A_156 {strides = array<i32>} : memref<80x128xf32, #tpu.memory_space<vmem>>, vector<1x16xf32>,
        %get3A_157 = arith.index_cast %add3A_60 : i32 to index
        %get3A_158 = arith.constant 112 : index
        %get3A_159 = tpu.vector_load %arg10[%get3A_157, %get3A_158] {strides = array<i32>} : memref<80x128xf32, #tpu.memory_space<vmem>>, vector<1x16xf32>,
        %get3A_160 = vector.shape_cast %get3A_159 : vector<1x16xf32> to vector<16xf32>
        %get3A_161 = arith.index_cast %add3A_60 : i32 to index
        %get3A_162 = arith.constant 112 : index
        %get3A_163 = tpu.vector_load %arg11[%get3A_161, %get3A_162] {strides = array<i32>} : memref<80x128xf32, #tpu.memory_space<vmem>>, vector<1x16xf32>,
        %get3A_164 = vector.shape_cast %get3A_163 : vector<1x16xf32> to vector<16xf32>
        %mul3A_165 = arith.mulf %get3A_160, %get3A_164 : vector<16xf32>
        %swap3A_166 = arith.index_cast %add3A_60 : i32 to index
        %swap3A_167 = arith.constant 112 : index
        %swap3A_168 = tpu.vector_load %arg10[%swap3A_166, %swap3A_167] {strides = array<i32>} : memref<80x128xf32, #tpu.memory_space<vmem>>, vector<1x16xf32>,
        %swap3A_169 = vector.shape_cast %swap3A_168 : vector<1x16xf32> to vector<16xf32>
        %swap3A_170 = vector.shape_cast %mul3A_165 : vector<16xf32> to vector<1x16xf32>
        tpu.vector_store %arg10[%swap3A_166, %swap3A_167], %swap3A_170 {strides = array<i32>} : memref<80x128xf32, #tpu.memory_space<vmem>>, vector<1x16xf32>,
        %mul3A_171 = arith.constant 2 : i32
        %mul3A_172 = arith.muli %scan3A_55, %mul3A_171 : i32
        %add3A_173 = arith.constant 1 : i32
        %add3A_174 = arith.addi %mul3A_172, %add3A_173 : i32
        %get3A_175 = arith.index_cast %add3A_174 : i32 to index
        %get3A_176 = arith.constant 0 : index
        %get3A_177 = tpu.vector_load %arg10[%get3A_175, %get3A_176] {strides = array<i32>} : memref<80x128xf32, #tpu.memory_space<vmem>>, vector<1x16xf32>,
        %get3A_178 = vector.shape_cast %get3A_177 : vector<1x16xf32> to vector<16xf32>
        %get3A_179 = arith.index_cast %add3A_174 : i32 to index
        %get3A_180 = arith.constant 0 : index
        %get3A_181 = tpu.vector_load %arg11[%get3A_179, %get3A_180] {strides = array<i32>} : memref<80x128xf32, #tpu.memory_space<vmem>>, vector<1x16xf32>,
        %get3A_182 = vector.shape_cast %get3A_181 : vector<1x16xf32> to vector<16xf32>
        %mul3A_183 = arith.mulf %get3A_178, %get3A_182 : vector<16xf32>
        %swap3A_184 = arith.index_cast %add3A_174 : i32 to index
        %swap3A_185 = arith.constant 0 : index
        %swap3A_186 = tpu.vector_load %arg10[%swap3A_184, %swap3A_185] {strides = array<i32>} : memref<80x128xf32, #tpu.memory_space<vmem>>, vector<1x16xf32>,
        %swap3A_187 = vector.shape_cast %swap3A_186 : vector<1x16xf32> to vector<16xf32>
        %swap3A_188 = vector.shape_cast %mul3A_183 : vector<16xf32> to vector<1x16xf32>
        tpu.vector_store %arg10[%swap3A_184, %swap3A_185], %swap3A_188 {strides = array<i32>} : memref<80x128xf32, #tpu.memory_space<vmem>>, vector<1x16xf32>,
        %get3A_189 = arith.index_cast %add3A_174 : i32 to index
        %get3A_190 = arith.constant 16 : index
        %get3A_191 = tpu.vector_load %arg10[%get3A_189, %get3A_190] {strides = array<i32>} : memref<80x128xf32, #tpu.memory_space<vmem>>, vector<1x16xf32>,
        %get3A_192 = vector.shape_cast %get3A_191 : vector<1x16xf32> to vector<16xf32>
        %get3A_193 = arith.index_cast %add3A_174 : i32 to index
        %get3A_194 = arith.constant 16 : index
        %get3A_195 = tpu.vector_load %arg11[%get3A_193, %get3A_194] {strides = array<i32>} : memref<80x128xf32, #tpu.memory_space<vmem>>, vector<1x16xf32>,
        %get3A_196 = vector.shape_cast %get3A_195 : vector<1x16xf32> to vector<16xf32>
        %mul3A_197 = arith.mulf %get3A_192, %get3A_196 : vector<16xf32>
        %swap3A_198 = arith.index_cast %add3A_174 : i32 to index
        %swap3A_199 = arith.constant 16 : index
        %swap3A_200 = tpu.vector_load %arg10[%swap3A_198, %swap3A_199] {strides = array<i32>} : memref<80x128xf32, #tpu.memory_space<vmem>>, vector<1x16xf32>,
        %swap3A_201 = vector.shape_cast %swap3A_200 : vector<1x16xf32> to vector<16xf32>
        %swap3A_202 = vector.shape_cast %mul3A_197 : vector<16xf32> to vector<1x16xf32>
        tpu.vector_store %arg10[%swap3A_198, %swap3A_199], %swap3A_202 {strides = array<i32>} : memref<80x128xf32, #tpu.memory_space<vmem>>, vector<1x16xf32>,
        %get3A_203 = arith.index_cast %add3A_174 : i32 to index
        %get3A_204 = arith.constant 32 : index
        %get3A_205 = tpu.vector_load %arg10[%get3A_203, %get3A_204] {strides = array<i32>} : memref<80x128xf32, #tpu.memory_space<vmem>>, vector<1x16xf32>,
        %get3A_206 = vector.shape_cast %get3A_205 : vector<1x16xf32> to vector<16xf32>
        %get3A_207 = arith.index_cast %add3A_174 : i32 to index
        %get3A_208 = arith.constant 32 : index
        %get3A_209 = tpu.vector_load %arg11[%get3A_207, %get3A_208] {strides = array<i32>} : memref<80x128xf32, #tpu.memory_space<vmem>>, vector<1x16xf32>,
        %get3A_210 = vector.shape_cast %get3A_209 : vector<1x16xf32> to vector<16xf32>
        %mul3A_211 = arith.mulf %get3A_206, %get3A_210 : vector<16xf32>
        %swap3A_212 = arith.index_cast %add3A_174 : i32 to index
        %swap3A_213 = arith.constant 32 : index
        %swap3A_214 = tpu.vector_load %arg10[%swap3A_212, %swap3A_213] {strides = array<i32>} : memref<80x128xf32, #tpu.memory_space<vmem>>, vector<1x16xf32>,
        %swap3A_215 = vector.shape_cast %swap3A_214 : vector<1x16xf32> to vector<16xf32>
        %swap3A_216 = vector.shape_cast %mul3A_211 : vector<16xf32> to vector<1x16xf32>
        tpu.vector_store %arg10[%swap3A_212, %swap3A_213], %swap3A_216 {strides = array<i32>} : memref<80x128xf32, #tpu.memory_space<vmem>>, vector<1x16xf32>,
        %get3A_217 = arith.index_cast %add3A_174 : i32 to index
        %get3A_218 = arith.constant 48 : index
        %get3A_219 = tpu.vector_load %arg10[%get3A_217, %get3A_218] {strides = array<i32>} : memref<80x128xf32, #tpu.memory_space<vmem>>, vector<1x16xf32>,
        %get3A_220 = vector.shape_cast %get3A_219 : vector<1x16xf32> to vector<16xf32>
        %get3A_221 = arith.index_cast %add3A_174 : i32 to index
        %get3A_222 = arith.constant 48 : index
        %get3A_223 = tpu.vector_load %arg11[%get3A_221, %get3A_222] {strides = array<i32>} : memref<80x128xf32, #tpu.memory_space<vmem>>, vector<1x16xf32>,
        %get3A_224 = vector.shape_cast %get3A_223 : vector<1x16xf32> to vector<16xf32>
        %mul3A_225 = arith.mulf %get3A_220, %get3A_224 : vector<16xf32>
        %swap3A_226 = arith.index_cast %add3A_174 : i32 to index
        %swap3A_227 = arith.constant 48 : index
        %swap3A_228 = tpu.vector_load %arg10[%swap3A_226, %swap3A_227] {strides = array<i32>} : memref<80x128xf32, #tpu.memory_space<vmem>>, vector<1x16xf32>,
        %swap3A_229 = vector.shape_cast %swap3A_228 : vector<1x16xf32> to vector<16xf32>
        %swap3A_230 = vector.shape_cast %mul3A_225 : vector<16xf32> to vector<1x16xf32>
        tpu.vector_store %arg10[%swap3A_226, %swap3A_227], %swap3A_230 {strides = array<i32>} : memref<80x128xf32, #tpu.memory_space<vmem>>, vector<1x16xf32>,
        %get3A_231 = arith.index_cast %add3A_174 : i32 to index
        %get3A_232 = arith.constant 64 : index
        %get3A_233 = tpu.vector_load %arg10[%get3A_231, %get3A_232] {strides = array<i32>} : memref<80x128xf32, #tpu.memory_space<vmem>>, vector<1x16xf32>,
        %get3A_234 = vector.shape_cast %get3A_233 : vector<1x16xf32> to vector<16xf32>
        %get3A_235 = arith.index_cast %add3A_174 : i32 to index
        %get3A_236 = arith.constant 64 : index
        %get3A_237 = tpu.vector_load %arg11[%get3A_235, %get3A_236] {strides = array<i32>} : memref<80x128xf32, #tpu.memory_space<vmem>>, vector<1x16xf32>,
        %get3A_238 = vector.shape_cast %get3A_237 : vector<1x16xf32> to vector<16xf32>
        %mul3A_239 = arith.mulf %get3A_234, %get3A_238 : vector<16xf32>
        %swap3A_240 = arith.index_cast %add3A_174 : i32 to index
        %swap3A_241 = arith.constant 64 : index
        %swap3A_242 = tpu.vector_load %arg10[%swap3A_240, %swap3A_241] {strides = array<i32>} : memref<80x128xf32, #tpu.memory_space<vmem>>, vector<1x16xf32>,
        %swap3A_243 = vector.shape_cast %swap3A_242 : vector<1x16xf32> to vector<16xf32>
        %swap3A_244 = vector.shape_cast %mul3A_239 : vector<16xf32> to vector<1x16xf32>
        tpu.vector_store %arg10[%swap3A_240, %swap3A_241], %swap3A_244 {strides = array<i32>} : memref<80x128xf32, #tpu.memory_space<vmem>>, vector<1x16xf32>,
        %get3A_245 = arith.index_cast %add3A_174 : i32 to index
        %get3A_246 = arith.constant 80 : index
        %get3A_247 = tpu.vector_load %arg10[%get3A_245, %get3A_246] {strides = array<i32>} : memref<80x128xf32, #tpu.memory_space<vmem>>, vector<1x16xf32>,
        %get3A_248 = vector.shape_cast %get3A_247 : vector<1x16xf32> to vector<16xf32>
        %get3A_249 = arith.index_cast %add3A_174 : i32 to index
        %get3A_250 = arith.constant 80 : index
        %get3A_251 = tpu.vector_load %arg11[%get3A_249, %get3A_250] {strides = array<i32>} : memref<80x128xf32, #tpu.memory_space<vmem>>, vector<1x16xf32>,
        %get3A_252 = vector.shape_cast %get3A_251 : vector<1x16xf32> to vector<16xf32>
        %mul3A_253 = arith.mulf %get3A_248, %get3A_252 : vector<16xf32>
        %swap3A_254 = arith.index_cast %add3A_174 : i32 to index
        %swap3A_255 = arith.constant 80 : index
        %swap3A_256 = tpu.vector_load %arg10[%swap3A_254, %swap3A_255] {strides = array<i32>} : memref<80x128xf32, #tpu.memory_space<vmem>>, vector<1x16xf32>,
        %swap3A_257 = vector.shape_cast %swap3A_256 : vector<1x16xf32> to vector<16xf32>
        %swap3A_258 = vector.shape_cast %mul3A_253 : vector<16xf32> to vector<1x16xf32>
        tpu.vector_store %arg10[%swap3A_254, %swap3A_255], %swap3A_258 {strides = array<i32>} : memref<80x128xf32, #tpu.memory_space<vmem>>, vector<1x16xf32>,
        %get3A_259 = arith.index_cast %add3A_174 : i32 to index
        %get3A_260 = arith.constant 96 : index
        %get3A_261 = tpu.vector_load %arg10[%get3A_259, %get3A_260] {strides = array<i32>} : memref<80x128xf32, #tpu.memory_space<vmem>>, vector<1x16xf32>,
        %get3A_262 = vector.shape_cast %get3A_261 : vector<1x16xf32> to vector<16xf32>
        %get3A_263 = arith.index_cast %add3A_174 : i32 to index
        %get3A_264 = arith.constant 96 : index
        %get3A_265 = tpu.vector_load %arg11[%get3A_263, %get3A_264] {strides = array<i32>} : memref<80x128xf32, #tpu.memory_space<vmem>>, vector<1x16xf32>,
        %get3A_266 = vector.shape_cast %get3A_265 : vector<1x16xf32> to vector<16xf32>
        %mul3A_267 = arith.mulf %get3A_262, %get3A_266 : vector<16xf32>
        %swap3A_268 = arith.index_cast %add3A_174 : i32 to index
        %swap3A_269 = arith.constant 96 : index
        %swap3A_270 = tpu.vector_load %arg10[%swap3A_268, %swap3A_269] {strides = array<i32>} : memref<80x128xf32, #tpu.memory_space<vmem>>, vector<1x16xf32>,
        %swap3A_271 = vector.shape_cast %swap3A_270 : vector<1x16xf32> to vector<16xf32>
        %swap3A_272 = vector.shape_cast %mul3A_267 : vector<16xf32> to vector<1x16xf32>
        tpu.vector_store %arg10[%swap3A_268, %swap3A_269], %swap3A_272 {strides = array<i32>} : memref<80x128xf32, #tpu.memory_space<vmem>>, vector<1x16xf32>,
        %get3A_273 = arith.index_cast %add3A_174 : i32 to index
        %get3A_274 = arith.constant 112 : index
        %get3A_275 = tpu.vector_load %arg10[%get3A_273, %get3A_274] {strides = array<i32>} : memref<80x128xf32, #tpu.memory_space<vmem>>, vector<1x16xf32>,
        %get3A_276 = vector.shape_cast %get3A_275 : vector<1x16xf32> to vector<16xf32>
        %get3A_277 = arith.index_cast %add3A_174 : i32 to index
        %get3A_278 = arith.constant 112 : index
        %get3A_279 = tpu.vector_load %arg11[%get3A_277, %get3A_278] {strides = array<i32>} : memref<80x128xf32, #tpu.memory_space<vmem>>, vector<1x16xf32>,
        %get3A_280 = vector.shape_cast %get3A_279 : vector<1x16xf32> to vector<16xf32>
        %mul3A_281 = arith.mulf %get3A_276, %get3A_280 : vector<16xf32>
        %swap3A_282 = arith.index_cast %add3A_174 : i32 to index
        %swap3A_283 = arith.constant 112 : index
        %swap3A_284 = tpu.vector_load %arg10[%swap3A_282, %swap3A_283] {strides = array<i32>} : memref<80x128xf32, #tpu.memory_space<vmem>>, vector<1x16xf32>,
        %swap3A_285 = vector.shape_cast %swap3A_284 : vector<1x16xf32> to vector<16xf32>
        %swap3A_286 = vector.shape_cast %mul3A_281 : vector<16xf32> to vector<1x16xf32>
        tpu.vector_store %arg10[%swap3A_282, %swap3A_283], %swap3A_286 {strides = array<i32>} : memref<80x128xf32, #tpu.memory_space<vmem>>, vector<1x16xf32>,
        %scan3A_287 = arith.constant 0 : i32
        scf.yield %scan3A_287 : i32
      }
      %scan3A_52 = arith.constant 40 : i32
      %run_scoped3A_53 = arith.constant 0 : i32
      "tpu.region"() ({
        %run_scoped3A_55 = tpu.sem_alloc : memref<!tpu.dma_semaphore, #tpu.memory_space<semaphore_mem>>
        %dma_start3A_56 = arith.constant 0 : i32
        %dma_start3A_57 = tpu.memref_slice %arg9[%run_scoped3A_53, %dma_start3A_56] : memref<1x80xi32, #tpu.memory_space<vmem>> -> memref<1x80xi32, #tpu.memory_space<vmem>>
        %dma_start3A_58 = tpu.memref_squeeze %dma_start3A_57 : memref<1x80xi32, #tpu.memory_space<vmem>> -> memref<80xi32, #tpu.memory_space<vmem>>
        %dma_start3A_59 = arith.constant 0 : i32
        %dma_start3A_60 = arith.constant 0 : i32
        %dma_start3A_61 = tpu.memref_slice %arg12[%dma_start3A_59, %dma_start3A_60] : memref<10000x128xf32, #tpu.memory_space<vmem_shared>> -> memref<10000x128xf32, #tpu.memory_space<vmem_shared>>
        tpu.enqueue_indirect_dma source(%arg10 : memref<80x128xf32, #tpu.memory_space<vmem>>) target(%dma_start3A_61 : memref<10000x128xf32, #tpu.memory_space<vmem_shared>>) offsets(%dma_start3A_58 : memref<80xi32, #tpu.memory_space<vmem>>) semaphore(%run_scoped3A_55 : memref<!tpu.dma_semaphore, #tpu.memory_space<semaphore_mem>>) {add = true}
        %dma_wait3A_62 = arith.constant 0 : i32
        %dma_wait3A_63 = tpu.memref_slice %arg9[%run_scoped3A_53, %dma_wait3A_62] : memref<1x80xi32, #tpu.memory_space<vmem>> -> memref<1x80xi32, #tpu.memory_space<vmem>>
        %dma_wait3A_64 = tpu.memref_squeeze %dma_wait3A_63 : memref<1x80xi32, #tpu.memory_space<vmem>> -> memref<80xi32, #tpu.memory_space<vmem>>
        %dma_wait3A_65 = arith.constant 0 : i32
        %dma_wait3A_66 = arith.constant 0 : i32
        %dma_wait3A_67 = tpu.memref_slice %arg12[%dma_wait3A_65, %dma_wait3A_66] : memref<10000x128xf32, #tpu.memory_space<vmem_shared>> -> memref<10000x128xf32, #tpu.memory_space<vmem_shared>>
        tpu.wait_indirect_dma semaphore(%run_scoped3A_55 : memref<!tpu.dma_semaphore, #tpu.memory_space<semaphore_mem>>) src(%arg10 : memref<80x128xf32, #tpu.memory_space<vmem>>) dst(%dma_wait3A_67 : memref<10000x128xf32, #tpu.memory_space<vmem_shared>>)
        tpu.yield
      }) : () -> ()
      %scan3A_54 = arith.constant 0 : i32
      scf.yield %scan3A_54 : i32
    }
    %scan3A_8 = arith.constant 125 : i32
    %barrier3A_9 = arith.constant 0 : index
    tpu.barrier barrier_id(%barrier3A_9)
    %eq3A_10 = arith.constant 0 : i32
    %eq3A_11 = arith.cmpi eq, %arg1, %eq3A_10 : i32
    %convert_element_type3A_12 = arith.extui %eq3A_11 : i1 to i32
    %cond3A_13 = arith.constant 0 : i32
    %cond3A_14 = arith.cmpi ne, %convert_element_type3A_12, %cond3A_13 : i32
    scf.if %cond3A_14 {
      "tpu.region"() ({
        %run_scoped3A = tpu.sem_alloc : memref<!tpu.dma_semaphore, #tpu.memory_space<semaphore_mem>>
        %dma_start3A = arith.constant 0 : i32
        %dma_start3A_15 = arith.constant 0 : i32
        %dma_start3A_16 = tpu.memref_slice %arg7[%arg0, %dma_start3A, %dma_start3A_15] : memref<2x10000x128xf32, #tpu.memory_space<hbm>> -> memref<1x10000x128xf32, #tpu.memory_space<hbm>>
        %dma_start3A_17 = tpu.memref_squeeze %dma_start3A_16 : memref<1x10000x128xf32, #tpu.memory_space<hbm>> -> memref<10000x128xf32, #tpu.memory_space<hbm>>
        tpu.enqueue_dma source(%arg12 : memref<10000x128xf32, #tpu.memory_space<vmem_shared>>) target(%dma_start3A_17 : memref<10000x128xf32, #tpu.memory_space<hbm>>) target_semaphore(%run_scoped3A : memref<!tpu.dma_semaphore, #tpu.memory_space<semaphore_mem>>)
        %dma_wait3A = arith.constant 0 : i32
        %dma_wait3A_18 = arith.constant 0 : i32
        %dma_wait3A_19 = tpu.memref_slice %arg7[%arg0, %dma_wait3A, %dma_wait3A_18] : memref<2x10000x128xf32, #tpu.memory_space<hbm>> -> memref<1x10000x128xf32, #tpu.memory_space<hbm>>
        %dma_wait3A_20 = tpu.memref_squeeze %dma_wait3A_19 : memref<1x10000x128xf32, #tpu.memory_space<hbm>> -> memref<10000x128xf32, #tpu.memory_space<hbm>>
        tpu.wait_dma2 semaphore(%run_scoped3A : memref<!tpu.dma_semaphore, #tpu.memory_space<semaphore_mem>>) src(%arg12 : memref<10000x128xf32, #tpu.memory_space<vmem_shared>>) dst(%dma_wait3A_20 : memref<10000x128xf32, #tpu.memory_space<hbm>>)
        tpu.yield
      }) : () -> ()
    } else {
    }
    return
  }
}

#map = affine_map<(d0, d1) -> (0, 0, 0, 0)>
#map1 = affine_map<(d0, d1) -> (0, 0)>
#map2 = affine_map<(d0, d1) -> (0, 0, 0)>
module attributes {stable_mosaic.version = 14 : i64} {
  func.func @_sc_fwd_msg(%arg0: i32, %arg1: i32, %arg2: memref<32x125x80x128xf32, #tpu.memory_space<hbm>>, %arg3: memref<10000x128xf32, #tpu.memory_space<hbm>>, %arg4: memref<32x125x80xi32, #tpu.memory_space<hbm>>, %arg5: memref<32x125x80xi32, #tpu.memory_space<hbm>>, %arg6: memref<10000x128xf32, #tpu.memory_space<hbm>>, %arg7: memref<2x10000x128xf32, #tpu.memory_space<hbm>>, %arg8: memref<1x80xi32, #tpu.memory_space<vmem>>, %arg9: memref<1x80xi32, #tpu.memory_space<vmem>>, %arg10: memref<80x128xf32, #tpu.memory_space<vmem>>, %arg11: memref<80x128xf32, #tpu.memory_space<vmem>>, %arg12: memref<10000x128xf32, #tpu.memory_space<vmem_shared>>, %arg13: memref<!tpu.dma_semaphore, #tpu.memory_space<semaphore_mem>>, %arg14: memref<!tpu.dma_semaphore, #tpu.memory_space<semaphore_mem>>) attributes {dimension_semantics = [#tpu.dimension_semantics<core_parallel>, #tpu.dimension_semantics<subcore_parallel>], iteration_bounds = array<i64: 2, 16>, scalar_prefetch = 0 : i64, scratch_operands = 7 : i64, tpu.core_type = #tpu.core_type<sc_vector_subcore>, window_params = [{transform_indices = #map}, {transform_indices = #map1}, {transform_indices = #map2}, {transform_indices = #map2}, {transform_indices = #map1}, {transform_indices = #map2}]} {
    %mul3A = arith.constant 2 : i32
    %mul3A_0 = arith.muli %arg1, %mul3A : i32
    %add3A = arith.addi %mul3A_0, %arg0 : i32
    %eq3A = arith.constant 0 : i32
    %eq3A_1 = arith.cmpi eq, %arg1, %eq3A : i32
    %convert_element_type3A = arith.extui %eq3A_1 : i1 to i32
    %cond3A = arith.constant 0 : i32
    %cond3A_2 = arith.cmpi ne, %convert_element_type3A, %cond3A : i32
    scf.if %cond3A_2 {
      "tpu.region"() ({
        %run_scoped3A = tpu.sem_alloc : memref<!tpu.dma_semaphore, #tpu.memory_space<semaphore_mem>>
        tpu.enqueue_dma source(%arg6 : memref<10000x128xf32, #tpu.memory_space<hbm>>) target(%arg12 : memref<10000x128xf32, #tpu.memory_space<vmem_shared>>) target_semaphore(%run_scoped3A : memref<!tpu.dma_semaphore, #tpu.memory_space<semaphore_mem>>)
        tpu.wait_dma2 semaphore(%run_scoped3A : memref<!tpu.dma_semaphore, #tpu.memory_space<semaphore_mem>>) src(%arg6 : memref<10000x128xf32, #tpu.memory_space<hbm>>) dst(%arg12 : memref<10000x128xf32, #tpu.memory_space<vmem_shared>>)
        tpu.yield
      }) : () -> ()
    } else {
    }
    %barrier3A = arith.constant 0 : index
    tpu.barrier barrier_id(%barrier3A)
    %scan3A = arith.constant 0 : i32
    %scan3A_3 = arith.constant 0 : i32
    %scan3A_4 = arith.constant 125 : i32
    %scan3A_5 = arith.addi %scan3A_3, %scan3A_4 : i32
    %scan3A_6 = arith.constant 1 : i32
    %scan3A_7 = scf.for %scan3A_15 = %scan3A_3 to %scan3A_5 step %scan3A_6 iter_args(%scan3A_16 = %scan3A) -> (i32)  : i32 {
      %run_scoped3A = arith.constant 0 : i32
      "tpu.region"() ({
        %run_scoped3A_55 = tpu.sem_alloc : memref<!tpu.dma_semaphore, #tpu.memory_space<semaphore_mem>>
        %dma_start3A_56 = arith.constant 0 : i32
        %dma_start3A_57 = tpu.memref_slice %arg8[%run_scoped3A, %dma_start3A_56] : memref<1x80xi32, #tpu.memory_space<vmem>> -> memref<1x80xi32, #tpu.memory_space<vmem>>
        %dma_start3A_58 = tpu.memref_squeeze %dma_start3A_57 : memref<1x80xi32, #tpu.memory_space<vmem>> -> memref<80xi32, #tpu.memory_space<vmem>>
        %dma_start3A_59 = arith.constant 0 : i32
        %dma_start3A_60 = tpu.memref_slice %arg4[%add3A, %scan3A_15, %dma_start3A_59] : memref<32x125x80xi32, #tpu.memory_space<hbm>> -> memref<1x1x80xi32, #tpu.memory_space<hbm>>
        %dma_start3A_61 = tpu.memref_squeeze %dma_start3A_60 : memref<1x1x80xi32, #tpu.memory_space<hbm>> -> memref<80xi32, #tpu.memory_space<hbm>>
        %dma_start3A_62 = arith.constant 0 : i32
        %dma_start3A_63 = tpu.memref_slice %arg8[%run_scoped3A, %dma_start3A_62] : memref<1x80xi32, #tpu.memory_space<vmem>> -> memref<1x80xi32, #tpu.memory_space<vmem>>
        %dma_start3A_64 = tpu.memref_squeeze %dma_start3A_63 : memref<1x80xi32, #tpu.memory_space<vmem>> -> memref<80xi32, #tpu.memory_space<vmem>>
        %dma_start3A_65 = arith.constant 0 : i32
        %dma_start3A_66 = tpu.memref_slice %arg4[%add3A, %scan3A_15, %dma_start3A_65] : memref<32x125x80xi32, #tpu.memory_space<hbm>> -> memref<1x1x80xi32, #tpu.memory_space<hbm>>
        %dma_start3A_67 = tpu.memref_squeeze %dma_start3A_66 : memref<1x1x80xi32, #tpu.memory_space<hbm>> -> memref<80xi32, #tpu.memory_space<hbm>>
        tpu.enqueue_dma source(%dma_start3A_67 : memref<80xi32, #tpu.memory_space<hbm>>) target(%dma_start3A_64 : memref<80xi32, #tpu.memory_space<vmem>>) target_semaphore(%run_scoped3A_55 : memref<!tpu.dma_semaphore, #tpu.memory_space<semaphore_mem>>)
        %dma_wait3A_68 = arith.constant 0 : i32
        %dma_wait3A_69 = tpu.memref_slice %arg8[%run_scoped3A, %dma_wait3A_68] : memref<1x80xi32, #tpu.memory_space<vmem>> -> memref<1x80xi32, #tpu.memory_space<vmem>>
        %dma_wait3A_70 = tpu.memref_squeeze %dma_wait3A_69 : memref<1x80xi32, #tpu.memory_space<vmem>> -> memref<80xi32, #tpu.memory_space<vmem>>
        %dma_wait3A_71 = arith.constant 0 : i32
        %dma_wait3A_72 = tpu.memref_slice %arg4[%add3A, %scan3A_15, %dma_wait3A_71] : memref<32x125x80xi32, #tpu.memory_space<hbm>> -> memref<1x1x80xi32, #tpu.memory_space<hbm>>
        %dma_wait3A_73 = tpu.memref_squeeze %dma_wait3A_72 : memref<1x1x80xi32, #tpu.memory_space<hbm>> -> memref<80xi32, #tpu.memory_space<hbm>>
        %dma_wait3A_74 = arith.constant 0 : i32
        %dma_wait3A_75 = tpu.memref_slice %arg8[%run_scoped3A, %dma_wait3A_74] : memref<1x80xi32, #tpu.memory_space<vmem>> -> memref<1x80xi32, #tpu.memory_space<vmem>>
        %dma_wait3A_76 = tpu.memref_squeeze %dma_wait3A_75 : memref<1x80xi32, #tpu.memory_space<vmem>> -> memref<80xi32, #tpu.memory_space<vmem>>
        %dma_wait3A_77 = arith.constant 0 : i32
        %dma_wait3A_78 = tpu.memref_slice %arg4[%add3A, %scan3A_15, %dma_wait3A_77] : memref<32x125x80xi32, #tpu.memory_space<hbm>> -> memref<1x1x80xi32, #tpu.memory_space<hbm>>
        %dma_wait3A_79 = tpu.memref_squeeze %dma_wait3A_78 : memref<1x1x80xi32, #tpu.memory_space<hbm>> -> memref<80xi32, #tpu.memory_space<hbm>>
        tpu.wait_dma2 semaphore(%run_scoped3A_55 : memref<!tpu.dma_semaphore, #tpu.memory_space<semaphore_mem>>) src(%dma_wait3A_79 : memref<80xi32, #tpu.memory_space<hbm>>) dst(%dma_wait3A_76 : memref<80xi32, #tpu.memory_space<vmem>>)
        tpu.yield
      }) : () -> ()
      %run_scoped3A_17 = arith.constant 0 : i32
      "tpu.region"() ({
        %run_scoped3A_55 = tpu.sem_alloc : memref<!tpu.dma_semaphore, #tpu.memory_space<semaphore_mem>>
        %dma_start3A_56 = arith.constant 0 : i32
        %dma_start3A_57 = tpu.memref_slice %arg9[%run_scoped3A_17, %dma_start3A_56] : memref<1x80xi32, #tpu.memory_space<vmem>> -> memref<1x80xi32, #tpu.memory_space<vmem>>
        %dma_start3A_58 = tpu.memref_squeeze %dma_start3A_57 : memref<1x80xi32, #tpu.memory_space<vmem>> -> memref<80xi32, #tpu.memory_space<vmem>>
        %dma_start3A_59 = arith.constant 0 : i32
        %dma_start3A_60 = tpu.memref_slice %arg5[%add3A, %scan3A_15, %dma_start3A_59] : memref<32x125x80xi32, #tpu.memory_space<hbm>> -> memref<1x1x80xi32, #tpu.memory_space<hbm>>
        %dma_start3A_61 = tpu.memref_squeeze %dma_start3A_60 : memref<1x1x80xi32, #tpu.memory_space<hbm>> -> memref<80xi32, #tpu.memory_space<hbm>>
        %dma_start3A_62 = arith.constant 0 : i32
        %dma_start3A_63 = tpu.memref_slice %arg9[%run_scoped3A_17, %dma_start3A_62] : memref<1x80xi32, #tpu.memory_space<vmem>> -> memref<1x80xi32, #tpu.memory_space<vmem>>
        %dma_start3A_64 = tpu.memref_squeeze %dma_start3A_63 : memref<1x80xi32, #tpu.memory_space<vmem>> -> memref<80xi32, #tpu.memory_space<vmem>>
        %dma_start3A_65 = arith.constant 0 : i32
        %dma_start3A_66 = tpu.memref_slice %arg5[%add3A, %scan3A_15, %dma_start3A_65] : memref<32x125x80xi32, #tpu.memory_space<hbm>> -> memref<1x1x80xi32, #tpu.memory_space<hbm>>
        %dma_start3A_67 = tpu.memref_squeeze %dma_start3A_66 : memref<1x1x80xi32, #tpu.memory_space<hbm>> -> memref<80xi32, #tpu.memory_space<hbm>>
        tpu.enqueue_dma source(%dma_start3A_67 : memref<80xi32, #tpu.memory_space<hbm>>) target(%dma_start3A_64 : memref<80xi32, #tpu.memory_space<vmem>>) target_semaphore(%run_scoped3A_55 : memref<!tpu.dma_semaphore, #tpu.memory_space<semaphore_mem>>)
        %dma_wait3A_68 = arith.constant 0 : i32
        %dma_wait3A_69 = tpu.memref_slice %arg9[%run_scoped3A_17, %dma_wait3A_68] : memref<1x80xi32, #tpu.memory_space<vmem>> -> memref<1x80xi32, #tpu.memory_space<vmem>>
        %dma_wait3A_70 = tpu.memref_squeeze %dma_wait3A_69 : memref<1x80xi32, #tpu.memory_space<vmem>> -> memref<80xi32, #tpu.memory_space<vmem>>
        %dma_wait3A_71 = arith.constant 0 : i32
        %dma_wait3A_72 = tpu.memref_slice %arg5[%add3A, %scan3A_15, %dma_wait3A_71] : memref<32x125x80xi32, #tpu.memory_space<hbm>> -> memref<1x1x80xi32, #tpu.memory_space<hbm>>
        %dma_wait3A_73 = tpu.memref_squeeze %dma_wait3A_72 : memref<1x1x80xi32, #tpu.memory_space<hbm>> -> memref<80xi32, #tpu.memory_space<hbm>>
        %dma_wait3A_74 = arith.constant 0 : i32
        %dma_wait3A_75 = tpu.memref_slice %arg9[%run_scoped3A_17, %dma_wait3A_74] : memref<1x80xi32, #tpu.memory_space<vmem>> -> memref<1x80xi32, #tpu.memory_space<vmem>>
        %dma_wait3A_76 = tpu.memref_squeeze %dma_wait3A_75 : memref<1x80xi32, #tpu.memory_space<vmem>> -> memref<80xi32, #tpu.memory_space<vmem>>
        %dma_wait3A_77 = arith.constant 0 : i32
        %dma_wait3A_78 = tpu.memref_slice %arg5[%add3A, %scan3A_15, %dma_wait3A_77] : memref<32x125x80xi32, #tpu.memory_space<hbm>> -> memref<1x1x80xi32, #tpu.memory_space<hbm>>
        %dma_wait3A_79 = tpu.memref_squeeze %dma_wait3A_78 : memref<1x1x80xi32, #tpu.memory_space<hbm>> -> memref<80xi32, #tpu.memory_space<hbm>>
        tpu.wait_dma2 semaphore(%run_scoped3A_55 : memref<!tpu.dma_semaphore, #tpu.memory_space<semaphore_mem>>) src(%dma_wait3A_79 : memref<80xi32, #tpu.memory_space<hbm>>) dst(%dma_wait3A_76 : memref<80xi32, #tpu.memory_space<vmem>>)
        tpu.yield
      }) : () -> ()
      %dma_start3A = arith.constant 0 : i32
      %dma_start3A_18 = arith.constant 0 : i32
      %dma_start3A_19 = tpu.memref_slice %arg2[%add3A, %scan3A_15, %dma_start3A, %dma_start3A_18] : memref<32x125x80x128xf32, #tpu.memory_space<hbm>> -> memref<1x1x80x128xf32, #tpu.memory_space<hbm>>
      %dma_start3A_20 = tpu.memref_squeeze %dma_start3A_19 : memref<1x1x80x128xf32, #tpu.memory_space<hbm>> -> memref<80x128xf32, #tpu.memory_space<hbm>>
      %dma_start3A_21 = arith.constant 0 : i32
      %dma_start3A_22 = arith.constant 0 : i32
      %dma_start3A_23 = tpu.memref_slice %arg2[%add3A, %scan3A_15, %dma_start3A_21, %dma_start3A_22] : memref<32x125x80x128xf32, #tpu.memory_space<hbm>> -> memref<1x1x80x128xf32, #tpu.memory_space<hbm>>
      %dma_start3A_24 = tpu.memref_squeeze %dma_start3A_23 : memref<1x1x80x128xf32, #tpu.memory_space<hbm>> -> memref<80x128xf32, #tpu.memory_space<hbm>>
      tpu.enqueue_dma source(%dma_start3A_24 : memref<80x128xf32, #tpu.memory_space<hbm>>) target(%arg10 : memref<80x128xf32, #tpu.memory_space<vmem>>) target_semaphore(%arg13 : memref<!tpu.dma_semaphore, #tpu.memory_space<semaphore_mem>>)
      %dma_start3A_25 = arith.constant 0 : i32
      %dma_start3A_26 = arith.constant 0 : i32
      %dma_start3A_27 = tpu.memref_slice %arg8[%dma_start3A_25, %dma_start3A_26] : memref<1x80xi32, #tpu.memory_space<vmem>> -> memref<1x80xi32, #tpu.memory_space<vmem>>
      %dma_start3A_28 = tpu.memref_squeeze %dma_start3A_27 : memref<1x80xi32, #tpu.memory_space<vmem>> -> memref<80xi32, #tpu.memory_space<vmem>>
      %dma_start3A_29 = arith.constant 0 : i32
      %dma_start3A_30 = arith.constant 0 : i32
      %dma_start3A_31 = tpu.memref_slice %arg3[%dma_start3A_29, %dma_start3A_30] : memref<10000x128xf32, #tpu.memory_space<hbm>> -> memref<10000x128xf32, #tpu.memory_space<hbm>>
      tpu.enqueue_indirect_dma source(%dma_start3A_31 : memref<10000x128xf32, #tpu.memory_space<hbm>>) target(%arg11 : memref<80x128xf32, #tpu.memory_space<vmem>>) offsets(%dma_start3A_28 : memref<80xi32, #tpu.memory_space<vmem>>) semaphore(%arg14 : memref<!tpu.dma_semaphore, #tpu.memory_space<semaphore_mem>>)
      %dma_wait3A = arith.constant 0 : i32
      %dma_wait3A_32 = arith.constant 0 : i32
      %dma_wait3A_33 = tpu.memref_slice %arg2[%add3A, %scan3A_15, %dma_wait3A, %dma_wait3A_32] : memref<32x125x80x128xf32, #tpu.memory_space<hbm>> -> memref<1x1x80x128xf32, #tpu.memory_space<hbm>>
      %dma_wait3A_34 = tpu.memref_squeeze %dma_wait3A_33 : memref<1x1x80x128xf32, #tpu.memory_space<hbm>> -> memref<80x128xf32, #tpu.memory_space<hbm>>
      %dma_wait3A_35 = arith.constant 0 : i32
      %dma_wait3A_36 = arith.constant 0 : i32
      %dma_wait3A_37 = tpu.memref_slice %arg2[%add3A, %scan3A_15, %dma_wait3A_35, %dma_wait3A_36] : memref<32x125x80x128xf32, #tpu.memory_space<hbm>> -> memref<1x1x80x128xf32, #tpu.memory_space<hbm>>
      %dma_wait3A_38 = tpu.memref_squeeze %dma_wait3A_37 : memref<1x1x80x128xf32, #tpu.memory_space<hbm>> -> memref<80x128xf32, #tpu.memory_space<hbm>>
      tpu.wait_dma2 semaphore(%arg13 : memref<!tpu.dma_semaphore, #tpu.memory_space<semaphore_mem>>) src(%dma_wait3A_38 : memref<80x128xf32, #tpu.memory_space<hbm>>) dst(%arg10 : memref<80x128xf32, #tpu.memory_space<vmem>>)
      %dma_wait3A_39 = arith.constant 0 : i32
      %dma_wait3A_40 = arith.constant 0 : i32
      %dma_wait3A_41 = tpu.memref_slice %arg8[%dma_wait3A_39, %dma_wait3A_40] : memref<1x80xi32, #tpu.memory_space<vmem>> -> memref<1x80xi32, #tpu.memory_space<vmem>>
      %dma_wait3A_42 = tpu.memref_squeeze %dma_wait3A_41 : memref<1x80xi32, #tpu.memory_space<vmem>> -> memref<80xi32, #tpu.memory_space<vmem>>
      %dma_wait3A_43 = arith.constant 0 : i32
      %dma_wait3A_44 = arith.constant 0 : i32
      %dma_wait3A_45 = tpu.memref_slice %arg3[%dma_wait3A_43, %dma_wait3A_44] : memref<10000x128xf32, #tpu.memory_space<hbm>> -> memref<10000x128xf32, #tpu.memory_space<hbm>>
      tpu.wait_indirect_dma semaphore(%arg14 : memref<!tpu.dma_semaphore, #tpu.memory_space<semaphore_mem>>) src(%dma_wait3A_45 : memref<10000x128xf32, #tpu.memory_space<hbm>>) dst(%arg11 : memref<80x128xf32, #tpu.memory_space<vmem>>)
      %scan3A_46 = arith.constant 0 : i32
      %scan3A_47 = arith.constant 0 : i32
      %scan3A_48 = arith.constant 40 : i32
      %scan3A_49 = arith.addi %scan3A_47, %scan3A_48 : i32
      %scan3A_50 = arith.constant 1 : i32
      %scan3A_51 = scf.for %scan3A_55 = %scan3A_47 to %scan3A_49 step %scan3A_50 iter_args(%scan3A_56 = %scan3A_46) -> (i32)  : i32 {
        %mul3A_57 = arith.constant 2 : i32
        %mul3A_58 = arith.muli %scan3A_55, %mul3A_57 : i32
        %add3A_59 = arith.constant 0 : i32
        %add3A_60 = arith.addi %mul3A_58, %add3A_59 : i32
        %get3A = arith.index_cast %add3A_60 : i32 to index
        %get3A_61 = arith.constant 0 : index
        %get3A_62 = tpu.vector_load %arg10[%get3A, %get3A_61] {strides = array<i32>} : memref<80x128xf32, #tpu.memory_space<vmem>>, vector<1x16xf32>,
        %get3A_63 = vector.shape_cast %get3A_62 : vector<1x16xf32> to vector<16xf32>
        %get3A_64 = arith.index_cast %add3A_60 : i32 to index
        %get3A_65 = arith.constant 0 : index
        %get3A_66 = tpu.vector_load %arg11[%get3A_64, %get3A_65] {strides = array<i32>} : memref<80x128xf32, #tpu.memory_space<vmem>>, vector<1x16xf32>,
        %get3A_67 = vector.shape_cast %get3A_66 : vector<1x16xf32> to vector<16xf32>
        %mul3A_68 = arith.mulf %get3A_63, %get3A_67 : vector<16xf32>
        %swap3A = arith.index_cast %add3A_60 : i32 to index
        %swap3A_69 = arith.constant 0 : index
        %swap3A_70 = tpu.vector_load %arg10[%swap3A, %swap3A_69] {strides = array<i32>} : memref<80x128xf32, #tpu.memory_space<vmem>>, vector<1x16xf32>,
        %swap3A_71 = vector.shape_cast %swap3A_70 : vector<1x16xf32> to vector<16xf32>
        %swap3A_72 = vector.shape_cast %mul3A_68 : vector<16xf32> to vector<1x16xf32>
        tpu.vector_store %arg10[%swap3A, %swap3A_69], %swap3A_72 {strides = array<i32>} : memref<80x128xf32, #tpu.memory_space<vmem>>, vector<1x16xf32>,
        %get3A_73 = arith.index_cast %add3A_60 : i32 to index
        %get3A_74 = arith.constant 16 : index
        %get3A_75 = tpu.vector_load %arg10[%get3A_73, %get3A_74] {strides = array<i32>} : memref<80x128xf32, #tpu.memory_space<vmem>>, vector<1x16xf32>,
        %get3A_76 = vector.shape_cast %get3A_75 : vector<1x16xf32> to vector<16xf32>
        %get3A_77 = arith.index_cast %add3A_60 : i32 to index
        %get3A_78 = arith.constant 16 : index
        %get3A_79 = tpu.vector_load %arg11[%get3A_77, %get3A_78] {strides = array<i32>} : memref<80x128xf32, #tpu.memory_space<vmem>>, vector<1x16xf32>,
        %get3A_80 = vector.shape_cast %get3A_79 : vector<1x16xf32> to vector<16xf32>
        %mul3A_81 = arith.mulf %get3A_76, %get3A_80 : vector<16xf32>
        %swap3A_82 = arith.index_cast %add3A_60 : i32 to index
        %swap3A_83 = arith.constant 16 : index
        %swap3A_84 = tpu.vector_load %arg10[%swap3A_82, %swap3A_83] {strides = array<i32>} : memref<80x128xf32, #tpu.memory_space<vmem>>, vector<1x16xf32>,
        %swap3A_85 = vector.shape_cast %swap3A_84 : vector<1x16xf32> to vector<16xf32>
        %swap3A_86 = vector.shape_cast %mul3A_81 : vector<16xf32> to vector<1x16xf32>
        tpu.vector_store %arg10[%swap3A_82, %swap3A_83], %swap3A_86 {strides = array<i32>} : memref<80x128xf32, #tpu.memory_space<vmem>>, vector<1x16xf32>,
        %get3A_87 = arith.index_cast %add3A_60 : i32 to index
        %get3A_88 = arith.constant 32 : index
        %get3A_89 = tpu.vector_load %arg10[%get3A_87, %get3A_88] {strides = array<i32>} : memref<80x128xf32, #tpu.memory_space<vmem>>, vector<1x16xf32>,
        %get3A_90 = vector.shape_cast %get3A_89 : vector<1x16xf32> to vector<16xf32>
        %get3A_91 = arith.index_cast %add3A_60 : i32 to index
        %get3A_92 = arith.constant 32 : index
        %get3A_93 = tpu.vector_load %arg11[%get3A_91, %get3A_92] {strides = array<i32>} : memref<80x128xf32, #tpu.memory_space<vmem>>, vector<1x16xf32>,
        %get3A_94 = vector.shape_cast %get3A_93 : vector<1x16xf32> to vector<16xf32>
        %mul3A_95 = arith.mulf %get3A_90, %get3A_94 : vector<16xf32>
        %swap3A_96 = arith.index_cast %add3A_60 : i32 to index
        %swap3A_97 = arith.constant 32 : index
        %swap3A_98 = tpu.vector_load %arg10[%swap3A_96, %swap3A_97] {strides = array<i32>} : memref<80x128xf32, #tpu.memory_space<vmem>>, vector<1x16xf32>,
        %swap3A_99 = vector.shape_cast %swap3A_98 : vector<1x16xf32> to vector<16xf32>
        %swap3A_100 = vector.shape_cast %mul3A_95 : vector<16xf32> to vector<1x16xf32>
        tpu.vector_store %arg10[%swap3A_96, %swap3A_97], %swap3A_100 {strides = array<i32>} : memref<80x128xf32, #tpu.memory_space<vmem>>, vector<1x16xf32>,
        %get3A_101 = arith.index_cast %add3A_60 : i32 to index
        %get3A_102 = arith.constant 48 : index
        %get3A_103 = tpu.vector_load %arg10[%get3A_101, %get3A_102] {strides = array<i32>} : memref<80x128xf32, #tpu.memory_space<vmem>>, vector<1x16xf32>,
        %get3A_104 = vector.shape_cast %get3A_103 : vector<1x16xf32> to vector<16xf32>
        %get3A_105 = arith.index_cast %add3A_60 : i32 to index
        %get3A_106 = arith.constant 48 : index
        %get3A_107 = tpu.vector_load %arg11[%get3A_105, %get3A_106] {strides = array<i32>} : memref<80x128xf32, #tpu.memory_space<vmem>>, vector<1x16xf32>,
        %get3A_108 = vector.shape_cast %get3A_107 : vector<1x16xf32> to vector<16xf32>
        %mul3A_109 = arith.mulf %get3A_104, %get3A_108 : vector<16xf32>
        %swap3A_110 = arith.index_cast %add3A_60 : i32 to index
        %swap3A_111 = arith.constant 48 : index
        %swap3A_112 = tpu.vector_load %arg10[%swap3A_110, %swap3A_111] {strides = array<i32>} : memref<80x128xf32, #tpu.memory_space<vmem>>, vector<1x16xf32>,
        %swap3A_113 = vector.shape_cast %swap3A_112 : vector<1x16xf32> to vector<16xf32>
        %swap3A_114 = vector.shape_cast %mul3A_109 : vector<16xf32> to vector<1x16xf32>
        tpu.vector_store %arg10[%swap3A_110, %swap3A_111], %swap3A_114 {strides = array<i32>} : memref<80x128xf32, #tpu.memory_space<vmem>>, vector<1x16xf32>,
        %get3A_115 = arith.index_cast %add3A_60 : i32 to index
        %get3A_116 = arith.constant 64 : index
        %get3A_117 = tpu.vector_load %arg10[%get3A_115, %get3A_116] {strides = array<i32>} : memref<80x128xf32, #tpu.memory_space<vmem>>, vector<1x16xf32>,
        %get3A_118 = vector.shape_cast %get3A_117 : vector<1x16xf32> to vector<16xf32>
        %get3A_119 = arith.index_cast %add3A_60 : i32 to index
        %get3A_120 = arith.constant 64 : index
        %get3A_121 = tpu.vector_load %arg11[%get3A_119, %get3A_120] {strides = array<i32>} : memref<80x128xf32, #tpu.memory_space<vmem>>, vector<1x16xf32>,
        %get3A_122 = vector.shape_cast %get3A_121 : vector<1x16xf32> to vector<16xf32>
        %mul3A_123 = arith.mulf %get3A_118, %get3A_122 : vector<16xf32>
        %swap3A_124 = arith.index_cast %add3A_60 : i32 to index
        %swap3A_125 = arith.constant 64 : index
        %swap3A_126 = tpu.vector_load %arg10[%swap3A_124, %swap3A_125] {strides = array<i32>} : memref<80x128xf32, #tpu.memory_space<vmem>>, vector<1x16xf32>,
        %swap3A_127 = vector.shape_cast %swap3A_126 : vector<1x16xf32> to vector<16xf32>
        %swap3A_128 = vector.shape_cast %mul3A_123 : vector<16xf32> to vector<1x16xf32>
        tpu.vector_store %arg10[%swap3A_124, %swap3A_125], %swap3A_128 {strides = array<i32>} : memref<80x128xf32, #tpu.memory_space<vmem>>, vector<1x16xf32>,
        %get3A_129 = arith.index_cast %add3A_60 : i32 to index
        %get3A_130 = arith.constant 80 : index
        %get3A_131 = tpu.vector_load %arg10[%get3A_129, %get3A_130] {strides = array<i32>} : memref<80x128xf32, #tpu.memory_space<vmem>>, vector<1x16xf32>,
        %get3A_132 = vector.shape_cast %get3A_131 : vector<1x16xf32> to vector<16xf32>
        %get3A_133 = arith.index_cast %add3A_60 : i32 to index
        %get3A_134 = arith.constant 80 : index
        %get3A_135 = tpu.vector_load %arg11[%get3A_133, %get3A_134] {strides = array<i32>} : memref<80x128xf32, #tpu.memory_space<vmem>>, vector<1x16xf32>,
        %get3A_136 = vector.shape_cast %get3A_135 : vector<1x16xf32> to vector<16xf32>
        %mul3A_137 = arith.mulf %get3A_132, %get3A_136 : vector<16xf32>
        %swap3A_138 = arith.index_cast %add3A_60 : i32 to index
        %swap3A_139 = arith.constant 80 : index
        %swap3A_140 = tpu.vector_load %arg10[%swap3A_138, %swap3A_139] {strides = array<i32>} : memref<80x128xf32, #tpu.memory_space<vmem>>, vector<1x16xf32>,
        %swap3A_141 = vector.shape_cast %swap3A_140 : vector<1x16xf32> to vector<16xf32>
        %swap3A_142 = vector.shape_cast %mul3A_137 : vector<16xf32> to vector<1x16xf32>
        tpu.vector_store %arg10[%swap3A_138, %swap3A_139], %swap3A_142 {strides = array<i32>} : memref<80x128xf32, #tpu.memory_space<vmem>>, vector<1x16xf32>,
        %get3A_143 = arith.index_cast %add3A_60 : i32 to index
        %get3A_144 = arith.constant 96 : index
        %get3A_145 = tpu.vector_load %arg10[%get3A_143, %get3A_144] {strides = array<i32>} : memref<80x128xf32, #tpu.memory_space<vmem>>, vector<1x16xf32>,
        %get3A_146 = vector.shape_cast %get3A_145 : vector<1x16xf32> to vector<16xf32>
        %get3A_147 = arith.index_cast %add3A_60 : i32 to index
        %get3A_148 = arith.constant 96 : index
        %get3A_149 = tpu.vector_load %arg11[%get3A_147, %get3A_148] {strides = array<i32>} : memref<80x128xf32, #tpu.memory_space<vmem>>, vector<1x16xf32>,
        %get3A_150 = vector.shape_cast %get3A_149 : vector<1x16xf32> to vector<16xf32>
        %mul3A_151 = arith.mulf %get3A_146, %get3A_150 : vector<16xf32>
        %swap3A_152 = arith.index_cast %add3A_60 : i32 to index
        %swap3A_153 = arith.constant 96 : index
        %swap3A_154 = tpu.vector_load %arg10[%swap3A_152, %swap3A_153] {strides = array<i32>} : memref<80x128xf32, #tpu.memory_space<vmem>>, vector<1x16xf32>,
        %swap3A_155 = vector.shape_cast %swap3A_154 : vector<1x16xf32> to vector<16xf32>
        %swap3A_156 = vector.shape_cast %mul3A_151 : vector<16xf32> to vector<1x16xf32>
        tpu.vector_store %arg10[%swap3A_152, %swap3A_153], %swap3A_156 {strides = array<i32>} : memref<80x128xf32, #tpu.memory_space<vmem>>, vector<1x16xf32>,
        %get3A_157 = arith.index_cast %add3A_60 : i32 to index
        %get3A_158 = arith.constant 112 : index
        %get3A_159 = tpu.vector_load %arg10[%get3A_157, %get3A_158] {strides = array<i32>} : memref<80x128xf32, #tpu.memory_space<vmem>>, vector<1x16xf32>,
        %get3A_160 = vector.shape_cast %get3A_159 : vector<1x16xf32> to vector<16xf32>
        %get3A_161 = arith.index_cast %add3A_60 : i32 to index
        %get3A_162 = arith.constant 112 : index
        %get3A_163 = tpu.vector_load %arg11[%get3A_161, %get3A_162] {strides = array<i32>} : memref<80x128xf32, #tpu.memory_space<vmem>>, vector<1x16xf32>,
        %get3A_164 = vector.shape_cast %get3A_163 : vector<1x16xf32> to vector<16xf32>
        %mul3A_165 = arith.mulf %get3A_160, %get3A_164 : vector<16xf32>
        %swap3A_166 = arith.index_cast %add3A_60 : i32 to index
        %swap3A_167 = arith.constant 112 : index
        %swap3A_168 = tpu.vector_load %arg10[%swap3A_166, %swap3A_167] {strides = array<i32>} : memref<80x128xf32, #tpu.memory_space<vmem>>, vector<1x16xf32>,
        %swap3A_169 = vector.shape_cast %swap3A_168 : vector<1x16xf32> to vector<16xf32>
        %swap3A_170 = vector.shape_cast %mul3A_165 : vector<16xf32> to vector<1x16xf32>
        tpu.vector_store %arg10[%swap3A_166, %swap3A_167], %swap3A_170 {strides = array<i32>} : memref<80x128xf32, #tpu.memory_space<vmem>>, vector<1x16xf32>,
        %mul3A_171 = arith.constant 2 : i32
        %mul3A_172 = arith.muli %scan3A_55, %mul3A_171 : i32
        %add3A_173 = arith.constant 1 : i32
        %add3A_174 = arith.addi %mul3A_172, %add3A_173 : i32
        %get3A_175 = arith.index_cast %add3A_174 : i32 to index
        %get3A_176 = arith.constant 0 : index
        %get3A_177 = tpu.vector_load %arg10[%get3A_175, %get3A_176] {strides = array<i32>} : memref<80x128xf32, #tpu.memory_space<vmem>>, vector<1x16xf32>,
        %get3A_178 = vector.shape_cast %get3A_177 : vector<1x16xf32> to vector<16xf32>
        %get3A_179 = arith.index_cast %add3A_174 : i32 to index
        %get3A_180 = arith.constant 0 : index
        %get3A_181 = tpu.vector_load %arg11[%get3A_179, %get3A_180] {strides = array<i32>} : memref<80x128xf32, #tpu.memory_space<vmem>>, vector<1x16xf32>,
        %get3A_182 = vector.shape_cast %get3A_181 : vector<1x16xf32> to vector<16xf32>
        %mul3A_183 = arith.mulf %get3A_178, %get3A_182 : vector<16xf32>
        %swap3A_184 = arith.index_cast %add3A_174 : i32 to index
        %swap3A_185 = arith.constant 0 : index
        %swap3A_186 = tpu.vector_load %arg10[%swap3A_184, %swap3A_185] {strides = array<i32>} : memref<80x128xf32, #tpu.memory_space<vmem>>, vector<1x16xf32>,
        %swap3A_187 = vector.shape_cast %swap3A_186 : vector<1x16xf32> to vector<16xf32>
        %swap3A_188 = vector.shape_cast %mul3A_183 : vector<16xf32> to vector<1x16xf32>
        tpu.vector_store %arg10[%swap3A_184, %swap3A_185], %swap3A_188 {strides = array<i32>} : memref<80x128xf32, #tpu.memory_space<vmem>>, vector<1x16xf32>,
        %get3A_189 = arith.index_cast %add3A_174 : i32 to index
        %get3A_190 = arith.constant 16 : index
        %get3A_191 = tpu.vector_load %arg10[%get3A_189, %get3A_190] {strides = array<i32>} : memref<80x128xf32, #tpu.memory_space<vmem>>, vector<1x16xf32>,
        %get3A_192 = vector.shape_cast %get3A_191 : vector<1x16xf32> to vector<16xf32>
        %get3A_193 = arith.index_cast %add3A_174 : i32 to index
        %get3A_194 = arith.constant 16 : index
        %get3A_195 = tpu.vector_load %arg11[%get3A_193, %get3A_194] {strides = array<i32>} : memref<80x128xf32, #tpu.memory_space<vmem>>, vector<1x16xf32>,
        %get3A_196 = vector.shape_cast %get3A_195 : vector<1x16xf32> to vector<16xf32>
        %mul3A_197 = arith.mulf %get3A_192, %get3A_196 : vector<16xf32>
        %swap3A_198 = arith.index_cast %add3A_174 : i32 to index
        %swap3A_199 = arith.constant 16 : index
        %swap3A_200 = tpu.vector_load %arg10[%swap3A_198, %swap3A_199] {strides = array<i32>} : memref<80x128xf32, #tpu.memory_space<vmem>>, vector<1x16xf32>,
        %swap3A_201 = vector.shape_cast %swap3A_200 : vector<1x16xf32> to vector<16xf32>
        %swap3A_202 = vector.shape_cast %mul3A_197 : vector<16xf32> to vector<1x16xf32>
        tpu.vector_store %arg10[%swap3A_198, %swap3A_199], %swap3A_202 {strides = array<i32>} : memref<80x128xf32, #tpu.memory_space<vmem>>, vector<1x16xf32>,
        %get3A_203 = arith.index_cast %add3A_174 : i32 to index
        %get3A_204 = arith.constant 32 : index
        %get3A_205 = tpu.vector_load %arg10[%get3A_203, %get3A_204] {strides = array<i32>} : memref<80x128xf32, #tpu.memory_space<vmem>>, vector<1x16xf32>,
        %get3A_206 = vector.shape_cast %get3A_205 : vector<1x16xf32> to vector<16xf32>
        %get3A_207 = arith.index_cast %add3A_174 : i32 to index
        %get3A_208 = arith.constant 32 : index
        %get3A_209 = tpu.vector_load %arg11[%get3A_207, %get3A_208] {strides = array<i32>} : memref<80x128xf32, #tpu.memory_space<vmem>>, vector<1x16xf32>,
        %get3A_210 = vector.shape_cast %get3A_209 : vector<1x16xf32> to vector<16xf32>
        %mul3A_211 = arith.mulf %get3A_206, %get3A_210 : vector<16xf32>
        %swap3A_212 = arith.index_cast %add3A_174 : i32 to index
        %swap3A_213 = arith.constant 32 : index
        %swap3A_214 = tpu.vector_load %arg10[%swap3A_212, %swap3A_213] {strides = array<i32>} : memref<80x128xf32, #tpu.memory_space<vmem>>, vector<1x16xf32>,
        %swap3A_215 = vector.shape_cast %swap3A_214 : vector<1x16xf32> to vector<16xf32>
        %swap3A_216 = vector.shape_cast %mul3A_211 : vector<16xf32> to vector<1x16xf32>
        tpu.vector_store %arg10[%swap3A_212, %swap3A_213], %swap3A_216 {strides = array<i32>} : memref<80x128xf32, #tpu.memory_space<vmem>>, vector<1x16xf32>,
        %get3A_217 = arith.index_cast %add3A_174 : i32 to index
        %get3A_218 = arith.constant 48 : index
        %get3A_219 = tpu.vector_load %arg10[%get3A_217, %get3A_218] {strides = array<i32>} : memref<80x128xf32, #tpu.memory_space<vmem>>, vector<1x16xf32>,
        %get3A_220 = vector.shape_cast %get3A_219 : vector<1x16xf32> to vector<16xf32>
        %get3A_221 = arith.index_cast %add3A_174 : i32 to index
        %get3A_222 = arith.constant 48 : index
        %get3A_223 = tpu.vector_load %arg11[%get3A_221, %get3A_222] {strides = array<i32>} : memref<80x128xf32, #tpu.memory_space<vmem>>, vector<1x16xf32>,
        %get3A_224 = vector.shape_cast %get3A_223 : vector<1x16xf32> to vector<16xf32>
        %mul3A_225 = arith.mulf %get3A_220, %get3A_224 : vector<16xf32>
        %swap3A_226 = arith.index_cast %add3A_174 : i32 to index
        %swap3A_227 = arith.constant 48 : index
        %swap3A_228 = tpu.vector_load %arg10[%swap3A_226, %swap3A_227] {strides = array<i32>} : memref<80x128xf32, #tpu.memory_space<vmem>>, vector<1x16xf32>,
        %swap3A_229 = vector.shape_cast %swap3A_228 : vector<1x16xf32> to vector<16xf32>
        %swap3A_230 = vector.shape_cast %mul3A_225 : vector<16xf32> to vector<1x16xf32>
        tpu.vector_store %arg10[%swap3A_226, %swap3A_227], %swap3A_230 {strides = array<i32>} : memref<80x128xf32, #tpu.memory_space<vmem>>, vector<1x16xf32>,
        %get3A_231 = arith.index_cast %add3A_174 : i32 to index
        %get3A_232 = arith.constant 64 : index
        %get3A_233 = tpu.vector_load %arg10[%get3A_231, %get3A_232] {strides = array<i32>} : memref<80x128xf32, #tpu.memory_space<vmem>>, vector<1x16xf32>,
        %get3A_234 = vector.shape_cast %get3A_233 : vector<1x16xf32> to vector<16xf32>
        %get3A_235 = arith.index_cast %add3A_174 : i32 to index
        %get3A_236 = arith.constant 64 : index
        %get3A_237 = tpu.vector_load %arg11[%get3A_235, %get3A_236] {strides = array<i32>} : memref<80x128xf32, #tpu.memory_space<vmem>>, vector<1x16xf32>,
        %get3A_238 = vector.shape_cast %get3A_237 : vector<1x16xf32> to vector<16xf32>
        %mul3A_239 = arith.mulf %get3A_234, %get3A_238 : vector<16xf32>
        %swap3A_240 = arith.index_cast %add3A_174 : i32 to index
        %swap3A_241 = arith.constant 64 : index
        %swap3A_242 = tpu.vector_load %arg10[%swap3A_240, %swap3A_241] {strides = array<i32>} : memref<80x128xf32, #tpu.memory_space<vmem>>, vector<1x16xf32>,
        %swap3A_243 = vector.shape_cast %swap3A_242 : vector<1x16xf32> to vector<16xf32>
        %swap3A_244 = vector.shape_cast %mul3A_239 : vector<16xf32> to vector<1x16xf32>
        tpu.vector_store %arg10[%swap3A_240, %swap3A_241], %swap3A_244 {strides = array<i32>} : memref<80x128xf32, #tpu.memory_space<vmem>>, vector<1x16xf32>,
        %get3A_245 = arith.index_cast %add3A_174 : i32 to index
        %get3A_246 = arith.constant 80 : index
        %get3A_247 = tpu.vector_load %arg10[%get3A_245, %get3A_246] {strides = array<i32>} : memref<80x128xf32, #tpu.memory_space<vmem>>, vector<1x16xf32>,
        %get3A_248 = vector.shape_cast %get3A_247 : vector<1x16xf32> to vector<16xf32>
        %get3A_249 = arith.index_cast %add3A_174 : i32 to index
        %get3A_250 = arith.constant 80 : index
        %get3A_251 = tpu.vector_load %arg11[%get3A_249, %get3A_250] {strides = array<i32>} : memref<80x128xf32, #tpu.memory_space<vmem>>, vector<1x16xf32>,
        %get3A_252 = vector.shape_cast %get3A_251 : vector<1x16xf32> to vector<16xf32>
        %mul3A_253 = arith.mulf %get3A_248, %get3A_252 : vector<16xf32>
        %swap3A_254 = arith.index_cast %add3A_174 : i32 to index
        %swap3A_255 = arith.constant 80 : index
        %swap3A_256 = tpu.vector_load %arg10[%swap3A_254, %swap3A_255] {strides = array<i32>} : memref<80x128xf32, #tpu.memory_space<vmem>>, vector<1x16xf32>,
        %swap3A_257 = vector.shape_cast %swap3A_256 : vector<1x16xf32> to vector<16xf32>
        %swap3A_258 = vector.shape_cast %mul3A_253 : vector<16xf32> to vector<1x16xf32>
        tpu.vector_store %arg10[%swap3A_254, %swap3A_255], %swap3A_258 {strides = array<i32>} : memref<80x128xf32, #tpu.memory_space<vmem>>, vector<1x16xf32>,
        %get3A_259 = arith.index_cast %add3A_174 : i32 to index
        %get3A_260 = arith.constant 96 : index
        %get3A_261 = tpu.vector_load %arg10[%get3A_259, %get3A_260] {strides = array<i32>} : memref<80x128xf32, #tpu.memory_space<vmem>>, vector<1x16xf32>,
        %get3A_262 = vector.shape_cast %get3A_261 : vector<1x16xf32> to vector<16xf32>
        %get3A_263 = arith.index_cast %add3A_174 : i32 to index
        %get3A_264 = arith.constant 96 : index
        %get3A_265 = tpu.vector_load %arg11[%get3A_263, %get3A_264] {strides = array<i32>} : memref<80x128xf32, #tpu.memory_space<vmem>>, vector<1x16xf32>,
        %get3A_266 = vector.shape_cast %get3A_265 : vector<1x16xf32> to vector<16xf32>
        %mul3A_267 = arith.mulf %get3A_262, %get3A_266 : vector<16xf32>
        %swap3A_268 = arith.index_cast %add3A_174 : i32 to index
        %swap3A_269 = arith.constant 96 : index
        %swap3A_270 = tpu.vector_load %arg10[%swap3A_268, %swap3A_269] {strides = array<i32>} : memref<80x128xf32, #tpu.memory_space<vmem>>, vector<1x16xf32>,
        %swap3A_271 = vector.shape_cast %swap3A_270 : vector<1x16xf32> to vector<16xf32>
        %swap3A_272 = vector.shape_cast %mul3A_267 : vector<16xf32> to vector<1x16xf32>
        tpu.vector_store %arg10[%swap3A_268, %swap3A_269], %swap3A_272 {strides = array<i32>} : memref<80x128xf32, #tpu.memory_space<vmem>>, vector<1x16xf32>,
        %get3A_273 = arith.index_cast %add3A_174 : i32 to index
        %get3A_274 = arith.constant 112 : index
        %get3A_275 = tpu.vector_load %arg10[%get3A_273, %get3A_274] {strides = array<i32>} : memref<80x128xf32, #tpu.memory_space<vmem>>, vector<1x16xf32>,
        %get3A_276 = vector.shape_cast %get3A_275 : vector<1x16xf32> to vector<16xf32>
        %get3A_277 = arith.index_cast %add3A_174 : i32 to index
        %get3A_278 = arith.constant 112 : index
        %get3A_279 = tpu.vector_load %arg11[%get3A_277, %get3A_278] {strides = array<i32>} : memref<80x128xf32, #tpu.memory_space<vmem>>, vector<1x16xf32>,
        %get3A_280 = vector.shape_cast %get3A_279 : vector<1x16xf32> to vector<16xf32>
        %mul3A_281 = arith.mulf %get3A_276, %get3A_280 : vector<16xf32>
        %swap3A_282 = arith.index_cast %add3A_174 : i32 to index
        %swap3A_283 = arith.constant 112 : index
        %swap3A_284 = tpu.vector_load %arg10[%swap3A_282, %swap3A_283] {strides = array<i32>} : memref<80x128xf32, #tpu.memory_space<vmem>>, vector<1x16xf32>,
        %swap3A_285 = vector.shape_cast %swap3A_284 : vector<1x16xf32> to vector<16xf32>
        %swap3A_286 = vector.shape_cast %mul3A_281 : vector<16xf32> to vector<1x16xf32>
        tpu.vector_store %arg10[%swap3A_282, %swap3A_283], %swap3A_286 {strides = array<i32>} : memref<80x128xf32, #tpu.memory_space<vmem>>, vector<1x16xf32>,
        %scan3A_287 = arith.constant 0 : i32
        scf.yield %scan3A_287 : i32
      }
      %scan3A_52 = arith.constant 40 : i32
      %run_scoped3A_53 = arith.constant 0 : i32
      "tpu.region"() ({
        %run_scoped3A_55 = tpu.sem_alloc : memref<!tpu.dma_semaphore, #tpu.memory_space<semaphore_mem>>
        %dma_start3A_56 = arith.constant 0 : i32
        %dma_start3A_57 = tpu.memref_slice %arg9[%run_scoped3A_53, %dma_start3A_56] : memref<1x80xi32, #tpu.memory_space<vmem>> -> memref<1x80xi32, #tpu.memory_space<vmem>>
        %dma_start3A_58 = tpu.memref_squeeze %dma_start3A_57 : memref<1x80xi32, #tpu.memory_space<vmem>> -> memref<80xi32, #tpu.memory_space<vmem>>
        %dma_start3A_59 = arith.constant 0 : i32
        %dma_start3A_60 = arith.constant 0 : i32
        %dma_start3A_61 = tpu.memref_slice %arg12[%dma_start3A_59, %dma_start3A_60] : memref<10000x128xf32, #tpu.memory_space<vmem_shared>> -> memref<10000x128xf32, #tpu.memory_space<vmem_shared>>
        tpu.enqueue_indirect_dma source(%arg10 : memref<80x128xf32, #tpu.memory_space<vmem>>) target(%dma_start3A_61 : memref<10000x128xf32, #tpu.memory_space<vmem_shared>>) offsets(%dma_start3A_58 : memref<80xi32, #tpu.memory_space<vmem>>) semaphore(%run_scoped3A_55 : memref<!tpu.dma_semaphore, #tpu.memory_space<semaphore_mem>>) {add = true}
        %dma_wait3A_62 = arith.constant 0 : i32
        %dma_wait3A_63 = tpu.memref_slice %arg9[%run_scoped3A_53, %dma_wait3A_62] : memref<1x80xi32, #tpu.memory_space<vmem>> -> memref<1x80xi32, #tpu.memory_space<vmem>>
        %dma_wait3A_64 = tpu.memref_squeeze %dma_wait3A_63 : memref<1x80xi32, #tpu.memory_space<vmem>> -> memref<80xi32, #tpu.memory_space<vmem>>
        %dma_wait3A_65 = arith.constant 0 : i32
        %dma_wait3A_66 = arith.constant 0 : i32
        %dma_wait3A_67 = tpu.memref_slice %arg12[%dma_wait3A_65, %dma_wait3A_66] : memref<10000x128xf32, #tpu.memory_space<vmem_shared>> -> memref<10000x128xf32, #tpu.memory_space<vmem_shared>>
        tpu.wait_indirect_dma semaphore(%run_scoped3A_55 : memref<!tpu.dma_semaphore, #tpu.memory_space<semaphore_mem>>) src(%arg10 : memref<80x128xf32, #tpu.memory_space<vmem>>) dst(%dma_wait3A_67 : memref<10000x128xf32, #tpu.memory_space<vmem_shared>>)
        tpu.yield
      }) : () -> ()
      %scan3A_54 = arith.constant 0 : i32
      scf.yield %scan3A_54 : i32
    }
    %scan3A_8 = arith.constant 125 : i32
    %barrier3A_9 = arith.constant 0 : index
    tpu.barrier barrier_id(%barrier3A_9)
    %eq3A_10 = arith.constant 0 : i32
    %eq3A_11 = arith.cmpi eq, %arg1, %eq3A_10 : i32
    %convert_element_type3A_12 = arith.extui %eq3A_11 : i1 to i32
    %cond3A_13 = arith.constant 0 : i32
    %cond3A_14 = arith.cmpi ne, %convert_element_type3A_12, %cond3A_13 : i32
    scf.if %cond3A_14 {
      "tpu.region"() ({
        %run_scoped3A = tpu.sem_alloc : memref<!tpu.dma_semaphore, #tpu.memory_space<semaphore_mem>>
        %dma_start3A = arith.constant 0 : i32
        %dma_start3A_15 = arith.constant 0 : i32
        %dma_start3A_16 = tpu.memref_slice %arg7[%arg0, %dma_start3A, %dma_start3A_15] : memref<2x10000x128xf32, #tpu.memory_space<hbm>> -> memref<1x10000x128xf32, #tpu.memory_space<hbm>>
        %dma_start3A_17 = tpu.memref_squeeze %dma_start3A_16 : memref<1x10000x128xf32, #tpu.memory_space<hbm>> -> memref<10000x128xf32, #tpu.memory_space<hbm>>
        tpu.enqueue_dma source(%arg12 : memref<10000x128xf32, #tpu.memory_space<vmem_shared>>) target(%dma_start3A_17 : memref<10000x128xf32, #tpu.memory_space<hbm>>) target_semaphore(%run_scoped3A : memref<!tpu.dma_semaphore, #tpu.memory_space<semaphore_mem>>)
        %dma_wait3A = arith.constant 0 : i32
        %dma_wait3A_18 = arith.constant 0 : i32
        %dma_wait3A_19 = tpu.memref_slice %arg7[%arg0, %dma_wait3A, %dma_wait3A_18] : memref<2x10000x128xf32, #tpu.memory_space<hbm>> -> memref<1x10000x128xf32, #tpu.memory_space<hbm>>
        %dma_wait3A_20 = tpu.memref_squeeze %dma_wait3A_19 : memref<1x10000x128xf32, #tpu.memory_space<hbm>> -> memref<10000x128xf32, #tpu.memory_space<hbm>>
        tpu.wait_dma2 semaphore(%run_scoped3A : memref<!tpu.dma_semaphore, #tpu.memory_space<semaphore_mem>>) src(%arg12 : memref<10000x128xf32, #tpu.memory_space<vmem_shared>>) dst(%dma_wait3A_20 : memref<10000x128xf32, #tpu.memory_space<hbm>>)
        tpu.yield
      }) : () -> ()
    } else {
    }
    return
  }
}

#map = affine_map<(d0, d1) -> (0, 0)>
#map1 = affine_map<(d0, d1) -> (0, 0, 0)>
#map2 = affine_map<(d0, d1) -> (0, 0, 0, 0)>
module attributes {stable_mosaic.version = 14 : i64} {
  func.func @_sc_bwd1(%arg0: i32, %arg1: i32, %arg2: memref<10000x128xf32, #tpu.memory_space<hbm>>, %arg3: memref<10000x128xf32, #tpu.memory_space<hbm>>, %arg4: memref<32x125x80xi32, #tpu.memory_space<hbm>>, %arg5: memref<32x125x80xi32, #tpu.memory_space<hbm>>, %arg6: memref<32x125x80x128xf32, #tpu.memory_space<hbm>>, %arg7: memref<125x80xi32, #tpu.memory_space<vmem>>, %arg8: memref<125x80xi32, #tpu.memory_space<vmem>>, %arg9: memref<80x128xf32, #tpu.memory_space<vmem>>, %arg10: memref<80x128xf32, #tpu.memory_space<vmem>>, %arg11: memref<80x128xf32, #tpu.memory_space<vmem>>, %arg12: memref<!tpu.dma_semaphore, #tpu.memory_space<semaphore_mem>>, %arg13: memref<!tpu.dma_semaphore, #tpu.memory_space<semaphore_mem>>) attributes {dimension_semantics = [#tpu.dimension_semantics<core_parallel>, #tpu.dimension_semantics<subcore_parallel>], iteration_bounds = array<i64: 2, 16>, scalar_prefetch = 0 : i64, scratch_operands = 7 : i64, tpu.core_type = #tpu.core_type<sc_vector_subcore>, window_params = [{transform_indices = #map}, {transform_indices = #map}, {transform_indices = #map1}, {transform_indices = #map1}, {transform_indices = #map2}]} {
    %mul3A = arith.constant 2 : i32
    %mul3A_0 = arith.muli %arg1, %mul3A : i32
    %add3A = arith.addi %mul3A_0, %arg0 : i32
    "tpu.region"() ({
      %run_scoped3A = tpu.sem_alloc : memref<!tpu.dma_semaphore, #tpu.memory_space<semaphore_mem>>
      %dma_start3A = arith.constant 0 : i32
      %dma_start3A_7 = arith.constant 0 : i32
      %dma_start3A_8 = tpu.memref_slice %arg4[%add3A, %dma_start3A, %dma_start3A_7] : memref<32x125x80xi32, #tpu.memory_space<hbm>> -> memref<1x125x80xi32, #tpu.memory_space<hbm>>
      %dma_start3A_9 = tpu.memref_squeeze %dma_start3A_8 : memref<1x125x80xi32, #tpu.memory_space<hbm>> -> memref<125x80xi32, #tpu.memory_space<hbm>>
      %dma_start3A_10 = arith.constant 0 : i32
      %dma_start3A_11 = arith.constant 0 : i32
      %dma_start3A_12 = tpu.memref_slice %arg4[%add3A, %dma_start3A_10, %dma_start3A_11] : memref<32x125x80xi32, #tpu.memory_space<hbm>> -> memref<1x125x80xi32, #tpu.memory_space<hbm>>
      %dma_start3A_13 = tpu.memref_squeeze %dma_start3A_12 : memref<1x125x80xi32, #tpu.memory_space<hbm>> -> memref<125x80xi32, #tpu.memory_space<hbm>>
      tpu.enqueue_dma source(%dma_start3A_13 : memref<125x80xi32, #tpu.memory_space<hbm>>) target(%arg7 : memref<125x80xi32, #tpu.memory_space<vmem>>) target_semaphore(%run_scoped3A : memref<!tpu.dma_semaphore, #tpu.memory_space<semaphore_mem>>)
      %dma_wait3A = arith.constant 0 : i32
      %dma_wait3A_14 = arith.constant 0 : i32
      %dma_wait3A_15 = tpu.memref_slice %arg4[%add3A, %dma_wait3A, %dma_wait3A_14] : memref<32x125x80xi32, #tpu.memory_space<hbm>> -> memref<1x125x80xi32, #tpu.memory_space<hbm>>
      %dma_wait3A_16 = tpu.memref_squeeze %dma_wait3A_15 : memref<1x125x80xi32, #tpu.memory_space<hbm>> -> memref<125x80xi32, #tpu.memory_space<hbm>>
      %dma_wait3A_17 = arith.constant 0 : i32
      %dma_wait3A_18 = arith.constant 0 : i32
      %dma_wait3A_19 = tpu.memref_slice %arg4[%add3A, %dma_wait3A_17, %dma_wait3A_18] : memref<32x125x80xi32, #tpu.memory_space<hbm>> -> memref<1x125x80xi32, #tpu.memory_space<hbm>>
      %dma_wait3A_20 = tpu.memref_squeeze %dma_wait3A_19 : memref<1x125x80xi32, #tpu.memory_space<hbm>> -> memref<125x80xi32, #tpu.memory_space<hbm>>
      tpu.wait_dma2 semaphore(%run_scoped3A : memref<!tpu.dma_semaphore, #tpu.memory_space<semaphore_mem>>) src(%dma_wait3A_20 : memref<125x80xi32, #tpu.memory_space<hbm>>) dst(%arg7 : memref<125x80xi32, #tpu.memory_space<vmem>>)
      tpu.yield
    }) : () -> ()
    "tpu.region"() ({
      %run_scoped3A = tpu.sem_alloc : memref<!tpu.dma_semaphore, #tpu.memory_space<semaphore_mem>>
      %dma_start3A = arith.constant 0 : i32
      %dma_start3A_7 = arith.constant 0 : i32
      %dma_start3A_8 = tpu.memref_slice %arg5[%add3A, %dma_start3A, %dma_start3A_7] : memref<32x125x80xi32, #tpu.memory_space<hbm>> -> memref<1x125x80xi32, #tpu.memory_space<hbm>>
      %dma_start3A_9 = tpu.memref_squeeze %dma_start3A_8 : memref<1x125x80xi32, #tpu.memory_space<hbm>> -> memref<125x80xi32, #tpu.memory_space<hbm>>
      %dma_start3A_10 = arith.constant 0 : i32
      %dma_start3A_11 = arith.constant 0 : i32
      %dma_start3A_12 = tpu.memref_slice %arg5[%add3A, %dma_start3A_10, %dma_start3A_11] : memref<32x125x80xi32, #tpu.memory_space<hbm>> -> memref<1x125x80xi32, #tpu.memory_space<hbm>>
      %dma_start3A_13 = tpu.memref_squeeze %dma_start3A_12 : memref<1x125x80xi32, #tpu.memory_space<hbm>> -> memref<125x80xi32, #tpu.memory_space<hbm>>
      tpu.enqueue_dma source(%dma_start3A_13 : memref<125x80xi32, #tpu.memory_space<hbm>>) target(%arg8 : memref<125x80xi32, #tpu.memory_space<vmem>>) target_semaphore(%run_scoped3A : memref<!tpu.dma_semaphore, #tpu.memory_space<semaphore_mem>>)
      %dma_wait3A = arith.constant 0 : i32
      %dma_wait3A_14 = arith.constant 0 : i32
      %dma_wait3A_15 = tpu.memref_slice %arg5[%add3A, %dma_wait3A, %dma_wait3A_14] : memref<32x125x80xi32, #tpu.memory_space<hbm>> -> memref<1x125x80xi32, #tpu.memory_space<hbm>>
      %dma_wait3A_16 = tpu.memref_squeeze %dma_wait3A_15 : memref<1x125x80xi32, #tpu.memory_space<hbm>> -> memref<125x80xi32, #tpu.memory_space<hbm>>
      %dma_wait3A_17 = arith.constant 0 : i32
      %dma_wait3A_18 = arith.constant 0 : i32
      %dma_wait3A_19 = tpu.memref_slice %arg5[%add3A, %dma_wait3A_17, %dma_wait3A_18] : memref<32x125x80xi32, #tpu.memory_space<hbm>> -> memref<1x125x80xi32, #tpu.memory_space<hbm>>
      %dma_wait3A_20 = tpu.memref_squeeze %dma_wait3A_19 : memref<1x125x80xi32, #tpu.memory_space<hbm>> -> memref<125x80xi32, #tpu.memory_space<hbm>>
      tpu.wait_dma2 semaphore(%run_scoped3A : memref<!tpu.dma_semaphore, #tpu.memory_space<semaphore_mem>>) src(%dma_wait3A_20 : memref<125x80xi32, #tpu.memory_space<hbm>>) dst(%arg8 : memref<125x80xi32, #tpu.memory_space<vmem>>)
      tpu.yield
    }) : () -> ()
    %scan3A = arith.constant 0 : i32
    %scan3A_1 = arith.constant 0 : i32
    %scan3A_2 = arith.constant 125 : i32
    %scan3A_3 = arith.addi %scan3A_1, %scan3A_2 : i32
    %scan3A_4 = arith.constant 1 : i32
    %scan3A_5 = scf.for %scan3A_7 = %scan3A_1 to %scan3A_3 step %scan3A_4 iter_args(%scan3A_8 = %scan3A) -> (i32)  : i32 {
      %dma_start3A = arith.constant 0 : i32
      %dma_start3A_9 = tpu.memref_slice %arg7[%scan3A_7, %dma_start3A] : memref<125x80xi32, #tpu.memory_space<vmem>> -> memref<1x80xi32, #tpu.memory_space<vmem>>
      %dma_start3A_10 = tpu.memref_squeeze %dma_start3A_9 : memref<1x80xi32, #tpu.memory_space<vmem>> -> memref<80xi32, #tpu.memory_space<vmem>>
      %dma_start3A_11 = arith.constant 0 : i32
      %dma_start3A_12 = arith.constant 0 : i32
      %dma_start3A_13 = tpu.memref_slice %arg2[%dma_start3A_11, %dma_start3A_12] : memref<10000x128xf32, #tpu.memory_space<hbm>> -> memref<10000x128xf32, #tpu.memory_space<hbm>>
      tpu.enqueue_indirect_dma source(%dma_start3A_13 : memref<10000x128xf32, #tpu.memory_space<hbm>>) target(%arg9 : memref<80x128xf32, #tpu.memory_space<vmem>>) offsets(%dma_start3A_10 : memref<80xi32, #tpu.memory_space<vmem>>) semaphore(%arg12 : memref<!tpu.dma_semaphore, #tpu.memory_space<semaphore_mem>>)
      %dma_start3A_14 = arith.constant 0 : i32
      %dma_start3A_15 = tpu.memref_slice %arg8[%scan3A_7, %dma_start3A_14] : memref<125x80xi32, #tpu.memory_space<vmem>> -> memref<1x80xi32, #tpu.memory_space<vmem>>
      %dma_start3A_16 = tpu.memref_squeeze %dma_start3A_15 : memref<1x80xi32, #tpu.memory_space<vmem>> -> memref<80xi32, #tpu.memory_space<vmem>>
      %dma_start3A_17 = arith.constant 0 : i32
      %dma_start3A_18 = arith.constant 0 : i32
      %dma_start3A_19 = tpu.memref_slice %arg3[%dma_start3A_17, %dma_start3A_18] : memref<10000x128xf32, #tpu.memory_space<hbm>> -> memref<10000x128xf32, #tpu.memory_space<hbm>>
      tpu.enqueue_indirect_dma source(%dma_start3A_19 : memref<10000x128xf32, #tpu.memory_space<hbm>>) target(%arg10 : memref<80x128xf32, #tpu.memory_space<vmem>>) offsets(%dma_start3A_16 : memref<80xi32, #tpu.memory_space<vmem>>) semaphore(%arg13 : memref<!tpu.dma_semaphore, #tpu.memory_space<semaphore_mem>>)
      %dma_wait3A = arith.constant 0 : i32
      %dma_wait3A_20 = tpu.memref_slice %arg7[%scan3A_7, %dma_wait3A] : memref<125x80xi32, #tpu.memory_space<vmem>> -> memref<1x80xi32, #tpu.memory_space<vmem>>
      %dma_wait3A_21 = tpu.memref_squeeze %dma_wait3A_20 : memref<1x80xi32, #tpu.memory_space<vmem>> -> memref<80xi32, #tpu.memory_space<vmem>>
      %dma_wait3A_22 = arith.constant 0 : i32
      %dma_wait3A_23 = arith.constant 0 : i32
      %dma_wait3A_24 = tpu.memref_slice %arg2[%dma_wait3A_22, %dma_wait3A_23] : memref<10000x128xf32, #tpu.memory_space<hbm>> -> memref<10000x128xf32, #tpu.memory_space<hbm>>
      tpu.wait_indirect_dma semaphore(%arg12 : memref<!tpu.dma_semaphore, #tpu.memory_space<semaphore_mem>>) src(%dma_wait3A_24 : memref<10000x128xf32, #tpu.memory_space<hbm>>) dst(%arg9 : memref<80x128xf32, #tpu.memory_space<vmem>>)
      %dma_wait3A_25 = arith.constant 0 : i32
      %dma_wait3A_26 = tpu.memref_slice %arg8[%scan3A_7, %dma_wait3A_25] : memref<125x80xi32, #tpu.memory_space<vmem>> -> memref<1x80xi32, #tpu.memory_space<vmem>>
      %dma_wait3A_27 = tpu.memref_squeeze %dma_wait3A_26 : memref<1x80xi32, #tpu.memory_space<vmem>> -> memref<80xi32, #tpu.memory_space<vmem>>
      %dma_wait3A_28 = arith.constant 0 : i32
      %dma_wait3A_29 = arith.constant 0 : i32
      %dma_wait3A_30 = tpu.memref_slice %arg3[%dma_wait3A_28, %dma_wait3A_29] : memref<10000x128xf32, #tpu.memory_space<hbm>> -> memref<10000x128xf32, #tpu.memory_space<hbm>>
      tpu.wait_indirect_dma semaphore(%arg13 : memref<!tpu.dma_semaphore, #tpu.memory_space<semaphore_mem>>) src(%dma_wait3A_30 : memref<10000x128xf32, #tpu.memory_space<hbm>>) dst(%arg10 : memref<80x128xf32, #tpu.memory_space<vmem>>)
      %scan3A_31 = arith.constant 0 : i32
      %scan3A_32 = arith.constant 0 : i32
      %scan3A_33 = arith.constant 40 : i32
      %scan3A_34 = arith.addi %scan3A_32, %scan3A_33 : i32
      %scan3A_35 = arith.constant 1 : i32
      %scan3A_36 = scf.for %scan3A_39 = %scan3A_32 to %scan3A_34 step %scan3A_35 iter_args(%scan3A_40 = %scan3A_31) -> (i32)  : i32 {
        %mul3A_41 = arith.constant 2 : i32
        %mul3A_42 = arith.muli %scan3A_39, %mul3A_41 : i32
        %add3A_43 = arith.constant 0 : i32
        %add3A_44 = arith.addi %mul3A_42, %add3A_43 : i32
        %get3A = arith.index_cast %add3A_44 : i32 to index
        %get3A_45 = arith.constant 0 : index
        %get3A_46 = tpu.vector_load %arg10[%get3A, %get3A_45] {strides = array<i32>} : memref<80x128xf32, #tpu.memory_space<vmem>>, vector<1x16xf32>,
        %get3A_47 = vector.shape_cast %get3A_46 : vector<1x16xf32> to vector<16xf32>
        %get3A_48 = arith.index_cast %add3A_44 : i32 to index
        %get3A_49 = arith.constant 0 : index
        %get3A_50 = tpu.vector_load %arg9[%get3A_48, %get3A_49] {strides = array<i32>} : memref<80x128xf32, #tpu.memory_space<vmem>>, vector<1x16xf32>,
        %get3A_51 = vector.shape_cast %get3A_50 : vector<1x16xf32> to vector<16xf32>
        %mul3A_52 = arith.mulf %get3A_47, %get3A_51 : vector<16xf32>
        %swap3A = arith.index_cast %add3A_44 : i32 to index
        %swap3A_53 = arith.constant 0 : index
        %swap3A_54 = tpu.vector_load %arg11[%swap3A, %swap3A_53] {strides = array<i32>} : memref<80x128xf32, #tpu.memory_space<vmem>>, vector<1x16xf32>,
        %swap3A_55 = vector.shape_cast %swap3A_54 : vector<1x16xf32> to vector<16xf32>
        %swap3A_56 = vector.shape_cast %mul3A_52 : vector<16xf32> to vector<1x16xf32>
        tpu.vector_store %arg11[%swap3A, %swap3A_53], %swap3A_56 {strides = array<i32>} : memref<80x128xf32, #tpu.memory_space<vmem>>, vector<1x16xf32>,
        %get3A_57 = arith.index_cast %add3A_44 : i32 to index
        %get3A_58 = arith.constant 16 : index
        %get3A_59 = tpu.vector_load %arg10[%get3A_57, %get3A_58] {strides = array<i32>} : memref<80x128xf32, #tpu.memory_space<vmem>>, vector<1x16xf32>,
        %get3A_60 = vector.shape_cast %get3A_59 : vector<1x16xf32> to vector<16xf32>
        %get3A_61 = arith.index_cast %add3A_44 : i32 to index
        %get3A_62 = arith.constant 16 : index
        %get3A_63 = tpu.vector_load %arg9[%get3A_61, %get3A_62] {strides = array<i32>} : memref<80x128xf32, #tpu.memory_space<vmem>>, vector<1x16xf32>,
        %get3A_64 = vector.shape_cast %get3A_63 : vector<1x16xf32> to vector<16xf32>
        %mul3A_65 = arith.mulf %get3A_60, %get3A_64 : vector<16xf32>
        %swap3A_66 = arith.index_cast %add3A_44 : i32 to index
        %swap3A_67 = arith.constant 16 : index
        %swap3A_68 = tpu.vector_load %arg11[%swap3A_66, %swap3A_67] {strides = array<i32>} : memref<80x128xf32, #tpu.memory_space<vmem>>, vector<1x16xf32>,
        %swap3A_69 = vector.shape_cast %swap3A_68 : vector<1x16xf32> to vector<16xf32>
        %swap3A_70 = vector.shape_cast %mul3A_65 : vector<16xf32> to vector<1x16xf32>
        tpu.vector_store %arg11[%swap3A_66, %swap3A_67], %swap3A_70 {strides = array<i32>} : memref<80x128xf32, #tpu.memory_space<vmem>>, vector<1x16xf32>,
        %get3A_71 = arith.index_cast %add3A_44 : i32 to index
        %get3A_72 = arith.constant 32 : index
        %get3A_73 = tpu.vector_load %arg10[%get3A_71, %get3A_72] {strides = array<i32>} : memref<80x128xf32, #tpu.memory_space<vmem>>, vector<1x16xf32>,
        %get3A_74 = vector.shape_cast %get3A_73 : vector<1x16xf32> to vector<16xf32>
        %get3A_75 = arith.index_cast %add3A_44 : i32 to index
        %get3A_76 = arith.constant 32 : index
        %get3A_77 = tpu.vector_load %arg9[%get3A_75, %get3A_76] {strides = array<i32>} : memref<80x128xf32, #tpu.memory_space<vmem>>, vector<1x16xf32>,
        %get3A_78 = vector.shape_cast %get3A_77 : vector<1x16xf32> to vector<16xf32>
        %mul3A_79 = arith.mulf %get3A_74, %get3A_78 : vector<16xf32>
        %swap3A_80 = arith.index_cast %add3A_44 : i32 to index
        %swap3A_81 = arith.constant 32 : index
        %swap3A_82 = tpu.vector_load %arg11[%swap3A_80, %swap3A_81] {strides = array<i32>} : memref<80x128xf32, #tpu.memory_space<vmem>>, vector<1x16xf32>,
        %swap3A_83 = vector.shape_cast %swap3A_82 : vector<1x16xf32> to vector<16xf32>
        %swap3A_84 = vector.shape_cast %mul3A_79 : vector<16xf32> to vector<1x16xf32>
        tpu.vector_store %arg11[%swap3A_80, %swap3A_81], %swap3A_84 {strides = array<i32>} : memref<80x128xf32, #tpu.memory_space<vmem>>, vector<1x16xf32>,
        %get3A_85 = arith.index_cast %add3A_44 : i32 to index
        %get3A_86 = arith.constant 48 : index
        %get3A_87 = tpu.vector_load %arg10[%get3A_85, %get3A_86] {strides = array<i32>} : memref<80x128xf32, #tpu.memory_space<vmem>>, vector<1x16xf32>,
        %get3A_88 = vector.shape_cast %get3A_87 : vector<1x16xf32> to vector<16xf32>
        %get3A_89 = arith.index_cast %add3A_44 : i32 to index
        %get3A_90 = arith.constant 48 : index
        %get3A_91 = tpu.vector_load %arg9[%get3A_89, %get3A_90] {strides = array<i32>} : memref<80x128xf32, #tpu.memory_space<vmem>>, vector<1x16xf32>,
        %get3A_92 = vector.shape_cast %get3A_91 : vector<1x16xf32> to vector<16xf32>
        %mul3A_93 = arith.mulf %get3A_88, %get3A_92 : vector<16xf32>
        %swap3A_94 = arith.index_cast %add3A_44 : i32 to index
        %swap3A_95 = arith.constant 48 : index
        %swap3A_96 = tpu.vector_load %arg11[%swap3A_94, %swap3A_95] {strides = array<i32>} : memref<80x128xf32, #tpu.memory_space<vmem>>, vector<1x16xf32>,
        %swap3A_97 = vector.shape_cast %swap3A_96 : vector<1x16xf32> to vector<16xf32>
        %swap3A_98 = vector.shape_cast %mul3A_93 : vector<16xf32> to vector<1x16xf32>
        tpu.vector_store %arg11[%swap3A_94, %swap3A_95], %swap3A_98 {strides = array<i32>} : memref<80x128xf32, #tpu.memory_space<vmem>>, vector<1x16xf32>,
        %get3A_99 = arith.index_cast %add3A_44 : i32 to index
        %get3A_100 = arith.constant 64 : index
        %get3A_101 = tpu.vector_load %arg10[%get3A_99, %get3A_100] {strides = array<i32>} : memref<80x128xf32, #tpu.memory_space<vmem>>, vector<1x16xf32>,
        %get3A_102 = vector.shape_cast %get3A_101 : vector<1x16xf32> to vector<16xf32>
        %get3A_103 = arith.index_cast %add3A_44 : i32 to index
        %get3A_104 = arith.constant 64 : index
        %get3A_105 = tpu.vector_load %arg9[%get3A_103, %get3A_104] {strides = array<i32>} : memref<80x128xf32, #tpu.memory_space<vmem>>, vector<1x16xf32>,
        %get3A_106 = vector.shape_cast %get3A_105 : vector<1x16xf32> to vector<16xf32>
        %mul3A_107 = arith.mulf %get3A_102, %get3A_106 : vector<16xf32>
        %swap3A_108 = arith.index_cast %add3A_44 : i32 to index
        %swap3A_109 = arith.constant 64 : index
        %swap3A_110 = tpu.vector_load %arg11[%swap3A_108, %swap3A_109] {strides = array<i32>} : memref<80x128xf32, #tpu.memory_space<vmem>>, vector<1x16xf32>,
        %swap3A_111 = vector.shape_cast %swap3A_110 : vector<1x16xf32> to vector<16xf32>
        %swap3A_112 = vector.shape_cast %mul3A_107 : vector<16xf32> to vector<1x16xf32>
        tpu.vector_store %arg11[%swap3A_108, %swap3A_109], %swap3A_112 {strides = array<i32>} : memref<80x128xf32, #tpu.memory_space<vmem>>, vector<1x16xf32>,
        %get3A_113 = arith.index_cast %add3A_44 : i32 to index
        %get3A_114 = arith.constant 80 : index
        %get3A_115 = tpu.vector_load %arg10[%get3A_113, %get3A_114] {strides = array<i32>} : memref<80x128xf32, #tpu.memory_space<vmem>>, vector<1x16xf32>,
        %get3A_116 = vector.shape_cast %get3A_115 : vector<1x16xf32> to vector<16xf32>
        %get3A_117 = arith.index_cast %add3A_44 : i32 to index
        %get3A_118 = arith.constant 80 : index
        %get3A_119 = tpu.vector_load %arg9[%get3A_117, %get3A_118] {strides = array<i32>} : memref<80x128xf32, #tpu.memory_space<vmem>>, vector<1x16xf32>,
        %get3A_120 = vector.shape_cast %get3A_119 : vector<1x16xf32> to vector<16xf32>
        %mul3A_121 = arith.mulf %get3A_116, %get3A_120 : vector<16xf32>
        %swap3A_122 = arith.index_cast %add3A_44 : i32 to index
        %swap3A_123 = arith.constant 80 : index
        %swap3A_124 = tpu.vector_load %arg11[%swap3A_122, %swap3A_123] {strides = array<i32>} : memref<80x128xf32, #tpu.memory_space<vmem>>, vector<1x16xf32>,
        %swap3A_125 = vector.shape_cast %swap3A_124 : vector<1x16xf32> to vector<16xf32>
        %swap3A_126 = vector.shape_cast %mul3A_121 : vector<16xf32> to vector<1x16xf32>
        tpu.vector_store %arg11[%swap3A_122, %swap3A_123], %swap3A_126 {strides = array<i32>} : memref<80x128xf32, #tpu.memory_space<vmem>>, vector<1x16xf32>,
        %get3A_127 = arith.index_cast %add3A_44 : i32 to index
        %get3A_128 = arith.constant 96 : index
        %get3A_129 = tpu.vector_load %arg10[%get3A_127, %get3A_128] {strides = array<i32>} : memref<80x128xf32, #tpu.memory_space<vmem>>, vector<1x16xf32>,
        %get3A_130 = vector.shape_cast %get3A_129 : vector<1x16xf32> to vector<16xf32>
        %get3A_131 = arith.index_cast %add3A_44 : i32 to index
        %get3A_132 = arith.constant 96 : index
        %get3A_133 = tpu.vector_load %arg9[%get3A_131, %get3A_132] {strides = array<i32>} : memref<80x128xf32, #tpu.memory_space<vmem>>, vector<1x16xf32>,
        %get3A_134 = vector.shape_cast %get3A_133 : vector<1x16xf32> to vector<16xf32>
        %mul3A_135 = arith.mulf %get3A_130, %get3A_134 : vector<16xf32>
        %swap3A_136 = arith.index_cast %add3A_44 : i32 to index
        %swap3A_137 = arith.constant 96 : index
        %swap3A_138 = tpu.vector_load %arg11[%swap3A_136, %swap3A_137] {strides = array<i32>} : memref<80x128xf32, #tpu.memory_space<vmem>>, vector<1x16xf32>,
        %swap3A_139 = vector.shape_cast %swap3A_138 : vector<1x16xf32> to vector<16xf32>
        %swap3A_140 = vector.shape_cast %mul3A_135 : vector<16xf32> to vector<1x16xf32>
        tpu.vector_store %arg11[%swap3A_136, %swap3A_137], %swap3A_140 {strides = array<i32>} : memref<80x128xf32, #tpu.memory_space<vmem>>, vector<1x16xf32>,
        %get3A_141 = arith.index_cast %add3A_44 : i32 to index
        %get3A_142 = arith.constant 112 : index
        %get3A_143 = tpu.vector_load %arg10[%get3A_141, %get3A_142] {strides = array<i32>} : memref<80x128xf32, #tpu.memory_space<vmem>>, vector<1x16xf32>,
        %get3A_144 = vector.shape_cast %get3A_143 : vector<1x16xf32> to vector<16xf32>
        %get3A_145 = arith.index_cast %add3A_44 : i32 to index
        %get3A_146 = arith.constant 112 : index
        %get3A_147 = tpu.vector_load %arg9[%get3A_145, %get3A_146] {strides = array<i32>} : memref<80x128xf32, #tpu.memory_space<vmem>>, vector<1x16xf32>,
        %get3A_148 = vector.shape_cast %get3A_147 : vector<1x16xf32> to vector<16xf32>
        %mul3A_149 = arith.mulf %get3A_144, %get3A_148 : vector<16xf32>
        %swap3A_150 = arith.index_cast %add3A_44 : i32 to index
        %swap3A_151 = arith.constant 112 : index
        %swap3A_152 = tpu.vector_load %arg11[%swap3A_150, %swap3A_151] {strides = array<i32>} : memref<80x128xf32, #tpu.memory_space<vmem>>, vector<1x16xf32>,
        %swap3A_153 = vector.shape_cast %swap3A_152 : vector<1x16xf32> to vector<16xf32>
        %swap3A_154 = vector.shape_cast %mul3A_149 : vector<16xf32> to vector<1x16xf32>
        tpu.vector_store %arg11[%swap3A_150, %swap3A_151], %swap3A_154 {strides = array<i32>} : memref<80x128xf32, #tpu.memory_space<vmem>>, vector<1x16xf32>,
        %mul3A_155 = arith.constant 2 : i32
        %mul3A_156 = arith.muli %scan3A_39, %mul3A_155 : i32
        %add3A_157 = arith.constant 1 : i32
        %add3A_158 = arith.addi %mul3A_156, %add3A_157 : i32
        %get3A_159 = arith.index_cast %add3A_158 : i32 to index
        %get3A_160 = arith.constant 0 : index
        %get3A_161 = tpu.vector_load %arg10[%get3A_159, %get3A_160] {strides = array<i32>} : memref<80x128xf32, #tpu.memory_space<vmem>>, vector<1x16xf32>,
        %get3A_162 = vector.shape_cast %get3A_161 : vector<1x16xf32> to vector<16xf32>
        %get3A_163 = arith.index_cast %add3A_158 : i32 to index
        %get3A_164 = arith.constant 0 : index
        %get3A_165 = tpu.vector_load %arg9[%get3A_163, %get3A_164] {strides = array<i32>} : memref<80x128xf32, #tpu.memory_space<vmem>>, vector<1x16xf32>,
        %get3A_166 = vector.shape_cast %get3A_165 : vector<1x16xf32> to vector<16xf32>
        %mul3A_167 = arith.mulf %get3A_162, %get3A_166 : vector<16xf32>
        %swap3A_168 = arith.index_cast %add3A_158 : i32 to index
        %swap3A_169 = arith.constant 0 : index
        %swap3A_170 = tpu.vector_load %arg11[%swap3A_168, %swap3A_169] {strides = array<i32>} : memref<80x128xf32, #tpu.memory_space<vmem>>, vector<1x16xf32>,
        %swap3A_171 = vector.shape_cast %swap3A_170 : vector<1x16xf32> to vector<16xf32>
        %swap3A_172 = vector.shape_cast %mul3A_167 : vector<16xf32> to vector<1x16xf32>
        tpu.vector_store %arg11[%swap3A_168, %swap3A_169], %swap3A_172 {strides = array<i32>} : memref<80x128xf32, #tpu.memory_space<vmem>>, vector<1x16xf32>,
        %get3A_173 = arith.index_cast %add3A_158 : i32 to index
        %get3A_174 = arith.constant 16 : index
        %get3A_175 = tpu.vector_load %arg10[%get3A_173, %get3A_174] {strides = array<i32>} : memref<80x128xf32, #tpu.memory_space<vmem>>, vector<1x16xf32>,
        %get3A_176 = vector.shape_cast %get3A_175 : vector<1x16xf32> to vector<16xf32>
        %get3A_177 = arith.index_cast %add3A_158 : i32 to index
        %get3A_178 = arith.constant 16 : index
        %get3A_179 = tpu.vector_load %arg9[%get3A_177, %get3A_178] {strides = array<i32>} : memref<80x128xf32, #tpu.memory_space<vmem>>, vector<1x16xf32>,
        %get3A_180 = vector.shape_cast %get3A_179 : vector<1x16xf32> to vector<16xf32>
        %mul3A_181 = arith.mulf %get3A_176, %get3A_180 : vector<16xf32>
        %swap3A_182 = arith.index_cast %add3A_158 : i32 to index
        %swap3A_183 = arith.constant 16 : index
        %swap3A_184 = tpu.vector_load %arg11[%swap3A_182, %swap3A_183] {strides = array<i32>} : memref<80x128xf32, #tpu.memory_space<vmem>>, vector<1x16xf32>,
        %swap3A_185 = vector.shape_cast %swap3A_184 : vector<1x16xf32> to vector<16xf32>
        %swap3A_186 = vector.shape_cast %mul3A_181 : vector<16xf32> to vector<1x16xf32>
        tpu.vector_store %arg11[%swap3A_182, %swap3A_183], %swap3A_186 {strides = array<i32>} : memref<80x128xf32, #tpu.memory_space<vmem>>, vector<1x16xf32>,
        %get3A_187 = arith.index_cast %add3A_158 : i32 to index
        %get3A_188 = arith.constant 32 : index
        %get3A_189 = tpu.vector_load %arg10[%get3A_187, %get3A_188] {strides = array<i32>} : memref<80x128xf32, #tpu.memory_space<vmem>>, vector<1x16xf32>,
        %get3A_190 = vector.shape_cast %get3A_189 : vector<1x16xf32> to vector<16xf32>
        %get3A_191 = arith.index_cast %add3A_158 : i32 to index
        %get3A_192 = arith.constant 32 : index
        %get3A_193 = tpu.vector_load %arg9[%get3A_191, %get3A_192] {strides = array<i32>} : memref<80x128xf32, #tpu.memory_space<vmem>>, vector<1x16xf32>,
        %get3A_194 = vector.shape_cast %get3A_193 : vector<1x16xf32> to vector<16xf32>
        %mul3A_195 = arith.mulf %get3A_190, %get3A_194 : vector<16xf32>
        %swap3A_196 = arith.index_cast %add3A_158 : i32 to index
        %swap3A_197 = arith.constant 32 : index
        %swap3A_198 = tpu.vector_load %arg11[%swap3A_196, %swap3A_197] {strides = array<i32>} : memref<80x128xf32, #tpu.memory_space<vmem>>, vector<1x16xf32>,
        %swap3A_199 = vector.shape_cast %swap3A_198 : vector<1x16xf32> to vector<16xf32>
        %swap3A_200 = vector.shape_cast %mul3A_195 : vector<16xf32> to vector<1x16xf32>
        tpu.vector_store %arg11[%swap3A_196, %swap3A_197], %swap3A_200 {strides = array<i32>} : memref<80x128xf32, #tpu.memory_space<vmem>>, vector<1x16xf32>,
        %get3A_201 = arith.index_cast %add3A_158 : i32 to index
        %get3A_202 = arith.constant 48 : index
        %get3A_203 = tpu.vector_load %arg10[%get3A_201, %get3A_202] {strides = array<i32>} : memref<80x128xf32, #tpu.memory_space<vmem>>, vector<1x16xf32>,
        %get3A_204 = vector.shape_cast %get3A_203 : vector<1x16xf32> to vector<16xf32>
        %get3A_205 = arith.index_cast %add3A_158 : i32 to index
        %get3A_206 = arith.constant 48 : index
        %get3A_207 = tpu.vector_load %arg9[%get3A_205, %get3A_206] {strides = array<i32>} : memref<80x128xf32, #tpu.memory_space<vmem>>, vector<1x16xf32>,
        %get3A_208 = vector.shape_cast %get3A_207 : vector<1x16xf32> to vector<16xf32>
        %mul3A_209 = arith.mulf %get3A_204, %get3A_208 : vector<16xf32>
        %swap3A_210 = arith.index_cast %add3A_158 : i32 to index
        %swap3A_211 = arith.constant 48 : index
        %swap3A_212 = tpu.vector_load %arg11[%swap3A_210, %swap3A_211] {strides = array<i32>} : memref<80x128xf32, #tpu.memory_space<vmem>>, vector<1x16xf32>,
        %swap3A_213 = vector.shape_cast %swap3A_212 : vector<1x16xf32> to vector<16xf32>
        %swap3A_214 = vector.shape_cast %mul3A_209 : vector<16xf32> to vector<1x16xf32>
        tpu.vector_store %arg11[%swap3A_210, %swap3A_211], %swap3A_214 {strides = array<i32>} : memref<80x128xf32, #tpu.memory_space<vmem>>, vector<1x16xf32>,
        %get3A_215 = arith.index_cast %add3A_158 : i32 to index
        %get3A_216 = arith.constant 64 : index
        %get3A_217 = tpu.vector_load %arg10[%get3A_215, %get3A_216] {strides = array<i32>} : memref<80x128xf32, #tpu.memory_space<vmem>>, vector<1x16xf32>,
        %get3A_218 = vector.shape_cast %get3A_217 : vector<1x16xf32> to vector<16xf32>
        %get3A_219 = arith.index_cast %add3A_158 : i32 to index
        %get3A_220 = arith.constant 64 : index
        %get3A_221 = tpu.vector_load %arg9[%get3A_219, %get3A_220] {strides = array<i32>} : memref<80x128xf32, #tpu.memory_space<vmem>>, vector<1x16xf32>,
        %get3A_222 = vector.shape_cast %get3A_221 : vector<1x16xf32> to vector<16xf32>
        %mul3A_223 = arith.mulf %get3A_218, %get3A_222 : vector<16xf32>
        %swap3A_224 = arith.index_cast %add3A_158 : i32 to index
        %swap3A_225 = arith.constant 64 : index
        %swap3A_226 = tpu.vector_load %arg11[%swap3A_224, %swap3A_225] {strides = array<i32>} : memref<80x128xf32, #tpu.memory_space<vmem>>, vector<1x16xf32>,
        %swap3A_227 = vector.shape_cast %swap3A_226 : vector<1x16xf32> to vector<16xf32>
        %swap3A_228 = vector.shape_cast %mul3A_223 : vector<16xf32> to vector<1x16xf32>
        tpu.vector_store %arg11[%swap3A_224, %swap3A_225], %swap3A_228 {strides = array<i32>} : memref<80x128xf32, #tpu.memory_space<vmem>>, vector<1x16xf32>,
        %get3A_229 = arith.index_cast %add3A_158 : i32 to index
        %get3A_230 = arith.constant 80 : index
        %get3A_231 = tpu.vector_load %arg10[%get3A_229, %get3A_230] {strides = array<i32>} : memref<80x128xf32, #tpu.memory_space<vmem>>, vector<1x16xf32>,
        %get3A_232 = vector.shape_cast %get3A_231 : vector<1x16xf32> to vector<16xf32>
        %get3A_233 = arith.index_cast %add3A_158 : i32 to index
        %get3A_234 = arith.constant 80 : index
        %get3A_235 = tpu.vector_load %arg9[%get3A_233, %get3A_234] {strides = array<i32>} : memref<80x128xf32, #tpu.memory_space<vmem>>, vector<1x16xf32>,
        %get3A_236 = vector.shape_cast %get3A_235 : vector<1x16xf32> to vector<16xf32>
        %mul3A_237 = arith.mulf %get3A_232, %get3A_236 : vector<16xf32>
        %swap3A_238 = arith.index_cast %add3A_158 : i32 to index
        %swap3A_239 = arith.constant 80 : index
        %swap3A_240 = tpu.vector_load %arg11[%swap3A_238, %swap3A_239] {strides = array<i32>} : memref<80x128xf32, #tpu.memory_space<vmem>>, vector<1x16xf32>,
        %swap3A_241 = vector.shape_cast %swap3A_240 : vector<1x16xf32> to vector<16xf32>
        %swap3A_242 = vector.shape_cast %mul3A_237 : vector<16xf32> to vector<1x16xf32>
        tpu.vector_store %arg11[%swap3A_238, %swap3A_239], %swap3A_242 {strides = array<i32>} : memref<80x128xf32, #tpu.memory_space<vmem>>, vector<1x16xf32>,
        %get3A_243 = arith.index_cast %add3A_158 : i32 to index
        %get3A_244 = arith.constant 96 : index
        %get3A_245 = tpu.vector_load %arg10[%get3A_243, %get3A_244] {strides = array<i32>} : memref<80x128xf32, #tpu.memory_space<vmem>>, vector<1x16xf32>,
        %get3A_246 = vector.shape_cast %get3A_245 : vector<1x16xf32> to vector<16xf32>
        %get3A_247 = arith.index_cast %add3A_158 : i32 to index
        %get3A_248 = arith.constant 96 : index
        %get3A_249 = tpu.vector_load %arg9[%get3A_247, %get3A_248] {strides = array<i32>} : memref<80x128xf32, #tpu.memory_space<vmem>>, vector<1x16xf32>,
        %get3A_250 = vector.shape_cast %get3A_249 : vector<1x16xf32> to vector<16xf32>
        %mul3A_251 = arith.mulf %get3A_246, %get3A_250 : vector<16xf32>
        %swap3A_252 = arith.index_cast %add3A_158 : i32 to index
        %swap3A_253 = arith.constant 96 : index
        %swap3A_254 = tpu.vector_load %arg11[%swap3A_252, %swap3A_253] {strides = array<i32>} : memref<80x128xf32, #tpu.memory_space<vmem>>, vector<1x16xf32>,
        %swap3A_255 = vector.shape_cast %swap3A_254 : vector<1x16xf32> to vector<16xf32>
        %swap3A_256 = vector.shape_cast %mul3A_251 : vector<16xf32> to vector<1x16xf32>
        tpu.vector_store %arg11[%swap3A_252, %swap3A_253], %swap3A_256 {strides = array<i32>} : memref<80x128xf32, #tpu.memory_space<vmem>>, vector<1x16xf32>,
        %get3A_257 = arith.index_cast %add3A_158 : i32 to index
        %get3A_258 = arith.constant 112 : index
        %get3A_259 = tpu.vector_load %arg10[%get3A_257, %get3A_258] {strides = array<i32>} : memref<80x128xf32, #tpu.memory_space<vmem>>, vector<1x16xf32>,
        %get3A_260 = vector.shape_cast %get3A_259 : vector<1x16xf32> to vector<16xf32>
        %get3A_261 = arith.index_cast %add3A_158 : i32 to index
        %get3A_262 = arith.constant 112 : index
        %get3A_263 = tpu.vector_load %arg9[%get3A_261, %get3A_262] {strides = array<i32>} : memref<80x128xf32, #tpu.memory_space<vmem>>, vector<1x16xf32>,
        %get3A_264 = vector.shape_cast %get3A_263 : vector<1x16xf32> to vector<16xf32>
        %mul3A_265 = arith.mulf %get3A_260, %get3A_264 : vector<16xf32>
        %swap3A_266 = arith.index_cast %add3A_158 : i32 to index
        %swap3A_267 = arith.constant 112 : index
        %swap3A_268 = tpu.vector_load %arg11[%swap3A_266, %swap3A_267] {strides = array<i32>} : memref<80x128xf32, #tpu.memory_space<vmem>>, vector<1x16xf32>,
        %swap3A_269 = vector.shape_cast %swap3A_268 : vector<1x16xf32> to vector<16xf32>
        %swap3A_270 = vector.shape_cast %mul3A_265 : vector<16xf32> to vector<1x16xf32>
        tpu.vector_store %arg11[%swap3A_266, %swap3A_267], %swap3A_270 {strides = array<i32>} : memref<80x128xf32, #tpu.memory_space<vmem>>, vector<1x16xf32>,
        %scan3A_271 = arith.constant 0 : i32
        scf.yield %scan3A_271 : i32
      }
      %scan3A_37 = arith.constant 40 : i32
      "tpu.region"() ({
        %run_scoped3A = tpu.sem_alloc : memref<!tpu.dma_semaphore, #tpu.memory_space<semaphore_mem>>
        %dma_start3A_39 = arith.constant 0 : i32
        %dma_start3A_40 = arith.constant 0 : i32
        %dma_start3A_41 = tpu.memref_slice %arg6[%add3A, %scan3A_7, %dma_start3A_39, %dma_start3A_40] : memref<32x125x80x128xf32, #tpu.memory_space<hbm>> -> memref<1x1x80x128xf32, #tpu.memory_space<hbm>>
        %dma_start3A_42 = tpu.memref_squeeze %dma_start3A_41 : memref<1x1x80x128xf32, #tpu.memory_space<hbm>> -> memref<80x128xf32, #tpu.memory_space<hbm>>
        %dma_start3A_43 = arith.constant 0 : i32
        %dma_start3A_44 = arith.constant 0 : i32
        %dma_start3A_45 = tpu.memref_slice %arg6[%add3A, %scan3A_7, %dma_start3A_43, %dma_start3A_44] : memref<32x125x80x128xf32, #tpu.memory_space<hbm>> -> memref<1x1x80x128xf32, #tpu.memory_space<hbm>>
        %dma_start3A_46 = tpu.memref_squeeze %dma_start3A_45 : memref<1x1x80x128xf32, #tpu.memory_space<hbm>> -> memref<80x128xf32, #tpu.memory_space<hbm>>
        tpu.enqueue_dma source(%arg11 : memref<80x128xf32, #tpu.memory_space<vmem>>) target(%dma_start3A_46 : memref<80x128xf32, #tpu.memory_space<hbm>>) target_semaphore(%run_scoped3A : memref<!tpu.dma_semaphore, #tpu.memory_space<semaphore_mem>>)
        %dma_wait3A_47 = arith.constant 0 : i32
        %dma_wait3A_48 = arith.constant 0 : i32
        %dma_wait3A_49 = tpu.memref_slice %arg6[%add3A, %scan3A_7, %dma_wait3A_47, %dma_wait3A_48] : memref<32x125x80x128xf32, #tpu.memory_space<hbm>> -> memref<1x1x80x128xf32, #tpu.memory_space<hbm>>
        %dma_wait3A_50 = tpu.memref_squeeze %dma_wait3A_49 : memref<1x1x80x128xf32, #tpu.memory_space<hbm>> -> memref<80x128xf32, #tpu.memory_space<hbm>>
        %dma_wait3A_51 = arith.constant 0 : i32
        %dma_wait3A_52 = arith.constant 0 : i32
        %dma_wait3A_53 = tpu.memref_slice %arg6[%add3A, %scan3A_7, %dma_wait3A_51, %dma_wait3A_52] : memref<32x125x80x128xf32, #tpu.memory_space<hbm>> -> memref<1x1x80x128xf32, #tpu.memory_space<hbm>>
        %dma_wait3A_54 = tpu.memref_squeeze %dma_wait3A_53 : memref<1x1x80x128xf32, #tpu.memory_space<hbm>> -> memref<80x128xf32, #tpu.memory_space<hbm>>
        tpu.wait_dma2 semaphore(%run_scoped3A : memref<!tpu.dma_semaphore, #tpu.memory_space<semaphore_mem>>) src(%arg11 : memref<80x128xf32, #tpu.memory_space<vmem>>) dst(%dma_wait3A_54 : memref<80x128xf32, #tpu.memory_space<hbm>>)
        tpu.yield
      }) : () -> ()
      %scan3A_38 = arith.constant 0 : i32
      scf.yield %scan3A_38 : i32
    }
    %scan3A_6 = arith.constant 125 : i32
    return
  }
}

#map = affine_map<(d0, d1) -> (0, 0, 0, 0)>
#map1 = affine_map<(d0, d1) -> (0, 0, 0)>
module attributes {stable_mosaic.version = 14 : i64} {
  func.func @_sc_force(%arg0: i32, %arg1: i32, %arg2: memref<32x125x80x4xf32, #tpu.memory_space<hbm>>, %arg3: memref<32x125x80xi32, #tpu.memory_space<hbm>>, %arg4: memref<32x125x80xi32, #tpu.memory_space<hbm>>, %arg5: memref<32x3x10000xf32, #tpu.memory_space<hbm>>, %arg6: memref<125x80xi32, #tpu.memory_space<vmem>>, %arg7: memref<125x80xi32, #tpu.memory_space<vmem>>, %arg8: memref<80x4xf32, #tpu.memory_space<vmem>>, %arg9: memref<1x10000xf32, #tpu.memory_space<vmem>>, %arg10: memref<1x10000xf32, #tpu.memory_space<vmem>>, %arg11: memref<1x10000xf32, #tpu.memory_space<vmem>>) attributes {dimension_semantics = [#tpu.dimension_semantics<core_parallel>, #tpu.dimension_semantics<subcore_parallel>], iteration_bounds = array<i64: 2, 16>, scalar_prefetch = 0 : i64, scratch_operands = 6 : i64, tpu.core_type = #tpu.core_type<sc_vector_subcore>, window_params = [{transform_indices = #map}, {transform_indices = #map1}, {transform_indices = #map1}, {transform_indices = #map1}]} {
    %mul3A = arith.constant 2 : i32
    %mul3A_0 = arith.muli %arg1, %mul3A : i32
    %add3A = arith.addi %mul3A_0, %arg0 : i32
    "tpu.region"() ({
      %run_scoped3A = tpu.sem_alloc : memref<!tpu.dma_semaphore, #tpu.memory_space<semaphore_mem>>
      %dma_start3A = arith.constant 0 : i32
      %dma_start3A_15 = arith.constant 0 : i32
      %dma_start3A_16 = tpu.memref_slice %arg3[%add3A, %dma_start3A, %dma_start3A_15] : memref<32x125x80xi32, #tpu.memory_space<hbm>> -> memref<1x125x80xi32, #tpu.memory_space<hbm>>
      %dma_start3A_17 = tpu.memref_squeeze %dma_start3A_16 : memref<1x125x80xi32, #tpu.memory_space<hbm>> -> memref<125x80xi32, #tpu.memory_space<hbm>>
      %dma_start3A_18 = arith.constant 0 : i32
      %dma_start3A_19 = arith.constant 0 : i32
      %dma_start3A_20 = tpu.memref_slice %arg3[%add3A, %dma_start3A_18, %dma_start3A_19] : memref<32x125x80xi32, #tpu.memory_space<hbm>> -> memref<1x125x80xi32, #tpu.memory_space<hbm>>
      %dma_start3A_21 = tpu.memref_squeeze %dma_start3A_20 : memref<1x125x80xi32, #tpu.memory_space<hbm>> -> memref<125x80xi32, #tpu.memory_space<hbm>>
      tpu.enqueue_dma source(%dma_start3A_21 : memref<125x80xi32, #tpu.memory_space<hbm>>) target(%arg6 : memref<125x80xi32, #tpu.memory_space<vmem>>) target_semaphore(%run_scoped3A : memref<!tpu.dma_semaphore, #tpu.memory_space<semaphore_mem>>)
      %dma_wait3A = arith.constant 0 : i32
      %dma_wait3A_22 = arith.constant 0 : i32
      %dma_wait3A_23 = tpu.memref_slice %arg3[%add3A, %dma_wait3A, %dma_wait3A_22] : memref<32x125x80xi32, #tpu.memory_space<hbm>> -> memref<1x125x80xi32, #tpu.memory_space<hbm>>
      %dma_wait3A_24 = tpu.memref_squeeze %dma_wait3A_23 : memref<1x125x80xi32, #tpu.memory_space<hbm>> -> memref<125x80xi32, #tpu.memory_space<hbm>>
      %dma_wait3A_25 = arith.constant 0 : i32
      %dma_wait3A_26 = arith.constant 0 : i32
      %dma_wait3A_27 = tpu.memref_slice %arg3[%add3A, %dma_wait3A_25, %dma_wait3A_26] : memref<32x125x80xi32, #tpu.memory_space<hbm>> -> memref<1x125x80xi32, #tpu.memory_space<hbm>>
      %dma_wait3A_28 = tpu.memref_squeeze %dma_wait3A_27 : memref<1x125x80xi32, #tpu.memory_space<hbm>> -> memref<125x80xi32, #tpu.memory_space<hbm>>
      tpu.wait_dma2 semaphore(%run_scoped3A : memref<!tpu.dma_semaphore, #tpu.memory_space<semaphore_mem>>) src(%dma_wait3A_28 : memref<125x80xi32, #tpu.memory_space<hbm>>) dst(%arg6 : memref<125x80xi32, #tpu.memory_space<vmem>>)
      tpu.yield
    }) : () -> ()
    "tpu.region"() ({
      %run_scoped3A = tpu.sem_alloc : memref<!tpu.dma_semaphore, #tpu.memory_space<semaphore_mem>>
      %dma_start3A = arith.constant 0 : i32
      %dma_start3A_15 = arith.constant 0 : i32
      %dma_start3A_16 = tpu.memref_slice %arg4[%add3A, %dma_start3A, %dma_start3A_15] : memref<32x125x80xi32, #tpu.memory_space<hbm>> -> memref<1x125x80xi32, #tpu.memory_space<hbm>>
      %dma_start3A_17 = tpu.memref_squeeze %dma_start3A_16 : memref<1x125x80xi32, #tpu.memory_space<hbm>> -> memref<125x80xi32, #tpu.memory_space<hbm>>
      %dma_start3A_18 = arith.constant 0 : i32
      %dma_start3A_19 = arith.constant 0 : i32
      %dma_start3A_20 = tpu.memref_slice %arg4[%add3A, %dma_start3A_18, %dma_start3A_19] : memref<32x125x80xi32, #tpu.memory_space<hbm>> -> memref<1x125x80xi32, #tpu.memory_space<hbm>>
      %dma_start3A_21 = tpu.memref_squeeze %dma_start3A_20 : memref<1x125x80xi32, #tpu.memory_space<hbm>> -> memref<125x80xi32, #tpu.memory_space<hbm>>
      tpu.enqueue_dma source(%dma_start3A_21 : memref<125x80xi32, #tpu.memory_space<hbm>>) target(%arg7 : memref<125x80xi32, #tpu.memory_space<vmem>>) target_semaphore(%run_scoped3A : memref<!tpu.dma_semaphore, #tpu.memory_space<semaphore_mem>>)
      %dma_wait3A = arith.constant 0 : i32
      %dma_wait3A_22 = arith.constant 0 : i32
      %dma_wait3A_23 = tpu.memref_slice %arg4[%add3A, %dma_wait3A, %dma_wait3A_22] : memref<32x125x80xi32, #tpu.memory_space<hbm>> -> memref<1x125x80xi32, #tpu.memory_space<hbm>>
      %dma_wait3A_24 = tpu.memref_squeeze %dma_wait3A_23 : memref<1x125x80xi32, #tpu.memory_space<hbm>> -> memref<125x80xi32, #tpu.memory_space<hbm>>
      %dma_wait3A_25 = arith.constant 0 : i32
      %dma_wait3A_26 = arith.constant 0 : i32
      %dma_wait3A_27 = tpu.memref_slice %arg4[%add3A, %dma_wait3A_25, %dma_wait3A_26] : memref<32x125x80xi32, #tpu.memory_space<hbm>> -> memref<1x125x80xi32, #tpu.memory_space<hbm>>
      %dma_wait3A_28 = tpu.memref_squeeze %dma_wait3A_27 : memref<1x125x80xi32, #tpu.memory_space<hbm>> -> memref<125x80xi32, #tpu.memory_space<hbm>>
      tpu.wait_dma2 semaphore(%run_scoped3A : memref<!tpu.dma_semaphore, #tpu.memory_space<semaphore_mem>>) src(%dma_wait3A_28 : memref<125x80xi32, #tpu.memory_space<hbm>>) dst(%arg7 : memref<125x80xi32, #tpu.memory_space<vmem>>)
      tpu.yield
    }) : () -> ()
    %scan3A = arith.constant 0 : i32
    %scan3A_1 = arith.constant 0 : i32
    %scan3A_2 = arith.constant 625 : i32
    %scan3A_3 = arith.addi %scan3A_1, %scan3A_2 : i32
    %scan3A_4 = arith.constant 1 : i32
    %scan3A_5 = scf.for %scan3A_15 = %scan3A_1 to %scan3A_3 step %scan3A_4 iter_args(%scan3A_16 = %scan3A) -> (i32)  : i32 {
      %broadcast_in_dim3A_17 = arith.constant 0.000000e+00 : f32
      %broadcast_in_dim3A_18 = vector.broadcast %broadcast_in_dim3A_17 : f32 to vector<16xf32>
      %mul3A_19 = arith.constant 16 : i32
      %mul3A_20 = arith.muli %scan3A_15, %mul3A_19 : i32
      %swap3A = arith.constant 0 : i32
      %swap3A_21 = arith.index_cast %swap3A : i32 to index
      %swap3A_22 = arith.index_cast %mul3A_20 : i32 to index
      %swap3A_23 = tpu.vector_load %arg9[%swap3A_21, %swap3A_22] {strides = array<i32>} : memref<1x10000xf32, #tpu.memory_space<vmem>>, vector<16xf32>,
      tpu.vector_store %arg9[%swap3A_21, %swap3A_22], %broadcast_in_dim3A_18 {strides = array<i32>} : memref<1x10000xf32, #tpu.memory_space<vmem>>, vector<16xf32>,
      %swap3A_24 = arith.constant 0 : i32
      %swap3A_25 = arith.index_cast %swap3A_24 : i32 to index
      %swap3A_26 = arith.index_cast %mul3A_20 : i32 to index
      %swap3A_27 = tpu.vector_load %arg10[%swap3A_25, %swap3A_26] {strides = array<i32>} : memref<1x10000xf32, #tpu.memory_space<vmem>>, vector<16xf32>,
      tpu.vector_store %arg10[%swap3A_25, %swap3A_26], %broadcast_in_dim3A_18 {strides = array<i32>} : memref<1x10000xf32, #tpu.memory_space<vmem>>, vector<16xf32>,
      %swap3A_28 = arith.constant 0 : i32
      %swap3A_29 = arith.index_cast %swap3A_28 : i32 to index
      %swap3A_30 = arith.index_cast %mul3A_20 : i32 to index
      %swap3A_31 = tpu.vector_load %arg11[%swap3A_29, %swap3A_30] {strides = array<i32>} : memref<1x10000xf32, #tpu.memory_space<vmem>>, vector<16xf32>,
      tpu.vector_store %arg11[%swap3A_29, %swap3A_30], %broadcast_in_dim3A_18 {strides = array<i32>} : memref<1x10000xf32, #tpu.memory_space<vmem>>, vector<16xf32>,
      %scan3A_32 = arith.constant 0 : i32
      scf.yield %scan3A_32 : i32
    }
    %scan3A_6 = arith.constant 625 : i32
    %broadcast_in_dim3A = arith.constant 0 : i32
    %broadcast_in_dim3A_7 = vector.broadcast %broadcast_in_dim3A : i32 to vector<16xi32>
    %scan3A_8 = arith.constant 0 : i32
    %scan3A_9 = arith.constant 0 : i32
    %scan3A_10 = arith.constant 125 : i32
    %scan3A_11 = arith.addi %scan3A_9, %scan3A_10 : i32
    %scan3A_12 = arith.constant 1 : i32
    %scan3A_13 = scf.for %scan3A_15 = %scan3A_9 to %scan3A_11 step %scan3A_12 iter_args(%scan3A_16 = %scan3A_8) -> (i32)  : i32 {
      "tpu.region"() ({
        %run_scoped3A = tpu.sem_alloc : memref<!tpu.dma_semaphore, #tpu.memory_space<semaphore_mem>>
        %dma_start3A = arith.constant 0 : i32
        %dma_start3A_154 = arith.constant 0 : i32
        %dma_start3A_155 = tpu.memref_slice %arg2[%add3A, %scan3A_15, %dma_start3A, %dma_start3A_154] : memref<32x125x80x4xf32, #tpu.memory_space<hbm>> -> memref<1x1x80x4xf32, #tpu.memory_space<hbm>>
        %dma_start3A_156 = tpu.memref_squeeze %dma_start3A_155 : memref<1x1x80x4xf32, #tpu.memory_space<hbm>> -> memref<80x4xf32, #tpu.memory_space<hbm>>
        %dma_start3A_157 = arith.constant 0 : i32
        %dma_start3A_158 = arith.constant 0 : i32
        %dma_start3A_159 = tpu.memref_slice %arg2[%add3A, %scan3A_15, %dma_start3A_157, %dma_start3A_158] : memref<32x125x80x4xf32, #tpu.memory_space<hbm>> -> memref<1x1x80x4xf32, #tpu.memory_space<hbm>>
        %dma_start3A_160 = tpu.memref_squeeze %dma_start3A_159 : memref<1x1x80x4xf32, #tpu.memory_space<hbm>> -> memref<80x4xf32, #tpu.memory_space<hbm>>
        tpu.enqueue_dma source(%dma_start3A_160 : memref<80x4xf32, #tpu.memory_space<hbm>>) target(%arg8 : memref<80x4xf32, #tpu.memory_space<vmem>>) target_semaphore(%run_scoped3A : memref<!tpu.dma_semaphore, #tpu.memory_space<semaphore_mem>>)
        %dma_wait3A = arith.constant 0 : i32
        %dma_wait3A_161 = arith.constant 0 : i32
        %dma_wait3A_162 = tpu.memref_slice %arg2[%add3A, %scan3A_15, %dma_wait3A, %dma_wait3A_161] : memref<32x125x80x4xf32, #tpu.memory_space<hbm>> -> memref<1x1x80x4xf32, #tpu.memory_space<hbm>>
        %dma_wait3A_163 = tpu.memref_squeeze %dma_wait3A_162 : memref<1x1x80x4xf32, #tpu.memory_space<hbm>> -> memref<80x4xf32, #tpu.memory_space<hbm>>
        %dma_wait3A_164 = arith.constant 0 : i32
        %dma_wait3A_165 = arith.constant 0 : i32
        %dma_wait3A_166 = tpu.memref_slice %arg2[%add3A, %scan3A_15, %dma_wait3A_164, %dma_wait3A_165] : memref<32x125x80x4xf32, #tpu.memory_space<hbm>> -> memref<1x1x80x4xf32, #tpu.memory_space<hbm>>
        %dma_wait3A_167 = tpu.memref_squeeze %dma_wait3A_166 : memref<1x1x80x4xf32, #tpu.memory_space<hbm>> -> memref<80x4xf32, #tpu.memory_space<hbm>>
        tpu.wait_dma2 semaphore(%run_scoped3A : memref<!tpu.dma_semaphore, #tpu.memory_space<semaphore_mem>>) src(%dma_wait3A_167 : memref<80x4xf32, #tpu.memory_space<hbm>>) dst(%arg8 : memref<80x4xf32, #tpu.memory_space<vmem>>)
        tpu.yield
      }) : () -> ()
      %get3A = arith.index_cast %scan3A_15 : i32 to index
      %get3A_17 = arith.constant 0 : index
      %get3A_18 = tpu.vector_load %arg6[%get3A, %get3A_17] {strides = array<i32>} : memref<125x80xi32, #tpu.memory_space<vmem>>, vector<16xi32>,
      %get3A_19 = arith.index_cast %scan3A_15 : i32 to index
      %get3A_20 = arith.constant 0 : index
      %get3A_21 = tpu.vector_load %arg7[%get3A_19, %get3A_20] {strides = array<i32>} : memref<125x80xi32, #tpu.memory_space<vmem>>, vector<16xi32>,
      %iota3A = tpu.iota {dimensions = array<i32: 0>} : vector<16xi32>
      %add3A_22 = arith.constant 0 : i32
      %add3A_23 = vector.broadcast %add3A_22 : i32 to vector<16xi32>
      %add3A_24 = arith.addi %iota3A, %add3A_23 : vector<16xi32>
      %broadcast_in_dim3A_25 = arith.constant 0 : i32
      %broadcast_in_dim3A_26 = vector.broadcast %broadcast_in_dim3A_25 : i32 to vector<16xi32>
      %gather3A = tpu.vector_load_idx %arg8[%add3A_24, %broadcast_in_dim3A_26] : memref<80x4xf32, #tpu.memory_space<vmem>>[vector<16xi32>, vector<16xi32>], vector<16xf32>,
      %neg3A = arith.constant 0.000000e+00 : f32
      %neg3A_27 = vector.broadcast %neg3A : f32 to vector<16xf32>
      %neg3A_28 = arith.subf %neg3A_27, %gather3A : vector<16xf32>
      tpu.vector_store_idx %arg9[%broadcast_in_dim3A_7, %get3A_18], %neg3A_28 {add = true} : memref<1x10000xf32, #tpu.memory_space<vmem>>[vector<16xi32>, vector<16xi32>], vector<16xf32>,
      tpu.vector_store_idx %arg9[%broadcast_in_dim3A_7, %get3A_21], %gather3A {add = true} : memref<1x10000xf32, #tpu.memory_space<vmem>>[vector<16xi32>, vector<16xi32>], vector<16xf32>,
      %broadcast_in_dim3A_29 = arith.constant 1 : i32
      %broadcast_in_dim3A_30 = vector.broadcast %broadcast_in_dim3A_29 : i32 to vector<16xi32>
      %gather3A_31 = tpu.vector_load_idx %arg8[%add3A_24, %broadcast_in_dim3A_30] : memref<80x4xf32, #tpu.memory_space<vmem>>[vector<16xi32>, vector<16xi32>], vector<16xf32>,
      %neg3A_32 = arith.constant 0.000000e+00 : f32
      %neg3A_33 = vector.broadcast %neg3A_32 : f32 to vector<16xf32>
      %neg3A_34 = arith.subf %neg3A_33, %gather3A_31 : vector<16xf32>
      tpu.vector_store_idx %arg10[%broadcast_in_dim3A_7, %get3A_18], %neg3A_34 {add = true} : memref<1x10000xf32, #tpu.memory_space<vmem>>[vector<16xi32>, vector<16xi32>], vector<16xf32>,
      tpu.vector_store_idx %arg10[%broadcast_in_dim3A_7, %get3A_21], %gather3A_31 {add = true} : memref<1x10000xf32, #tpu.memory_space<vmem>>[vector<16xi32>, vector<16xi32>], vector<16xf32>,
      %broadcast_in_dim3A_35 = arith.constant 2 : i32
      %broadcast_in_dim3A_36 = vector.broadcast %broadcast_in_dim3A_35 : i32 to vector<16xi32>
      %gather3A_37 = tpu.vector_load_idx %arg8[%add3A_24, %broadcast_in_dim3A_36] : memref<80x4xf32, #tpu.memory_space<vmem>>[vector<16xi32>, vector<16xi32>], vector<16xf32>,
      %neg3A_38 = arith.constant 0.000000e+00 : f32
      %neg3A_39 = vector.broadcast %neg3A_38 : f32 to vector<16xf32>
      %neg3A_40 = arith.subf %neg3A_39, %gather3A_37 : vector<16xf32>
      tpu.vector_store_idx %arg11[%broadcast_in_dim3A_7, %get3A_18], %neg3A_40 {add = true} : memref<1x10000xf32, #tpu.memory_space<vmem>>[vector<16xi32>, vector<16xi32>], vector<16xf32>,
      tpu.vector_store_idx %arg11[%broadcast_in_dim3A_7, %get3A_21], %gather3A_37 {add = true} : memref<1x10000xf32, #tpu.memory_space<vmem>>[vector<16xi32>, vector<16xi32>], vector<16xf32>,
      %get3A_41 = arith.index_cast %scan3A_15 : i32 to index
      %get3A_42 = arith.constant 16 : index
      %get3A_43 = tpu.vector_load %arg6[%get3A_41, %get3A_42] {strides = array<i32>} : memref<125x80xi32, #tpu.memory_space<vmem>>, vector<16xi32>,
      %get3A_44 = arith.index_cast %scan3A_15 : i32 to index
      %get3A_45 = arith.constant 16 : index
      %get3A_46 = tpu.vector_load %arg7[%get3A_44, %get3A_45] {strides = array<i32>} : memref<125x80xi32, #tpu.memory_space<vmem>>, vector<16xi32>,
      %iota3A_47 = tpu.iota {dimensions = array<i32: 0>} : vector<16xi32>
      %add3A_48 = arith.constant 16 : i32
      %add3A_49 = vector.broadcast %add3A_48 : i32 to vector<16xi32>
      %add3A_50 = arith.addi %iota3A_47, %add3A_49 : vector<16xi32>
      %broadcast_in_dim3A_51 = arith.constant 0 : i32
      %broadcast_in_dim3A_52 = vector.broadcast %broadcast_in_dim3A_51 : i32 to vector<16xi32>
      %gather3A_53 = tpu.vector_load_idx %arg8[%add3A_50, %broadcast_in_dim3A_52] : memref<80x4xf32, #tpu.memory_space<vmem>>[vector<16xi32>, vector<16xi32>], vector<16xf32>,
      %neg3A_54 = arith.constant 0.000000e+00 : f32
      %neg3A_55 = vector.broadcast %neg3A_54 : f32 to vector<16xf32>
      %neg3A_56 = arith.subf %neg3A_55, %gather3A_53 : vector<16xf32>
      tpu.vector_store_idx %arg9[%broadcast_in_dim3A_7, %get3A_43], %neg3A_56 {add = true} : memref<1x10000xf32, #tpu.memory_space<vmem>>[vector<16xi32>, vector<16xi32>], vector<16xf32>,
      tpu.vector_store_idx %arg9[%broadcast_in_dim3A_7, %get3A_46], %gather3A_53 {add = true} : memref<1x10000xf32, #tpu.memory_space<vmem>>[vector<16xi32>, vector<16xi32>], vector<16xf32>,
      %broadcast_in_dim3A_57 = arith.constant 1 : i32
      %broadcast_in_dim3A_58 = vector.broadcast %broadcast_in_dim3A_57 : i32 to vector<16xi32>
      %gather3A_59 = tpu.vector_load_idx %arg8[%add3A_50, %broadcast_in_dim3A_58] : memref<80x4xf32, #tpu.memory_space<vmem>>[vector<16xi32>, vector<16xi32>], vector<16xf32>,
      %neg3A_60 = arith.constant 0.000000e+00 : f32
      %neg3A_61 = vector.broadcast %neg3A_60 : f32 to vector<16xf32>
      %neg3A_62 = arith.subf %neg3A_61, %gather3A_59 : vector<16xf32>
      tpu.vector_store_idx %arg10[%broadcast_in_dim3A_7, %get3A_43], %neg3A_62 {add = true} : memref<1x10000xf32, #tpu.memory_space<vmem>>[vector<16xi32>, vector<16xi32>], vector<16xf32>,
      tpu.vector_store_idx %arg10[%broadcast_in_dim3A_7, %get3A_46], %gather3A_59 {add = true} : memref<1x10000xf32, #tpu.memory_space<vmem>>[vector<16xi32>, vector<16xi32>], vector<16xf32>,
      %broadcast_in_dim3A_63 = arith.constant 2 : i32
      %broadcast_in_dim3A_64 = vector.broadcast %broadcast_in_dim3A_63 : i32 to vector<16xi32>
      %gather3A_65 = tpu.vector_load_idx %arg8[%add3A_50, %broadcast_in_dim3A_64] : memref<80x4xf32, #tpu.memory_space<vmem>>[vector<16xi32>, vector<16xi32>], vector<16xf32>,
      %neg3A_66 = arith.constant 0.000000e+00 : f32
      %neg3A_67 = vector.broadcast %neg3A_66 : f32 to vector<16xf32>
      %neg3A_68 = arith.subf %neg3A_67, %gather3A_65 : vector<16xf32>
      tpu.vector_store_idx %arg11[%broadcast_in_dim3A_7, %get3A_43], %neg3A_68 {add = true} : memref<1x10000xf32, #tpu.memory_space<vmem>>[vector<16xi32>, vector<16xi32>], vector<16xf32>,
      tpu.vector_store_idx %arg11[%broadcast_in_dim3A_7, %get3A_46], %gather3A_65 {add = true} : memref<1x10000xf32, #tpu.memory_space<vmem>>[vector<16xi32>, vector<16xi32>], vector<16xf32>,
      %get3A_69 = arith.index_cast %scan3A_15 : i32 to index
      %get3A_70 = arith.constant 32 : index
      %get3A_71 = tpu.vector_load %arg6[%get3A_69, %get3A_70] {strides = array<i32>} : memref<125x80xi32, #tpu.memory_space<vmem>>, vector<16xi32>,
      %get3A_72 = arith.index_cast %scan3A_15 : i32 to index
      %get3A_73 = arith.constant 32 : index
      %get3A_74 = tpu.vector_load %arg7[%get3A_72, %get3A_73] {strides = array<i32>} : memref<125x80xi32, #tpu.memory_space<vmem>>, vector<16xi32>,
      %iota3A_75 = tpu.iota {dimensions = array<i32: 0>} : vector<16xi32>
      %add3A_76 = arith.constant 32 : i32
      %add3A_77 = vector.broadcast %add3A_76 : i32 to vector<16xi32>
      %add3A_78 = arith.addi %iota3A_75, %add3A_77 : vector<16xi32>
      %broadcast_in_dim3A_79 = arith.constant 0 : i32
      %broadcast_in_dim3A_80 = vector.broadcast %broadcast_in_dim3A_79 : i32 to vector<16xi32>
      %gather3A_81 = tpu.vector_load_idx %arg8[%add3A_78, %broadcast_in_dim3A_80] : memref<80x4xf32, #tpu.memory_space<vmem>>[vector<16xi32>, vector<16xi32>], vector<16xf32>,
      %neg3A_82 = arith.constant 0.000000e+00 : f32
      %neg3A_83 = vector.broadcast %neg3A_82 : f32 to vector<16xf32>
      %neg3A_84 = arith.subf %neg3A_83, %gather3A_81 : vector<16xf32>
      tpu.vector_store_idx %arg9[%broadcast_in_dim3A_7, %get3A_71], %neg3A_84 {add = true} : memref<1x10000xf32, #tpu.memory_space<vmem>>[vector<16xi32>, vector<16xi32>], vector<16xf32>,
      tpu.vector_store_idx %arg9[%broadcast_in_dim3A_7, %get3A_74], %gather3A_81 {add = true} : memref<1x10000xf32, #tpu.memory_space<vmem>>[vector<16xi32>, vector<16xi32>], vector<16xf32>,
      %broadcast_in_dim3A_85 = arith.constant 1 : i32
      %broadcast_in_dim3A_86 = vector.broadcast %broadcast_in_dim3A_85 : i32 to vector<16xi32>
      %gather3A_87 = tpu.vector_load_idx %arg8[%add3A_78, %broadcast_in_dim3A_86] : memref<80x4xf32, #tpu.memory_space<vmem>>[vector<16xi32>, vector<16xi32>], vector<16xf32>,
      %neg3A_88 = arith.constant 0.000000e+00 : f32
      %neg3A_89 = vector.broadcast %neg3A_88 : f32 to vector<16xf32>
      %neg3A_90 = arith.subf %neg3A_89, %gather3A_87 : vector<16xf32>
      tpu.vector_store_idx %arg10[%broadcast_in_dim3A_7, %get3A_71], %neg3A_90 {add = true} : memref<1x10000xf32, #tpu.memory_space<vmem>>[vector<16xi32>, vector<16xi32>], vector<16xf32>,
      tpu.vector_store_idx %arg10[%broadcast_in_dim3A_7, %get3A_74], %gather3A_87 {add = true} : memref<1x10000xf32, #tpu.memory_space<vmem>>[vector<16xi32>, vector<16xi32>], vector<16xf32>,
      %broadcast_in_dim3A_91 = arith.constant 2 : i32
      %broadcast_in_dim3A_92 = vector.broadcast %broadcast_in_dim3A_91 : i32 to vector<16xi32>
      %gather3A_93 = tpu.vector_load_idx %arg8[%add3A_78, %broadcast_in_dim3A_92] : memref<80x4xf32, #tpu.memory_space<vmem>>[vector<16xi32>, vector<16xi32>], vector<16xf32>,
      %neg3A_94 = arith.constant 0.000000e+00 : f32
      %neg3A_95 = vector.broadcast %neg3A_94 : f32 to vector<16xf32>
      %neg3A_96 = arith.subf %neg3A_95, %gather3A_93 : vector<16xf32>
      tpu.vector_store_idx %arg11[%broadcast_in_dim3A_7, %get3A_71], %neg3A_96 {add = true} : memref<1x10000xf32, #tpu.memory_space<vmem>>[vector<16xi32>, vector<16xi32>], vector<16xf32>,
      tpu.vector_store_idx %arg11[%broadcast_in_dim3A_7, %get3A_74], %gather3A_93 {add = true} : memref<1x10000xf32, #tpu.memory_space<vmem>>[vector<16xi32>, vector<16xi32>], vector<16xf32>,
      %get3A_97 = arith.index_cast %scan3A_15 : i32 to index
      %get3A_98 = arith.constant 48 : index
      %get3A_99 = tpu.vector_load %arg6[%get3A_97, %get3A_98] {strides = array<i32>} : memref<125x80xi32, #tpu.memory_space<vmem>>, vector<16xi32>,
      %get3A_100 = arith.index_cast %scan3A_15 : i32 to index
      %get3A_101 = arith.constant 48 : index
      %get3A_102 = tpu.vector_load %arg7[%get3A_100, %get3A_101] {strides = array<i32>} : memref<125x80xi32, #tpu.memory_space<vmem>>, vector<16xi32>,
      %iota3A_103 = tpu.iota {dimensions = array<i32: 0>} : vector<16xi32>
      %add3A_104 = arith.constant 48 : i32
      %add3A_105 = vector.broadcast %add3A_104 : i32 to vector<16xi32>
      %add3A_106 = arith.addi %iota3A_103, %add3A_105 : vector<16xi32>
      %broadcast_in_dim3A_107 = arith.constant 0 : i32
      %broadcast_in_dim3A_108 = vector.broadcast %broadcast_in_dim3A_107 : i32 to vector<16xi32>
      %gather3A_109 = tpu.vector_load_idx %arg8[%add3A_106, %broadcast_in_dim3A_108] : memref<80x4xf32, #tpu.memory_space<vmem>>[vector<16xi32>, vector<16xi32>], vector<16xf32>,
      %neg3A_110 = arith.constant 0.000000e+00 : f32
      %neg3A_111 = vector.broadcast %neg3A_110 : f32 to vector<16xf32>
      %neg3A_112 = arith.subf %neg3A_111, %gather3A_109 : vector<16xf32>
      tpu.vector_store_idx %arg9[%broadcast_in_dim3A_7, %get3A_99], %neg3A_112 {add = true} : memref<1x10000xf32, #tpu.memory_space<vmem>>[vector<16xi32>, vector<16xi32>], vector<16xf32>,
      tpu.vector_store_idx %arg9[%broadcast_in_dim3A_7, %get3A_102], %gather3A_109 {add = true} : memref<1x10000xf32, #tpu.memory_space<vmem>>[vector<16xi32>, vector<16xi32>], vector<16xf32>,
      %broadcast_in_dim3A_113 = arith.constant 1 : i32
      %broadcast_in_dim3A_114 = vector.broadcast %broadcast_in_dim3A_113 : i32 to vector<16xi32>
      %gather3A_115 = tpu.vector_load_idx %arg8[%add3A_106, %broadcast_in_dim3A_114] : memref<80x4xf32, #tpu.memory_space<vmem>>[vector<16xi32>, vector<16xi32>], vector<16xf32>,
      %neg3A_116 = arith.constant 0.000000e+00 : f32
      %neg3A_117 = vector.broadcast %neg3A_116 : f32 to vector<16xf32>
      %neg3A_118 = arith.subf %neg3A_117, %gather3A_115 : vector<16xf32>
      tpu.vector_store_idx %arg10[%broadcast_in_dim3A_7, %get3A_99], %neg3A_118 {add = true} : memref<1x10000xf32, #tpu.memory_space<vmem>>[vector<16xi32>, vector<16xi32>], vector<16xf32>,
      tpu.vector_store_idx %arg10[%broadcast_in_dim3A_7, %get3A_102], %gather3A_115 {add = true} : memref<1x10000xf32, #tpu.memory_space<vmem>>[vector<16xi32>, vector<16xi32>], vector<16xf32>,
      %broadcast_in_dim3A_119 = arith.constant 2 : i32
      %broadcast_in_dim3A_120 = vector.broadcast %broadcast_in_dim3A_119 : i32 to vector<16xi32>
      %gather3A_121 = tpu.vector_load_idx %arg8[%add3A_106, %broadcast_in_dim3A_120] : memref<80x4xf32, #tpu.memory_space<vmem>>[vector<16xi32>, vector<16xi32>], vector<16xf32>,
      %neg3A_122 = arith.constant 0.000000e+00 : f32
      %neg3A_123 = vector.broadcast %neg3A_122 : f32 to vector<16xf32>
      %neg3A_124 = arith.subf %neg3A_123, %gather3A_121 : vector<16xf32>
      tpu.vector_store_idx %arg11[%broadcast_in_dim3A_7, %get3A_99], %neg3A_124 {add = true} : memref<1x10000xf32, #tpu.memory_space<vmem>>[vector<16xi32>, vector<16xi32>], vector<16xf32>,
      tpu.vector_store_idx %arg11[%broadcast_in_dim3A_7, %get3A_102], %gather3A_121 {add = true} : memref<1x10000xf32, #tpu.memory_space<vmem>>[vector<16xi32>, vector<16xi32>], vector<16xf32>,
      %get3A_125 = arith.index_cast %scan3A_15 : i32 to index
      %get3A_126 = arith.constant 64 : index
      %get3A_127 = tpu.vector_load %arg6[%get3A_125, %get3A_126] {strides = array<i32>} : memref<125x80xi32, #tpu.memory_space<vmem>>, vector<16xi32>,
      %get3A_128 = arith.index_cast %scan3A_15 : i32 to index
      %get3A_129 = arith.constant 64 : index
      %get3A_130 = tpu.vector_load %arg7[%get3A_128, %get3A_129] {strides = array<i32>} : memref<125x80xi32, #tpu.memory_space<vmem>>, vector<16xi32>,
      %iota3A_131 = tpu.iota {dimensions = array<i32: 0>} : vector<16xi32>
      %add3A_132 = arith.constant 64 : i32
      %add3A_133 = vector.broadcast %add3A_132 : i32 to vector<16xi32>
      %add3A_134 = arith.addi %iota3A_131, %add3A_133 : vector<16xi32>
      %broadcast_in_dim3A_135 = arith.constant 0 : i32
      %broadcast_in_dim3A_136 = vector.broadcast %broadcast_in_dim3A_135 : i32 to vector<16xi32>
      %gather3A_137 = tpu.vector_load_idx %arg8[%add3A_134, %broadcast_in_dim3A_136] : memref<80x4xf32, #tpu.memory_space<vmem>>[vector<16xi32>, vector<16xi32>], vector<16xf32>,
      %neg3A_138 = arith.constant 0.000000e+00 : f32
      %neg3A_139 = vector.broadcast %neg3A_138 : f32 to vector<16xf32>
      %neg3A_140 = arith.subf %neg3A_139, %gather3A_137 : vector<16xf32>
      tpu.vector_store_idx %arg9[%broadcast_in_dim3A_7, %get3A_127], %neg3A_140 {add = true} : memref<1x10000xf32, #tpu.memory_space<vmem>>[vector<16xi32>, vector<16xi32>], vector<16xf32>,
      tpu.vector_store_idx %arg9[%broadcast_in_dim3A_7, %get3A_130], %gather3A_137 {add = true} : memref<1x10000xf32, #tpu.memory_space<vmem>>[vector<16xi32>, vector<16xi32>], vector<16xf32>,
      %broadcast_in_dim3A_141 = arith.constant 1 : i32
      %broadcast_in_dim3A_142 = vector.broadcast %broadcast_in_dim3A_141 : i32 to vector<16xi32>
      %gather3A_143 = tpu.vector_load_idx %arg8[%add3A_134, %broadcast_in_dim3A_142] : memref<80x4xf32, #tpu.memory_space<vmem>>[vector<16xi32>, vector<16xi32>], vector<16xf32>,
      %neg3A_144 = arith.constant 0.000000e+00 : f32
      %neg3A_145 = vector.broadcast %neg3A_144 : f32 to vector<16xf32>
      %neg3A_146 = arith.subf %neg3A_145, %gather3A_143 : vector<16xf32>
      tpu.vector_store_idx %arg10[%broadcast_in_dim3A_7, %get3A_127], %neg3A_146 {add = true} : memref<1x10000xf32, #tpu.memory_space<vmem>>[vector<16xi32>, vector<16xi32>], vector<16xf32>,
      tpu.vector_store_idx %arg10[%broadcast_in_dim3A_7, %get3A_130], %gather3A_143 {add = true} : memref<1x10000xf32, #tpu.memory_space<vmem>>[vector<16xi32>, vector<16xi32>], vector<16xf32>,
      %broadcast_in_dim3A_147 = arith.constant 2 : i32
      %broadcast_in_dim3A_148 = vector.broadcast %broadcast_in_dim3A_147 : i32 to vector<16xi32>
      %gather3A_149 = tpu.vector_load_idx %arg8[%add3A_134, %broadcast_in_dim3A_148] : memref<80x4xf32, #tpu.memory_space<vmem>>[vector<16xi32>, vector<16xi32>], vector<16xf32>,
      %neg3A_150 = arith.constant 0.000000e+00 : f32
      %neg3A_151 = vector.broadcast %neg3A_150 : f32 to vector<16xf32>
      %neg3A_152 = arith.subf %neg3A_151, %gather3A_149 : vector<16xf32>
      tpu.vector_store_idx %arg11[%broadcast_in_dim3A_7, %get3A_127], %neg3A_152 {add = true} : memref<1x10000xf32, #tpu.memory_space<vmem>>[vector<16xi32>, vector<16xi32>], vector<16xf32>,
      tpu.vector_store_idx %arg11[%broadcast_in_dim3A_7, %get3A_130], %gather3A_149 {add = true} : memref<1x10000xf32, #tpu.memory_space<vmem>>[vector<16xi32>, vector<16xi32>], vector<16xf32>,
      %scan3A_153 = arith.constant 0 : i32
      scf.yield %scan3A_153 : i32
    }
    %scan3A_14 = arith.constant 125 : i32
    "tpu.region"() ({
      %run_scoped3A = tpu.sem_alloc : memref<!tpu.dma_semaphore, #tpu.memory_space<semaphore_mem>>
      %dma_start3A = arith.constant 0 : i32
      %dma_start3A_15 = arith.constant 0 : i32
      %dma_start3A_16 = tpu.memref_slice %arg5[%add3A, %dma_start3A, %dma_start3A_15] : memref<32x3x10000xf32, #tpu.memory_space<hbm>> -> memref<1x1x10000xf32, #tpu.memory_space<hbm>>
      %dma_start3A_17 = tpu.memref_squeeze %dma_start3A_16 : memref<1x1x10000xf32, #tpu.memory_space<hbm>> -> memref<1x10000xf32, #tpu.memory_space<hbm>>
      %dma_start3A_18 = arith.constant 0 : i32
      %dma_start3A_19 = arith.constant 0 : i32
      %dma_start3A_20 = tpu.memref_slice %arg5[%add3A, %dma_start3A_18, %dma_start3A_19] : memref<32x3x10000xf32, #tpu.memory_space<hbm>> -> memref<1x1x10000xf32, #tpu.memory_space<hbm>>
      %dma_start3A_21 = tpu.memref_squeeze %dma_start3A_20 : memref<1x1x10000xf32, #tpu.memory_space<hbm>> -> memref<1x10000xf32, #tpu.memory_space<hbm>>
      tpu.enqueue_dma source(%arg9 : memref<1x10000xf32, #tpu.memory_space<vmem>>) target(%dma_start3A_21 : memref<1x10000xf32, #tpu.memory_space<hbm>>) target_semaphore(%run_scoped3A : memref<!tpu.dma_semaphore, #tpu.memory_space<semaphore_mem>>)
      %dma_wait3A = arith.constant 0 : i32
      %dma_wait3A_22 = arith.constant 0 : i32
      %dma_wait3A_23 = tpu.memref_slice %arg5[%add3A, %dma_wait3A, %dma_wait3A_22] : memref<32x3x10000xf32, #tpu.memory_space<hbm>> -> memref<1x1x10000xf32, #tpu.memory_space<hbm>>
      %dma_wait3A_24 = tpu.memref_squeeze %dma_wait3A_23 : memref<1x1x10000xf32, #tpu.memory_space<hbm>> -> memref<1x10000xf32, #tpu.memory_space<hbm>>
      %dma_wait3A_25 = arith.constant 0 : i32
      %dma_wait3A_26 = arith.constant 0 : i32
      %dma_wait3A_27 = tpu.memref_slice %arg5[%add3A, %dma_wait3A_25, %dma_wait3A_26] : memref<32x3x10000xf32, #tpu.memory_space<hbm>> -> memref<1x1x10000xf32, #tpu.memory_space<hbm>>
      %dma_wait3A_28 = tpu.memref_squeeze %dma_wait3A_27 : memref<1x1x10000xf32, #tpu.memory_space<hbm>> -> memref<1x10000xf32, #tpu.memory_space<hbm>>
      tpu.wait_dma2 semaphore(%run_scoped3A : memref<!tpu.dma_semaphore, #tpu.memory_space<semaphore_mem>>) src(%arg9 : memref<1x10000xf32, #tpu.memory_space<vmem>>) dst(%dma_wait3A_28 : memref<1x10000xf32, #tpu.memory_space<hbm>>)
      tpu.yield
    }) : () -> ()
    "tpu.region"() ({
      %run_scoped3A = tpu.sem_alloc : memref<!tpu.dma_semaphore, #tpu.memory_space<semaphore_mem>>
      %dma_start3A = arith.constant 1 : i32
      %dma_start3A_15 = arith.constant 0 : i32
      %dma_start3A_16 = tpu.memref_slice %arg5[%add3A, %dma_start3A, %dma_start3A_15] : memref<32x3x10000xf32, #tpu.memory_space<hbm>> -> memref<1x1x10000xf32, #tpu.memory_space<hbm>>
      %dma_start3A_17 = tpu.memref_squeeze %dma_start3A_16 : memref<1x1x10000xf32, #tpu.memory_space<hbm>> -> memref<1x10000xf32, #tpu.memory_space<hbm>>
      %dma_start3A_18 = arith.constant 1 : i32
      %dma_start3A_19 = arith.constant 0 : i32
      %dma_start3A_20 = tpu.memref_slice %arg5[%add3A, %dma_start3A_18, %dma_start3A_19] : memref<32x3x10000xf32, #tpu.memory_space<hbm>> -> memref<1x1x10000xf32, #tpu.memory_space<hbm>>
      %dma_start3A_21 = tpu.memref_squeeze %dma_start3A_20 : memref<1x1x10000xf32, #tpu.memory_space<hbm>> -> memref<1x10000xf32, #tpu.memory_space<hbm>>
      tpu.enqueue_dma source(%arg10 : memref<1x10000xf32, #tpu.memory_space<vmem>>) target(%dma_start3A_21 : memref<1x10000xf32, #tpu.memory_space<hbm>>) target_semaphore(%run_scoped3A : memref<!tpu.dma_semaphore, #tpu.memory_space<semaphore_mem>>)
      %dma_wait3A = arith.constant 1 : i32
      %dma_wait3A_22 = arith.constant 0 : i32
      %dma_wait3A_23 = tpu.memref_slice %arg5[%add3A, %dma_wait3A, %dma_wait3A_22] : memref<32x3x10000xf32, #tpu.memory_space<hbm>> -> memref<1x1x10000xf32, #tpu.memory_space<hbm>>
      %dma_wait3A_24 = tpu.memref_squeeze %dma_wait3A_23 : memref<1x1x10000xf32, #tpu.memory_space<hbm>> -> memref<1x10000xf32, #tpu.memory_space<hbm>>
      %dma_wait3A_25 = arith.constant 1 : i32
      %dma_wait3A_26 = arith.constant 0 : i32
      %dma_wait3A_27 = tpu.memref_slice %arg5[%add3A, %dma_wait3A_25, %dma_wait3A_26] : memref<32x3x10000xf32, #tpu.memory_space<hbm>> -> memref<1x1x10000xf32, #tpu.memory_space<hbm>>
      %dma_wait3A_28 = tpu.memref_squeeze %dma_wait3A_27 : memref<1x1x10000xf32, #tpu.memory_space<hbm>> -> memref<1x10000xf32, #tpu.memory_space<hbm>>
      tpu.wait_dma2 semaphore(%run_scoped3A : memref<!tpu.dma_semaphore, #tpu.memory_space<semaphore_mem>>) src(%arg10 : memref<1x10000xf32, #tpu.memory_space<vmem>>) dst(%dma_wait3A_28 : memref<1x10000xf32, #tpu.memory_space<hbm>>)
      tpu.yield
    }) : () -> ()
    "tpu.region"() ({
      %run_scoped3A = tpu.sem_alloc : memref<!tpu.dma_semaphore, #tpu.memory_space<semaphore_mem>>
      %dma_start3A = arith.constant 2 : i32
      %dma_start3A_15 = arith.constant 0 : i32
      %dma_start3A_16 = tpu.memref_slice %arg5[%add3A, %dma_start3A, %dma_start3A_15] : memref<32x3x10000xf32, #tpu.memory_space<hbm>> -> memref<1x1x10000xf32, #tpu.memory_space<hbm>>
      %dma_start3A_17 = tpu.memref_squeeze %dma_start3A_16 : memref<1x1x10000xf32, #tpu.memory_space<hbm>> -> memref<1x10000xf32, #tpu.memory_space<hbm>>
      %dma_start3A_18 = arith.constant 2 : i32
      %dma_start3A_19 = arith.constant 0 : i32
      %dma_start3A_20 = tpu.memref_slice %arg5[%add3A, %dma_start3A_18, %dma_start3A_19] : memref<32x3x10000xf32, #tpu.memory_space<hbm>> -> memref<1x1x10000xf32, #tpu.memory_space<hbm>>
      %dma_start3A_21 = tpu.memref_squeeze %dma_start3A_20 : memref<1x1x10000xf32, #tpu.memory_space<hbm>> -> memref<1x10000xf32, #tpu.memory_space<hbm>>
      tpu.enqueue_dma source(%arg11 : memref<1x10000xf32, #tpu.memory_space<vmem>>) target(%dma_start3A_21 : memref<1x10000xf32, #tpu.memory_space<hbm>>) target_semaphore(%run_scoped3A : memref<!tpu.dma_semaphore, #tpu.memory_space<semaphore_mem>>)
      %dma_wait3A = arith.constant 2 : i32
      %dma_wait3A_22 = arith.constant 0 : i32
      %dma_wait3A_23 = tpu.memref_slice %arg5[%add3A, %dma_wait3A, %dma_wait3A_22] : memref<32x3x10000xf32, #tpu.memory_space<hbm>> -> memref<1x1x10000xf32, #tpu.memory_space<hbm>>
      %dma_wait3A_24 = tpu.memref_squeeze %dma_wait3A_23 : memref<1x1x10000xf32, #tpu.memory_space<hbm>> -> memref<1x10000xf32, #tpu.memory_space<hbm>>
      %dma_wait3A_25 = arith.constant 2 : i32
      %dma_wait3A_26 = arith.constant 0 : i32
      %dma_wait3A_27 = tpu.memref_slice %arg5[%add3A, %dma_wait3A_25, %dma_wait3A_26] : memref<32x3x10000xf32, #tpu.memory_space<hbm>> -> memref<1x1x10000xf32, #tpu.memory_space<hbm>>
      %dma_wait3A_28 = tpu.memref_squeeze %dma_wait3A_27 : memref<1x1x10000xf32, #tpu.memory_space<hbm>> -> memref<1x10000xf32, #tpu.memory_space<hbm>>
      tpu.wait_dma2 semaphore(%run_scoped3A : memref<!tpu.dma_semaphore, #tpu.memory_space<semaphore_mem>>) src(%arg11 : memref<1x10000xf32, #tpu.memory_space<vmem>>) dst(%dma_wait3A_28 : memref<1x10000xf32, #tpu.memory_space<hbm>>)
      tpu.yield
    }) : () -> ()
    return
  }
}

module attributes {stable_mosaic.version = 14 : i64} {
  func.func @_tc_node1(%arg0: memref<10000x1xi32, #tpu.memory_space<vmem>>, %arg1: memref<16x128xf32, #tpu.memory_space<vmem>>, %arg2: memref<128x128xf32, #tpu.memory_space<vmem>>, %arg3: memref<10000x128xf32, #tpu.memory_space<vmem>>, %arg4: memref<10000x128xf32, #tpu.memory_space<vmem>>) attributes {dimension_semantics = [], scalar_prefetch = 0 : i64, scratch_operands = 0 : i64, tpu.core_type = #tpu.core_type<tc>} {
    %get3A = arith.constant 0 : index
    %get3A_0 = arith.constant 0 : index
    %get3A_1 = vector.load %arg0[%get3A, %get3A_0] : memref<10000x1xi32, #tpu.memory_space<vmem>>, vector<10000x1xi32>
    %iota3A = tpu.iota {dimensions = array<i32: 1>} : vector<10000x16xi32>
    %eq3A = vector.broadcast %get3A_1 : vector<10000x1xi32> to vector<10000x16xi32>
    %eq3A_2 = arith.cmpi eq, %eq3A, %iota3A : vector<10000x16xi32>
    %convert_element_type3A = arith.extui %eq3A_2 : vector<10000x16xi1> to vector<10000x16xi32>
    %convert_element_type3A_3 = arith.sitofp %convert_element_type3A : vector<10000x16xi32> to vector<10000x16xf32>
    %get3A_4 = arith.constant 0 : index
    %get3A_5 = arith.constant 0 : index
    %get3A_6 = vector.load %arg1[%get3A_4, %get3A_5] : memref<16x128xf32, #tpu.memory_space<vmem>>, vector<16x128xf32>
    %dot_general3A = arith.constant dense<0.000000e+00> : vector<10000x128xf32>
    %dot_general3A_7 = tpu.matmul %convert_element_type3A_3, %get3A_6, %dot_general3A {dimension_numbers = #tpu.dot_dimension_numbers<[1], [0], [0], [1], [0, 0, 1, 1], [], []>, precision = #tpu.contract_precision<fp32>, transpose_lhs_hint = false} : vector<10000x16xf32>, vector<16x128xf32>, vector<10000x128xf32> -> vector<10000x128xf32>
    %swap3A = arith.constant 0 : index
    %swap3A_8 = arith.constant 0 : index
    %swap3A_9 = vector.load %arg3[%swap3A, %swap3A_8] : memref<10000x128xf32, #tpu.memory_space<vmem>>, vector<10000x128xf32>
    tpu.vector_store %arg3[%swap3A, %swap3A_8], %dot_general3A_7 {strides = array<i32>} : memref<10000x128xf32, #tpu.memory_space<vmem>>, vector<10000x128xf32>,
    %get3A_10 = arith.constant 0 : index
    %get3A_11 = arith.constant 0 : index
    %get3A_12 = vector.load %arg2[%get3A_10, %get3A_11] : memref<128x128xf32, #tpu.memory_space<vmem>>, vector<128x128xf32>
    %dot_general3A_13 = arith.constant dense<0.000000e+00> : vector<10000x128xf32>
    %dot_general3A_14 = tpu.matmul %dot_general3A_7, %get3A_12, %dot_general3A_13 {dimension_numbers = #tpu.dot_dimension_numbers<[1], [0], [0], [1], [0, 0, 1, 1], [], []>, precision = #tpu.contract_precision<fp32>, transpose_lhs_hint = false} : vector<10000x128xf32>, vector<128x128xf32>, vector<10000x128xf32> -> vector<10000x128xf32>
    %swap3A_15 = arith.constant 0 : index
    %swap3A_16 = arith.constant 0 : index
    %swap3A_17 = vector.load %arg4[%swap3A_15, %swap3A_16] : memref<10000x128xf32, #tpu.memory_space<vmem>>, vector<10000x128xf32>
    tpu.vector_store %arg4[%swap3A_15, %swap3A_16], %dot_general3A_14 {strides = array<i32>} : memref<10000x128xf32, #tpu.memory_space<vmem>>, vector<10000x128xf32>,
    return
  }
}

module attributes {stable_mosaic.version = 14 : i64} {
  func.func @_tc_radial_fwd(%arg0: i32, %arg1: memref<4x3200xf32, #tpu.memory_space<vmem>>, %arg2: memref<8x128xf32, #tpu.memory_space<vmem>>, %arg3: memref<128x256xf32, #tpu.memory_space<vmem>>, %arg4: memref<3200x128xf32, #tpu.memory_space<vmem>>, %arg5: memref<3200x128xf32, #tpu.memory_space<vmem>>) attributes {dimension_semantics = [#tpu.dimension_semantics<arbitrary>], iteration_bounds = array<i64: 100>, scalar_prefetch = 0 : i64, scratch_operands = 0 : i64, tpu.core_type = #tpu.core_type<tc>, window_params = [{transform_indices = @transform_0, window_bounds = array<i64: 4, 3200>}, {pipeline_mode = #tpu.pipeline_mode<synchronous>, transform_indices = @transform_1, window_bounds = array<i64: 8, 128>}, {pipeline_mode = #tpu.pipeline_mode<synchronous>, transform_indices = @transform_2, window_bounds = array<i64: 128, 256>}, {transform_indices = @transform_3, window_bounds = array<i64: 3200, 128>}, {transform_indices = @transform_4, window_bounds = array<i64: 3200, 128>}]} {
    %get3A = arith.constant 0 : index
    %get3A_0 = arith.constant 0 : index
    %get3A_1 = vector.load %arg1[%get3A, %get3A_0] : memref<4x3200xf32, #tpu.memory_space<vmem>>, vector<4x3200xf32>
    %slice3A = vector.extract_strided_slice %get3A_1 {offsets = [0, 0], sizes = [1, 3200], strides = [1, 1]} : vector<4x3200xf32> to vector<1x3200xf32>
    %slice3A_2 = vector.extract_strided_slice %get3A_1 {offsets = [1, 0], sizes = [1, 3200], strides = [1, 1]} : vector<4x3200xf32> to vector<1x3200xf32>
    %slice3A_3 = vector.extract_strided_slice %get3A_1 {offsets = [2, 0], sizes = [1, 3200], strides = [1, 1]} : vector<4x3200xf32> to vector<1x3200xf32>
    %mul3A = arith.mulf %slice3A, %slice3A : vector<1x3200xf32>
    %mul3A_4 = arith.mulf %slice3A_2, %slice3A_2 : vector<1x3200xf32>
    %add3A = arith.addf %mul3A, %mul3A_4 : vector<1x3200xf32>
    %mul3A_5 = arith.mulf %slice3A_3, %slice3A_3 : vector<1x3200xf32>
    %add3A_6 = arith.addf %add3A, %mul3A_5 : vector<1x3200xf32>
    %add3A_7 = arith.constant 9.99999997E-7 : f32
    %add3A_8 = vector.broadcast %add3A_7 : f32 to vector<1x3200xf32>
    %add3A_9 = arith.addf %add3A_6, %add3A_8 : vector<1x3200xf32>
    %sqrt3A = math.sqrt %add3A_9 : vector<1x3200xf32>
    %div3A = arith.constant 1.000000e+00 : f32
    %div3A_10 = vector.broadcast %div3A : f32 to vector<1x3200xf32>
    %div3A_11 = arith.divf %div3A_10, %sqrt3A : vector<1x3200xf32>
    %min3A = arith.constant 4.000000e+00 : f32
    %min3A_12 = vector.broadcast %min3A : f32 to vector<1x3200xf32>
    %min3A_13 = arith.minimumf %sqrt3A, %min3A_12 : vector<1x3200xf32>
    %lt3A = arith.constant 4.000000e+00 : f32
    %lt3A_14 = vector.broadcast %lt3A : f32 to vector<1x3200xf32>
    %lt3A_15 = arith.cmpf olt, %sqrt3A, %lt3A_14 : vector<1x3200xf32>
    %convert_element_type3A = arith.extui %lt3A_15 : vector<1x3200xi1> to vector<1x3200xi32>
    %convert_element_type3A_16 = arith.sitofp %convert_element_type3A : vector<1x3200xi32> to vector<1x3200xf32>
    %mul3A_17 = arith.constant 3.14159274 : f32
    %mul3A_18 = vector.broadcast %mul3A_17 : f32 to vector<1x3200xf32>
    %mul3A_19 = arith.mulf %mul3A_18, %min3A_13 : vector<1x3200xf32>
    %div3A_20 = arith.constant 4.000000e+00 : f32
    %div3A_21 = vector.broadcast %div3A_20 : f32 to vector<1x3200xf32>
    %div3A_22 = arith.divf %mul3A_19, %div3A_21 : vector<1x3200xf32>
    %cos3A = math.cos %div3A_22 : vector<1x3200xf32>
    %add3A_23 = arith.constant 1.000000e+00 : f32
    %add3A_24 = vector.broadcast %add3A_23 : f32 to vector<1x3200xf32>
    %add3A_25 = arith.addf %cos3A, %add3A_24 : vector<1x3200xf32>
    %mul3A_26 = arith.constant 5.000000e-01 : f32
    %mul3A_27 = vector.broadcast %mul3A_26 : f32 to vector<1x3200xf32>
    %mul3A_28 = arith.mulf %mul3A_27, %add3A_25 : vector<1x3200xf32>
    %mul3A_29 = arith.mulf %mul3A_28, %convert_element_type3A_16 : vector<1x3200xf32>
    %iota3A = tpu.iota {dimensions = array<i32: 0>} : vector<8x1xi32>
    %add3A_30 = arith.constant 1 : i32
    %add3A_31 = vector.broadcast %add3A_30 : i32 to vector<8x1xi32>
    %add3A_32 = arith.addi %iota3A, %add3A_31 : vector<8x1xi32>
    %convert_element_type3A_33 = arith.sitofp %add3A_32 : vector<8x1xi32> to vector<8x1xf32>
    %mul3A_34 = arith.constant 0.785398185 : f32
    %mul3A_35 = vector.broadcast %mul3A_34 : f32 to vector<1x3200xf32>
    %mul3A_36 = arith.mulf %mul3A_35, %sqrt3A : vector<1x3200xf32>
    %mul3A_37 = vector.broadcast %mul3A_36 : vector<1x3200xf32> to vector<8x3200xf32>
    %mul3A_38 = vector.broadcast %convert_element_type3A_33 : vector<8x1xf32> to vector<8x3200xf32>
    %mul3A_39 = arith.mulf %mul3A_37, %mul3A_38 : vector<8x3200xf32>
    %sqrt3A_40 = arith.constant 5.000000e-01 : f32
    %sqrt3A_41 = math.sqrt %sqrt3A_40 : f32
    %sin3A = math.sin %mul3A_39 : vector<8x3200xf32>
    %mul3A_42 = vector.broadcast %sqrt3A_41 : f32 to vector<8x3200xf32>
    %mul3A_43 = arith.mulf %mul3A_42, %sin3A : vector<8x3200xf32>
    %mul3A_44 = arith.mulf %div3A_11, %mul3A_29 : vector<1x3200xf32>
    %mul3A_45 = vector.broadcast %mul3A_44 : vector<1x3200xf32> to vector<8x3200xf32>
    %mul3A_46 = arith.mulf %mul3A_43, %mul3A_45 : vector<8x3200xf32>
    %get3A_47 = arith.constant 0 : index
    %get3A_48 = arith.constant 0 : index
    %get3A_49 = vector.load %arg2[%get3A_47, %get3A_48] : memref<8x128xf32, #tpu.memory_space<vmem>>, vector<8x128xf32>
    %dot_general3A = arith.constant dense<0.000000e+00> : vector<3200x128xf32>
    %dot_general3A_50 = tpu.matmul %mul3A_46, %get3A_49, %dot_general3A {dimension_numbers = #tpu.dot_dimension_numbers<[0], [0], [1], [1], [0, 1, 1, 1], [], []>, precision = #tpu.contract_precision<fp32>, transpose_lhs_hint = false} : vector<8x3200xf32>, vector<8x128xf32>, vector<3200x128xf32> -> vector<3200x128xf32>
    %logistic3A = arith.negf %dot_general3A_50 : vector<3200x128xf32>
    %logistic3A_51 = math.exp %logistic3A : vector<3200x128xf32>
    %logistic3A_52 = arith.constant 1.000000e+00 : f32
    %logistic3A_53 = vector.broadcast %logistic3A_52 : f32 to vector<3200x128xf32>
    %logistic3A_54 = arith.addf %logistic3A_53, %logistic3A_51 : vector<3200x128xf32>
    %logistic3A_55 = arith.divf %logistic3A_53, %logistic3A_54 : vector<3200x128xf32>
    %mul3A_56 = arith.mulf %dot_general3A_50, %logistic3A_55 : vector<3200x128xf32>
    %get3A_57 = arith.constant 0 : index
    %get3A_58 = arith.constant 0 : index
    %get3A_59 = vector.load %arg3[%get3A_57, %get3A_58] : memref<128x256xf32, #tpu.memory_space<vmem>>, vector<128x256xf32>
    %dot_general3A_60 = arith.constant dense<0.000000e+00> : vector<3200x256xf32>
    %dot_general3A_61 = tpu.matmul %mul3A_56, %get3A_59, %dot_general3A_60 {dimension_numbers = #tpu.dot_dimension_numbers<[1], [0], [0], [1], [0, 0, 1, 1], [], []>, precision = #tpu.contract_precision<fp32>, transpose_lhs_hint = false} : vector<3200x128xf32>, vector<128x256xf32>, vector<3200x256xf32> -> vector<3200x256xf32>
    %slice3A_62 = vector.extract_strided_slice %dot_general3A_61 {offsets = [0, 0], sizes = [3200, 128], strides = [1, 1]} : vector<3200x256xf32> to vector<3200x128xf32>
    %swap3A = arith.constant 0 : index
    %swap3A_63 = arith.constant 0 : index
    %swap3A_64 = vector.load %arg4[%swap3A, %swap3A_63] : memref<3200x128xf32, #tpu.memory_space<vmem>>, vector<3200x128xf32>
    tpu.vector_store %arg4[%swap3A, %swap3A_63], %slice3A_62 {strides = array<i32>} : memref<3200x128xf32, #tpu.memory_space<vmem>>, vector<3200x128xf32>,
    %slice3A_65 = vector.extract_strided_slice %dot_general3A_61 {offsets = [0, 128], sizes = [3200, 128], strides = [1, 1]} : vector<3200x256xf32> to vector<3200x128xf32>
    %swap3A_66 = arith.constant 0 : index
    %swap3A_67 = arith.constant 0 : index
    %swap3A_68 = vector.load %arg5[%swap3A_66, %swap3A_67] : memref<3200x128xf32, #tpu.memory_space<vmem>>, vector<3200x128xf32>
    tpu.vector_store %arg5[%swap3A_66, %swap3A_67], %slice3A_65 {strides = array<i32>} : memref<3200x128xf32, #tpu.memory_space<vmem>>, vector<3200x128xf32>,
    return
  }
  func.func @transform_0(%arg0: i32) -> (i32, i32) {
    %c0_i32 = arith.constant 0 : i32
    %c0_i32_0 = arith.constant 0 : i32
    return %c0_i32, %arg0 : i32, i32
  }
  func.func @transform_1(%arg0: i32) -> (i32, i32) {
    %c0_i32 = arith.constant 0 : i32
    %c0_i32_0 = arith.constant 0 : i32
    %c0_i32_1 = arith.constant 0 : i32
    return %c0_i32, %c0_i32_0 : i32, i32
  }
  func.func @transform_2(%arg0: i32) -> (i32, i32) {
    %c0_i32 = arith.constant 0 : i32
    %c0_i32_0 = arith.constant 0 : i32
    %c0_i32_1 = arith.constant 0 : i32
    return %c0_i32, %c0_i32_0 : i32, i32
  }
  func.func @transform_3(%arg0: i32) -> (i32, i32) {
    %c0_i32 = arith.constant 0 : i32
    %c0_i32_0 = arith.constant 0 : i32
    return %arg0, %c0_i32 : i32, i32
  }
  func.func @transform_4(%arg0: i32) -> (i32, i32) {
    %c0_i32 = arith.constant 0 : i32
    %c0_i32_0 = arith.constant 0 : i32
    return %arg0, %c0_i32 : i32, i32
  }
}

module attributes {stable_mosaic.version = 14 : i64} {
  func.func @_tc_node2(%arg0: memref<2x10000x128xf32, #tpu.memory_space<vmem>>, %arg1: memref<10000x128xf32, #tpu.memory_space<vmem>>, %arg2: memref<128x128xf32, #tpu.memory_space<vmem>>, %arg3: memref<128x128xf32, #tpu.memory_space<vmem>>, %arg4: memref<10000x128xf32, #tpu.memory_space<vmem>>, %arg5: memref<10000x128xf32, #tpu.memory_space<vmem>>, %arg6: memref<10000x128xf32, #tpu.memory_space<vmem>>) attributes {dimension_semantics = [], scalar_prefetch = 0 : i64, scratch_operands = 0 : i64, tpu.core_type = #tpu.core_type<tc>} {
    %get3A = arith.constant 0 : index
    %get3A_0 = arith.constant 0 : index
    %get3A_1 = arith.constant 0 : index
    %get3A_2 = vector.load %arg0[%get3A, %get3A_0, %get3A_1] : memref<2x10000x128xf32, #tpu.memory_space<vmem>>, vector<1x10000x128xf32>
    %get3A_3 = vector.shape_cast %get3A_2 : vector<1x10000x128xf32> to vector<10000x128xf32>
    %get3A_4 = arith.constant 1 : index
    %get3A_5 = arith.constant 0 : index
    %get3A_6 = arith.constant 0 : index
    %get3A_7 = vector.load %arg0[%get3A_4, %get3A_5, %get3A_6] : memref<2x10000x128xf32, #tpu.memory_space<vmem>>, vector<1x10000x128xf32>
    %get3A_8 = vector.shape_cast %get3A_7 : vector<1x10000x128xf32> to vector<10000x128xf32>
    %add3A = arith.addf %get3A_3, %get3A_8 : vector<10000x128xf32>
    %get3A_9 = arith.constant 0 : index
    %get3A_10 = arith.constant 0 : index
    %get3A_11 = vector.load %arg2[%get3A_9, %get3A_10] : memref<128x128xf32, #tpu.memory_space<vmem>>, vector<128x128xf32>
    %dot_general3A = arith.constant dense<0.000000e+00> : vector<10000x128xf32>
    %dot_general3A_12 = tpu.matmul %add3A, %get3A_11, %dot_general3A {dimension_numbers = #tpu.dot_dimension_numbers<[1], [0], [0], [1], [0, 0, 1, 1], [], []>, precision = #tpu.contract_precision<fp32>, transpose_lhs_hint = false} : vector<10000x128xf32>, vector<128x128xf32>, vector<10000x128xf32> -> vector<10000x128xf32>
    %get3A_13 = arith.constant 0 : index
    %get3A_14 = arith.constant 0 : index
    %get3A_15 = vector.load %arg1[%get3A_13, %get3A_14] : memref<10000x128xf32, #tpu.memory_space<vmem>>, vector<10000x128xf32>
    %logistic3A = arith.negf %dot_general3A_12 : vector<10000x128xf32>
    %logistic3A_16 = math.exp %logistic3A : vector<10000x128xf32>
    %logistic3A_17 = arith.constant 1.000000e+00 : f32
    %logistic3A_18 = vector.broadcast %logistic3A_17 : f32 to vector<10000x128xf32>
    %logistic3A_19 = arith.addf %logistic3A_18, %logistic3A_16 : vector<10000x128xf32>
    %logistic3A_20 = arith.divf %logistic3A_18, %logistic3A_19 : vector<10000x128xf32>
    %mul3A = arith.mulf %dot_general3A_12, %logistic3A_20 : vector<10000x128xf32>
    %add3A_21 = arith.addf %get3A_15, %mul3A : vector<10000x128xf32>
    %swap3A = arith.constant 0 : index
    %swap3A_22 = arith.constant 0 : index
    %swap3A_23 = vector.load %arg4[%swap3A, %swap3A_22] : memref<10000x128xf32, #tpu.memory_space<vmem>>, vector<10000x128xf32>
    tpu.vector_store %arg4[%swap3A, %swap3A_22], %dot_general3A_12 {strides = array<i32>} : memref<10000x128xf32, #tpu.memory_space<vmem>>, vector<10000x128xf32>,
    %swap3A_24 = arith.constant 0 : index
    %swap3A_25 = arith.constant 0 : index
    %swap3A_26 = vector.load %arg5[%swap3A_24, %swap3A_25] : memref<10000x128xf32, #tpu.memory_space<vmem>>, vector<10000x128xf32>
    tpu.vector_store %arg5[%swap3A_24, %swap3A_25], %add3A_21 {strides = array<i32>} : memref<10000x128xf32, #tpu.memory_space<vmem>>, vector<10000x128xf32>,
    %get3A_27 = arith.constant 0 : index
    %get3A_28 = arith.constant 0 : index
    %get3A_29 = vector.load %arg3[%get3A_27, %get3A_28] : memref<128x128xf32, #tpu.memory_space<vmem>>, vector<128x128xf32>
    %dot_general3A_30 = arith.constant dense<0.000000e+00> : vector<10000x128xf32>
    %dot_general3A_31 = tpu.matmul %add3A_21, %get3A_29, %dot_general3A_30 {dimension_numbers = #tpu.dot_dimension_numbers<[1], [0], [0], [1], [0, 0, 1, 1], [], []>, precision = #tpu.contract_precision<fp32>, transpose_lhs_hint = false} : vector<10000x128xf32>, vector<128x128xf32>, vector<10000x128xf32> -> vector<10000x128xf32>
    %swap3A_32 = arith.constant 0 : index
    %swap3A_33 = arith.constant 0 : index
    %swap3A_34 = vector.load %arg6[%swap3A_32, %swap3A_33] : memref<10000x128xf32, #tpu.memory_space<vmem>>, vector<10000x128xf32>
    tpu.vector_store %arg6[%swap3A_32, %swap3A_33], %dot_general3A_31 {strides = array<i32>} : memref<10000x128xf32, #tpu.memory_space<vmem>>, vector<10000x128xf32>,
    return
  }
}

module attributes {stable_mosaic.version = 14 : i64} {
  func.func @_tc_node3(%arg0: memref<2x10000x128xf32, #tpu.memory_space<vmem>>, %arg1: memref<10000x128xf32, #tpu.memory_space<vmem>>, %arg2: memref<128x128xf32, #tpu.memory_space<vmem>>, %arg3: memref<128x1xf32, #tpu.memory_space<vmem>>, %arg4: memref<1x128xf32, #tpu.memory_space<vmem>>, %arg5: memref<128x128xf32, #tpu.memory_space<vmem>>, %arg6: memref<1x1xf32, #tpu.memory_space<vmem>>, %arg7: memref<10000x128xf32, #tpu.memory_space<vmem>>) attributes {dimension_semantics = [], scalar_prefetch = 0 : i64, scratch_operands = 0 : i64, tpu.core_type = #tpu.core_type<tc>} {
    %get3A = arith.constant 0 : index
    %get3A_0 = arith.constant 0 : index
    %get3A_1 = arith.constant 0 : index
    %get3A_2 = vector.load %arg0[%get3A, %get3A_0, %get3A_1] : memref<2x10000x128xf32, #tpu.memory_space<vmem>>, vector<1x10000x128xf32>
    %get3A_3 = vector.shape_cast %get3A_2 : vector<1x10000x128xf32> to vector<10000x128xf32>
    %get3A_4 = arith.constant 1 : index
    %get3A_5 = arith.constant 0 : index
    %get3A_6 = arith.constant 0 : index
    %get3A_7 = vector.load %arg0[%get3A_4, %get3A_5, %get3A_6] : memref<2x10000x128xf32, #tpu.memory_space<vmem>>, vector<1x10000x128xf32>
    %get3A_8 = vector.shape_cast %get3A_7 : vector<1x10000x128xf32> to vector<10000x128xf32>
    %add3A = arith.addf %get3A_3, %get3A_8 : vector<10000x128xf32>
    %get3A_9 = arith.constant 0 : index
    %get3A_10 = arith.constant 0 : index
    %get3A_11 = vector.load %arg2[%get3A_9, %get3A_10] : memref<128x128xf32, #tpu.memory_space<vmem>>, vector<128x128xf32>
    %dot_general3A = arith.constant dense<0.000000e+00> : vector<10000x128xf32>
    %dot_general3A_12 = tpu.matmul %add3A, %get3A_11, %dot_general3A {dimension_numbers = #tpu.dot_dimension_numbers<[1], [0], [0], [1], [0, 0, 1, 1], [], []>, precision = #tpu.contract_precision<fp32>, transpose_lhs_hint = false} : vector<10000x128xf32>, vector<128x128xf32>, vector<10000x128xf32> -> vector<10000x128xf32>
    %logistic3A = arith.negf %dot_general3A_12 : vector<10000x128xf32>
    %logistic3A_13 = math.exp %logistic3A : vector<10000x128xf32>
    %logistic3A_14 = arith.constant 1.000000e+00 : f32
    %logistic3A_15 = vector.broadcast %logistic3A_14 : f32 to vector<10000x128xf32>
    %logistic3A_16 = arith.addf %logistic3A_15, %logistic3A_13 : vector<10000x128xf32>
    %logistic3A_17 = arith.divf %logistic3A_15, %logistic3A_16 : vector<10000x128xf32>
    %get3A_18 = arith.constant 0 : index
    %get3A_19 = arith.constant 0 : index
    %get3A_20 = vector.load %arg1[%get3A_18, %get3A_19] : memref<10000x128xf32, #tpu.memory_space<vmem>>, vector<10000x128xf32>
    %mul3A = arith.mulf %dot_general3A_12, %logistic3A_17 : vector<10000x128xf32>
    %add3A_21 = arith.addf %get3A_20, %mul3A : vector<10000x128xf32>
    %get3A_22 = arith.constant 0 : index
    %get3A_23 = arith.constant 0 : index
    %get3A_24 = vector.load %arg3[%get3A_22, %get3A_23] : memref<128x1xf32, #tpu.memory_space<vmem>>, vector<128x1xf32>
    %dot_general3A_25 = arith.constant dense<0.000000e+00> : vector<10000x1xf32>
    %dot_general3A_26 = tpu.matmul %add3A_21, %get3A_24, %dot_general3A_25 {dimension_numbers = #tpu.dot_dimension_numbers<[1], [0], [0], [1], [0, 0, 1, 1], [], []>, precision = #tpu.contract_precision<fp32>, transpose_lhs_hint = false} : vector<10000x128xf32>, vector<128x1xf32>, vector<10000x1xf32> -> vector<10000x1xf32>
    %reduce_sum3A = vector.shape_cast %dot_general3A_26 : vector<10000x1xf32> to vector<1x10000x1xf32>
    %reduce_sum3A_27 = arith.constant dense<0.000000e+00> : vector<1xf32>
    %reduce_sum3A_28 = vector.multi_reduction <add>, %reduce_sum3A, %reduce_sum3A_27 [1, 2] : vector<1x10000x1xf32> to vector<1xf32>
    %reduce_sum3A_29 = vector.shape_cast %reduce_sum3A_28 : vector<1xf32> to vector<1x1x1xf32>
    %reduce_sum3A_30 = vector.extract %reduce_sum3A_29[0, 0, 0] : f32 from vector<1x1x1xf32>
    %reshape3A = vector.broadcast %reduce_sum3A_30 : f32 to vector<1x1xf32>
    %swap3A = arith.constant 0 : index
    %swap3A_31 = arith.constant 0 : index
    %swap3A_32 = vector.load %arg6[%swap3A, %swap3A_31] : memref<1x1xf32, #tpu.memory_space<vmem>>, vector<1x1xf32>
    tpu.vector_store %arg6[%swap3A, %swap3A_31], %reshape3A {strides = array<i32>} : memref<1x1xf32, #tpu.memory_space<vmem>>, vector<1x1xf32>,
    %get3A_33 = arith.constant 0 : index
    %get3A_34 = arith.constant 0 : index
    %get3A_35 = vector.load %arg4[%get3A_33, %get3A_34] : memref<1x128xf32, #tpu.memory_space<vmem>>, vector<1x128xf32>
    %sub3A = arith.constant 1.000000e+00 : f32
    %sub3A_36 = vector.broadcast %sub3A : f32 to vector<10000x128xf32>
    %sub3A_37 = arith.subf %sub3A_36, %logistic3A_17 : vector<10000x128xf32>
    %mul3A_38 = arith.mulf %dot_general3A_12, %sub3A_37 : vector<10000x128xf32>
    %add3A_39 = arith.constant 1.000000e+00 : f32
    %add3A_40 = vector.broadcast %add3A_39 : f32 to vector<10000x128xf32>
    %add3A_41 = arith.addf %add3A_40, %mul3A_38 : vector<10000x128xf32>
    %mul3A_42 = arith.mulf %logistic3A_17, %add3A_41 : vector<10000x128xf32>
    %mul3A_43 = vector.broadcast %get3A_35 : vector<1x128xf32> to vector<10000x128xf32>
    %mul3A_44 = arith.mulf %mul3A_43, %mul3A_42 : vector<10000x128xf32>
    %get3A_45 = arith.constant 0 : index
    %get3A_46 = arith.constant 0 : index
    %get3A_47 = vector.load %arg5[%get3A_45, %get3A_46] : memref<128x128xf32, #tpu.memory_space<vmem>>, vector<128x128xf32>
    %dot_general3A_48 = arith.constant dense<0.000000e+00> : vector<10000x128xf32>
    %dot_general3A_49 = tpu.matmul %mul3A_44, %get3A_47, %dot_general3A_48 {dimension_numbers = #tpu.dot_dimension_numbers<[1], [0], [0], [1], [0, 0, 1, 1], [], []>, precision = #tpu.contract_precision<fp32>, transpose_lhs_hint = false} : vector<10000x128xf32>, vector<128x128xf32>, vector<10000x128xf32> -> vector<10000x128xf32>
    %swap3A_50 = arith.constant 0 : index
    %swap3A_51 = arith.constant 0 : index
    %swap3A_52 = vector.load %arg7[%swap3A_50, %swap3A_51] : memref<10000x128xf32, #tpu.memory_space<vmem>>, vector<10000x128xf32>
    tpu.vector_store %arg7[%swap3A_50, %swap3A_51], %dot_general3A_49 {strides = array<i32>} : memref<10000x128xf32, #tpu.memory_space<vmem>>, vector<10000x128xf32>,
    return
  }
}

module attributes {stable_mosaic.version = 14 : i64} {
  func.func @_tc_node4(%arg0: memref<2x10000x128xf32, #tpu.memory_space<vmem>>, %arg1: memref<10000x128xf32, #tpu.memory_space<vmem>>, %arg2: memref<128x128xf32, #tpu.memory_space<vmem>>, %arg3: memref<128x128xf32, #tpu.memory_space<vmem>>, %arg4: memref<1x128xf32, #tpu.memory_space<vmem>>, %arg5: memref<10000x128xf32, #tpu.memory_space<vmem>>) attributes {dimension_semantics = [], scalar_prefetch = 0 : i64, scratch_operands = 0 : i64, tpu.core_type = #tpu.core_type<tc>} {
    %get3A = arith.constant 0 : index
    %get3A_0 = arith.constant 0 : index
    %get3A_1 = arith.constant 0 : index
    %get3A_2 = vector.load %arg0[%get3A, %get3A_0, %get3A_1] : memref<2x10000x128xf32, #tpu.memory_space<vmem>>, vector<1x10000x128xf32>
    %get3A_3 = vector.shape_cast %get3A_2 : vector<1x10000x128xf32> to vector<10000x128xf32>
    %get3A_4 = arith.constant 1 : index
    %get3A_5 = arith.constant 0 : index
    %get3A_6 = arith.constant 0 : index
    %get3A_7 = vector.load %arg0[%get3A_4, %get3A_5, %get3A_6] : memref<2x10000x128xf32, #tpu.memory_space<vmem>>, vector<1x10000x128xf32>
    %get3A_8 = vector.shape_cast %get3A_7 : vector<1x10000x128xf32> to vector<10000x128xf32>
    %add3A = arith.addf %get3A_3, %get3A_8 : vector<10000x128xf32>
    %get3A_9 = arith.constant 0 : index
    %get3A_10 = arith.constant 0 : index
    %get3A_11 = vector.load %arg4[%get3A_9, %get3A_10] : memref<1x128xf32, #tpu.memory_space<vmem>>, vector<1x128xf32>
    %get3A_12 = arith.constant 0 : index
    %get3A_13 = arith.constant 0 : index
    %get3A_14 = vector.load %arg2[%get3A_12, %get3A_13] : memref<128x128xf32, #tpu.memory_space<vmem>>, vector<128x128xf32>
    %dot_general3A = arith.constant dense<0.000000e+00> : vector<10000x128xf32>
    %dot_general3A_15 = tpu.matmul %add3A, %get3A_14, %dot_general3A {dimension_numbers = #tpu.dot_dimension_numbers<[1], [0], [0], [1], [0, 0, 1, 1], [], []>, precision = #tpu.contract_precision<fp32>, transpose_lhs_hint = false} : vector<10000x128xf32>, vector<128x128xf32>, vector<10000x128xf32> -> vector<10000x128xf32>
    %add3A_16 = vector.broadcast %get3A_11 : vector<1x128xf32> to vector<10000x128xf32>
    %add3A_17 = arith.addf %add3A_16, %dot_general3A_15 : vector<10000x128xf32>
    %get3A_18 = arith.constant 0 : index
    %get3A_19 = arith.constant 0 : index
    %get3A_20 = vector.load %arg1[%get3A_18, %get3A_19] : memref<10000x128xf32, #tpu.memory_space<vmem>>, vector<10000x128xf32>
    %logistic3A = arith.negf %get3A_20 : vector<10000x128xf32>
    %logistic3A_21 = math.exp %logistic3A : vector<10000x128xf32>
    %logistic3A_22 = arith.constant 1.000000e+00 : f32
    %logistic3A_23 = vector.broadcast %logistic3A_22 : f32 to vector<10000x128xf32>
    %logistic3A_24 = arith.addf %logistic3A_23, %logistic3A_21 : vector<10000x128xf32>
    %logistic3A_25 = arith.divf %logistic3A_23, %logistic3A_24 : vector<10000x128xf32>
    %sub3A = arith.constant 1.000000e+00 : f32
    %sub3A_26 = vector.broadcast %sub3A : f32 to vector<10000x128xf32>
    %sub3A_27 = arith.subf %sub3A_26, %logistic3A_25 : vector<10000x128xf32>
    %mul3A = arith.mulf %get3A_20, %sub3A_27 : vector<10000x128xf32>
    %add3A_28 = arith.constant 1.000000e+00 : f32
    %add3A_29 = vector.broadcast %add3A_28 : f32 to vector<10000x128xf32>
    %add3A_30 = arith.addf %add3A_29, %mul3A : vector<10000x128xf32>
    %mul3A_31 = arith.mulf %logistic3A_25, %add3A_30 : vector<10000x128xf32>
    %mul3A_32 = arith.mulf %add3A_17, %mul3A_31 : vector<10000x128xf32>
    %get3A_33 = arith.constant 0 : index
    %get3A_34 = arith.constant 0 : index
    %get3A_35 = vector.load %arg3[%get3A_33, %get3A_34] : memref<128x128xf32, #tpu.memory_space<vmem>>, vector<128x128xf32>
    %dot_general3A_36 = arith.constant dense<0.000000e+00> : vector<10000x128xf32>
    %dot_general3A_37 = tpu.matmul %mul3A_32, %get3A_35, %dot_general3A_36 {dimension_numbers = #tpu.dot_dimension_numbers<[1], [0], [0], [1], [0, 0, 1, 1], [], []>, precision = #tpu.contract_precision<fp32>, transpose_lhs_hint = false} : vector<10000x128xf32>, vector<128x128xf32>, vector<10000x128xf32> -> vector<10000x128xf32>
    %swap3A = arith.constant 0 : index
    %swap3A_38 = arith.constant 0 : index
    %swap3A_39 = vector.load %arg5[%swap3A, %swap3A_38] : memref<10000x128xf32, #tpu.memory_space<vmem>>, vector<10000x128xf32>
    tpu.vector_store %arg5[%swap3A, %swap3A_38], %dot_general3A_37 {strides = array<i32>} : memref<10000x128xf32, #tpu.memory_space<vmem>>, vector<10000x128xf32>,
    return
  }
}

module attributes {stable_mosaic.version = 14 : i64} {
  func.func @_tc_radial_bwd(%arg0: i32, %arg1: memref<4x3200xf32, #tpu.memory_space<vmem>>, %arg2: memref<3200x128xf32, #tpu.memory_space<vmem>>, %arg3: memref<3200x128xf32, #tpu.memory_space<vmem>>, %arg4: memref<8x128xf32, #tpu.memory_space<vmem>>, %arg5: memref<256x128xf32, #tpu.memory_space<vmem>>, %arg6: memref<128x8xf32, #tpu.memory_space<vmem>>, %arg7: memref<4x3200xf32, #tpu.memory_space<vmem>>) attributes {dimension_semantics = [#tpu.dimension_semantics<arbitrary>], iteration_bounds = array<i64: 100>, scalar_prefetch = 0 : i64, scratch_operands = 0 : i64, tpu.core_type = #tpu.core_type<tc>, window_params = [{transform_indices = @transform_0, window_bounds = array<i64: 4, 3200>}, {transform_indices = @transform_1, window_bounds = array<i64: 3200, 128>}, {transform_indices = @transform_2, window_bounds = array<i64: 3200, 128>}, {pipeline_mode = #tpu.pipeline_mode<synchronous>, transform_indices = @transform_3, window_bounds = array<i64: 8, 128>}, {pipeline_mode = #tpu.pipeline_mode<synchronous>, transform_indices = @transform_4, window_bounds = array<i64: 256, 128>}, {pipeline_mode = #tpu.pipeline_mode<synchronous>, transform_indices = @transform_5, window_bounds = array<i64: 128, 8>}, {transform_indices = @transform_6, window_bounds = array<i64: 4, 3200>}]} {
    %get3A = arith.constant 0 : index
    %get3A_0 = arith.constant 0 : index
    %get3A_1 = vector.load %arg1[%get3A, %get3A_0] : memref<4x3200xf32, #tpu.memory_space<vmem>>, vector<4x3200xf32>
    %slice3A = vector.extract_strided_slice %get3A_1 {offsets = [0, 0], sizes = [1, 3200], strides = [1, 1]} : vector<4x3200xf32> to vector<1x3200xf32>
    %slice3A_2 = vector.extract_strided_slice %get3A_1 {offsets = [1, 0], sizes = [1, 3200], strides = [1, 1]} : vector<4x3200xf32> to vector<1x3200xf32>
    %slice3A_3 = vector.extract_strided_slice %get3A_1 {offsets = [2, 0], sizes = [1, 3200], strides = [1, 1]} : vector<4x3200xf32> to vector<1x3200xf32>
    %mul3A = arith.mulf %slice3A, %slice3A : vector<1x3200xf32>
    %mul3A_4 = arith.mulf %slice3A_2, %slice3A_2 : vector<1x3200xf32>
    %add3A = arith.addf %mul3A, %mul3A_4 : vector<1x3200xf32>
    %mul3A_5 = arith.mulf %slice3A_3, %slice3A_3 : vector<1x3200xf32>
    %add3A_6 = arith.addf %add3A, %mul3A_5 : vector<1x3200xf32>
    %add3A_7 = arith.constant 9.99999997E-7 : f32
    %add3A_8 = vector.broadcast %add3A_7 : f32 to vector<1x3200xf32>
    %add3A_9 = arith.addf %add3A_6, %add3A_8 : vector<1x3200xf32>
    %sqrt3A = math.sqrt %add3A_9 : vector<1x3200xf32>
    %div3A = arith.constant 1.000000e+00 : f32
    %div3A_10 = vector.broadcast %div3A : f32 to vector<1x3200xf32>
    %div3A_11 = arith.divf %div3A_10, %sqrt3A : vector<1x3200xf32>
    %min3A = arith.constant 4.000000e+00 : f32
    %min3A_12 = vector.broadcast %min3A : f32 to vector<1x3200xf32>
    %min3A_13 = arith.minimumf %sqrt3A, %min3A_12 : vector<1x3200xf32>
    %lt3A = arith.constant 4.000000e+00 : f32
    %lt3A_14 = vector.broadcast %lt3A : f32 to vector<1x3200xf32>
    %lt3A_15 = arith.cmpf olt, %sqrt3A, %lt3A_14 : vector<1x3200xf32>
    %convert_element_type3A = arith.extui %lt3A_15 : vector<1x3200xi1> to vector<1x3200xi32>
    %convert_element_type3A_16 = arith.sitofp %convert_element_type3A : vector<1x3200xi32> to vector<1x3200xf32>
    %mul3A_17 = arith.constant 3.14159274 : f32
    %mul3A_18 = vector.broadcast %mul3A_17 : f32 to vector<1x3200xf32>
    %mul3A_19 = arith.mulf %mul3A_18, %min3A_13 : vector<1x3200xf32>
    %div3A_20 = arith.constant 4.000000e+00 : f32
    %div3A_21 = vector.broadcast %div3A_20 : f32 to vector<1x3200xf32>
    %div3A_22 = arith.divf %mul3A_19, %div3A_21 : vector<1x3200xf32>
    %cos3A = math.cos %div3A_22 : vector<1x3200xf32>
    %add3A_23 = arith.constant 1.000000e+00 : f32
    %add3A_24 = vector.broadcast %add3A_23 : f32 to vector<1x3200xf32>
    %add3A_25 = arith.addf %cos3A, %add3A_24 : vector<1x3200xf32>
    %mul3A_26 = arith.constant 5.000000e-01 : f32
    %mul3A_27 = vector.broadcast %mul3A_26 : f32 to vector<1x3200xf32>
    %mul3A_28 = arith.mulf %mul3A_27, %add3A_25 : vector<1x3200xf32>
    %mul3A_29 = arith.mulf %mul3A_28, %convert_element_type3A_16 : vector<1x3200xf32>
    %iota3A = tpu.iota {dimensions = array<i32: 0>} : vector<8x1xi32>
    %add3A_30 = arith.constant 1 : i32
    %add3A_31 = vector.broadcast %add3A_30 : i32 to vector<8x1xi32>
    %add3A_32 = arith.addi %iota3A, %add3A_31 : vector<8x1xi32>
    %convert_element_type3A_33 = arith.sitofp %add3A_32 : vector<8x1xi32> to vector<8x1xf32>
    %mul3A_34 = arith.constant 0.785398185 : f32
    %mul3A_35 = vector.broadcast %mul3A_34 : f32 to vector<1x3200xf32>
    %mul3A_36 = arith.mulf %mul3A_35, %sqrt3A : vector<1x3200xf32>
    %mul3A_37 = vector.broadcast %mul3A_36 : vector<1x3200xf32> to vector<8x3200xf32>
    %mul3A_38 = vector.broadcast %convert_element_type3A_33 : vector<8x1xf32> to vector<8x3200xf32>
    %mul3A_39 = arith.mulf %mul3A_37, %mul3A_38 : vector<8x3200xf32>
    %sqrt3A_40 = arith.constant 5.000000e-01 : f32
    %sqrt3A_41 = math.sqrt %sqrt3A_40 : f32
    %sin3A = math.sin %mul3A_39 : vector<8x3200xf32>
    %cos3A_42 = math.cos %mul3A_39 : vector<8x3200xf32>
    %mul3A_43 = vector.broadcast %sqrt3A_41 : f32 to vector<8x3200xf32>
    %mul3A_44 = arith.mulf %mul3A_43, %sin3A : vector<8x3200xf32>
    %mul3A_45 = arith.mulf %div3A_11, %mul3A_29 : vector<1x3200xf32>
    %mul3A_46 = vector.broadcast %mul3A_45 : vector<1x3200xf32> to vector<8x3200xf32>
    %mul3A_47 = arith.mulf %mul3A_44, %mul3A_46 : vector<8x3200xf32>
    %get3A_48 = arith.constant 0 : index
    %get3A_49 = arith.constant 0 : index
    %get3A_50 = vector.load %arg4[%get3A_48, %get3A_49] : memref<8x128xf32, #tpu.memory_space<vmem>>, vector<8x128xf32>
    %dot_general3A = arith.constant dense<0.000000e+00> : vector<3200x128xf32>
    %dot_general3A_51 = tpu.matmul %mul3A_47, %get3A_50, %dot_general3A {dimension_numbers = #tpu.dot_dimension_numbers<[0], [0], [1], [1], [0, 1, 1, 1], [], []>, precision = #tpu.contract_precision<fp32>, transpose_lhs_hint = false} : vector<8x3200xf32>, vector<8x128xf32>, vector<3200x128xf32> -> vector<3200x128xf32>
    %get3A_52 = arith.constant 0 : index
    %get3A_53 = arith.constant 0 : index
    %get3A_54 = vector.load %arg2[%get3A_52, %get3A_53] : memref<3200x128xf32, #tpu.memory_space<vmem>>, vector<3200x128xf32>
    %get3A_55 = arith.constant 0 : index
    %get3A_56 = arith.constant 0 : index
    %get3A_57 = vector.load %arg3[%get3A_55, %get3A_56] : memref<3200x128xf32, #tpu.memory_space<vmem>>, vector<3200x128xf32>
    %concatenate3A = tpu.concatenate %get3A_54, %get3A_57 in 1 : vector<3200x128xf32>, vector<3200x128xf32> -> vector<3200x256xf32>
    %get3A_58 = arith.constant 0 : index
    %get3A_59 = arith.constant 0 : index
    %get3A_60 = vector.load %arg5[%get3A_58, %get3A_59] : memref<256x128xf32, #tpu.memory_space<vmem>>, vector<256x128xf32>
    %dot_general3A_61 = arith.constant dense<0.000000e+00> : vector<3200x128xf32>
    %dot_general3A_62 = tpu.matmul %concatenate3A, %get3A_60, %dot_general3A_61 {dimension_numbers = #tpu.dot_dimension_numbers<[1], [0], [0], [1], [0, 0, 1, 1], [], []>, precision = #tpu.contract_precision<fp32>, transpose_lhs_hint = false} : vector<3200x256xf32>, vector<256x128xf32>, vector<3200x128xf32> -> vector<3200x128xf32>
    %logistic3A = arith.negf %dot_general3A_51 : vector<3200x128xf32>
    %logistic3A_63 = math.exp %logistic3A : vector<3200x128xf32>
    %logistic3A_64 = arith.constant 1.000000e+00 : f32
    %logistic3A_65 = vector.broadcast %logistic3A_64 : f32 to vector<3200x128xf32>
    %logistic3A_66 = arith.addf %logistic3A_65, %logistic3A_63 : vector<3200x128xf32>
    %logistic3A_67 = arith.divf %logistic3A_65, %logistic3A_66 : vector<3200x128xf32>
    %sub3A = arith.constant 1.000000e+00 : f32
    %sub3A_68 = vector.broadcast %sub3A : f32 to vector<3200x128xf32>
    %sub3A_69 = arith.subf %sub3A_68, %logistic3A_67 : vector<3200x128xf32>
    %mul3A_70 = arith.mulf %dot_general3A_51, %sub3A_69 : vector<3200x128xf32>
    %add3A_71 = arith.constant 1.000000e+00 : f32
    %add3A_72 = vector.broadcast %add3A_71 : f32 to vector<3200x128xf32>
    %add3A_73 = arith.addf %add3A_72, %mul3A_70 : vector<3200x128xf32>
    %mul3A_74 = arith.mulf %logistic3A_67, %add3A_73 : vector<3200x128xf32>
    %mul3A_75 = arith.mulf %dot_general3A_62, %mul3A_74 : vector<3200x128xf32>
    %get3A_76 = arith.constant 0 : index
    %get3A_77 = arith.constant 0 : index
    %get3A_78 = vector.load %arg6[%get3A_76, %get3A_77] : memref<128x8xf32, #tpu.memory_space<vmem>>, vector<128x8xf32>
    %dot_general3A_79 = arith.constant dense<0.000000e+00> : vector<8x3200xf32>
    %dot_general3A_80 = tpu.matmul %get3A_78, %mul3A_75, %dot_general3A_79 {dimension_numbers = #tpu.dot_dimension_numbers<[0], [1], [1], [0], [0, 1, 1, 0], [], []>, precision = #tpu.contract_precision<fp32>, transpose_lhs_hint = false} : vector<128x8xf32>, vector<3200x128xf32>, vector<8x3200xf32> -> vector<8x3200xf32>
    %mul3A_81 = arith.constant 3.14159274 : f32
    %mul3A_82 = vector.broadcast %mul3A_81 : f32 to vector<1x3200xf32>
    %mul3A_83 = arith.mulf %mul3A_82, %min3A_13 : vector<1x3200xf32>
    %div3A_84 = arith.constant 4.000000e+00 : f32
    %div3A_85 = vector.broadcast %div3A_84 : f32 to vector<1x3200xf32>
    %div3A_86 = arith.divf %mul3A_83, %div3A_85 : vector<1x3200xf32>
    %sin3A_87 = math.sin %div3A_86 : vector<1x3200xf32>
    %mul3A_88 = arith.constant -0.392699093 : f32
    %mul3A_89 = vector.broadcast %mul3A_88 : f32 to vector<1x3200xf32>
    %mul3A_90 = arith.mulf %mul3A_89, %sin3A_87 : vector<1x3200xf32>
    %mul3A_91 = arith.mulf %mul3A_90, %convert_element_type3A_16 : vector<1x3200xf32>
    %mul3A_92 = vector.broadcast %sqrt3A_41 : f32 to vector<1x3200xf32>
    %mul3A_93 = arith.mulf %mul3A_92, %mul3A_29 : vector<1x3200xf32>
    %mul3A_94 = arith.constant 0.785398185 : f32
    %mul3A_95 = vector.broadcast %mul3A_94 : f32 to vector<8x1xf32>
    %mul3A_96 = arith.mulf %convert_element_type3A_33, %mul3A_95 : vector<8x1xf32>
    %mul3A_97 = vector.broadcast %mul3A_96 : vector<8x1xf32> to vector<8x3200xf32>
    %mul3A_98 = arith.mulf %mul3A_97, %cos3A_42 : vector<8x3200xf32>
    %mul3A_99 = vector.broadcast %div3A_11 : vector<1x3200xf32> to vector<8x3200xf32>
    %mul3A_100 = arith.mulf %mul3A_98, %mul3A_99 : vector<8x3200xf32>
    %mul3A_101 = vector.broadcast %div3A_11 : vector<1x3200xf32> to vector<8x3200xf32>
    %mul3A_102 = arith.mulf %sin3A, %mul3A_101 : vector<8x3200xf32>
    %mul3A_103 = vector.broadcast %div3A_11 : vector<1x3200xf32> to vector<8x3200xf32>
    %mul3A_104 = arith.mulf %mul3A_102, %mul3A_103 : vector<8x3200xf32>
    %sub3A_105 = arith.subf %mul3A_100, %mul3A_104 : vector<8x3200xf32>
    %mul3A_106 = vector.broadcast %mul3A_93 : vector<1x3200xf32> to vector<8x3200xf32>
    %mul3A_107 = arith.mulf %mul3A_106, %sub3A_105 : vector<8x3200xf32>
    %mul3A_108 = vector.broadcast %sqrt3A_41 : f32 to vector<8x3200xf32>
    %mul3A_109 = arith.mulf %mul3A_108, %sin3A : vector<8x3200xf32>
    %mul3A_110 = vector.broadcast %div3A_11 : vector<1x3200xf32> to vector<8x3200xf32>
    %mul3A_111 = arith.mulf %mul3A_109, %mul3A_110 : vector<8x3200xf32>
    %mul3A_112 = vector.broadcast %mul3A_91 : vector<1x3200xf32> to vector<8x3200xf32>
    %mul3A_113 = arith.mulf %mul3A_111, %mul3A_112 : vector<8x3200xf32>
    %add3A_114 = arith.addf %mul3A_107, %mul3A_113 : vector<8x3200xf32>
    %mul3A_115 = arith.mulf %dot_general3A_80, %add3A_114 : vector<8x3200xf32>
    %reduce_sum3A = arith.constant dense<0.000000e+00> : vector<3200xf32>
    %reduce_sum3A_116 = vector.multi_reduction <add>, %mul3A_115, %reduce_sum3A [0] : vector<8x3200xf32> to vector<3200xf32>
    %broadcast_in_dim3A = vector.shape_cast %reduce_sum3A_116 : vector<3200xf32> to vector<1x3200xf32>
    %mul3A_117 = arith.mulf %broadcast_in_dim3A, %div3A_11 : vector<1x3200xf32>
    %broadcast_in_dim3A_118 = arith.constant 0.000000e+00 : f32
    %broadcast_in_dim3A_119 = vector.broadcast %broadcast_in_dim3A_118 : f32 to vector<1x3200xf32>
    %mul3A_120 = arith.mulf %mul3A_117, %slice3A : vector<1x3200xf32>
    %mul3A_121 = arith.mulf %mul3A_117, %slice3A_2 : vector<1x3200xf32>
    %mul3A_122 = arith.mulf %mul3A_117, %slice3A_3 : vector<1x3200xf32>
    %concatenate3A_123 = tpu.concatenate %mul3A_120, %mul3A_121, %mul3A_122, %broadcast_in_dim3A_119 in 0 : vector<1x3200xf32>, vector<1x3200xf32>, vector<1x3200xf32>, vector<1x3200xf32> -> vector<4x3200xf32>
    %swap3A = arith.constant 0 : index
    %swap3A_124 = arith.constant 0 : index
    %swap3A_125 = vector.load %arg7[%swap3A, %swap3A_124] : memref<4x3200xf32, #tpu.memory_space<vmem>>, vector<4x3200xf32>
    tpu.vector_store %arg7[%swap3A, %swap3A_124], %concatenate3A_123 {strides = array<i32>} : memref<4x3200xf32, #tpu.memory_space<vmem>>, vector<4x3200xf32>,
    return
  }
  func.func @transform_0(%arg0: i32) -> (i32, i32) {
    %c0_i32 = arith.constant 0 : i32
    %c0_i32_0 = arith.constant 0 : i32
    return %c0_i32, %arg0 : i32, i32
  }
  func.func @transform_1(%arg0: i32) -> (i32, i32) {
    %c0_i32 = arith.constant 0 : i32
    %c0_i32_0 = arith.constant 0 : i32
    return %arg0, %c0_i32 : i32, i32
  }
  func.func @transform_2(%arg0: i32) -> (i32, i32) {
    %c0_i32 = arith.constant 0 : i32
    %c0_i32_0 = arith.constant 0 : i32
    return %arg0, %c0_i32 : i32, i32
  }
  func.func @transform_3(%arg0: i32) -> (i32, i32) {
    %c0_i32 = arith.constant 0 : i32
    %c0_i32_0 = arith.constant 0 : i32
    %c0_i32_1 = arith.constant 0 : i32
    return %c0_i32, %c0_i32_0 : i32, i32
  }
  func.func @transform_4(%arg0: i32) -> (i32, i32) {
    %c0_i32 = arith.constant 0 : i32
    %c0_i32_0 = arith.constant 0 : i32
    %c0_i32_1 = arith.constant 0 : i32
    return %c0_i32, %c0_i32_0 : i32, i32
  }
  func.func @transform_5(%arg0: i32) -> (i32, i32) {
    %c0_i32 = arith.constant 0 : i32
    %c0_i32_0 = arith.constant 0 : i32
    %c0_i32_1 = arith.constant 0 : i32
    return %c0_i32, %c0_i32_0 : i32, i32
  }
  func.func @transform_6(%arg0: i32) -> (i32, i32) {
    %c0_i32 = arith.constant 0 : i32
    %c0_i32_0 = arith.constant 0 : i32
    return %c0_i32, %arg0 : i32, i32
  }
}

module attributes {stable_mosaic.version = 14 : i64} {
  func.func @_tc_fsum(%arg0: memref<32x3x10000xf32, #tpu.memory_space<vmem>>, %arg1: memref<3x10000xf32, #tpu.memory_space<vmem>>) attributes {dimension_semantics = [], scalar_prefetch = 0 : i64, scratch_operands = 0 : i64, tpu.core_type = #tpu.core_type<tc>} {
    %get3A = arith.constant 0 : index
    %get3A_0 = arith.constant 0 : index
    %get3A_1 = arith.constant 0 : index
    %get3A_2 = vector.load %arg0[%get3A, %get3A_0, %get3A_1] : memref<32x3x10000xf32, #tpu.memory_space<vmem>>, vector<1x3x10000xf32>
    %get3A_3 = vector.shape_cast %get3A_2 : vector<1x3x10000xf32> to vector<3x10000xf32>
    %get3A_4 = arith.constant 1 : index
    %get3A_5 = arith.constant 0 : index
    %get3A_6 = arith.constant 0 : index
    %get3A_7 = vector.load %arg0[%get3A_4, %get3A_5, %get3A_6] : memref<32x3x10000xf32, #tpu.memory_space<vmem>>, vector<1x3x10000xf32>
    %get3A_8 = vector.shape_cast %get3A_7 : vector<1x3x10000xf32> to vector<3x10000xf32>
    %add3A = arith.addf %get3A_3, %get3A_8 : vector<3x10000xf32>
    %get3A_9 = arith.constant 2 : index
    %get3A_10 = arith.constant 0 : index
    %get3A_11 = arith.constant 0 : index
    %get3A_12 = vector.load %arg0[%get3A_9, %get3A_10, %get3A_11] : memref<32x3x10000xf32, #tpu.memory_space<vmem>>, vector<1x3x10000xf32>
    %get3A_13 = vector.shape_cast %get3A_12 : vector<1x3x10000xf32> to vector<3x10000xf32>
    %add3A_14 = arith.addf %add3A, %get3A_13 : vector<3x10000xf32>
    %get3A_15 = arith.constant 3 : index
    %get3A_16 = arith.constant 0 : index
    %get3A_17 = arith.constant 0 : index
    %get3A_18 = vector.load %arg0[%get3A_15, %get3A_16, %get3A_17] : memref<32x3x10000xf32, #tpu.memory_space<vmem>>, vector<1x3x10000xf32>
    %get3A_19 = vector.shape_cast %get3A_18 : vector<1x3x10000xf32> to vector<3x10000xf32>
    %add3A_20 = arith.addf %add3A_14, %get3A_19 : vector<3x10000xf32>
    %get3A_21 = arith.constant 4 : index
    %get3A_22 = arith.constant 0 : index
    %get3A_23 = arith.constant 0 : index
    %get3A_24 = vector.load %arg0[%get3A_21, %get3A_22, %get3A_23] : memref<32x3x10000xf32, #tpu.memory_space<vmem>>, vector<1x3x10000xf32>
    %get3A_25 = vector.shape_cast %get3A_24 : vector<1x3x10000xf32> to vector<3x10000xf32>
    %add3A_26 = arith.addf %add3A_20, %get3A_25 : vector<3x10000xf32>
    %get3A_27 = arith.constant 5 : index
    %get3A_28 = arith.constant 0 : index
    %get3A_29 = arith.constant 0 : index
    %get3A_30 = vector.load %arg0[%get3A_27, %get3A_28, %get3A_29] : memref<32x3x10000xf32, #tpu.memory_space<vmem>>, vector<1x3x10000xf32>
    %get3A_31 = vector.shape_cast %get3A_30 : vector<1x3x10000xf32> to vector<3x10000xf32>
    %add3A_32 = arith.addf %add3A_26, %get3A_31 : vector<3x10000xf32>
    %get3A_33 = arith.constant 6 : index
    %get3A_34 = arith.constant 0 : index
    %get3A_35 = arith.constant 0 : index
    %get3A_36 = vector.load %arg0[%get3A_33, %get3A_34, %get3A_35] : memref<32x3x10000xf32, #tpu.memory_space<vmem>>, vector<1x3x10000xf32>
    %get3A_37 = vector.shape_cast %get3A_36 : vector<1x3x10000xf32> to vector<3x10000xf32>
    %add3A_38 = arith.addf %add3A_32, %get3A_37 : vector<3x10000xf32>
    %get3A_39 = arith.constant 7 : index
    %get3A_40 = arith.constant 0 : index
    %get3A_41 = arith.constant 0 : index
    %get3A_42 = vector.load %arg0[%get3A_39, %get3A_40, %get3A_41] : memref<32x3x10000xf32, #tpu.memory_space<vmem>>, vector<1x3x10000xf32>
    %get3A_43 = vector.shape_cast %get3A_42 : vector<1x3x10000xf32> to vector<3x10000xf32>
    %add3A_44 = arith.addf %add3A_38, %get3A_43 : vector<3x10000xf32>
    %get3A_45 = arith.constant 8 : index
    %get3A_46 = arith.constant 0 : index
    %get3A_47 = arith.constant 0 : index
    %get3A_48 = vector.load %arg0[%get3A_45, %get3A_46, %get3A_47] : memref<32x3x10000xf32, #tpu.memory_space<vmem>>, vector<1x3x10000xf32>
    %get3A_49 = vector.shape_cast %get3A_48 : vector<1x3x10000xf32> to vector<3x10000xf32>
    %add3A_50 = arith.addf %add3A_44, %get3A_49 : vector<3x10000xf32>
    %get3A_51 = arith.constant 9 : index
    %get3A_52 = arith.constant 0 : index
    %get3A_53 = arith.constant 0 : index
    %get3A_54 = vector.load %arg0[%get3A_51, %get3A_52, %get3A_53] : memref<32x3x10000xf32, #tpu.memory_space<vmem>>, vector<1x3x10000xf32>
    %get3A_55 = vector.shape_cast %get3A_54 : vector<1x3x10000xf32> to vector<3x10000xf32>
    %add3A_56 = arith.addf %add3A_50, %get3A_55 : vector<3x10000xf32>
    %get3A_57 = arith.constant 10 : index
    %get3A_58 = arith.constant 0 : index
    %get3A_59 = arith.constant 0 : index
    %get3A_60 = vector.load %arg0[%get3A_57, %get3A_58, %get3A_59] : memref<32x3x10000xf32, #tpu.memory_space<vmem>>, vector<1x3x10000xf32>
    %get3A_61 = vector.shape_cast %get3A_60 : vector<1x3x10000xf32> to vector<3x10000xf32>
    %add3A_62 = arith.addf %add3A_56, %get3A_61 : vector<3x10000xf32>
    %get3A_63 = arith.constant 11 : index
    %get3A_64 = arith.constant 0 : index
    %get3A_65 = arith.constant 0 : index
    %get3A_66 = vector.load %arg0[%get3A_63, %get3A_64, %get3A_65] : memref<32x3x10000xf32, #tpu.memory_space<vmem>>, vector<1x3x10000xf32>
    %get3A_67 = vector.shape_cast %get3A_66 : vector<1x3x10000xf32> to vector<3x10000xf32>
    %add3A_68 = arith.addf %add3A_62, %get3A_67 : vector<3x10000xf32>
    %get3A_69 = arith.constant 12 : index
    %get3A_70 = arith.constant 0 : index
    %get3A_71 = arith.constant 0 : index
    %get3A_72 = vector.load %arg0[%get3A_69, %get3A_70, %get3A_71] : memref<32x3x10000xf32, #tpu.memory_space<vmem>>, vector<1x3x10000xf32>
    %get3A_73 = vector.shape_cast %get3A_72 : vector<1x3x10000xf32> to vector<3x10000xf32>
    %add3A_74 = arith.addf %add3A_68, %get3A_73 : vector<3x10000xf32>
    %get3A_75 = arith.constant 13 : index
    %get3A_76 = arith.constant 0 : index
    %get3A_77 = arith.constant 0 : index
    %get3A_78 = vector.load %arg0[%get3A_75, %get3A_76, %get3A_77] : memref<32x3x10000xf32, #tpu.memory_space<vmem>>, vector<1x3x10000xf32>
    %get3A_79 = vector.shape_cast %get3A_78 : vector<1x3x10000xf32> to vector<3x10000xf32>
    %add3A_80 = arith.addf %add3A_74, %get3A_79 : vector<3x10000xf32>
    %get3A_81 = arith.constant 14 : index
    %get3A_82 = arith.constant 0 : index
    %get3A_83 = arith.constant 0 : index
    %get3A_84 = vector.load %arg0[%get3A_81, %get3A_82, %get3A_83] : memref<32x3x10000xf32, #tpu.memory_space<vmem>>, vector<1x3x10000xf32>
    %get3A_85 = vector.shape_cast %get3A_84 : vector<1x3x10000xf32> to vector<3x10000xf32>
    %add3A_86 = arith.addf %add3A_80, %get3A_85 : vector<3x10000xf32>
    %get3A_87 = arith.constant 15 : index
    %get3A_88 = arith.constant 0 : index
    %get3A_89 = arith.constant 0 : index
    %get3A_90 = vector.load %arg0[%get3A_87, %get3A_88, %get3A_89] : memref<32x3x10000xf32, #tpu.memory_space<vmem>>, vector<1x3x10000xf32>
    %get3A_91 = vector.shape_cast %get3A_90 : vector<1x3x10000xf32> to vector<3x10000xf32>
    %add3A_92 = arith.addf %add3A_86, %get3A_91 : vector<3x10000xf32>
    %get3A_93 = arith.constant 16 : index
    %get3A_94 = arith.constant 0 : index
    %get3A_95 = arith.constant 0 : index
    %get3A_96 = vector.load %arg0[%get3A_93, %get3A_94, %get3A_95] : memref<32x3x10000xf32, #tpu.memory_space<vmem>>, vector<1x3x10000xf32>
    %get3A_97 = vector.shape_cast %get3A_96 : vector<1x3x10000xf32> to vector<3x10000xf32>
    %add3A_98 = arith.addf %add3A_92, %get3A_97 : vector<3x10000xf32>
    %get3A_99 = arith.constant 17 : index
    %get3A_100 = arith.constant 0 : index
    %get3A_101 = arith.constant 0 : index
    %get3A_102 = vector.load %arg0[%get3A_99, %get3A_100, %get3A_101] : memref<32x3x10000xf32, #tpu.memory_space<vmem>>, vector<1x3x10000xf32>
    %get3A_103 = vector.shape_cast %get3A_102 : vector<1x3x10000xf32> to vector<3x10000xf32>
    %add3A_104 = arith.addf %add3A_98, %get3A_103 : vector<3x10000xf32>
    %get3A_105 = arith.constant 18 : index
    %get3A_106 = arith.constant 0 : index
    %get3A_107 = arith.constant 0 : index
    %get3A_108 = vector.load %arg0[%get3A_105, %get3A_106, %get3A_107] : memref<32x3x10000xf32, #tpu.memory_space<vmem>>, vector<1x3x10000xf32>
    %get3A_109 = vector.shape_cast %get3A_108 : vector<1x3x10000xf32> to vector<3x10000xf32>
    %add3A_110 = arith.addf %add3A_104, %get3A_109 : vector<3x10000xf32>
    %get3A_111 = arith.constant 19 : index
    %get3A_112 = arith.constant 0 : index
    %get3A_113 = arith.constant 0 : index
    %get3A_114 = vector.load %arg0[%get3A_111, %get3A_112, %get3A_113] : memref<32x3x10000xf32, #tpu.memory_space<vmem>>, vector<1x3x10000xf32>
    %get3A_115 = vector.shape_cast %get3A_114 : vector<1x3x10000xf32> to vector<3x10000xf32>
    %add3A_116 = arith.addf %add3A_110, %get3A_115 : vector<3x10000xf32>
    %get3A_117 = arith.constant 20 : index
    %get3A_118 = arith.constant 0 : index
    %get3A_119 = arith.constant 0 : index
    %get3A_120 = vector.load %arg0[%get3A_117, %get3A_118, %get3A_119] : memref<32x3x10000xf32, #tpu.memory_space<vmem>>, vector<1x3x10000xf32>
    %get3A_121 = vector.shape_cast %get3A_120 : vector<1x3x10000xf32> to vector<3x10000xf32>
    %add3A_122 = arith.addf %add3A_116, %get3A_121 : vector<3x10000xf32>
    %get3A_123 = arith.constant 21 : index
    %get3A_124 = arith.constant 0 : index
    %get3A_125 = arith.constant 0 : index
    %get3A_126 = vector.load %arg0[%get3A_123, %get3A_124, %get3A_125] : memref<32x3x10000xf32, #tpu.memory_space<vmem>>, vector<1x3x10000xf32>
    %get3A_127 = vector.shape_cast %get3A_126 : vector<1x3x10000xf32> to vector<3x10000xf32>
    %add3A_128 = arith.addf %add3A_122, %get3A_127 : vector<3x10000xf32>
    %get3A_129 = arith.constant 22 : index
    %get3A_130 = arith.constant 0 : index
    %get3A_131 = arith.constant 0 : index
    %get3A_132 = vector.load %arg0[%get3A_129, %get3A_130, %get3A_131] : memref<32x3x10000xf32, #tpu.memory_space<vmem>>, vector<1x3x10000xf32>
    %get3A_133 = vector.shape_cast %get3A_132 : vector<1x3x10000xf32> to vector<3x10000xf32>
    %add3A_134 = arith.addf %add3A_128, %get3A_133 : vector<3x10000xf32>
    %get3A_135 = arith.constant 23 : index
    %get3A_136 = arith.constant 0 : index
    %get3A_137 = arith.constant 0 : index
    %get3A_138 = vector.load %arg0[%get3A_135, %get3A_136, %get3A_137] : memref<32x3x10000xf32, #tpu.memory_space<vmem>>, vector<1x3x10000xf32>
    %get3A_139 = vector.shape_cast %get3A_138 : vector<1x3x10000xf32> to vector<3x10000xf32>
    %add3A_140 = arith.addf %add3A_134, %get3A_139 : vector<3x10000xf32>
    %get3A_141 = arith.constant 24 : index
    %get3A_142 = arith.constant 0 : index
    %get3A_143 = arith.constant 0 : index
    %get3A_144 = vector.load %arg0[%get3A_141, %get3A_142, %get3A_143] : memref<32x3x10000xf32, #tpu.memory_space<vmem>>, vector<1x3x10000xf32>
    %get3A_145 = vector.shape_cast %get3A_144 : vector<1x3x10000xf32> to vector<3x10000xf32>
    %add3A_146 = arith.addf %add3A_140, %get3A_145 : vector<3x10000xf32>
    %get3A_147 = arith.constant 25 : index
    %get3A_148 = arith.constant 0 : index
    %get3A_149 = arith.constant 0 : index
    %get3A_150 = vector.load %arg0[%get3A_147, %get3A_148, %get3A_149] : memref<32x3x10000xf32, #tpu.memory_space<vmem>>, vector<1x3x10000xf32>
    %get3A_151 = vector.shape_cast %get3A_150 : vector<1x3x10000xf32> to vector<3x10000xf32>
    %add3A_152 = arith.addf %add3A_146, %get3A_151 : vector<3x10000xf32>
    %get3A_153 = arith.constant 26 : index
    %get3A_154 = arith.constant 0 : index
    %get3A_155 = arith.constant 0 : index
    %get3A_156 = vector.load %arg0[%get3A_153, %get3A_154, %get3A_155] : memref<32x3x10000xf32, #tpu.memory_space<vmem>>, vector<1x3x10000xf32>
    %get3A_157 = vector.shape_cast %get3A_156 : vector<1x3x10000xf32> to vector<3x10000xf32>
    %add3A_158 = arith.addf %add3A_152, %get3A_157 : vector<3x10000xf32>
    %get3A_159 = arith.constant 27 : index
    %get3A_160 = arith.constant 0 : index
    %get3A_161 = arith.constant 0 : index
    %get3A_162 = vector.load %arg0[%get3A_159, %get3A_160, %get3A_161] : memref<32x3x10000xf32, #tpu.memory_space<vmem>>, vector<1x3x10000xf32>
    %get3A_163 = vector.shape_cast %get3A_162 : vector<1x3x10000xf32> to vector<3x10000xf32>
    %add3A_164 = arith.addf %add3A_158, %get3A_163 : vector<3x10000xf32>
    %get3A_165 = arith.constant 28 : index
    %get3A_166 = arith.constant 0 : index
    %get3A_167 = arith.constant 0 : index
    %get3A_168 = vector.load %arg0[%get3A_165, %get3A_166, %get3A_167] : memref<32x3x10000xf32, #tpu.memory_space<vmem>>, vector<1x3x10000xf32>
    %get3A_169 = vector.shape_cast %get3A_168 : vector<1x3x10000xf32> to vector<3x10000xf32>
    %add3A_170 = arith.addf %add3A_164, %get3A_169 : vector<3x10000xf32>
    %get3A_171 = arith.constant 29 : index
    %get3A_172 = arith.constant 0 : index
    %get3A_173 = arith.constant 0 : index
    %get3A_174 = vector.load %arg0[%get3A_171, %get3A_172, %get3A_173] : memref<32x3x10000xf32, #tpu.memory_space<vmem>>, vector<1x3x10000xf32>
    %get3A_175 = vector.shape_cast %get3A_174 : vector<1x3x10000xf32> to vector<3x10000xf32>
    %add3A_176 = arith.addf %add3A_170, %get3A_175 : vector<3x10000xf32>
    %get3A_177 = arith.constant 30 : index
    %get3A_178 = arith.constant 0 : index
    %get3A_179 = arith.constant 0 : index
    %get3A_180 = vector.load %arg0[%get3A_177, %get3A_178, %get3A_179] : memref<32x3x10000xf32, #tpu.memory_space<vmem>>, vector<1x3x10000xf32>
    %get3A_181 = vector.shape_cast %get3A_180 : vector<1x3x10000xf32> to vector<3x10000xf32>
    %add3A_182 = arith.addf %add3A_176, %get3A_181 : vector<3x10000xf32>
    %get3A_183 = arith.constant 31 : index
    %get3A_184 = arith.constant 0 : index
    %get3A_185 = arith.constant 0 : index
    %get3A_186 = vector.load %arg0[%get3A_183, %get3A_184, %get3A_185] : memref<32x3x10000xf32, #tpu.memory_space<vmem>>, vector<1x3x10000xf32>
    %get3A_187 = vector.shape_cast %get3A_186 : vector<1x3x10000xf32> to vector<3x10000xf32>
    %add3A_188 = arith.addf %add3A_182, %get3A_187 : vector<3x10000xf32>
    %swap3A = arith.constant 0 : index
    %swap3A_189 = arith.constant 0 : index
    %swap3A_190 = vector.load %arg1[%swap3A, %swap3A_189] : memref<3x10000xf32, #tpu.memory_space<vmem>>, vector<3x10000xf32>
    tpu.vector_store %arg1[%swap3A, %swap3A_189], %add3A_188 {strides = array<i32>} : memref<3x10000xf32, #tpu.memory_space<vmem>>, vector<3x10000xf32>,
    return
  }
}

</mosaic_0001>

<sc_bundles>
// kernel: kernel.15.cloned.1.call-start
scs
__scs_entry_jumppad:
0x0: {  	(pc) =	sbr.rel $0x88, $3  }
0x1: {  	(tag) =	ssettag $0x0;
	lr =	simm.s32 $0x1  }
0x2: {  	[smem:$0x3F94] =	sst lr;
	_ =	strace $0xD0000000  }
0x3: {  	_ = 	snop  }
0x4: {  	_ = 	snop  }
0x5: {  	_ = 	snop  }
0x6: {  	_ = 	snop  }
0x7: {  	_ = 	snop  }
__scs_overlays_trampoline_lowered:
0x8: {  	[smem:$0x3FA3] =	sst s0  }
0x9: {  	[smem:$0x3FA4] =	sst s1  }
0xa: {  	[smem:$0x3FA5] =	sst s2  }
0xb: {  	[smem:$0x3FA6] =	sst s3  }
0xc: {  	[smem:$0x3FA7] =	sst s4  }
0xd: {  	[smem:$0x3FA8] =	sst s5  }
0xe: {  	[smem:$0x3FA9] =	sst s6  }
0xf: {  	[smem:$0x3FAA] =	sst s7  }
0x10: {  	[smem:$0x3FAB] =	sst s8  }
0x11: {  	[smem:$0x3FAC] =	sst s9;
	s0 =	simm.s32 @!p0 $0x0  }
0x12: {  	s1 =	sld [smem:$0x3F92];
	s0 =	simm.s32 @p0 $0x1  }
0x13: {  	[smem:$0x3FAD] =	sst s0;
	s0 =	simm.s32 @!p1 $0x0  }
0x14: {  	s2 =	sld [smem:$0x3F91];
	s0 =	simm.s32 @p1 $0x1  }
0x15: {  	[smem:$0x3FAE] =	sst s0;
	s0 =	simm.s32 @!p2 $0x0  }
0x16: {  	s3 =	sld [smem:$0x3FDB];
	s0 =	simm.s32 @p2 $0x1  }
0x17: {  	s4 =	simm.s32 $0x1BF5;
	[smem:$0x3FB0] =	sst s0  }
0x18: {  	s0 =	sld [smem:$0x3F93];
	_ =	swait.ge [sflag:s4], $0x0  }
0x19: {  	s7 =	sld [smem:$0x3F94]  }
0x1a: {  	s8 =	sadd.s32 $0xFFFFE003, lr  }
0x1b: {  	s9 =	sadd.s32 $0xFFFFFEF7, lr;
	s5 =	simm.s32 $0xFFFFFFFF;
	p2 =	slt.u32 s8, $0xFFFFF086  }
0x1c: {  	p1 =	slt.u32 s9, $0xF7A;
	s5 =	simm.s32 @!p2 $0x0  }
0x1d: {  	s5 =	simm.s32 @p1 $0x1;
	p0 =	seq.s32 s7, s2  }
0x1e: {  	s7 =	smul.u32 @!p0 $0xF7A, s2;
	p2 =	seq.s32 @!p0 s5, $0x0  }
0x1f: {  	s9 =	smul.u32 $0xF7A, s1;
	s8 =	simm.s32 @!p0 $0x1BF5;
	p2 =	por !p2, p0  }
0x20: {  	[sflag:s8] =	ssyncset.s32 @!p0 $0xFFFFF086;
	s6 =	sadd.s32 @!p0 s3, s7;
	s7 =	simm.s32 @!p0 $0x108  }
0x21: {  	s3 =	sadd.s32 s3, s9;
	s6 =	sadd.s32 @!p0 $0x88, s6;
	s7 =	simm.s32 @p2 $0x1082  }
0x22: {  	[simem:s7], [sflag:s8] =	dma.local @!p0 [hbm:s6], $0xF7A  }
0x23: {  	s9 =	sor.u32 $0xD0000000, s2;
	s6 =	simm.s32 $0x108;
	_ =	swait.ge @!p0 [sflag:s8], $0x0  }
0x24: {  	s3 =	sadd.s32 $0x88, s3;
	s6 =	simm.s32 @!p1 $0x1082;
	[sflag:s4] =	ssyncset.s32 $0xFFFFF086  }
0x25: {  	[simem:s6], [sflag:s4] =	dma.local [hbm:s3], $0xF7A  }
0x26: {  	[smem:$0x3F94] =	sst s1;
	(tag) =	ssettag s2;
	_ =	strace s9  }
0x27: {  	s1 =	sld [smem:$0x3FA4]  }
0x28: {  	s2 =	sld [smem:$0x3FA5]  }
0x29: {  	s4 =	sld [smem:$0x3FA7]  }
0x2a: {  	p0 =	seq.s32 s5, $0x0;
	s5 =	sld [smem:$0x3FA8]  }
0x2b: {  	s6 =	sld [smem:$0x3FA9]  }
0x2c: {  	s7 =	sld [smem:$0x3FAA]  }
0x2d: {  	s3 =	simm.s32 $0x108;
	s8 =	sld [smem:$0x3FAB]  }
0x2e: {  	s3 =	simm.s32 @!p0 $0x1082;
	s9 =	sld [smem:$0x3FAC]  }
0x2f: {  	lr =	sadd.s32 s0, s3;
	s0 =	sld [smem:$0x3FA3]  }
0x30: {  	s3 =	sld [smem:$0x3FA6]  }
0x31: {  	[smem:$0x3FAF] =	sst s10  }
0x32: {  	s10 =	sld [smem:$0x3FAD];
	_ =	sdelay $0x3  }
0x33: {  	p0 =	seq.s32 s10, $0x1;
	s10 =	sld [smem:$0x3FAF];
	_ =	sdelay $0x3  }
0x34: {  	[smem:$0x3FAF] =	sst s10  }
0x35: {  	s10 =	sld [smem:$0x3FAE];
	_ =	sdelay $0x3  }
0x36: {  	p1 =	seq.s32 s10, $0x1;
	s10 =	sld [smem:$0x3FAF];
	_ =	sdelay $0x3  }
0x37: {  	[smem:$0x3FAF] =	sst s10  }
0x38: {  	s10 =	sld [smem:$0x3FB0]  }
0x39: {  	_ = 	snop;
	(pc) =	sbr.ind lr, $3  }
0x3a: {  	_ = 	snop  }
0x3b: {  	_ = 	snop  }
0x3c: {  	p2 =	seq.s32 s10, $0x1;
	s10 =	sld [smem:$0x3FAF]  }
0x3d: {  	_ =	shalt  }
0x3e: {  	_ =	shalt  }
0x3f: {  	_ =	shalt  }
0x40: {  	_ =	shalt  }
0x41: {  	_ =	shalt  }
0x42: {  	_ =	shalt  }
0x43: {  	_ =	shalt  }
0x44: {  	_ =	shalt  }
0x45: {  	_ =	shalt  }
0x46: {  	_ =	shalt  }
0x47: {  	_ =	shalt  }
0x48: {  	_ =	shalt  }
0x49: {  	_ =	shalt  }
0x4a: {  	_ =	shalt  }
0x4b: {  	_ =	shalt  }
0x4c: {  	_ =	shalt  }
0x4d: {  	_ =	shalt  }
0x4e: {  	_ =	shalt  }
0x4f: {  	_ =	shalt  }
0x50: {  	_ =	shalt  }
0x51: {  	_ =	shalt  }
0x52: {  	_ =	shalt  }
0x53: {  	_ =	shalt  }
0x54: {  	_ =	shalt  }
0x55: {  	_ =	shalt  }
0x56: {  	_ =	shalt  }
0x57: {  	_ =	shalt  }
0x58: {  	_ =	shalt  }
0x59: {  	_ =	shalt  }
0x5a: {  	_ =	shalt  }
0x5b: {  	_ =	shalt  }
0x5c: {  	_ =	shalt  }
0x5d: {  	_ =	shalt  }
0x5e: {  	_ =	shalt  }
0x5f: {  	_ =	shalt  }
0x60: {  	_ =	shalt  }
0x61: {  	_ =	shalt  }
0x62: {  	_ =	shalt  }
0x63: {  	_ =	shalt  }
0x64: {  	_ =	shalt  }
0x65: {  	_ =	shalt  }
0x66: {  	_ =	shalt  }
0x67: {  	_ =	shalt  }
0x68: {  	_ =	shalt  }
0x69: {  	_ =	shalt  }
0x6a: {  	_ =	shalt  }
0x6b: {  	_ =	shalt  }
0x6c: {  	_ =	shalt  }
0x6d: {  	_ =	shalt  }
0x6e: {  	_ =	shalt  }
0x6f: {  	_ =	shalt  }
0x70: {  	_ =	shalt  }
0x71: {  	_ =	shalt  }
0x72: {  	_ =	shalt  }
0x73: {  	_ =	shalt  }
0x74: {  	_ =	shalt  }
0x75: {  	_ =	shalt  }
0x76: {  	_ =	shalt  }
0x77: {  	_ =	shalt  }
0x78: {  	_ =	shalt  }
0x79: {  	_ =	shalt  }
0x7a: {  	_ =	shalt  }
0x7b: {  	_ =	shalt  }
0x7c: {  	_ =	shalt  }
0x7d: {  	_ =	shalt  }
0x7e: {  	_ =	shalt  }
0x7f: {  	_ =	shalt  }
0x80: {  	_ =	shalt  }
0x81: {  	_ =	shalt  }
0x82: {  	_ =	shalt  }
0x83: {  	_ =	shalt  }
0x84: {  	_ =	shalt  }
0x85: {  	_ =	shalt  }
0x86: {  	_ =	shalt  }
0x87: {  	_ =	shalt  }
.Lfunc_end0:
.L_simem_size_0:
called_computation_lowered:
.L_overlay_start_0:
0x88: {  	s2 =	sld [smem:$0x3FD9]  }
0x89: {  	s3 =	sld [smem:$0x3FFE];
	_ =	sdelay $0x1  }
0x8a: {  	s1 =	srdreg.scid  }
0x8b: {  	s0 =	sand.u32 $0x1, s1  }
0x8c: {  	s16 =	sshll.u32 s0, $0xA;
	s2 =	sadd.s32 s3, s2  }
0x8d: {  	s2 =	sadd.s32 s2, s16  }
0x8e: {  	[smem:$0x3FBB] =	sst s2  }
0x8f: {  	_ = 	snop  }
0x90: {  	(tm) =	ssettm $0x1  }
0x91: {  	s17 =	sld [smem:$0x3FFB];
	_ =	sdelay $0x3  }
0x92: {  	_ =	strace s17  }
0x93: {  	s2 =	sld [smem:$0x3FFC];
	_ =	sdelay $0x3  }
0x94: {  	_ =	strace s2  }
0x95: {  	s2 =	sld [smem:$0x3FFD];
	_ =	sdelay $0x3  }
0x96: {  	_ =	strace s2  }
0x97: {  	_ =	strace $0x8FFFFFFF  }
0x98: {  	s18 =	sld [smem:$0x3FDB];
	_ =	sdelay $0x1  }
0x99: {  	s19 =	simm.s32 $_scs_section_size  }
0x9a: {  	s4 =	simm.s32 $_size__tile_overlayer_lowered;
	s5 =	simm.s32 $_tile_overlayer_lowered  }
0x9b: {  	s22 =	simm.s32 $0x1BFF;
	s21 =	sshll.u32 s5, $0x1;
	s2 =	sadd.s32 s19, s18  }
0x9c: {  	s6 =	simm.s32 $0x0;
	s20 =	sshll.u32 s4, $0x1;
	s4 =	sadd.s32 s21, s2  }
0x9d: {  	[timem:s6], [sflag:s22] =	dma.local [hbm:s4], s20  }
0x9e: {  	_ =	swait.ge [sflag:s22], s20  }
0x9f: {  	s3 =	ssub.s32 $0x0, s20;
	[sflag:s22] =	ssyncset.done $0x0  }
0xa0: {  	[sflag:s22] =	ssyncadd.s32 s3;
	_ =	sdelay $0x1  }
0xa1: {  	s23 =	simm.s32 $0x1B8B  }
0xa2: {  	_ =	swait.ge [sflag:s23], $0x1  }
0xa3: {  	[sflag:s23] =	ssyncset.done $0x0  }
0xa4: {  	s25 =	simm.s32 $0x1B8E;
	s24 =	sld [smem:$0x3FFE];
	[sflag:s23] =	ssyncadd.s32 $0xFFFFFFFF  }
0xa5: {  	s26 =	simm.s32 $execute0_lowered;
	[smem:$0x3FD2] =	sst s25  }
0xa6: {  	s4 =	sshll.u32 s26, $0x1;
	_ =	strace $0x80000046;
	[dreg:$0x1] =	wrdreg $0xFFFFFFFF  }
0xa7: {  	s28 =	simm.s32 $_size_execute0_lowered;
	s2 =	sadd.s32 s2, s4;
	[dreg:$0x0] =	wrdreg $0x0  }
0xa8: {  	s4 =	sshll.u32 s28, $0x1;
	[dreg:$0x2] =	wrdreg s2  }
0xa9: {  	[dreg:$0x3] =	wrdreg s4  }
0xaa: {  	[dreg:$0x4] =	wrdreg $0xC0  }
0xab: {  	_ =	task [dreg:s6], $0x5FFFF  }
0xac: {  	[dreg:$0x1] =	wrdreg $0xFFFFFFFF  }
0xad: {  	[dreg:$0x0] =	wrdreg $0x60  }
0xae: {  	[dreg:$0x2] =	wrdreg s24  }
0xaf: {  	[dreg:$0x3] =	wrdreg $0x9  }
0xb0: {  	_ =	task.clear_ibuf [dreg:s6], $0x4FFFF;
	_ =	strace $0x90000046  }
0xb1: {  	s29 =	simm.s32 $0x9;
	_ =	strace $0x80000048  }
0xb2: {  	_ =	swait.ge [sflag:s29], $0x1  }
0xb3: {  	[sflag:s29] =	ssyncadd.s32 $0xFFFFFFFF  }
0xb4: {  	_ =	strace $0x90000048  }
0xb5: {  	_ =	sfence  }
0xb6: {  	s30 =	sld [smem:$0x0];
	_ =	sdelay $0x2  }
0xb7: {  	s31 =	sshll.u32 s1, $0xD;
	s1 =	sshrl.u32 s1, $0x2  }
0xb8: {  	s3 =	sand.u32 $0x4000, s31;
	s1 =	sadd.s32 s1, s30  }
0xb9: {  	s0 =	sor.u32 s3, s0;
	s1 =	sshll.u32 s1, $0x11  }
0xba: {  	s0 =	sor.u32 s1, s0  }
0xbb: {  	s0 =	sadd.s32 $0x8F2B, s0  }
0xbc: {  	[sflag:s0] =	ssyncadd.remote.s32 $0x1  }
0xbd: {  	_ =	sfence.sel $0xFFFF  }
0xbe: {  	[dreg:$0x0] =	wrdreg $0xFFFFFFFF;
	(pc) =	sbr.abs _section_cstart, $3  }
0xbf: {  	[dreg:$0x1] =	wrdreg $0xFFFFFFFF  }
0xc0: {  	_ =	task.clear_ibuf [dreg:s6], $0x2FFFF;
	_ =	strace $0x9FFFFFFF  }
0xc1: {  	(tm) =	ssettm $0x7FFFFFFF  }
tec
execute0_lowered:
.L_overlay_start_1:
0x0: {  	(tag) =	ssettag $0x1  }
0x1: {  	s6 =	rddreg [dreg:$0x0]  }
0x2: {  	s0 =	rddreg [dreg:$0x1];
	s2 =	simm.s32 $0x0;
	s3 =	srdreg.scid  }
0x3: {  	s1 =	stileid.u32;
	s12 =	simm.s32 $0x8000;
	s13 =	simm.s32 $0xA780  }
0x4: {  	s14 =	simm.s32 $0xCF00;
	s15 =	simm.s32 $0xF680;
	s16 =	simm.s32 $0x0  }
0x5: {  	v0 =	vlaneseq.u32;
	[smem:$0x7FF] =	sst s2;
	s7 =	sand.u32 $0x1, s3;
	s8 =	smul.u32 $0x271000, s1  }
0x6: {  	s3 =	sadd.s32 $0x5A00, s6;
	s4 =	sadd.s32 $0x5400, s6;
	s5 =	sadd.s32 $0x4E00, s6;
	v0 =	vmul.u32 $0x80, v0  }
0x7: {  	s10 =	sshll.u32 s1, $0xC;
	s9 =	smul.u32 $0x138800, s7;
	s11 =	sshll.u32 s7, $0xB  }
0x8: {  	_ =	strace $0x80000047;
	s7 =	ssub.s32 $0x2, s7;
	s28 =	sor.u32 s11, s10;
	v1 =	vor.u32 $0x1, v0;
	v2 =	vor.u32 $0x2, v0  }
0x9: {  	s30 =	sshrl.u32 s7, $0x1;
	v3 =	vor.u32 $0x800, v0;
	v4 =	vor.u32 $0x801, v0;
	v5 =	vor.u32 $0x802, v0;
	s10 =	simm.s32 $0x1;
	s8 =	sadd.s32 s9, s8  }
0xa: {  	v6 =	vor.u32 $0x1000, v0;
	v7 =	vor.u32 $0x1001, v0;
	v8 =	vor.u32 $0x1002, v0;
	s11 =	simm.s32 $0x4000;
	s9 =	sadd.s32 s28, s6;
	s8 =	sshrl.u32 s8, $0x3  }
0xb: {  	v9 =	vor.u32 $0x1800, v0;
	v10 =	vor.u32 $0x1801, v0;
	v11 =	vor.u32 $0x1802, v0;
	s31 =	ssub.s32 s7, s30;
	s7 =	sadd.s32 $0x16000, s9;
	s29 =	sadd.s32 s8, s6  }
0xc: {  	v12 =	vor.u32 $0x2000, v0;
	v13 =	vor.u32 $0x2001, v0;
	v14 =	vor.u32 $0x2002, v0;
	s6 =	sadd.s32 $0x6000, s9;
	s8 =	smax.u32 s31, $0x1;
	s9 =	sadd.s32 $0x26000, s29  }
.LBB2_1:
0xd: {  	[tilespmem:s2], [sflag:$0x1] =	stream.linear.gather [hbm4b:s6+s2], $0x3E80, $0x38;
	[tilespmem:$0x11E80] =	vst v63  }
0xe: {  	_ =	swait.ge [sflag:s10], $0x3E80  }
0xf: {  	[sflag:s10] =	ssyncset.done $0x0  }
0x10: {  	[sflag:s10] =	ssyncadd.s32 $0xFFFFC180  }
0x11: {  	[tilespmem:s11], [sflag:$0x1] =	stream.linear.gather [hbm4b:s7+s2], $0x3E80, $0x38;
	[tilespmem:$0x11E80] =	vst v63  }
0x12: {  	_ =	swait.ge [sflag:s10], $0x3E80  }
0x13: {  	[sflag:s10] =	ssyncset.done $0x0  }
0x14: {  	[sflag:s10] =	ssyncadd.s32 $0xFFFFC180  }
0x15: {  	[tilespmem:s12], [sflag:$0x1] =	stream.linear.gather [hbm4b:s3+s2], $0x2780, $0x38;
	[tilespmem:$0x11E80] =	vst v63  }
0x16: {  	_ =	swait.ge [sflag:s10], $0x2780  }
0x17: {  	[sflag:s10] =	ssyncset.done $0x0  }
0x18: {  	[sflag:s10] =	ssyncadd.s32 $0xFFFFD880  }
0x19: {  	[tilespmem:s13], [sflag:$0x1] =	stream.linear.gather [hbm4b:s4+s2], $0x2780, $0x38;
	[tilespmem:$0x11E80] =	vst v63  }
0x1a: {  	_ =	swait.ge [sflag:s10], $0x2780  }
0x1b: {  	[sflag:s10] =	ssyncset.done $0x0  }
0x1c: {  	[sflag:s10] =	ssyncadd.s32 $0xFFFFD880  }
0x1d: {  	[tilespmem:s14], [sflag:$0x1] =	stream.linear.gather [hbm4b:s5+s2], $0x2780, $0x38;
	[tilespmem:$0x11E80] =	vst v63  }
0x1e: {  	_ =	swait.ge [sflag:s10], $0x2780  }
0x1f: {  	[sflag:s10] =	ssyncset.done $0x0  }
0x20: {  	s17 =	smov.u32 s9;
	s18 =	simm.s32 $0x0;
	[sflag:s10] =	ssyncadd.s32 $0xFFFFD880  }
.LBB2_2:
0x21: {  	s19 =	sshra.s32 s18, $0x2  }
0x22: {  	v15 =	vld [tilespmem:s19+$0x0]  }
0x23: {  	v16 =	vld [tilespmem:s19+$0x4000];
	_ =	sdelay $0x6  }
0x24: {  	v17 =	vld.idx.msk [tilespmem:v15+s12+$0x0], $0xffff  }
0x25: {  	v18 =	vld.idx.msk [tilespmem:v16+s12+$0x0], $0xffff;
	_ =	sdelay $0x4  }
0x26: {  	v17 =	vsub.f32 v17, v18;
	_ =	sdelay $0x1  }
0x27: {  	[tilespmem:v0+s15+$0x0] =	vst.idx.msk $0xffff, v17  }
0x28: {  	v17 =	vld.idx.msk [tilespmem:v15+s13+$0x0], $0xffff  }
0x29: {  	v51 =	vld.idx.msk [tilespmem:v16+s13+$0x0], $0xffff;
	_ =	sdelay $0x4  }
0x2a: {  	v17 =	vsub.f32 v17, v51;
	_ =	sdelay $0x1  }
0x2b: {  	[tilespmem:v1+s15+$0x0] =	vst.idx.msk $0xffff, v17  }
0x2c: {  	v15 =	vld.idx.msk [tilespmem:v15+s14+$0x0], $0xffff  }
0x2d: {  	v16 =	vld.idx.msk [tilespmem:v16+s14+$0x0], $0xffff;
	_ =	sdelay $0x4  }
0x2e: {  	v15 =	vsub.f32 v15, v16;
	_ =	sdelay $0x1  }
0x2f: {  	[tilespmem:v2+s15+$0x0] =	vst.idx.msk $0xffff, v15  }
0x30: {  	v15 =	vld [tilespmem:s19+$0x10]  }
0x31: {  	v52 =	vld [tilespmem:s19+$0x4010];
	_ =	sdelay $0x6  }
0x32: {  	v17 =	vld.idx.msk [tilespmem:v15+s12+$0x0], $0xffff  }
0x33: {  	v53 =	vld.idx.msk [tilespmem:v52+s12+$0x0], $0xffff;
	_ =	sdelay $0x4  }
0x34: {  	v17 =	vsub.f32 v17, v53;
	_ =	sdelay $0x1  }
0x35: {  	[tilespmem:v3+s15+$0x0] =	vst.idx.msk $0xffff, v17  }
0x36: {  	v17 =	vld.idx.msk [tilespmem:v15+s13+$0x0], $0xffff  }
0x37: {  	v54 =	vld.idx.msk [tilespmem:v52+s13+$0x0], $0xffff;
	_ =	sdelay $0x4  }
0x38: {  	v17 =	vsub.f32 v17, v54;
	_ =	sdelay $0x1  }
0x39: {  	[tilespmem:v4+s15+$0x0] =	vst.idx.msk $0xffff, v17  }
0x3a: {  	v15 =	vld.idx.msk [tilespmem:v15+s14+$0x0], $0xffff  }
0x3b: {  	v16 =	vld.idx.msk [tilespmem:v52+s14+$0x0], $0xffff;
	_ =	sdelay $0x4  }
0x3c: {  	v15 =	vsub.f32 v15, v16;
	_ =	sdelay $0x1  }
0x3d: {  	[tilespmem:v5+s15+$0x0] =	vst.idx.msk $0xffff, v15  }
0x3e: {  	v15 =	vld [tilespmem:s19+$0x20]  }
0x3f: {  	v55 =	vld [tilespmem:s19+$0x4020];
	_ =	sdelay $0x6  }
0x40: {  	v17 =	vld.idx.msk [tilespmem:v15+s12+$0x0], $0xffff  }
0x41: {  	v56 =	vld.idx.msk [tilespmem:v55+s12+$0x0], $0xffff;
	_ =	sdelay $0x4  }
0x42: {  	v17 =	vsub.f32 v17, v56;
	_ =	sdelay $0x1  }
0x43: {  	[tilespmem:v6+s15+$0x0] =	vst.idx.msk $0xffff, v17  }
0x44: {  	v17 =	vld.idx.msk [tilespmem:v15+s13+$0x0], $0xffff  }
0x45: {  	v57 =	vld.idx.msk [tilespmem:v55+s13+$0x0], $0xffff;
	_ =	sdelay $0x4  }
0x46: {  	v17 =	vsub.f32 v17, v57;
	_ =	sdelay $0x1  }
0x47: {  	[tilespmem:v7+s15+$0x0] =	vst.idx.msk $0xffff, v17  }
0x48: {  	v15 =	vld.idx.msk [tilespmem:v15+s14+$0x0], $0xffff  }
0x49: {  	v16 =	vld.idx.msk [tilespmem:v55+s14+$0x0], $0xffff;
	_ =	sdelay $0x4  }
0x4a: {  	v15 =	vsub.f32 v15, v16;
	_ =	sdelay $0x1  }
0x4b: {  	[tilespmem:v8+s15+$0x0] =	vst.idx.msk $0xffff, v15  }
0x4c: {  	v15 =	vld [tilespmem:s19+$0x30]  }
0x4d: {  	v58 =	vld [tilespmem:s19+$0x4030];
	_ =	sdelay $0x6  }
0x4e: {  	v17 =	vld.idx.msk [tilespmem:v15+s12+$0x0], $0xffff  }
0x4f: {  	v59 =	vld.idx.msk [tilespmem:v58+s12+$0x0], $0xffff;
	_ =	sdelay $0x4  }
0x50: {  	v17 =	vsub.f32 v17, v59;
	_ =	sdelay $0x1  }
0x51: {  	[tilespmem:v9+s15+$0x0] =	vst.idx.msk $0xffff, v17  }
0x52: {  	v17 =	vld.idx.msk [tilespmem:v15+s13+$0x0], $0xffff  }
0x53: {  	v60 =	vld.idx.msk [tilespmem:v58+s13+$0x0], $0xffff;
	_ =	sdelay $0x4  }
0x54: {  	v17 =	vsub.f32 v17, v60;
	_ =	sdelay $0x1  }
0x55: {  	[tilespmem:v10+s15+$0x0] =	vst.idx.msk $0xffff, v17  }
0x56: {  	v15 =	vld.idx.msk [tilespmem:v15+s14+$0x0], $0xffff  }
0x57: {  	v16 =	vld.idx.msk [tilespmem:v58+s14+$0x0], $0xffff;
	_ =	sdelay $0x4  }
0x58: {  	v15 =	vsub.f32 v15, v16;
	_ =	sdelay $0x1  }
0x59: {  	[tilespmem:v11+s15+$0x0] =	vst.idx.msk $0xffff, v15  }
0x5a: {  	v15 =	vld [tilespmem:s19+$0x40]  }
0x5b: {  	v61 =	vld [tilespmem:s19+$0x4040];
	_ =	sdelay $0x6  }
0x5c: {  	v17 =	vld.idx.msk [tilespmem:v15+s12+$0x0], $0xffff  }
0x5d: {  	v62 =	vld.idx.msk [tilespmem:v61+s12+$0x0], $0xffff;
	_ =	sdelay $0x4  }
0x5e: {  	v17 =	vsub.f32 v17, v62;
	_ =	sdelay $0x1  }
0x5f: {  	[tilespmem:v12+s15+$0x0] =	vst.idx.msk $0xffff, v17  }
0x60: {  	v17 =	vld.idx.msk [tilespmem:v15+s13+$0x0], $0xffff  }
0x61: {  	v63 =	vld.idx.msk [tilespmem:v61+s13+$0x0], $0xffff;
	_ =	sdelay $0x4  }
0x62: {  	v17 =	vsub.f32 v17, v63;
	_ =	sdelay $0x1  }
0x63: {  	[tilespmem:v13+s15+$0x0] =	vst.idx.msk $0xffff, v17  }
0x64: {  	v15 =	vld.idx.msk [tilespmem:v15+s14+$0x0], $0xffff  }
0x65: {  	v16 =	vld.idx.msk [tilespmem:v61+s14+$0x0], $0xffff;
	_ =	sdelay $0x4  }
0x66: {  	v15 =	vsub.f32 v15, v16  }
0x67: {  	p0 =	sne.s32 s18, $0xF800  }
.Ltmp0:
0x68: {  	[tilespmem:v14+s15+$0x0] =	vst.idx.msk $0xffff, v15;
	(pc) =	sbr.rel @p0 .LBB2_2-.Ltmp0, $4  }
0x69: {  	[hbm4b:s17+s2] =	stream.linear.scatter [tilespmem:s15], [sflag:$0x1], $0x2800, $0x38;
	[tilespmem:$0x11E80] =	vst v63  }
0x6a: {  	_ =	swait.ge [sflag:s10], $0x2800  }
0x6b: {  	[sflag:s10] =	ssyncset.done $0x0  }
0x6c: {  	s18 =	sadd.s32 $0x200, s18;
	s17 =	sadd.s32 $0x500, s17;
	[sflag:s10] =	ssyncadd.s32 $0xFFFFD800  }
0x6d: {  	s16 =	sadd.s32 $0x1, s16  }
0x6e: {  	p0 =	sne.s32 s16, s8  }
.Ltmp1:
0x6f: {  	_ = 	snop;
	(pc) =	sbr.rel @p0 .LBB2_1-.Ltmp1, $1  }
0x70: {  	_ =	sdelay $0x3  }
0x71: {  	_ =	sfence.sel $0x180000  }
0x72: {  	[bflag:$0x0] =	sbarrier.arrive $0xFFFF  }
0x73: {  	p0 =	sne.s32 s1, $0x0;
	_ =	strace $0x90000047  }
0x74: {  	s0 =	sadd.s32 @!p0 $0x100000, s0;
	[bflag:$0x2] =	sbarrier.arrive $0xFFFF  }
0x75: {  	[sflag:s0] =	ssyncadd.tile.s32 @!p0 $0x1;
	_ =	shalt  }
.Lfunc_end2:
_tile_overlayer_lowered:
.L_overlay_start_2:
0x76: {  	(tag) =	ssettag $0x2  }
0x77: {  	s0 =	rddreg [dreg:$0x0];
	s2 =	stileid.u32  }
0x78: {  	s1 =	rddreg [dreg:$0x1];
	p0 =	sne.s32 s2, $0x0  }
0x79: {  	s3 =	rddreg [dreg:$0x2];
	[bflag:$0x3] =	sbarrier.arrive $0xFFFF;
	s2 =	simm.s32 @!p0 $0x1C01  }
0x7a: {  	[timem:s3], [sflag:s2] =	dma.local @!p0 [hbm:s0], s1  }
0x7b: {  	s0 =	simm.s32 @!p0 $0x1  }
0x7c: {  	_ =	swait.ge @!p0 [sflag:s0], s1  }
0x7d: {  	s1 =	ssub.s32 @!p0 $0x0, s1;
	[sflag:s0] =	ssyncset.done @!p0 $0x0  }
0x7e: {  	[sflag:s0] =	ssyncadd.s32 @!p0 s1  }
0x7f: {  	[bflag:$0x3] =	sbarrier.arrive $0xFFFF  }
0x80: {  	_ =	shalt  }

// kernel: kernel.18.cloned.1.call-start
scs
__scs_entry_jumppad:
0x0: {  	(pc) =	sbr.rel $0x88, $3  }
0x1: {  	(tag) =	ssettag $0x0;
	lr =	simm.s32 $0x1  }
0x2: {  	[smem:$0x3F94] =	sst lr;
	_ =	strace $0xD0000000  }
0x3: {  	_ = 	snop  }
0x4: {  	_ = 	snop  }
0x5: {  	_ = 	snop  }
0x6: {  	_ = 	snop  }
0x7: {  	_ = 	snop  }
__scs_overlays_trampoline_lowered:
0x8: {  	[smem:$0x3FA3] =	sst s0  }
0x9: {  	[smem:$0x3FA4] =	sst s1  }
0xa: {  	[smem:$0x3FA5] =	sst s2  }
0xb: {  	[smem:$0x3FA6] =	sst s3  }
0xc: {  	[smem:$0x3FA7] =	sst s4  }
0xd: {  	[smem:$0x3FA8] =	sst s5  }
0xe: {  	[smem:$0x3FA9] =	sst s6  }
0xf: {  	[smem:$0x3FAA] =	sst s7  }
0x10: {  	[smem:$0x3FAB] =	sst s8  }
0x11: {  	[smem:$0x3FAC] =	sst s9;
	s0 =	simm.s32 @!p0 $0x0  }
0x12: {  	s1 =	sld [smem:$0x3F92];
	s0 =	simm.s32 @p0 $0x1  }
0x13: {  	[smem:$0x3FAD] =	sst s0;
	s0 =	simm.s32 @!p1 $0x0  }
0x14: {  	s2 =	sld [smem:$0x3F91];
	s0 =	simm.s32 @p1 $0x1  }
0x15: {  	[smem:$0x3FAE] =	sst s0;
	s0 =	simm.s32 @!p2 $0x0  }
0x16: {  	s3 =	sld [smem:$0x3FDB];
	s0 =	simm.s32 @p2 $0x1  }
0x17: {  	s4 =	simm.s32 $0x1BF5;
	[smem:$0x3FB0] =	sst s0  }
0x18: {  	s0 =	sld [smem:$0x3F93];
	_ =	swait.ge [sflag:s4], $0x0  }
0x19: {  	s7 =	sld [smem:$0x3F94]  }
0x1a: {  	s8 =	sadd.s32 $0xFFFFE003, lr  }
0x1b: {  	s9 =	sadd.s32 $0xFFFFFEF7, lr;
	s5 =	simm.s32 $0xFFFFFFFF;
	p2 =	slt.u32 s8, $0xFFFFF086  }
0x1c: {  	p1 =	slt.u32 s9, $0xF7A;
	s5 =	simm.s32 @!p2 $0x0  }
0x1d: {  	s5 =	simm.s32 @p1 $0x1;
	p0 =	seq.s32 s7, s2  }
0x1e: {  	s7 =	smul.u32 @!p0 $0xF7A, s2;
	p2 =	seq.s32 @!p0 s5, $0x0  }
0x1f: {  	s9 =	smul.u32 $0xF7A, s1;
	s8 =	simm.s32 @!p0 $0x1BF5;
	p2 =	por !p2, p0  }
0x20: {  	[sflag:s8] =	ssyncset.s32 @!p0 $0xFFFFF086;
	s6 =	sadd.s32 @!p0 s3, s7;
	s7 =	simm.s32 @!p0 $0x108  }
0x21: {  	s3 =	sadd.s32 s3, s9;
	s6 =	sadd.s32 @!p0 $0x88, s6;
	s7 =	simm.s32 @p2 $0x1082  }
0x22: {  	[simem:s7], [sflag:s8] =	dma.local @!p0 [hbm:s6], $0xF7A  }
0x23: {  	s9 =	sor.u32 $0xD0000000, s2;
	s6 =	simm.s32 $0x108;
	_ =	swait.ge @!p0 [sflag:s8], $0x0  }
0x24: {  	s3 =	sadd.s32 $0x88, s3;
	s6 =	simm.s32 @!p1 $0x1082;
	[sflag:s4] =	ssyncset.s32 $0xFFFFF086  }
0x25: {  	[simem:s6], [sflag:s4] =	dma.local [hbm:s3], $0xF7A  }
0x26: {  	[smem:$0x3F94] =	sst s1;
	(tag) =	ssettag s2;
	_ =	strace s9  }
0x27: {  	s1 =	sld [smem:$0x3FA4]  }
0x28: {  	s2 =	sld [smem:$0x3FA5]  }
0x29: {  	s4 =	sld [smem:$0x3FA7]  }
0x2a: {  	p0 =	seq.s32 s5, $0x0;
	s5 =	sld [smem:$0x3FA8]  }
0x2b: {  	s6 =	sld [smem:$0x3FA9]  }
0x2c: {  	s7 =	sld [smem:$0x3FAA]  }
0x2d: {  	s3 =	simm.s32 $0x108;
	s8 =	sld [smem:$0x3FAB]  }
0x2e: {  	s3 =	simm.s32 @!p0 $0x1082;
	s9 =	sld [smem:$0x3FAC]  }
0x2f: {  	lr =	sadd.s32 s0, s3;
	s0 =	sld [smem:$0x3FA3]  }
0x30: {  	s3 =	sld [smem:$0x3FA6]  }
0x31: {  	[smem:$0x3FAF] =	sst s10  }
0x32: {  	s10 =	sld [smem:$0x3FAD];
	_ =	sdelay $0x3  }
0x33: {  	p0 =	seq.s32 s10, $0x1;
	s10 =	sld [smem:$0x3FAF];
	_ =	sdelay $0x3  }
0x34: {  	[smem:$0x3FAF] =	sst s10  }
0x35: {  	s10 =	sld [smem:$0x3FAE];
	_ =	sdelay $0x3  }
0x36: {  	p1 =	seq.s32 s10, $0x1;
	s10 =	sld [smem:$0x3FAF];
	_ =	sdelay $0x3  }
0x37: {  	[smem:$0x3FAF] =	sst s10  }
0x38: {  	s10 =	sld [smem:$0x3FB0]  }
0x39: {  	_ = 	snop;
	(pc) =	sbr.ind lr, $3  }
0x3a: {  	_ = 	snop  }
0x3b: {  	_ = 	snop  }
0x3c: {  	p2 =	seq.s32 s10, $0x1;
	s10 =	sld [smem:$0x3FAF]  }
0x3d: {  	_ =	shalt  }
0x3e: {  	_ =	shalt  }
0x3f: {  	_ =	shalt  }
0x40: {  	_ =	shalt  }
0x41: {  	_ =	shalt  }
0x42: {  	_ =	shalt  }
0x43: {  	_ =	shalt  }
0x44: {  	_ =	shalt  }
0x45: {  	_ =	shalt  }
0x46: {  	_ =	shalt  }
0x47: {  	_ =	shalt  }
0x48: {  	_ =	shalt  }
0x49: {  	_ =	shalt  }
0x4a: {  	_ =	shalt  }
0x4b: {  	_ =	shalt  }
0x4c: {  	_ =	shalt  }
0x4d: {  	_ =	shalt  }
0x4e: {  	_ =	shalt  }
0x4f: {  	_ =	shalt  }
0x50: {  	_ =	shalt  }
0x51: {  	_ =	shalt  }
0x52: {  	_ =	shalt  }
0x53: {  	_ =	shalt  }
0x54: {  	_ =	shalt  }
0x55: {  	_ =	shalt  }
0x56: {  	_ =	shalt  }
0x57: {  	_ =	shalt  }
0x58: {  	_ =	shalt  }
0x59: {  	_ =	shalt  }
0x5a: {  	_ =	shalt  }
0x5b: {  	_ =	shalt  }
0x5c: {  	_ =	shalt  }
0x5d: {  	_ =	shalt  }
0x5e: {  	_ =	shalt  }
0x5f: {  	_ =	shalt  }
0x60: {  	_ =	shalt  }
0x61: {  	_ =	shalt  }
0x62: {  	_ =	shalt  }
0x63: {  	_ =	shalt  }
0x64: {  	_ =	shalt  }
0x65: {  	_ =	shalt  }
0x66: {  	_ =	shalt  }
0x67: {  	_ =	shalt  }
0x68: {  	_ =	shalt  }
0x69: {  	_ =	shalt  }
0x6a: {  	_ =	shalt  }
0x6b: {  	_ =	shalt  }
0x6c: {  	_ =	shalt  }
0x6d: {  	_ =	shalt  }
0x6e: {  	_ =	shalt  }
0x6f: {  	_ =	shalt  }
0x70: {  	_ =	shalt  }
0x71: {  	_ =	shalt  }
0x72: {  	_ =	shalt  }
0x73: {  	_ =	shalt  }
0x74: {  	_ =	shalt  }
0x75: {  	_ =	shalt  }
0x76: {  	_ =	shalt  }
0x77: {  	_ =	shalt  }
0x78: {  	_ =	shalt  }
0x79: {  	_ =	shalt  }
0x7a: {  	_ =	shalt  }
0x7b: {  	_ =	shalt  }
0x7c: {  	_ =	shalt  }
0x7d: {  	_ =	shalt  }
0x7e: {  	_ =	shalt  }
0x7f: {  	_ =	shalt  }
0x80: {  	_ =	shalt  }
0x81: {  	_ =	shalt  }
0x82: {  	_ =	shalt  }
0x83: {  	_ =	shalt  }
0x84: {  	_ =	shalt  }
0x85: {  	_ =	shalt  }
0x86: {  	_ =	shalt  }
0x87: {  	_ =	shalt  }
.Lfunc_end0:
.L_simem_size_0:
called_computation.1_lowered:
.L_overlay_start_0:
0x88: {  	s2 =	sld [smem:$0x3FD9]  }
0x89: {  	s3 =	sld [smem:$0x3FFE];
	_ =	sdelay $0x1  }
0x8a: {  	s1 =	srdreg.scid  }
0x8b: {  	s0 =	sand.u32 $0x1, s1  }
0x8c: {  	s16 =	sshll.u32 s0, $0xA;
	s2 =	sadd.s32 s3, s2  }
0x8d: {  	s2 =	sadd.s32 s2, s16  }
0x8e: {  	[smem:$0x3FBB] =	sst s2  }
0x8f: {  	_ = 	snop  }
0x90: {  	(tm) =	ssettm $0x1  }
0x91: {  	s17 =	sld [smem:$0x3FFB];
	_ =	sdelay $0x3  }
0x92: {  	_ =	strace s17  }
0x93: {  	s2 =	sld [smem:$0x3FFC];
	_ =	sdelay $0x3  }
0x94: {  	_ =	strace s2  }
0x95: {  	s2 =	sld [smem:$0x3FFD];
	_ =	sdelay $0x3  }
0x96: {  	_ =	strace s2  }
0x97: {  	_ =	strace $0x8FFFFFFF  }
0x98: {  	s18 =	sld [smem:$0x3FDB];
	_ =	sdelay $0x1  }
0x99: {  	s19 =	simm.s32 $_scs_section_size  }
0x9a: {  	s4 =	simm.s32 $_size__tile_overlayer_lowered;
	s5 =	simm.s32 $_tile_overlayer_lowered  }
0x9b: {  	s22 =	simm.s32 $0x1BFF;
	s21 =	sshll.u32 s5, $0x1;
	s2 =	sadd.s32 s19, s18  }
0x9c: {  	s6 =	simm.s32 $0x0;
	s20 =	sshll.u32 s4, $0x1;
	s4 =	sadd.s32 s21, s2  }
0x9d: {  	[timem:s6], [sflag:s22] =	dma.local [hbm:s4], s20  }
0x9e: {  	_ =	swait.ge [sflag:s22], s20  }
0x9f: {  	s3 =	ssub.s32 $0x0, s20;
	[sflag:s22] =	ssyncset.done $0x0  }
0xa0: {  	[sflag:s22] =	ssyncadd.s32 s3;
	_ =	sdelay $0x1  }
0xa1: {  	s23 =	simm.s32 $0x1B8B  }
0xa2: {  	_ =	swait.ge [sflag:s23], $0x1  }
0xa3: {  	[sflag:s23] =	ssyncset.done $0x0  }
0xa4: {  	s25 =	simm.s32 $0x1B8E;
	s24 =	sld [smem:$0x3FFE];
	[sflag:s23] =	ssyncadd.s32 $0xFFFFFFFF  }
0xa5: {  	s26 =	simm.s32 $execute0_lowered;
	[smem:$0x3FD2] =	sst s25  }
0xa6: {  	s4 =	sshll.u32 s26, $0x1;
	_ =	strace $0x80000049;
	[dreg:$0x1] =	wrdreg $0xFFFFFFFF  }
0xa7: {  	s28 =	simm.s32 $_size_execute0_lowered;
	s2 =	sadd.s32 s2, s4;
	[dreg:$0x0] =	wrdreg $0x0  }
0xa8: {  	s4 =	sshll.u32 s28, $0x1;
	[dreg:$0x2] =	wrdreg s2  }
0xa9: {  	[dreg:$0x3] =	wrdreg s4  }
0xaa: {  	[dreg:$0x4] =	wrdreg $0xC0  }
0xab: {  	_ =	task [dreg:s6], $0x5FFFF  }
0xac: {  	[dreg:$0x1] =	wrdreg $0xFFFFFFFF  }
0xad: {  	[dreg:$0x0] =	wrdreg $0x60  }
0xae: {  	[dreg:$0x2] =	wrdreg s24  }
0xaf: {  	[dreg:$0x3] =	wrdreg $0x51000  }
0xb0: {  	[dreg:$0x4] =	wrdreg $0x9  }
0xb1: {  	_ =	task.clear_ibuf [dreg:s6], $0x5FFFF;
	_ =	strace $0x90000049  }
0xb2: {  	s29 =	simm.s32 $0x9;
	_ =	strace $0x8000004B  }
0xb3: {  	_ =	swait.ge [sflag:s29], $0x1  }
0xb4: {  	[sflag:s29] =	ssyncadd.s32 $0xFFFFFFFF  }
0xb5: {  	_ =	strace $0x9000004B  }
0xb6: {  	_ =	sfence  }
0xb7: {  	s30 =	sld [smem:$0x0];
	_ =	sdelay $0x2  }
0xb8: {  	s31 =	sshll.u32 s1, $0xD;
	s1 =	sshrl.u32 s1, $0x2  }
0xb9: {  	s3 =	sand.u32 $0x4000, s31;
	s1 =	sadd.s32 s1, s30  }
0xba: {  	s0 =	sor.u32 s3, s0;
	s1 =	sshll.u32 s1, $0x11  }
0xbb: {  	s0 =	sor.u32 s1, s0  }
0xbc: {  	s0 =	sadd.s32 $0x8F2B, s0  }
0xbd: {  	[sflag:s0] =	ssyncadd.remote.s32 $0x1  }
0xbe: {  	_ =	sfence.sel $0xFFFF  }
0xbf: {  	[dreg:$0x0] =	wrdreg $0xFFFFFFFF;
	(pc) =	sbr.abs _section_cstart, $3  }
0xc0: {  	[dreg:$0x1] =	wrdreg $0xFFFFFFFF  }
0xc1: {  	_ =	task.clear_ibuf [dreg:s6], $0x2FFFF;
	_ =	strace $0x9FFFFFFF  }
0xc2: {  	(tm) =	ssettm $0x7FFFFFFF  }
0xc3: {  	_ =	shalt  }
tec
execute0_lowered:
.L_overlay_start_1:
0x0: {  	(tag) =	ssettag $0x1  }
0x1: {  	s8 =	rddreg [dreg:$0x0]  }
0x2: {  	s1 =	rddreg [dreg:$0x1]  }
0x3: {  	s0 =	rddreg [dreg:$0x2];
	s2 =	simm.s32 $0x0;
	s6 =	srdreg.scid  }
0x4: {  	s12 =	stileid.u32;
	s14 =	simm.s32 $0x80;
	s15 =	simm.s32 $0x100  }
0x5: {  	s16 =	simm.s32 $0x50;
	s17 =	simm.s32 $0x2900;
	s18 =	simm.s32 $0x1  }
0x6: {  	s19 =	simm.s32 $0x2;
	s20 =	simm.s32 $0x0;
	s3 =	sadd.s32 $0x556600, s8  }
0x7: {  	[smem:$0x7FF] =	sst s2;
	s4 =	sadd.s32 $0x52F200, s8;
	s5 =	sadd.s32 $0x6000, s8  }
0x8: {  	s9 =	sand.u32 $0x1, s6;
	s6 =	sadd.s32 $0x16000, s8;
	s7 =	sadd.s32 $0x4D200, s8  }
0x9: {  	s13 =	sshll.u32 s12, $0x1;
	p0 =	sne.s32 s12, $0x0;
	_ =	strace $0x8000004A  }
0xa: {  	s10 =	smul.u32 $0x27100, s9;
	s11 =	ssub.s32 $0x2, s9;
	s9 =	sor.u32 s9, s13  }
0xb: {  	s12 =	sshrl.u32 @!p0 s1, $0x3;
	s13 =	simm.s32 $0x3;
	s31 =	sshrl.u32 s11, $0x1  }
0xc: {  	s10 =	sadd.s32 s10, s8;
	s11 =	ssub.s32 s11, s31;
	s8 =	sshll.u32 s9, $0xB  }
0xd: {  	s9 =	smul.u32 $0x138800, s9;
	s10 =	sadd.s32 $0x74400, s10;
	s11 =	smax.u32 s11, $0x1  }
.LBB2_1:
0xe: {  	s21 =	simm.s32 @!p0 $0x1C03  }
0xf: {  	[spmem:s12], [sflag:s21] =	dma.local @!p0 [hbm:s7], $0x27100  }
0x10: {  	s21 =	simm.s32 @!p0 $0x3  }
0x11: {  	_ =	swait.ge @!p0 [sflag:s21], $0x27100  }
0x12: {  	[sflag:s21] =	ssyncset.done @!p0 $0x0  }
0x13: {  	[sflag:s21] =	ssyncadd.s32 @!p0 $0xFFFD8F00  }
0x14: {  	s21 =	simm.s32 $0x0;
	[bflag:$0x0] =	sbarrier.arrive $0xFFFF  }
.LBB2_2:
0x15: {  	s22 =	sshll.u32 s21, $0x4  }
0x16: {  	s22 =	sadd.s32 s8, s22  }
0x17: {  	s23 =	sadd.s32 s5, s22  }
0x18: {  	[tilespmem:s2], [sflag:$0x3] =	stream.linear.gather [hbm4b:s23+s2], $0x80, $0x38;
	[tilespmem:$0x18980] =	vst v63  }
0x19: {  	_ =	swait.ge [sflag:s13], $0x80  }
0x1a: {  	[sflag:s13] =	ssyncset.done $0x0  }
0x1b: {  	s30 =	smul.u32 $0x2800, s21;
	s22 =	sadd.s32 s6, s22;
	[sflag:s13] =	ssyncadd.s32 $0xFFFFFF80  }
0x1c: {  	[tilespmem:s14], [sflag:$0x3] =	stream.linear.gather [hbm4b:s22+s2], $0x80, $0x38;
	[tilespmem:$0x18980] =	vst v63  }
0x1d: {  	s31 =	sadd.s32 s9, s30;
	_ =	swait.ge [sflag:s13], $0x80  }
0x1e: {  	s22 =	sshrl.u32 s31, $0x3;
	[sflag:s13] =	ssyncset.done $0x0  }
0x1f: {  	s22 =	sadd.s32 s3, s22;
	[sflag:s13] =	ssyncadd.s32 $0xFFFFFF80  }
0x20: {  	[tilespmem:s15], [sflag:$0x1] =	stream.linear.gather [hbm4b:s22+s2], $0x2800, $0x38;
	[tilespmem:$0x18980] =	vst v63  }
0x21: {  	_ = 	snop  }
0x22: {  	[tilespmem:s17], [sflag:$0x2] =	stream.indirect.gather [hbm4b:s4+s16], $0x80, s2, s16, $0xb8;
	[tilespmem:$0x18980] =	vst v63  }
0x23: {  	_ =	swait.ge [sflag:s18], $0x2800  }
0x24: {  	[sflag:s18] =	ssyncset.done $0x0  }
0x25: {  	[sflag:s18] =	ssyncadd.s32 $0xFFFFD800  }
0x26: {  	_ =	swait.ge [sflag:s19], $0x2800  }
0x27: {  	[sflag:s19] =	ssyncset.done $0x0  }
0x28: {  	s22 =	simm.s32 $0xF0;
	[sflag:s19] =	ssyncadd.s32 $0xFFFFD800  }
0x29: {  	v6 =	vld [tilespmem:s22+$0x2810]  }
0x2a: {  	v7 =	vld [tilespmem:s22+$0x2820]  }
0x2b: {  	v8 =	vld [tilespmem:s22+$0x2830]  }
0x2c: {  	v9 =	vld [tilespmem:s22+$0x2840]  }
0x2d: {  	v10 =	vld [tilespmem:s22+$0x2850]  }
0x2e: {  	v11 =	vld [tilespmem:s22+$0x2860]  }
0x2f: {  	v12 =	vld [tilespmem:s22+$0x2870]  }
0x30: {  	v13 =	vld [tilespmem:s22+$0x2880]  }
0x31: {  	v14 =	vld [tilespmem:s22+$0x2890]  }
0x32: {  	v15 =	vld [tilespmem:s22+$0x28A0]  }
0x33: {  	v5 =	vld [tilespmem:s22+$0x28B0]  }
0x34: {  	v4 =	vld [tilespmem:s22+$0x28C0]  }
0x35: {  	v3 =	vld [tilespmem:s22+$0x28D0]  }
0x36: {  	v2 =	vld [tilespmem:s22+$0x28E0]  }
0x37: {  	v1 =	vld [tilespmem:s22+$0x28F0]  }
0x38: {  	v0 =	vld [tilespmem:s22+$0x2900]  }
0x39: {  	v16 =	vld [tilespmem:s22+$0x10]  }
0x3a: {  	v17 =	vld [tilespmem:s22+$0x20]  }
0x3b: {  	v18 =	vld [tilespmem:s22+$0x30]  }
0x3c: {  	v19 =	vld [tilespmem:s22+$0x40]  }
0x3d: {  	v20 =	vld [tilespmem:s22+$0x50]  }
0x3e: {  	v60 =	vld [tilespmem:s22+$0x60];
	v6 =	vmul.f32 v6, v16  }
0x3f: {  	v21 =	vld [tilespmem:s22+$0x70];
	v7 =	vmul.f32 v7, v17  }
0x40: {  	v61 =	vld [tilespmem:s22+$0x80];
	[tilespmem:s22+$0x10] =	vst v6;
	v6 =	vmul.f32 v8, v18  }
0x41: {  	v62 =	vld [tilespmem:s22+$0x90];
	[tilespmem:s22+$0x20] =	vst v7;
	v7 =	vmul.f32 v9, v19  }
0x42: {  	v63 =	vld [tilespmem:s22+$0xA0];
	[tilespmem:s22+$0x30] =	vst v6;
	v6 =	vmul.f32 v10, v20  }
0x43: {  	v8 =	vmul.f32 v11, v60;
	[tilespmem:s22+$0x40] =	vst v7;
	v7 =	vld [tilespmem:s22+$0xB0]  }
0x44: {  	v9 =	vmul.f32 v12, v21;
	[tilespmem:s22+$0x50] =	vst v6;
	v6 =	vld [tilespmem:s22+$0xC0]  }
0x45: {  	[tilespmem:s22+$0x60] =	vst v8;
	v8 =	vld [tilespmem:s22+$0xD0];
	v10 =	vmul.f32 v13, v61  }
0x46: {  	v12 =	vmul.f32 v14, v62;
	[tilespmem:s22+$0x70] =	vst v9;
	v9 =	vld [tilespmem:s22+$0xE0]  }
0x47: {  	s23 =	simm.s32 $0x7C0;
	v11 =	vmul.f32 v15, v63;
	[tilespmem:s22+$0x80] =	vst v10;
	v10 =	vld [tilespmem:s22+$0xF0]  }
.LBB2_3:
0x48: {  	s24 =	sshra.s32 s23, $0x2;
	p1 =	sne.s32 s23, $0x9FC0;
	[tilespmem:s22+$0x90] =	vst v12;
	v5 =	vmul.f32 v5, v7;
	v7 =	vld [tilespmem:s22+$0x100]  }
0x49: {  	v12 =	vld [tilespmem:s24+$0x2810];
	[tilespmem:s22+$0xA0] =	vst v11;
	v4 =	vmul.f32 v4, v6  }
0x4a: {  	v6 =	vld [tilespmem:s24+$0x2820];
	[tilespmem:s22+$0xB0] =	vst v5;
	v3 =	vmul.f32 v3, v8  }
0x4b: {  	v8 =	vld [tilespmem:s24+$0x2830];
	[tilespmem:s22+$0xC0] =	vst v4;
	v2 =	vmul.f32 v2, v9  }
0x4c: {  	v9 =	vld [tilespmem:s24+$0x2840];
	[tilespmem:s22+$0xD0] =	vst v3;
	v1 =	vmul.f32 v1, v10  }
0x4d: {  	v10 =	vld [tilespmem:s24+$0x2850];
	[tilespmem:s22+$0xE0] =	vst v2;
	v0 =	vmul.f32 v0, v7  }
0x4e: {  	v7 =	vld [tilespmem:s24+$0x2860];
	[tilespmem:s22+$0xF0] =	vst v1  }
0x4f: {  	v11 =	vld [tilespmem:s24+$0x2870];
	[tilespmem:s22+$0x100] =	vst v0;
	s22 =	smov.u32 s24  }
0x50: {  	v13 =	vld [tilespmem:s22+$0x2880]  }
0x51: {  	v14 =	vld [tilespmem:s22+$0x2890]  }
0x52: {  	v15 =	vld [tilespmem:s22+$0x28A0]  }
0x53: {  	v5 =	vld [tilespmem:s22+$0x28B0]  }
0x54: {  	v4 =	vld [tilespmem:s22+$0x28C0]  }
0x55: {  	v3 =	vld [tilespmem:s22+$0x28D0]  }
0x56: {  	v2 =	vld [tilespmem:s22+$0x28E0]  }
0x57: {  	v1 =	vld [tilespmem:s22+$0x28F0]  }
0x58: {  	v0 =	vld [tilespmem:s22+$0x2900]  }
0x59: {  	v16 =	vld [tilespmem:s22+$0x10]  }
0x5a: {  	v17 =	vld [tilespmem:s22+$0x20]  }
0x5b: {  	v18 =	vld [tilespmem:s22+$0x30]  }
0x5c: {  	v19 =	vld [tilespmem:s22+$0x40]  }
0x5d: {  	v20 =	vld [tilespmem:s22+$0x50]  }
0x5e: {  	v12 =	vmul.f32 v12, v16;
	v16 =	vld [tilespmem:s22+$0x60]  }
0x5f: {  	v6 =	vmul.f32 v6, v17;
	v17 =	vld [tilespmem:s22+$0x70]  }
0x60: {  	[tilespmem:s22+$0x10] =	vst v12;
	v8 =	vmul.f32 v8, v18;
	v12 =	vld [tilespmem:s22+$0x80]  }
0x61: {  	[tilespmem:s22+$0x20] =	vst v6;
	v6 =	vmul.f32 v9, v19;
	v9 =	vld [tilespmem:s22+$0x90]  }
0x62: {  	[tilespmem:s22+$0x30] =	vst v8;
	v8 =	vmul.f32 v10, v20;
	v10 =	vld [tilespmem:s22+$0xA0]  }
.Ltmp0:
0x63: {  	[tilespmem:s22+$0x40] =	vst v6;
	v16 =	vmul.f32 v7, v16;
	v7 =	vld [tilespmem:s22+$0xB0];
	(pc) =	sbr.rel @p1 .LBB2_3-.Ltmp0, $4  }
0x64: {  	[tilespmem:s22+$0x50] =	vst v8;
	v11 =	vmul.f32 v11, v17;
	v6 =	vld [tilespmem:s22+$0xC0]  }
0x65: {  	[tilespmem:s22+$0x60] =	vst v16;
	v13 =	vmul.f32 v13, v12;
	v8 =	vld [tilespmem:s22+$0xD0]  }
0x66: {  	[tilespmem:s22+$0x70] =	vst v11;
	v12 =	vmul.f32 v14, v9;
	v9 =	vld [tilespmem:s22+$0xE0]  }
0x67: {  	s23 =	sadd.s32 $0x400, s23;
	[tilespmem:s22+$0x80] =	vst v13;
	v11 =	vmul.f32 v15, v10;
	v10 =	vld [tilespmem:s22+$0xF0]  }
0x68: {  	[tilespmem:s22+$0x90] =	vst v12;
	v5 =	vmul.f32 v5, v7;
	v63 =	vld [tilespmem:s22+$0x100]  }
0x69: {  	[tilespmem:s22+$0xA0] =	vst v11;
	v4 =	vmul.f32 v4, v6  }
0x6a: {  	[tilespmem:s22+$0xB0] =	vst v5;
	v3 =	vmul.f32 v3, v8  }
0x6b: {  	[tilespmem:s22+$0xC0] =	vst v4;
	v2 =	vmul.f32 v2, v9  }
0x6c: {  	[tilespmem:s22+$0xD0] =	vst v3;
	v1 =	vmul.f32 v1, v10  }
0x6d: {  	s21 =	sadd.s32 $0x1, s21;
	[tilespmem:s22+$0xE0] =	vst v2;
	v0 =	vmul.f32 v0, v63  }
0x6e: {  	p1 =	sne.s32 s21, $0x7D;
	[tilespmem:s22+$0xF0] =	vst v1  }
.Ltmp1:
0x6f: {  	[tilespmem:s22+$0x100] =	vst v0;
	(pc) =	sbr.rel @p1 .LBB2_2-.Ltmp1, $4  }
0x70: {  	[spmem:s1] =	stream.indirect.scatter.add.f32 [tilespmem:s15], [sflag:$0x3], $0x80, s14, s16, $0xb8;
	[tilespmem:$0x18980] =	vst v63  }
0x71: {  	_ =	swait.ge [sflag:s13], $0x2800  }
0x72: {  	[sflag:s13] =	ssyncset.done $0x0  }
0x73: {  	[sflag:s13] =	ssyncadd.s32 $0xFFFFD800  }
0x74: {  	[bflag:$0x0] =	sbarrier.arrive $0xFFFF;
	s21 =	simm.s32 @!p0 $0x1C03;
	s20 =	sadd.s32 $0x1, s20  }
0x75: {  	[hbm:s10], [sflag:s21] =	dma.local @!p0 [spmem:s12], $0x27100  }
0x76: {  	p1 =	sne.s32 s20, s11  }
.Ltmp2:
0x77: {  	_ = 	snop;
	(pc) =	sbr.rel @p1 .LBB2_1-.Ltmp2, $4  }
0x78: {  	s21 =	simm.s32 @!p0 $0x3  }
0x79: {  	_ =	swait.ge @!p0 [sflag:s21], $0x27100  }
0x7a: {  	[sflag:s21] =	ssyncset.done @!p0 $0x0  }
0x7b: {  	[sflag:s21] =	ssyncadd.s32 @!p0 $0xFFFD8F00  }
0x7c: {  	_ =	sfence.sel $0x180000  }
0x7d: {  	[bflag:$0x0] =	sbarrier.arrive $0xFFFF  }
0x7e: {  	_ =	strace $0x9000004A  }
0x7f: {  	s0 =	sadd.s32 @!p0 $0x100000, s0;
	[bflag:$0x2] =	sbarrier.arrive $0xFFFF  }
0x80: {  	[sflag:s0] =	ssyncadd.tile.s32 @!p0 $0x1;
	_ =	shalt  }
.Lfunc_end2:
_tile_overlayer_lowered:
.L_overlay_start_2:
0x81: {  	(tag) =	ssettag $0x2  }
0x82: {  	s0 =	rddreg [dreg:$0x0];
	s2 =	stileid.u32  }
0x83: {  	s1 =	rddreg [dreg:$0x1];
	p0 =	sne.s32 s2, $0x0  }
0x84: {  	s3 =	rddreg [dreg:$0x2];
	[bflag:$0x3] =	sbarrier.arrive $0xFFFF;
	s2 =	simm.s32 @!p0 $0x1C03  }
0x85: {  	[timem:s3], [sflag:s2] =	dma.local @!p0 [hbm:s0], s1  }
0x86: {  	s0 =	simm.s32 @!p0 $0x3  }
0x87: {  	_ =	swait.ge @!p0 [sflag:s0], s1  }
0x88: {  	s1 =	ssub.s32 @!p0 $0x0, s1;
	[sflag:s0] =	ssyncset.done @!p0 $0x0  }
0x89: {  	[sflag:s0] =	ssyncadd.s32 @!p0 s1  }
0x8a: {  	[bflag:$0x3] =	sbarrier.arrive $0xFFFF  }
0x8b: {  	_ =	shalt  }

// kernel: kernel.21.cloned.1.call-start
scs
__scs_entry_jumppad:
0x0: {  	(pc) =	sbr.rel $0x88, $3  }
0x1: {  	(tag) =	ssettag $0x0;
	lr =	simm.s32 $0x1  }
0x2: {  	[smem:$0x3F94] =	sst lr;
	_ =	strace $0xD0000000  }
0x3: {  	_ = 	snop  }
0x4: {  	_ = 	snop  }
0x5: {  	_ = 	snop  }
0x6: {  	_ = 	snop  }
0x7: {  	_ = 	snop  }
__scs_overlays_trampoline_lowered:
0x8: {  	[smem:$0x3FA3] =	sst s0  }
0x9: {  	[smem:$0x3FA4] =	sst s1  }
0xa: {  	[smem:$0x3FA5] =	sst s2  }
0xb: {  	[smem:$0x3FA6] =	sst s3  }
0xc: {  	[smem:$0x3FA7] =	sst s4  }
0xd: {  	[smem:$0x3FA8] =	sst s5  }
0xe: {  	[smem:$0x3FA9] =	sst s6  }
0xf: {  	[smem:$0x3FAA] =	sst s7  }
0x10: {  	[smem:$0x3FAB] =	sst s8  }
0x11: {  	[smem:$0x3FAC] =	sst s9;
	s0 =	simm.s32 @!p0 $0x0  }
0x12: {  	s1 =	sld [smem:$0x3F92];
	s0 =	simm.s32 @p0 $0x1  }
0x13: {  	[smem:$0x3FAD] =	sst s0;
	s0 =	simm.s32 @!p1 $0x0  }
0x14: {  	s2 =	sld [smem:$0x3F91];
	s0 =	simm.s32 @p1 $0x1  }
0x15: {  	[smem:$0x3FAE] =	sst s0;
	s0 =	simm.s32 @!p2 $0x0  }
0x16: {  	s3 =	sld [smem:$0x3FDB];
	s0 =	simm.s32 @p2 $0x1  }
0x17: {  	s4 =	simm.s32 $0x1BF5;
	[smem:$0x3FB0] =	sst s0  }
0x18: {  	s0 =	sld [smem:$0x3F93];
	_ =	swait.ge [sflag:s4], $0x0  }
0x19: {  	s7 =	sld [smem:$0x3F94]  }
0x1a: {  	s8 =	sadd.s32 $0xFFFFE003, lr  }
0x1b: {  	s9 =	sadd.s32 $0xFFFFFEF7, lr;
	s5 =	simm.s32 $0xFFFFFFFF;
	p2 =	slt.u32 s8, $0xFFFFF086  }
0x1c: {  	p1 =	slt.u32 s9, $0xF7A;
	s5 =	simm.s32 @!p2 $0x0  }
0x1d: {  	s5 =	simm.s32 @p1 $0x1;
	p0 =	seq.s32 s7, s2  }
0x1e: {  	s7 =	smul.u32 @!p0 $0xF7A, s2;
	p2 =	seq.s32 @!p0 s5, $0x0  }
0x1f: {  	s9 =	smul.u32 $0xF7A, s1;
	s8 =	simm.s32 @!p0 $0x1BF5;
	p2 =	por !p2, p0  }
0x20: {  	[sflag:s8] =	ssyncset.s32 @!p0 $0xFFFFF086;
	s6 =	sadd.s32 @!p0 s3, s7;
	s7 =	simm.s32 @!p0 $0x108  }
0x21: {  	s3 =	sadd.s32 s3, s9;
	s6 =	sadd.s32 @!p0 $0x88, s6;
	s7 =	simm.s32 @p2 $0x1082  }
0x22: {  	[simem:s7], [sflag:s8] =	dma.local @!p0 [hbm:s6], $0xF7A  }
0x23: {  	s9 =	sor.u32 $0xD0000000, s2;
	s6 =	simm.s32 $0x108;
	_ =	swait.ge @!p0 [sflag:s8], $0x0  }
0x24: {  	s3 =	sadd.s32 $0x88, s3;
	s6 =	simm.s32 @!p1 $0x1082;
	[sflag:s4] =	ssyncset.s32 $0xFFFFF086  }
0x25: {  	[simem:s6], [sflag:s4] =	dma.local [hbm:s3], $0xF7A  }
0x26: {  	[smem:$0x3F94] =	sst s1;
	(tag) =	ssettag s2;
	_ =	strace s9  }
0x27: {  	s1 =	sld [smem:$0x3FA4]  }
0x28: {  	s2 =	sld [smem:$0x3FA5]  }
0x29: {  	s4 =	sld [smem:$0x3FA7]  }
0x2a: {  	p0 =	seq.s32 s5, $0x0;
	s5 =	sld [smem:$0x3FA8]  }
0x2b: {  	s6 =	sld [smem:$0x3FA9]  }
0x2c: {  	s7 =	sld [smem:$0x3FAA]  }
0x2d: {  	s3 =	simm.s32 $0x108;
	s8 =	sld [smem:$0x3FAB]  }
0x2e: {  	s3 =	simm.s32 @!p0 $0x1082;
	s9 =	sld [smem:$0x3FAC]  }
0x2f: {  	lr =	sadd.s32 s0, s3;
	s0 =	sld [smem:$0x3FA3]  }
0x30: {  	s3 =	sld [smem:$0x3FA6]  }
0x31: {  	[smem:$0x3FAF] =	sst s10  }
0x32: {  	s10 =	sld [smem:$0x3FAD];
	_ =	sdelay $0x3  }
0x33: {  	p0 =	seq.s32 s10, $0x1;
	s10 =	sld [smem:$0x3FAF];
	_ =	sdelay $0x3  }
0x34: {  	[smem:$0x3FAF] =	sst s10  }
0x35: {  	s10 =	sld [smem:$0x3FAE];
	_ =	sdelay $0x3  }
0x36: {  	p1 =	seq.s32 s10, $0x1;
	s10 =	sld [smem:$0x3FAF];
	_ =	sdelay $0x3  }
0x37: {  	[smem:$0x3FAF] =	sst s10  }
0x38: {  	s10 =	sld [smem:$0x3FB0]  }
0x39: {  	_ = 	snop;
	(pc) =	sbr.ind lr, $3  }
0x3a: {  	_ = 	snop  }
0x3b: {  	_ = 	snop  }
0x3c: {  	p2 =	seq.s32 s10, $0x1;
	s10 =	sld [smem:$0x3FAF]  }
0x3d: {  	_ =	shalt  }
0x3e: {  	_ =	shalt  }
0x3f: {  	_ =	shalt  }
0x40: {  	_ =	shalt  }
0x41: {  	_ =	shalt  }
0x42: {  	_ =	shalt  }
0x43: {  	_ =	shalt  }
0x44: {  	_ =	shalt  }
0x45: {  	_ =	shalt  }
0x46: {  	_ =	shalt  }
0x47: {  	_ =	shalt  }
0x48: {  	_ =	shalt  }
0x49: {  	_ =	shalt  }
0x4a: {  	_ =	shalt  }
0x4b: {  	_ =	shalt  }
0x4c: {  	_ =	shalt  }
0x4d: {  	_ =	shalt  }
0x4e: {  	_ =	shalt  }
0x4f: {  	_ =	shalt  }
0x50: {  	_ =	shalt  }
0x51: {  	_ =	shalt  }
0x52: {  	_ =	shalt  }
0x53: {  	_ =	shalt  }
0x54: {  	_ =	shalt  }
0x55: {  	_ =	shalt  }
0x56: {  	_ =	shalt  }
0x57: {  	_ =	shalt  }
0x58: {  	_ =	shalt  }
0x59: {  	_ =	shalt  }
0x5a: {  	_ =	shalt  }
0x5b: {  	_ =	shalt  }
0x5c: {  	_ =	shalt  }
0x5d: {  	_ =	shalt  }
0x5e: {  	_ =	shalt  }
0x5f: {  	_ =	shalt  }
0x60: {  	_ =	shalt  }
0x61: {  	_ =	shalt  }
0x62: {  	_ =	shalt  }
0x63: {  	_ =	shalt  }
0x64: {  	_ =	shalt  }
0x65: {  	_ =	shalt  }
0x66: {  	_ =	shalt  }
0x67: {  	_ =	shalt  }
0x68: {  	_ =	shalt  }
0x69: {  	_ =	shalt  }
0x6a: {  	_ =	shalt  }
0x6b: {  	_ =	shalt  }
0x6c: {  	_ =	shalt  }
0x6d: {  	_ =	shalt  }
0x6e: {  	_ =	shalt  }
0x6f: {  	_ =	shalt  }
0x70: {  	_ =	shalt  }
0x71: {  	_ =	shalt  }
0x72: {  	_ =	shalt  }
0x73: {  	_ =	shalt  }
0x74: {  	_ =	shalt  }
0x75: {  	_ =	shalt  }
0x76: {  	_ =	shalt  }
0x77: {  	_ =	shalt  }
0x78: {  	_ =	shalt  }
0x79: {  	_ =	shalt  }
0x7a: {  	_ =	shalt  }
0x7b: {  	_ =	shalt  }
0x7c: {  	_ =	shalt  }
0x7d: {  	_ =	shalt  }
0x7e: {  	_ =	shalt  }
0x7f: {  	_ =	shalt  }
0x80: {  	_ =	shalt  }
0x81: {  	_ =	shalt  }
0x82: {  	_ =	shalt  }
0x83: {  	_ =	shalt  }
0x84: {  	_ =	shalt  }
0x85: {  	_ =	shalt  }
0x86: {  	_ =	shalt  }
0x87: {  	_ =	shalt  }
.Lfunc_end0:
.L_simem_size_0:
called_computation.2_lowered:
.L_overlay_start_0:
0x88: {  	s2 =	sld [smem:$0x3FD9]  }
0x89: {  	s3 =	sld [smem:$0x3FFE];
	_ =	sdelay $0x1  }
0x8a: {  	s1 =	srdreg.scid  }
0x8b: {  	s0 =	sand.u32 $0x1, s1  }
0x8c: {  	s16 =	sshll.u32 s0, $0xA;
	s2 =	sadd.s32 s3, s2  }
0x8d: {  	s2 =	sadd.s32 s2, s16  }
0x8e: {  	[smem:$0x3FBB] =	sst s2  }
0x8f: {  	_ = 	snop  }
0x90: {  	(tm) =	ssettm $0x1  }
0x91: {  	s17 =	sld [smem:$0x3FFB];
	_ =	sdelay $0x3  }
0x92: {  	_ =	strace s17  }
0x93: {  	s2 =	sld [smem:$0x3FFC];
	_ =	sdelay $0x3  }
0x94: {  	_ =	strace s2  }
0x95: {  	s2 =	sld [smem:$0x3FFD];
	_ =	sdelay $0x3  }
0x96: {  	_ =	strace s2  }
0x97: {  	_ =	strace $0x8FFFFFFF  }
0x98: {  	s18 =	sld [smem:$0x3FDB];
	_ =	sdelay $0x1  }
0x99: {  	s19 =	simm.s32 $_scs_section_size  }
0x9a: {  	s4 =	simm.s32 $_size__tile_overlayer_lowered;
	s5 =	simm.s32 $_tile_overlayer_lowered  }
0x9b: {  	s22 =	simm.s32 $0x1BFF;
	s21 =	sshll.u32 s5, $0x1;
	s2 =	sadd.s32 s19, s18  }
0x9c: {  	s6 =	simm.s32 $0x0;
	s20 =	sshll.u32 s4, $0x1;
	s4 =	sadd.s32 s21, s2  }
0x9d: {  	[timem:s6], [sflag:s22] =	dma.local [hbm:s4], s20  }
0x9e: {  	_ =	swait.ge [sflag:s22], s20  }
0x9f: {  	s3 =	ssub.s32 $0x0, s20;
	[sflag:s22] =	ssyncset.done $0x0  }
0xa0: {  	[sflag:s22] =	ssyncadd.s32 s3;
	_ =	sdelay $0x1  }
0xa1: {  	s23 =	simm.s32 $0x1B8B  }
0xa2: {  	_ =	swait.ge [sflag:s23], $0x1  }
0xa3: {  	[sflag:s23] =	ssyncset.done $0x0  }
0xa4: {  	s25 =	simm.s32 $0x1B8E;
	s24 =	sld [smem:$0x3FFE];
	[sflag:s23] =	ssyncadd.s32 $0xFFFFFFFF  }
0xa5: {  	s26 =	simm.s32 $execute0_lowered;
	[smem:$0x3FD2] =	sst s25  }
0xa6: {  	s4 =	sshll.u32 s26, $0x1;
	_ =	strace $0x8000004C;
	[dreg:$0x1] =	wrdreg $0xFFFFFFFF  }
0xa7: {  	s28 =	simm.s32 $_size_execute0_lowered;
	s2 =	sadd.s32 s2, s4;
	[dreg:$0x0] =	wrdreg $0x0  }
0xa8: {  	s4 =	sshll.u32 s28, $0x1;
	[dreg:$0x2] =	wrdreg s2  }
0xa9: {  	[dreg:$0x3] =	wrdreg s4  }
0xaa: {  	[dreg:$0x4] =	wrdreg $0xC0  }
0xab: {  	_ =	task [dreg:s6], $0x5FFFF  }
0xac: {  	[dreg:$0x1] =	wrdreg $0xFFFFFFFF  }
0xad: {  	[dreg:$0x0] =	wrdreg $0x60  }
0xae: {  	[dreg:$0x2] =	wrdreg s24  }
0xaf: {  	[dreg:$0x3] =	wrdreg $0x51000  }
0xb0: {  	[dreg:$0x4] =	wrdreg $0x9  }
0xb1: {  	_ =	task.clear_ibuf [dreg:s6], $0x5FFFF;
	_ =	strace $0x9000004C  }
0xb2: {  	s29 =	simm.s32 $0x9;
	_ =	strace $0x8000004E  }
0xb3: {  	_ =	swait.ge [sflag:s29], $0x1  }
0xb4: {  	[sflag:s29] =	ssyncadd.s32 $0xFFFFFFFF  }
0xb5: {  	_ =	strace $0x9000004E  }
0xb6: {  	_ =	sfence  }
0xb7: {  	s30 =	sld [smem:$0x0];
	_ =	sdelay $0x2  }
0xb8: {  	s31 =	sshll.u32 s1, $0xD;
	s1 =	sshrl.u32 s1, $0x2  }
0xb9: {  	s3 =	sand.u32 $0x4000, s31;
	s1 =	sadd.s32 s1, s30  }
0xba: {  	s0 =	sor.u32 s3, s0;
	s1 =	sshll.u32 s1, $0x11  }
0xbb: {  	s0 =	sor.u32 s1, s0  }
0xbc: {  	s0 =	sadd.s32 $0x8F2B, s0  }
0xbd: {  	[sflag:s0] =	ssyncadd.remote.s32 $0x1  }
0xbe: {  	_ =	sfence.sel $0xFFFF  }
0xbf: {  	[dreg:$0x0] =	wrdreg $0xFFFFFFFF;
	(pc) =	sbr.abs _section_cstart, $3  }
0xc0: {  	[dreg:$0x1] =	wrdreg $0xFFFFFFFF  }
0xc1: {  	_ =	task.clear_ibuf [dreg:s6], $0x2FFFF;
	_ =	strace $0x9FFFFFFF  }
0xc2: {  	(tm) =	ssettm $0x7FFFFFFF  }
0xc3: {  	_ =	shalt  }
tec
execute0_lowered:
.L_overlay_start_1:
0x0: {  	(tag) =	ssettag $0x1  }
0x1: {  	s8 =	rddreg [dreg:$0x0]  }
0x2: {  	s1 =	rddreg [dreg:$0x1]  }
0x3: {  	s0 =	rddreg [dreg:$0x2];
	s2 =	simm.s32 $0x0;
	s6 =	srdreg.scid  }
0x4: {  	s12 =	stileid.u32;
	s14 =	simm.s32 $0x80;
	s15 =	simm.s32 $0x100  }
0x5: {  	s16 =	simm.s32 $0x50;
	s17 =	simm.s32 $0x2900;
	s18 =	simm.s32 $0x1  }
0x6: {  	s19 =	simm.s32 $0x2;
	s20 =	simm.s32 $0x0;
	[smem:$0x7FF] =	sst s2  }
0x7: {  	s3 =	sadd.s32 $0xA38600, s8;
	s4 =	sadd.s32 $0x74400, s8;
	s5 =	sadd.s32 $0x6000, s8  }
0x8: {  	s9 =	sand.u32 $0x1, s6;
	s6 =	sadd.s32 $0x16000, s8;
	s7 =	sadd.s32 $0x4D200, s8  }
0x9: {  	s13 =	sshll.u32 s12, $0x1;
	p0 =	sne.s32 s12, $0x0;
	_ =	strace $0x8000004D  }
0xa: {  	s10 =	smul.u32 $0x27100, s9;
	s11 =	ssub.s32 $0x2, s9;
	s9 =	sor.u32 s9, s13  }
0xb: {  	s12 =	sshrl.u32 @!p0 s1, $0x3;
	s13 =	simm.s32 $0x3;
	s31 =	sshrl.u32 s11, $0x1  }
0xc: {  	s10 =	sadd.s32 s10, s8;
	s11 =	ssub.s32 s11, s31;
	s8 =	sshll.u32 s9, $0xB  }
0xd: {  	s9 =	smul.u32 $0x138800, s9;
	s10 =	sadd.s32 $0xE9A00, s10;
	s11 =	smax.u32 s11, $0x1  }
.LBB2_1:
0xe: {  	s21 =	simm.s32 @!p0 $0x1C03  }
0xf: {  	[spmem:s12], [sflag:s21] =	dma.local @!p0 [hbm:s7], $0x27100  }
0x10: {  	s21 =	simm.s32 @!p0 $0x3  }
0x11: {  	_ =	swait.ge @!p0 [sflag:s21], $0x27100  }
0x12: {  	[sflag:s21] =	ssyncset.done @!p0 $0x0  }
0x13: {  	[sflag:s21] =	ssyncadd.s32 @!p0 $0xFFFD8F00  }
0x14: {  	s21 =	simm.s32 $0x0;
	[bflag:$0x0] =	sbarrier.arrive $0xFFFF  }
.LBB2_2:
0x15: {  	s22 =	sshll.u32 s21, $0x4  }
0x16: {  	s22 =	sadd.s32 s8, s22  }
0x17: {  	s23 =	sadd.s32 s5, s22  }
0x18: {  	[tilespmem:s2], [sflag:$0x3] =	stream.linear.gather [hbm4b:s23+s2], $0x80, $0x38;
	[tilespmem:$0x18980] =	vst v63  }
0x19: {  	_ =	swait.ge [sflag:s13], $0x80  }
0x1a: {  	[sflag:s13] =	ssyncset.done $0x0  }
0x1b: {  	s30 =	smul.u32 $0x2800, s21;
	s22 =	sadd.s32 s6, s22;
	[sflag:s13] =	ssyncadd.s32 $0xFFFFFF80  }
0x1c: {  	[tilespmem:s14], [sflag:$0x3] =	stream.linear.gather [hbm4b:s22+s2], $0x80, $0x38;
	[tilespmem:$0x18980] =	vst v63  }
0x1d: {  	s31 =	sadd.s32 s9, s30;
	_ =	swait.ge [sflag:s13], $0x80  }
0x1e: {  	s22 =	sshrl.u32 s31, $0x3;
	[sflag:s13] =	ssyncset.done $0x0  }
0x1f: {  	s22 =	sadd.s32 s3, s22;
	[sflag:s13] =	ssyncadd.s32 $0xFFFFFF80  }
0x20: {  	[tilespmem:s15], [sflag:$0x1] =	stream.linear.gather [hbm4b:s22+s2], $0x2800, $0x38;
	[tilespmem:$0x18980] =	vst v63  }
0x21: {  	_ = 	snop  }
0x22: {  	[tilespmem:s17], [sflag:$0x2] =	stream.indirect.gather [hbm4b:s4+s16], $0x80, s2, s16, $0xb8;
	[tilespmem:$0x18980] =	vst v63  }
0x23: {  	_ =	swait.ge [sflag:s18], $0x2800  }
0x24: {  	[sflag:s18] =	ssyncset.done $0x0  }
0x25: {  	[sflag:s18] =	ssyncadd.s32 $0xFFFFD800  }
0x26: {  	_ =	swait.ge [sflag:s19], $0x2800  }
0x27: {  	[sflag:s19] =	ssyncset.done $0x0  }
0x28: {  	s22 =	simm.s32 $0xF0;
	[sflag:s19] =	ssyncadd.s32 $0xFFFFD800  }
0x29: {  	v6 =	vld [tilespmem:s22+$0x2810]  }
0x2a: {  	v7 =	vld [tilespmem:s22+$0x2820]  }
0x2b: {  	v8 =	vld [tilespmem:s22+$0x2830]  }
0x2c: {  	v9 =	vld [tilespmem:s22+$0x2840]  }
0x2d: {  	v10 =	vld [tilespmem:s22+$0x2850]  }
0x2e: {  	v11 =	vld [tilespmem:s22+$0x2860]  }
0x2f: {  	v12 =	vld [tilespmem:s22+$0x2870]  }
0x30: {  	v13 =	vld [tilespmem:s22+$0x2880]  }
0x31: {  	v14 =	vld [tilespmem:s22+$0x2890]  }
0x32: {  	v15 =	vld [tilespmem:s22+$0x28A0]  }
0x33: {  	v5 =	vld [tilespmem:s22+$0x28B0]  }
0x34: {  	v4 =	vld [tilespmem:s22+$0x28C0]  }
0x35: {  	v3 =	vld [tilespmem:s22+$0x28D0]  }
0x36: {  	v2 =	vld [tilespmem:s22+$0x28E0]  }
0x37: {  	v1 =	vld [tilespmem:s22+$0x28F0]  }
0x38: {  	v0 =	vld [tilespmem:s22+$0x2900]  }
0x39: {  	v16 =	vld [tilespmem:s22+$0x10]  }
0x3a: {  	v17 =	vld [tilespmem:s22+$0x20]  }
0x3b: {  	v18 =	vld [tilespmem:s22+$0x30]  }
0x3c: {  	v19 =	vld [tilespmem:s22+$0x40]  }
0x3d: {  	v20 =	vld [tilespmem:s22+$0x50]  }
0x3e: {  	v60 =	vld [tilespmem:s22+$0x60];
	v6 =	vmul.f32 v6, v16  }
0x3f: {  	v21 =	vld [tilespmem:s22+$0x70];
	v7 =	vmul.f32 v7, v17  }
0x40: {  	v61 =	vld [tilespmem:s22+$0x80];
	[tilespmem:s22+$0x10] =	vst v6;
	v6 =	vmul.f32 v8, v18  }
0x41: {  	v62 =	vld [tilespmem:s22+$0x90];
	[tilespmem:s22+$0x20] =	vst v7;
	v7 =	vmul.f32 v9, v19  }
0x42: {  	v63 =	vld [tilespmem:s22+$0xA0];
	[tilespmem:s22+$0x30] =	vst v6;
	v6 =	vmul.f32 v10, v20  }
0x43: {  	v8 =	vmul.f32 v11, v60;
	[tilespmem:s22+$0x40] =	vst v7;
	v7 =	vld [tilespmem:s22+$0xB0]  }
0x44: {  	v9 =	vmul.f32 v12, v21;
	[tilespmem:s22+$0x50] =	vst v6;
	v6 =	vld [tilespmem:s22+$0xC0]  }
0x45: {  	[tilespmem:s22+$0x60] =	vst v8;
	v8 =	vld [tilespmem:s22+$0xD0];
	v10 =	vmul.f32 v13, v61  }
0x46: {  	v12 =	vmul.f32 v14, v62;
	[tilespmem:s22+$0x70] =	vst v9;
	v9 =	vld [tilespmem:s22+$0xE0]  }
0x47: {  	s23 =	simm.s32 $0x7C0;
	v11 =	vmul.f32 v15, v63;
	[tilespmem:s22+$0x80] =	vst v10;
	v10 =	vld [tilespmem:s22+$0xF0]  }
.LBB2_3:
0x48: {  	s24 =	sshra.s32 s23, $0x2;
	p1 =	sne.s32 s23, $0x9FC0;
	[tilespmem:s22+$0x90] =	vst v12;
	v5 =	vmul.f32 v5, v7;
	v7 =	vld [tilespmem:s22+$0x100]  }
0x49: {  	v12 =	vld [tilespmem:s24+$0x2810];
	[tilespmem:s22+$0xA0] =	vst v11;
	v4 =	vmul.f32 v4, v6  }
0x4a: {  	v6 =	vld [tilespmem:s24+$0x2820];
	[tilespmem:s22+$0xB0] =	vst v5;
	v3 =	vmul.f32 v3, v8  }
0x4b: {  	v8 =	vld [tilespmem:s24+$0x2830];
	[tilespmem:s22+$0xC0] =	vst v4;
	v2 =	vmul.f32 v2, v9  }
0x4c: {  	v9 =	vld [tilespmem:s24+$0x2840];
	[tilespmem:s22+$0xD0] =	vst v3;
	v1 =	vmul.f32 v1, v10  }
0x4d: {  	v10 =	vld [tilespmem:s24+$0x2850];
	[tilespmem:s22+$0xE0] =	vst v2;
	v0 =	vmul.f32 v0, v7  }
0x4e: {  	v7 =	vld [tilespmem:s24+$0x2860];
	[tilespmem:s22+$0xF0] =	vst v1  }
0x4f: {  	v11 =	vld [tilespmem:s24+$0x2870];
	[tilespmem:s22+$0x100] =	vst v0;
	s22 =	smov.u32 s24  }
0x50: {  	v13 =	vld [tilespmem:s22+$0x2880]  }
0x51: {  	v14 =	vld [tilespmem:s22+$0x2890]  }
0x52: {  	v15 =	vld [tilespmem:s22+$0x28A0]  }
0x53: {  	v5 =	vld [tilespmem:s22+$0x28B0]  }
0x54: {  	v4 =	vld [tilespmem:s22+$0x28C0]  }
0x55: {  	v3 =	vld [tilespmem:s22+$0x28D0]  }
0x56: {  	v2 =	vld [tilespmem:s22+$0x28E0]  }
0x57: {  	v1 =	vld [tilespmem:s22+$0x28F0]  }
0x58: {  	v0 =	vld [tilespmem:s22+$0x2900]  }
0x59: {  	v16 =	vld [tilespmem:s22+$0x10]  }
0x5a: {  	v17 =	vld [tilespmem:s22+$0x20]  }
0x5b: {  	v18 =	vld [tilespmem:s22+$0x30]  }
0x5c: {  	v19 =	vld [tilespmem:s22+$0x40]  }
0x5d: {  	v20 =	vld [tilespmem:s22+$0x50]  }
0x5e: {  	v12 =	vmul.f32 v12, v16;
	v16 =	vld [tilespmem:s22+$0x60]  }
0x5f: {  	v6 =	vmul.f32 v6, v17;
	v17 =	vld [tilespmem:s22+$0x70]  }
0x60: {  	[tilespmem:s22+$0x10] =	vst v12;
	v8 =	vmul.f32 v8, v18;
	v12 =	vld [tilespmem:s22+$0x80]  }
0x61: {  	[tilespmem:s22+$0x20] =	vst v6;
	v6 =	vmul.f32 v9, v19;
	v9 =	vld [tilespmem:s22+$0x90]  }
0x62: {  	[tilespmem:s22+$0x30] =	vst v8;
	v8 =	vmul.f32 v10, v20;
	v10 =	vld [tilespmem:s22+$0xA0]  }
.Ltmp0:
0x63: {  	[tilespmem:s22+$0x40] =	vst v6;
	v16 =	vmul.f32 v7, v16;
	v7 =	vld [tilespmem:s22+$0xB0];
	(pc) =	sbr.rel @p1 .LBB2_3-.Ltmp0, $4  }
0x64: {  	[tilespmem:s22+$0x50] =	vst v8;
	v11 =	vmul.f32 v11, v17;
	v6 =	vld [tilespmem:s22+$0xC0]  }
0x65: {  	[tilespmem:s22+$0x60] =	vst v16;
	v13 =	vmul.f32 v13, v12;
	v8 =	vld [tilespmem:s22+$0xD0]  }
0x66: {  	[tilespmem:s22+$0x70] =	vst v11;
	v12 =	vmul.f32 v14, v9;
	v9 =	vld [tilespmem:s22+$0xE0]  }
0x67: {  	s23 =	sadd.s32 $0x400, s23;
	[tilespmem:s22+$0x80] =	vst v13;
	v11 =	vmul.f32 v15, v10;
	v10 =	vld [tilespmem:s22+$0xF0]  }
0x68: {  	[tilespmem:s22+$0x90] =	vst v12;
	v5 =	vmul.f32 v5, v7;
	v63 =	vld [tilespmem:s22+$0x100]  }
0x69: {  	[tilespmem:s22+$0xA0] =	vst v11;
	v4 =	vmul.f32 v4, v6  }
0x6a: {  	[tilespmem:s22+$0xB0] =	vst v5;
	v3 =	vmul.f32 v3, v8  }
0x6b: {  	[tilespmem:s22+$0xC0] =	vst v4;
	v2 =	vmul.f32 v2, v9  }
0x6c: {  	[tilespmem:s22+$0xD0] =	vst v3;
	v1 =	vmul.f32 v1, v10  }
0x6d: {  	s21 =	sadd.s32 $0x1, s21;
	[tilespmem:s22+$0xE0] =	vst v2;
	v0 =	vmul.f32 v0, v63  }
0x6e: {  	p1 =	sne.s32 s21, $0x7D;
	[tilespmem:s22+$0xF0] =	vst v1  }
.Ltmp1:
0x6f: {  	[tilespmem:s22+$0x100] =	vst v0;
	(pc) =	sbr.rel @p1 .LBB2_2-.Ltmp1, $4  }
0x70: {  	[spmem:s1] =	stream.indirect.scatter.add.f32 [tilespmem:s15], [sflag:$0x3], $0x80, s14, s16, $0xb8;
	[tilespmem:$0x18980] =	vst v63  }
0x71: {  	_ =	swait.ge [sflag:s13], $0x2800  }
0x72: {  	[sflag:s13] =	ssyncset.done $0x0  }
0x73: {  	[sflag:s13] =	ssyncadd.s32 $0xFFFFD800  }
0x74: {  	[bflag:$0x0] =	sbarrier.arrive $0xFFFF;
	s21 =	simm.s32 @!p0 $0x1C03;
	s20 =	sadd.s32 $0x1, s20  }
0x75: {  	[hbm:s10], [sflag:s21] =	dma.local @!p0 [spmem:s12], $0x27100  }
0x76: {  	p1 =	sne.s32 s20, s11  }
.Ltmp2:
0x77: {  	_ = 	snop;
	(pc) =	sbr.rel @p1 .LBB2_1-.Ltmp2, $4  }
0x78: {  	s21 =	simm.s32 @!p0 $0x3  }
0x79: {  	_ =	swait.ge @!p0 [sflag:s21], $0x27100  }
0x7a: {  	[sflag:s21] =	ssyncset.done @!p0 $0x0  }
0x7b: {  	[sflag:s21] =	ssyncadd.s32 @!p0 $0xFFFD8F00  }
0x7c: {  	_ =	sfence.sel $0x180000  }
0x7d: {  	[bflag:$0x0] =	sbarrier.arrive $0xFFFF  }
0x7e: {  	_ =	strace $0x9000004D  }
0x7f: {  	s0 =	sadd.s32 @!p0 $0x100000, s0;
	[bflag:$0x2] =	sbarrier.arrive $0xFFFF  }
0x80: {  	[sflag:s0] =	ssyncadd.tile.s32 @!p0 $0x1;
	_ =	shalt  }
.Lfunc_end2:
_tile_overlayer_lowered:
.L_overlay_start_2:
0x81: {  	(tag) =	ssettag $0x2  }
0x82: {  	s0 =	rddreg [dreg:$0x0];
	s2 =	stileid.u32  }
0x83: {  	s1 =	rddreg [dreg:$0x1];
	p0 =	sne.s32 s2, $0x0  }
0x84: {  	s3 =	rddreg [dreg:$0x2];
	[bflag:$0x3] =	sbarrier.arrive $0xFFFF;
	s2 =	simm.s32 @!p0 $0x1C03  }
0x85: {  	[timem:s3], [sflag:s2] =	dma.local @!p0 [hbm:s0], s1  }
0x86: {  	s0 =	simm.s32 @!p0 $0x3  }
0x87: {  	_ =	swait.ge @!p0 [sflag:s0], s1  }
0x88: {  	s1 =	ssub.s32 @!p0 $0x0, s1;
	[sflag:s0] =	ssyncset.done @!p0 $0x0  }
0x89: {  	[sflag:s0] =	ssyncadd.s32 @!p0 s1  }
0x8a: {  	[bflag:$0x3] =	sbarrier.arrive $0xFFFF  }
0x8b: {  	_ =	shalt  }

// kernel: kernel.24.cloned.1.call-start
scs
__scs_entry_jumppad:
0x0: {  	(pc) =	sbr.rel $0x88, $3  }
0x1: {  	(tag) =	ssettag $0x0;
	lr =	simm.s32 $0x1  }
0x2: {  	[smem:$0x3F94] =	sst lr;
	_ =	strace $0xD0000000  }
0x3: {  	_ = 	snop  }
0x4: {  	_ = 	snop  }
0x5: {  	_ = 	snop  }
0x6: {  	_ = 	snop  }
0x7: {  	_ = 	snop  }
__scs_overlays_trampoline_lowered:
0x8: {  	[smem:$0x3FA3] =	sst s0  }
0x9: {  	[smem:$0x3FA4] =	sst s1  }
0xa: {  	[smem:$0x3FA5] =	sst s2  }
0xb: {  	[smem:$0x3FA6] =	sst s3  }
0xc: {  	[smem:$0x3FA7] =	sst s4  }
0xd: {  	[smem:$0x3FA8] =	sst s5  }
0xe: {  	[smem:$0x3FA9] =	sst s6  }
0xf: {  	[smem:$0x3FAA] =	sst s7  }
0x10: {  	[smem:$0x3FAB] =	sst s8  }
0x11: {  	[smem:$0x3FAC] =	sst s9;
	s0 =	simm.s32 @!p0 $0x0  }
0x12: {  	s1 =	sld [smem:$0x3F92];
	s0 =	simm.s32 @p0 $0x1  }
0x13: {  	[smem:$0x3FAD] =	sst s0;
	s0 =	simm.s32 @!p1 $0x0  }
0x14: {  	s2 =	sld [smem:$0x3F91];
	s0 =	simm.s32 @p1 $0x1  }
0x15: {  	[smem:$0x3FAE] =	sst s0;
	s0 =	simm.s32 @!p2 $0x0  }
0x16: {  	s3 =	sld [smem:$0x3FDB];
	s0 =	simm.s32 @p2 $0x1  }
0x17: {  	s4 =	simm.s32 $0x1BF5;
	[smem:$0x3FB0] =	sst s0  }
0x18: {  	s0 =	sld [smem:$0x3F93];
	_ =	swait.ge [sflag:s4], $0x0  }
0x19: {  	s7 =	sld [smem:$0x3F94]  }
0x1a: {  	s8 =	sadd.s32 $0xFFFFE003, lr  }
0x1b: {  	s9 =	sadd.s32 $0xFFFFFEF7, lr;
	s5 =	simm.s32 $0xFFFFFFFF;
	p2 =	slt.u32 s8, $0xFFFFF086  }
0x1c: {  	p1 =	slt.u32 s9, $0xF7A;
	s5 =	simm.s32 @!p2 $0x0  }
0x1d: {  	s5 =	simm.s32 @p1 $0x1;
	p0 =	seq.s32 s7, s2  }
0x1e: {  	s7 =	smul.u32 @!p0 $0xF7A, s2;
	p2 =	seq.s32 @!p0 s5, $0x0  }
0x1f: {  	s9 =	smul.u32 $0xF7A, s1;
	s8 =	simm.s32 @!p0 $0x1BF5;
	p2 =	por !p2, p0  }
0x20: {  	[sflag:s8] =	ssyncset.s32 @!p0 $0xFFFFF086;
	s6 =	sadd.s32 @!p0 s3, s7;
	s7 =	simm.s32 @!p0 $0x108  }
0x21: {  	s3 =	sadd.s32 s3, s9;
	s6 =	sadd.s32 @!p0 $0x88, s6;
	s7 =	simm.s32 @p2 $0x1082  }
0x22: {  	[simem:s7], [sflag:s8] =	dma.local @!p0 [hbm:s6], $0xF7A  }
0x23: {  	s9 =	sor.u32 $0xD0000000, s2;
	s6 =	simm.s32 $0x108;
	_ =	swait.ge @!p0 [sflag:s8], $0x0  }
0x24: {  	s3 =	sadd.s32 $0x88, s3;
	s6 =	simm.s32 @!p1 $0x1082;
	[sflag:s4] =	ssyncset.s32 $0xFFFFF086  }
0x25: {  	[simem:s6], [sflag:s4] =	dma.local [hbm:s3], $0xF7A  }
0x26: {  	[smem:$0x3F94] =	sst s1;
	(tag) =	ssettag s2;
	_ =	strace s9  }
0x27: {  	s1 =	sld [smem:$0x3FA4]  }
0x28: {  	s2 =	sld [smem:$0x3FA5]  }
0x29: {  	s4 =	sld [smem:$0x3FA7]  }
0x2a: {  	p0 =	seq.s32 s5, $0x0;
	s5 =	sld [smem:$0x3FA8]  }
0x2b: {  	s6 =	sld [smem:$0x3FA9]  }
0x2c: {  	s7 =	sld [smem:$0x3FAA]  }
0x2d: {  	s3 =	simm.s32 $0x108;
	s8 =	sld [smem:$0x3FAB]  }
0x2e: {  	s3 =	simm.s32 @!p0 $0x1082;
	s9 =	sld [smem:$0x3FAC]  }
0x2f: {  	lr =	sadd.s32 s0, s3;
	s0 =	sld [smem:$0x3FA3]  }
0x30: {  	s3 =	sld [smem:$0x3FA6]  }
0x31: {  	[smem:$0x3FAF] =	sst s10  }
0x32: {  	s10 =	sld [smem:$0x3FAD];
	_ =	sdelay $0x3  }
0x33: {  	p0 =	seq.s32 s10, $0x1;
	s10 =	sld [smem:$0x3FAF];
	_ =	sdelay $0x3  }
0x34: {  	[smem:$0x3FAF] =	sst s10  }
0x35: {  	s10 =	sld [smem:$0x3FAE];
	_ =	sdelay $0x3  }
0x36: {  	p1 =	seq.s32 s10, $0x1;
	s10 =	sld [smem:$0x3FAF];
	_ =	sdelay $0x3  }
0x37: {  	[smem:$0x3FAF] =	sst s10  }
0x38: {  	s10 =	sld [smem:$0x3FB0]  }
0x39: {  	_ = 	snop;
	(pc) =	sbr.ind lr, $3  }
0x3a: {  	_ = 	snop  }
0x3b: {  	_ = 	snop  }
0x3c: {  	p2 =	seq.s32 s10, $0x1;
	s10 =	sld [smem:$0x3FAF]  }
0x3d: {  	_ =	shalt  }
0x3e: {  	_ =	shalt  }
0x3f: {  	_ =	shalt  }
0x40: {  	_ =	shalt  }
0x41: {  	_ =	shalt  }
0x42: {  	_ =	shalt  }
0x43: {  	_ =	shalt  }
0x44: {  	_ =	shalt  }
0x45: {  	_ =	shalt  }
0x46: {  	_ =	shalt  }
0x47: {  	_ =	shalt  }
0x48: {  	_ =	shalt  }
0x49: {  	_ =	shalt  }
0x4a: {  	_ =	shalt  }
0x4b: {  	_ =	shalt  }
0x4c: {  	_ =	shalt  }
0x4d: {  	_ =	shalt  }
0x4e: {  	_ =	shalt  }
0x4f: {  	_ =	shalt  }
0x50: {  	_ =	shalt  }
0x51: {  	_ =	shalt  }
0x52: {  	_ =	shalt  }
0x53: {  	_ =	shalt  }
0x54: {  	_ =	shalt  }
0x55: {  	_ =	shalt  }
0x56: {  	_ =	shalt  }
0x57: {  	_ =	shalt  }
0x58: {  	_ =	shalt  }
0x59: {  	_ =	shalt  }
0x5a: {  	_ =	shalt  }
0x5b: {  	_ =	shalt  }
0x5c: {  	_ =	shalt  }
0x5d: {  	_ =	shalt  }
0x5e: {  	_ =	shalt  }
0x5f: {  	_ =	shalt  }
0x60: {  	_ =	shalt  }
0x61: {  	_ =	shalt  }
0x62: {  	_ =	shalt  }
0x63: {  	_ =	shalt  }
0x64: {  	_ =	shalt  }
0x65: {  	_ =	shalt  }
0x66: {  	_ =	shalt  }
0x67: {  	_ =	shalt  }
0x68: {  	_ =	shalt  }
0x69: {  	_ =	shalt  }
0x6a: {  	_ =	shalt  }
0x6b: {  	_ =	shalt  }
0x6c: {  	_ =	shalt  }
0x6d: {  	_ =	shalt  }
0x6e: {  	_ =	shalt  }
0x6f: {  	_ =	shalt  }
0x70: {  	_ =	shalt  }
0x71: {  	_ =	shalt  }
0x72: {  	_ =	shalt  }
0x73: {  	_ =	shalt  }
0x74: {  	_ =	shalt  }
0x75: {  	_ =	shalt  }
0x76: {  	_ =	shalt  }
0x77: {  	_ =	shalt  }
0x78: {  	_ =	shalt  }
0x79: {  	_ =	shalt  }
0x7a: {  	_ =	shalt  }
0x7b: {  	_ =	shalt  }
0x7c: {  	_ =	shalt  }
0x7d: {  	_ =	shalt  }
0x7e: {  	_ =	shalt  }
0x7f: {  	_ =	shalt  }
0x80: {  	_ =	shalt  }
0x81: {  	_ =	shalt  }
0x82: {  	_ =	shalt  }
0x83: {  	_ =	shalt  }
0x84: {  	_ =	shalt  }
0x85: {  	_ =	shalt  }
0x86: {  	_ =	shalt  }
0x87: {  	_ =	shalt  }
.Lfunc_end0:
.L_simem_size_0:
called_computation.3_lowered:
.L_overlay_start_0:
0x88: {  	s2 =	sld [smem:$0x3FD9]  }
0x89: {  	s3 =	sld [smem:$0x3FFE];
	_ =	sdelay $0x1  }
0x8a: {  	s1 =	srdreg.scid  }
0x8b: {  	s0 =	sand.u32 $0x1, s1  }
0x8c: {  	s16 =	sshll.u32 s0, $0xA;
	s2 =	sadd.s32 s3, s2  }
0x8d: {  	s2 =	sadd.s32 s2, s16  }
0x8e: {  	[smem:$0x3FBB] =	sst s2  }
0x8f: {  	_ = 	snop  }
0x90: {  	(tm) =	ssettm $0x1  }
0x91: {  	s17 =	sld [smem:$0x3FFB];
	_ =	sdelay $0x3  }
0x92: {  	_ =	strace s17  }
0x93: {  	s2 =	sld [smem:$0x3FFC];
	_ =	sdelay $0x3  }
0x94: {  	_ =	strace s2  }
0x95: {  	s2 =	sld [smem:$0x3FFD];
	_ =	sdelay $0x3  }
0x96: {  	_ =	strace s2  }
0x97: {  	_ =	strace $0x8FFFFFFF  }
0x98: {  	s18 =	sld [smem:$0x3FDB];
	_ =	sdelay $0x1  }
0x99: {  	s19 =	simm.s32 $_scs_section_size  }
0x9a: {  	s4 =	simm.s32 $_size__tile_overlayer_lowered;
	s5 =	simm.s32 $_tile_overlayer_lowered  }
0x9b: {  	s22 =	simm.s32 $0x1BFF;
	s21 =	sshll.u32 s5, $0x1;
	s2 =	sadd.s32 s19, s18  }
0x9c: {  	s6 =	simm.s32 $0x0;
	s20 =	sshll.u32 s4, $0x1;
	s4 =	sadd.s32 s21, s2  }
0x9d: {  	[timem:s6], [sflag:s22] =	dma.local [hbm:s4], s20  }
0x9e: {  	_ =	swait.ge [sflag:s22], s20  }
0x9f: {  	s3 =	ssub.s32 $0x0, s20;
	[sflag:s22] =	ssyncset.done $0x0  }
0xa0: {  	[sflag:s22] =	ssyncadd.s32 s3;
	_ =	sdelay $0x1  }
0xa1: {  	s23 =	simm.s32 $0x1B8B  }
0xa2: {  	_ =	swait.ge [sflag:s23], $0x1  }
0xa3: {  	[sflag:s23] =	ssyncset.done $0x0  }
0xa4: {  	s25 =	simm.s32 $0x1B8E;
	s24 =	sld [smem:$0x3FFE];
	[sflag:s23] =	ssyncadd.s32 $0xFFFFFFFF  }
0xa5: {  	s26 =	simm.s32 $execute0_lowered;
	[smem:$0x3FD2] =	sst s25  }
0xa6: {  	s4 =	sshll.u32 s26, $0x1;
	_ =	strace $0x8000004F;
	[dreg:$0x1] =	wrdreg $0xFFFFFFFF  }
0xa7: {  	s28 =	simm.s32 $_size_execute0_lowered;
	s2 =	sadd.s32 s2, s4;
	[dreg:$0x0] =	wrdreg $0x0  }
0xa8: {  	s4 =	sshll.u32 s28, $0x1;
	[dreg:$0x2] =	wrdreg s2  }
0xa9: {  	[dreg:$0x3] =	wrdreg s4  }
0xaa: {  	[dreg:$0x4] =	wrdreg $0xC0  }
0xab: {  	_ =	task [dreg:s6], $0x5FFFF  }
0xac: {  	[dreg:$0x1] =	wrdreg $0xFFFFFFFF  }
0xad: {  	[dreg:$0x0] =	wrdreg $0x60  }
0xae: {  	[dreg:$0x2] =	wrdreg s24  }
0xaf: {  	[dreg:$0x3] =	wrdreg $0x79000  }
0xb0: {  	[dreg:$0x4] =	wrdreg $0x9  }
0xb1: {  	_ =	task.clear_ibuf [dreg:s6], $0x5FFFF;
	_ =	strace $0x9000004F  }
0xb2: {  	s29 =	simm.s32 $0x9;
	_ =	strace $0x80000051  }
0xb3: {  	_ =	swait.ge [sflag:s29], $0x1  }
0xb4: {  	[sflag:s29] =	ssyncadd.s32 $0xFFFFFFFF  }
0xb5: {  	_ =	strace $0x90000051  }
0xb6: {  	_ =	sfence  }
0xb7: {  	s30 =	sld [smem:$0x0];
	_ =	sdelay $0x2  }
0xb8: {  	s31 =	sshll.u32 s1, $0xD;
	s1 =	sshrl.u32 s1, $0x2  }
0xb9: {  	s3 =	sand.u32 $0x4000, s31;
	s1 =	sadd.s32 s1, s30  }
0xba: {  	s0 =	sor.u32 s3, s0;
	s1 =	sshll.u32 s1, $0x11  }
0xbb: {  	s0 =	sor.u32 s1, s0  }
0xbc: {  	s0 =	sadd.s32 $0x8F2B, s0  }
0xbd: {  	[sflag:s0] =	ssyncadd.remote.s32 $0x1  }
0xbe: {  	_ =	sfence.sel $0xFFFF  }
0xbf: {  	[dreg:$0x0] =	wrdreg $0xFFFFFFFF;
	(pc) =	sbr.abs _section_cstart, $3  }
0xc0: {  	[dreg:$0x1] =	wrdreg $0xFFFFFFFF  }
0xc1: {  	_ =	task.clear_ibuf [dreg:s6], $0x2FFFF;
	_ =	strace $0x9FFFFFFF  }
0xc2: {  	(tm) =	ssettm $0x7FFFFFFF  }
0xc3: {  	_ =	shalt  }
tec
execute0_lowered:
.L_overlay_start_1:
0x0: {  	(tag) =	ssettag $0x1  }
0x1: {  	s10 =	rddreg [dreg:$0x0]  }
0x2: {  	s1 =	rddreg [dreg:$0x1]  }
0x3: {  	s0 =	rddreg [dreg:$0x2]  }
0x4: {  	s2 =	simm.s32 $0x0;
	s9 =	srdreg.scid;
	s13 =	stileid.u32  }
0x5: {  	s17 =	simm.s32 $0x100;
	s18 =	simm.s32 $0x50;
	s19 =	simm.s32 $0x2900  }
0x6: {  	s20 =	simm.s32 $0x5100;
	s21 =	simm.s32 $0x1;
	s22 =	simm.s32 $0x2  }
0x7: {  	s23 =	simm.s32 $0x3;
	s24 =	simm.s32 $0x0;
	[smem:$0x7FF] =	sst s2  }
0x8: {  	s3 =	sadd.s32 $0xA38600, s10;
	s4 =	sadd.s32 $0x74400, s10;
	s5 =	sadd.s32 $0x9B600, s10  }
0x9: {  	s6 =	sadd.s32 $0x6000, s10;
	s7 =	sadd.s32 $0x16000, s10;
	s8 =	sadd.s32 $0x4D200, s10  }
0xa: {  	s11 =	sand.u32 $0x1, s9;
	s15 =	sshll.u32 s13, $0x1;
	s9 =	sadd.s32 $0x556600, s10  }
0xb: {  	p0 =	sne.s32 s13, $0x0;
	s12 =	smul.u32 $0x27100, s11;
	s14 =	ssub.s32 $0x2, s11  }
0xc: {  	_ =	strace $0x80000050;
	s11 =	sor.u32 s11, s15;
	s16 =	sshrl.u32 s14, $0x1  }
0xd: {  	s15 =	simm.s32 $0x4;
	s12 =	sadd.s32 s12, s10;
	s14 =	ssub.s32 s14, s16  }
0xe: {  	s10 =	sshll.u32 s11, $0xB;
	s11 =	smul.u32 $0x138800, s11;
	s16 =	simm.s32 $0x80  }
0xf: {  	s12 =	sadd.s32 $0xE9A00, s12;
	s13 =	smax.u32 s14, $0x1;
	s14 =	sshrl.u32 @!p0 s1, $0x3  }
.LBB2_1:
0x10: {  	s25 =	simm.s32 @!p0 $0x1C04  }
0x11: {  	[spmem:s14], [sflag:s25] =	dma.local @!p0 [hbm:s8], $0x27100  }
0x12: {  	s25 =	simm.s32 @!p0 $0x4  }
0x13: {  	_ =	swait.ge @!p0 [sflag:s25], $0x27100  }
0x14: {  	[sflag:s25] =	ssyncset.done @!p0 $0x0  }
0x15: {  	[sflag:s25] =	ssyncadd.s32 @!p0 $0xFFFD8F00  }
0x16: {  	s25 =	simm.s32 $0x0;
	[bflag:$0x0] =	sbarrier.arrive $0xFFFF  }
.LBB2_2:
0x17: {  	s26 =	sshll.u32 s25, $0x4  }
0x18: {  	s26 =	sadd.s32 s10, s26  }
0x19: {  	s28 =	sadd.s32 s6, s26  }
0x1a: {  	[tilespmem:s2], [sflag:$0x4] =	stream.linear.gather [hbm4b:s28+s2], $0x80, $0x38;
	[tilespmem:$0x1B180] =	vst v63  }
0x1b: {  	_ =	swait.ge [sflag:s15], $0x80  }
0x1c: {  	[sflag:s15] =	ssyncset.done $0x0  }
0x1d: {  	s26 =	sadd.s32 s7, s26;
	s28 =	smul.u32 $0x2800, s25;
	[sflag:s15] =	ssyncadd.s32 $0xFFFFFF80  }
0x1e: {  	[tilespmem:s16], [sflag:$0x4] =	stream.linear.gather [hbm4b:s26+s2], $0x80, $0x38;
	[tilespmem:$0x1B180] =	vst v63  }
0x1f: {  	s31 =	sadd.s32 s11, s28;
	_ =	swait.ge [sflag:s15], $0x80  }
0x20: {  	s26 =	sshrl.u32 s31, $0x3;
	[sflag:s15] =	ssyncset.done $0x0  }
0x21: {  	s28 =	sadd.s32 s3, s26;
	[sflag:s15] =	ssyncadd.s32 $0xFFFFFF80  }
0x22: {  	[tilespmem:s17], [sflag:$0x1] =	stream.linear.gather [hbm4b:s28+s2], $0x2800, $0x38;
	[tilespmem:$0x1B180] =	vst v63  }
0x23: {  	_ = 	snop  }
0x24: {  	[tilespmem:s19], [sflag:$0x2] =	stream.indirect.gather [hbm4b:s4+s18], $0x80, s2, s18, $0xb8;
	[tilespmem:$0x1B180] =	vst v63  }
0x25: {  	_ = 	snop  }
0x26: {  	[tilespmem:s20], [sflag:$0x3] =	stream.indirect.gather [hbm4b:s5+s18], $0x80, s16, s18, $0xb8;
	[tilespmem:$0x1B180] =	vst v63  }
0x27: {  	_ =	swait.ge [sflag:s21], $0x2800  }
0x28: {  	[sflag:s21] =	ssyncset.done $0x0  }
0x29: {  	[sflag:s21] =	ssyncadd.s32 $0xFFFFD800  }
0x2a: {  	_ =	swait.ge [sflag:s22], $0x2800  }
0x2b: {  	[sflag:s22] =	ssyncset.done $0x0  }
0x2c: {  	[sflag:s22] =	ssyncadd.s32 $0xFFFFD800  }
0x2d: {  	_ =	swait.ge [sflag:s23], $0x2800  }
0x2e: {  	[sflag:s23] =	ssyncset.done $0x0  }
0x2f: {  	s28 =	simm.s32 $0xF0;
	[sflag:s23] =	ssyncadd.s32 $0xFFFFD800  }
0x30: {  	v6 =	vld [tilespmem:s28+$0x5010]  }
0x31: {  	v7 =	vld [tilespmem:s28+$0x5020]  }
0x32: {  	v8 =	vld [tilespmem:s28+$0x5030]  }
0x33: {  	v9 =	vld [tilespmem:s28+$0x5040]  }
0x34: {  	v10 =	vld [tilespmem:s28+$0x5050]  }
0x35: {  	v11 =	vld [tilespmem:s28+$0x5060]  }
0x36: {  	v12 =	vld [tilespmem:s28+$0x5070]  }
0x37: {  	v13 =	vld [tilespmem:s28+$0x5080]  }
0x38: {  	v14 =	vld [tilespmem:s28+$0x5090]  }
0x39: {  	v15 =	vld [tilespmem:s28+$0x50A0]  }
0x3a: {  	v5 =	vld [tilespmem:s28+$0x50B0]  }
0x3b: {  	v4 =	vld [tilespmem:s28+$0x50C0]  }
0x3c: {  	v3 =	vld [tilespmem:s28+$0x50D0]  }
0x3d: {  	v2 =	vld [tilespmem:s28+$0x50E0]  }
0x3e: {  	v1 =	vld [tilespmem:s28+$0x50F0]  }
0x3f: {  	v0 =	vld [tilespmem:s28+$0x5100]  }
0x40: {  	v16 =	vld [tilespmem:s28+$0x2810]  }
0x41: {  	v17 =	vld [tilespmem:s28+$0x2820]  }
0x42: {  	v18 =	vld [tilespmem:s28+$0x2830]  }
0x43: {  	v19 =	vld [tilespmem:s28+$0x2840]  }
0x44: {  	v20 =	vld [tilespmem:s28+$0x2850]  }
0x45: {  	v60 =	vld [tilespmem:s28+$0x2860];
	v6 =	vmul.f32 v16, v6  }
0x46: {  	v21 =	vld [tilespmem:s28+$0x2870];
	v7 =	vmul.f32 v17, v7  }
0x47: {  	v61 =	vld [tilespmem:s28+$0x2880];
	[tilespmem:s28+$0x2810] =	vst v6;
	v6 =	vmul.f32 v18, v8  }
0x48: {  	v62 =	vld [tilespmem:s28+$0x2890];
	[tilespmem:s28+$0x2820] =	vst v7;
	v7 =	vmul.f32 v19, v9  }
0x49: {  	v63 =	vld [tilespmem:s28+$0x28A0];
	[tilespmem:s28+$0x2830] =	vst v6;
	v6 =	vmul.f32 v20, v10  }
0x4a: {  	v8 =	vmul.f32 v60, v11;
	[tilespmem:s28+$0x2840] =	vst v7;
	v7 =	vld [tilespmem:s28+$0x28B0]  }
0x4b: {  	v9 =	vmul.f32 v21, v12;
	[tilespmem:s28+$0x2850] =	vst v6;
	v6 =	vld [tilespmem:s28+$0x28C0]  }
0x4c: {  	[tilespmem:s28+$0x2860] =	vst v8;
	v8 =	vld [tilespmem:s28+$0x28D0];
	v10 =	vmul.f32 v61, v13  }
0x4d: {  	v12 =	vmul.f32 v62, v14;
	[tilespmem:s28+$0x2870] =	vst v9;
	v9 =	vld [tilespmem:s28+$0x28E0]  }
0x4e: {  	s29 =	simm.s32 $0x7C0;
	v11 =	vmul.f32 v63, v15;
	[tilespmem:s28+$0x2880] =	vst v10;
	v10 =	vld [tilespmem:s28+$0x28F0]  }
.LBB2_3:
0x4f: {  	s30 =	sshra.s32 s29, $0x2;
	p1 =	sne.s32 s29, $0x9FC0;
	[tilespmem:s28+$0x2890] =	vst v12;
	v5 =	vmul.f32 v7, v5;
	v7 =	vld [tilespmem:s28+$0x2900]  }
0x50: {  	v12 =	vld [tilespmem:s30+$0x5010];
	[tilespmem:s28+$0x28A0] =	vst v11;
	v4 =	vmul.f32 v6, v4  }
0x51: {  	v6 =	vld [tilespmem:s30+$0x5020];
	[tilespmem:s28+$0x28B0] =	vst v5;
	v3 =	vmul.f32 v8, v3  }
0x52: {  	v8 =	vld [tilespmem:s30+$0x5030];
	[tilespmem:s28+$0x28C0] =	vst v4;
	v2 =	vmul.f32 v9, v2  }
0x53: {  	v9 =	vld [tilespmem:s30+$0x5040];
	[tilespmem:s28+$0x28D0] =	vst v3;
	v1 =	vmul.f32 v10, v1  }
0x54: {  	v10 =	vld [tilespmem:s30+$0x5050];
	[tilespmem:s28+$0x28E0] =	vst v2;
	v0 =	vmul.f32 v7, v0  }
0x55: {  	v7 =	vld [tilespmem:s30+$0x5060];
	[tilespmem:s28+$0x28F0] =	vst v1  }
0x56: {  	v11 =	vld [tilespmem:s30+$0x5070];
	[tilespmem:s28+$0x2900] =	vst v0;
	s28 =	smov.u32 s30  }
0x57: {  	v13 =	vld [tilespmem:s28+$0x5080]  }
0x58: {  	v14 =	vld [tilespmem:s28+$0x5090]  }
0x59: {  	v15 =	vld [tilespmem:s28+$0x50A0]  }
0x5a: {  	v5 =	vld [tilespmem:s28+$0x50B0]  }
0x5b: {  	v4 =	vld [tilespmem:s28+$0x50C0]  }
0x5c: {  	v3 =	vld [tilespmem:s28+$0x50D0]  }
0x5d: {  	v2 =	vld [tilespmem:s28+$0x50E0]  }
0x5e: {  	v1 =	vld [tilespmem:s28+$0x50F0]  }
0x5f: {  	v0 =	vld [tilespmem:s28+$0x5100]  }
0x60: {  	v16 =	vld [tilespmem:s28+$0x2810]  }
0x61: {  	v17 =	vld [tilespmem:s28+$0x2820]  }
0x62: {  	v18 =	vld [tilespmem:s28+$0x2830]  }
0x63: {  	v19 =	vld [tilespmem:s28+$0x2840]  }
0x64: {  	v20 =	vld [tilespmem:s28+$0x2850]  }
0x65: {  	v12 =	vmul.f32 v16, v12;
	v16 =	vld [tilespmem:s28+$0x2860]  }
0x66: {  	v6 =	vmul.f32 v17, v6;
	v17 =	vld [tilespmem:s28+$0x2870]  }
0x67: {  	[tilespmem:s28+$0x2810] =	vst v12;
	v8 =	vmul.f32 v18, v8;
	v12 =	vld [tilespmem:s28+$0x2880]  }
0x68: {  	[tilespmem:s28+$0x2820] =	vst v6;
	v6 =	vmul.f32 v19, v9;
	v9 =	vld [tilespmem:s28+$0x2890]  }
0x69: {  	[tilespmem:s28+$0x2830] =	vst v8;
	v8 =	vmul.f32 v20, v10;
	v10 =	vld [tilespmem:s28+$0x28A0]  }
.Ltmp0:
0x6a: {  	[tilespmem:s28+$0x2840] =	vst v6;
	v16 =	vmul.f32 v16, v7;
	v7 =	vld [tilespmem:s28+$0x28B0];
	(pc) =	sbr.rel @p1 .LBB2_3-.Ltmp0, $4  }
0x6b: {  	[tilespmem:s28+$0x2850] =	vst v8;
	v11 =	vmul.f32 v17, v11;
	v6 =	vld [tilespmem:s28+$0x28C0]  }
0x6c: {  	[tilespmem:s28+$0x2860] =	vst v16;
	v13 =	vmul.f32 v12, v13;
	v8 =	vld [tilespmem:s28+$0x28D0]  }
0x6d: {  	[tilespmem:s28+$0x2870] =	vst v11;
	v12 =	vmul.f32 v9, v14;
	v9 =	vld [tilespmem:s28+$0x28E0]  }
0x6e: {  	s29 =	sadd.s32 $0x400, s29;
	[tilespmem:s28+$0x2880] =	vst v13;
	v11 =	vmul.f32 v10, v15;
	v10 =	vld [tilespmem:s28+$0x28F0]  }
0x6f: {  	[tilespmem:s28+$0x2890] =	vst v12;
	v5 =	vmul.f32 v7, v5;
	v7 =	vld [tilespmem:s28+$0x2900]  }
0x70: {  	[tilespmem:s28+$0x28A0] =	vst v11;
	v4 =	vmul.f32 v6, v4  }
0x71: {  	[tilespmem:s28+$0x28B0] =	vst v5;
	v3 =	vmul.f32 v8, v3  }
0x72: {  	[tilespmem:s28+$0x28C0] =	vst v4;
	v2 =	vmul.f32 v9, v2  }
0x73: {  	[tilespmem:s28+$0x28D0] =	vst v3;
	v1 =	vmul.f32 v10, v1  }
0x74: {  	[tilespmem:s28+$0x28E0] =	vst v2;
	v0 =	vmul.f32 v7, v0  }
0x75: {  	[tilespmem:s28+$0x28F0] =	vst v1  }
0x76: {  	s26 =	sadd.s32 s9, s26;
	[tilespmem:s28+$0x2900] =	vst v0  }
0x77: {  	[hbm4b:s26+s2] =	stream.linear.scatter [tilespmem:s19], [sflag:$0x4], $0x2800, $0x38;
	[tilespmem:$0x1B180] =	vst v63  }
0x78: {  	_ =	swait.ge [sflag:s15], $0x2800  }
0x79: {  	[sflag:s15] =	ssyncset.done $0x0  }
0x7a: {  	s26 =	simm.s32 $0xF0;
	[sflag:s15] =	ssyncadd.s32 $0xFFFFD800  }
0x7b: {  	v6 =	vld [tilespmem:s26+$0x10]  }
0x7c: {  	v7 =	vld [tilespmem:s26+$0x20]  }
0x7d: {  	v8 =	vld [tilespmem:s26+$0x30]  }
0x7e: {  	v9 =	vld [tilespmem:s26+$0x40]  }
0x7f: {  	v10 =	vld [tilespmem:s26+$0x50]  }
0x80: {  	v11 =	vld [tilespmem:s26+$0x60]  }
0x81: {  	v12 =	vld [tilespmem:s26+$0x70]  }
0x82: {  	v13 =	vld [tilespmem:s26+$0x80]  }
0x83: {  	v14 =	vld [tilespmem:s26+$0x90]  }
0x84: {  	v15 =	vld [tilespmem:s26+$0xA0]  }
0x85: {  	v5 =	vld [tilespmem:s26+$0xB0]  }
0x86: {  	v4 =	vld [tilespmem:s26+$0xC0]  }
0x87: {  	v3 =	vld [tilespmem:s26+$0xD0]  }
0x88: {  	v2 =	vld [tilespmem:s26+$0xE0]  }
0x89: {  	v1 =	vld [tilespmem:s26+$0xF0]  }
0x8a: {  	v0 =	vld [tilespmem:s26+$0x100]  }
0x8b: {  	v16 =	vld [tilespmem:s26+$0x5010]  }
0x8c: {  	v17 =	vld [tilespmem:s26+$0x5020]  }
0x8d: {  	v18 =	vld [tilespmem:s26+$0x5030]  }
0x8e: {  	v19 =	vld [tilespmem:s26+$0x5040]  }
0x8f: {  	v20 =	vld [tilespmem:s26+$0x5050]  }
0x90: {  	v60 =	vld [tilespmem:s26+$0x5060];
	v6 =	vmul.f32 v6, v16  }
0x91: {  	v21 =	vld [tilespmem:s26+$0x5070];
	v7 =	vmul.f32 v7, v17  }
0x92: {  	v61 =	vld [tilespmem:s26+$0x5080];
	[tilespmem:s26+$0x5010] =	vst v6;
	v6 =	vmul.f32 v8, v18  }
0x93: {  	v62 =	vld [tilespmem:s26+$0x5090];
	[tilespmem:s26+$0x5020] =	vst v7;
	v7 =	vmul.f32 v9, v19  }
0x94: {  	v63 =	vld [tilespmem:s26+$0x50A0];
	[tilespmem:s26+$0x5030] =	vst v6;
	v6 =	vmul.f32 v10, v20  }
0x95: {  	v8 =	vmul.f32 v11, v60;
	[tilespmem:s26+$0x5040] =	vst v7;
	v7 =	vld [tilespmem:s26+$0x50B0]  }
0x96: {  	v9 =	vmul.f32 v12, v21;
	[tilespmem:s26+$0x5050] =	vst v6;
	v6 =	vld [tilespmem:s26+$0x50C0]  }
0x97: {  	[tilespmem:s26+$0x5060] =	vst v8;
	v8 =	vld [tilespmem:s26+$0x50D0];
	v10 =	vmul.f32 v13, v61  }
0x98: {  	v12 =	vmul.f32 v14, v62;
	[tilespmem:s26+$0x5070] =	vst v9;
	v9 =	vld [tilespmem:s26+$0x50E0]  }
0x99: {  	s28 =	simm.s32 $0x7C0;
	v11 =	vmul.f32 v15, v63;
	[tilespmem:s26+$0x5080] =	vst v10;
	v10 =	vld [tilespmem:s26+$0x50F0]  }
.LBB2_5:
0x9a: {  	s29 =	sshra.s32 s28, $0x2;
	p1 =	sne.s32 s28, $0x9FC0;
	[tilespmem:s26+$0x5090] =	vst v12;
	v5 =	vmul.f32 v5, v7;
	v7 =	vld [tilespmem:s26+$0x5100]  }
0x9b: {  	v12 =	vld [tilespmem:s29+$0x10];
	[tilespmem:s26+$0x50A0] =	vst v11;
	v4 =	vmul.f32 v4, v6  }
0x9c: {  	v6 =	vld [tilespmem:s29+$0x20];
	[tilespmem:s26+$0x50B0] =	vst v5;
	v3 =	vmul.f32 v3, v8  }
0x9d: {  	v8 =	vld [tilespmem:s29+$0x30];
	[tilespmem:s26+$0x50C0] =	vst v4;
	v2 =	vmul.f32 v2, v9  }
0x9e: {  	v9 =	vld [tilespmem:s29+$0x40];
	[tilespmem:s26+$0x50D0] =	vst v3;
	v1 =	vmul.f32 v1, v10  }
0x9f: {  	v10 =	vld [tilespmem:s29+$0x50];
	[tilespmem:s26+$0x50E0] =	vst v2;
	v0 =	vmul.f32 v0, v7  }
0xa0: {  	v7 =	vld [tilespmem:s29+$0x60];
	[tilespmem:s26+$0x50F0] =	vst v1  }
0xa1: {  	v11 =	vld [tilespmem:s29+$0x70];
	[tilespmem:s26+$0x5100] =	vst v0;
	s26 =	smov.u32 s29  }
0xa2: {  	v13 =	vld [tilespmem:s26+$0x80]  }
0xa3: {  	v14 =	vld [tilespmem:s26+$0x90]  }
0xa4: {  	v15 =	vld [tilespmem:s26+$0xA0]  }
0xa5: {  	v5 =	vld [tilespmem:s26+$0xB0]  }
0xa6: {  	v4 =	vld [tilespmem:s26+$0xC0]  }
0xa7: {  	v3 =	vld [tilespmem:s26+$0xD0]  }
0xa8: {  	v2 =	vld [tilespmem:s26+$0xE0]  }
0xa9: {  	v1 =	vld [tilespmem:s26+$0xF0]  }
0xaa: {  	v0 =	vld [tilespmem:s26+$0x100]  }
0xab: {  	v16 =	vld [tilespmem:s26+$0x5010]  }
0xac: {  	v17 =	vld [tilespmem:s26+$0x5020]  }
0xad: {  	v18 =	vld [tilespmem:s26+$0x5030]  }
0xae: {  	v19 =	vld [tilespmem:s26+$0x5040]  }
0xaf: {  	v20 =	vld [tilespmem:s26+$0x5050]  }
0xb0: {  	v12 =	vmul.f32 v12, v16;
	v16 =	vld [tilespmem:s26+$0x5060]  }
0xb1: {  	v6 =	vmul.f32 v6, v17;
	v17 =	vld [tilespmem:s26+$0x5070]  }
0xb2: {  	[tilespmem:s26+$0x5010] =	vst v12;
	v8 =	vmul.f32 v8, v18;
	v12 =	vld [tilespmem:s26+$0x5080]  }
0xb3: {  	[tilespmem:s26+$0x5020] =	vst v6;
	v6 =	vmul.f32 v9, v19;
	v9 =	vld [tilespmem:s26+$0x5090]  }
0xb4: {  	[tilespmem:s26+$0x5030] =	vst v8;
	v8 =	vmul.f32 v10, v20;
	v10 =	vld [tilespmem:s26+$0x50A0]  }
.Ltmp1:
0xb5: {  	[tilespmem:s26+$0x5040] =	vst v6;
	v16 =	vmul.f32 v7, v16;
	v7 =	vld [tilespmem:s26+$0x50B0];
	(pc) =	sbr.rel @p1 .LBB2_5-.Ltmp1, $4  }
0xb6: {  	[tilespmem:s26+$0x5050] =	vst v8;
	v11 =	vmul.f32 v11, v17;
	v6 =	vld [tilespmem:s26+$0x50C0]  }
0xb7: {  	[tilespmem:s26+$0x5060] =	vst v16;
	v13 =	vmul.f32 v13, v12;
	v8 =	vld [tilespmem:s26+$0x50D0]  }
0xb8: {  	[tilespmem:s26+$0x5070] =	vst v11;
	v12 =	vmul.f32 v14, v9;
	v9 =	vld [tilespmem:s26+$0x50E0]  }
0xb9: {  	s28 =	sadd.s32 $0x400, s28;
	[tilespmem:s26+$0x5080] =	vst v13;
	v11 =	vmul.f32 v15, v10;
	v10 =	vld [tilespmem:s26+$0x50F0]  }
0xba: {  	[tilespmem:s26+$0x5090] =	vst v12;
	v5 =	vmul.f32 v5, v7;
	v63 =	vld [tilespmem:s26+$0x5100]  }
0xbb: {  	[tilespmem:s26+$0x50A0] =	vst v11;
	v4 =	vmul.f32 v4, v6  }
0xbc: {  	[tilespmem:s26+$0x50B0] =	vst v5;
	v3 =	vmul.f32 v3, v8  }
0xbd: {  	[tilespmem:s26+$0x50C0] =	vst v4;
	v2 =	vmul.f32 v2, v9  }
0xbe: {  	[tilespmem:s26+$0x50D0] =	vst v3;
	v1 =	vmul.f32 v1, v10  }
0xbf: {  	s25 =	sadd.s32 $0x1, s25;
	[tilespmem:s26+$0x50E0] =	vst v2;
	v0 =	vmul.f32 v0, v63  }
0xc0: {  	p1 =	sne.s32 s25, $0x7D;
	[tilespmem:s26+$0x50F0] =	vst v1  }
.Ltmp2:
0xc1: {  	[tilespmem:s26+$0x5100] =	vst v0;
	(pc) =	sbr.rel @p1 .LBB2_2-.Ltmp2, $4  }
0xc2: {  	[spmem:s1] =	stream.indirect.scatter.add.f32 [tilespmem:s20], [sflag:$0x4], $0x80, s2, s18, $0xb8;
	[tilespmem:$0x1B180] =	vst v63  }
0xc3: {  	_ =	swait.ge [sflag:s15], $0x2800  }
0xc4: {  	[sflag:s15] =	ssyncset.done $0x0  }
0xc5: {  	[sflag:s15] =	ssyncadd.s32 $0xFFFFD800  }
0xc6: {  	[bflag:$0x0] =	sbarrier.arrive $0xFFFF;
	s25 =	simm.s32 @!p0 $0x1C04;
	s24 =	sadd.s32 $0x1, s24  }
0xc7: {  	[hbm:s12], [sflag:s25] =	dma.local @!p0 [spmem:s14], $0x27100  }
0xc8: {  	p1 =	sne.s32 s24, s13  }
.Ltmp3:
0xc9: {  	_ = 	snop;
	(pc) =	sbr.rel @p1 .LBB2_1-.Ltmp3, $4  }
0xca: {  	s25 =	simm.s32 @!p0 $0x4  }
0xcb: {  	_ =	swait.ge @!p0 [sflag:s25], $0x27100  }
0xcc: {  	[sflag:s25] =	ssyncset.done @!p0 $0x0  }
0xcd: {  	[sflag:s25] =	ssyncadd.s32 @!p0 $0xFFFD8F00  }
0xce: {  	_ =	sfence.sel $0x180000  }
0xcf: {  	[bflag:$0x0] =	sbarrier.arrive $0xFFFF  }
0xd0: {  	_ =	strace $0x90000050  }
0xd1: {  	s0 =	sadd.s32 @!p0 $0x100000, s0;
	[bflag:$0x2] =	sbarrier.arrive $0xFFFF  }
0xd2: {  	[sflag:s0] =	ssyncadd.tile.s32 @!p0 $0x1;
	_ =	shalt  }
.Lfunc_end2:
_tile_overlayer_lowered:
.L_overlay_start_2:
0xd3: {  	(tag) =	ssettag $0x2  }
0xd4: {  	s0 =	rddreg [dreg:$0x0];
	s2 =	stileid.u32  }
0xd5: {  	s1 =	rddreg [dreg:$0x1];
	p0 =	sne.s32 s2, $0x0  }
0xd6: {  	s3 =	rddreg [dreg:$0x2];
	[bflag:$0x3] =	sbarrier.arrive $0xFFFF;
	s2 =	simm.s32 @!p0 $0x1C04  }
0xd7: {  	[timem:s3], [sflag:s2] =	dma.local @!p0 [hbm:s0], s1  }
0xd8: {  	s0 =	simm.s32 @!p0 $0x4  }
0xd9: {  	_ =	swait.ge @!p0 [sflag:s0], s1  }
0xda: {  	s1 =	ssub.s32 @!p0 $0x0, s1;
	[sflag:s0] =	ssyncset.done @!p0 $0x0  }
0xdb: {  	[sflag:s0] =	ssyncadd.s32 @!p0 s1  }
0xdc: {  	[bflag:$0x3] =	sbarrier.arrive $0xFFFF  }
0xdd: {  	_ =	shalt  }

// kernel: kernel.27.cloned.1.call-start
scs
__scs_entry_jumppad:
0x0: {  	(pc) =	sbr.rel $0x88, $3  }
0x1: {  	(tag) =	ssettag $0x0;
	lr =	simm.s32 $0x1  }
0x2: {  	[smem:$0x3F94] =	sst lr;
	_ =	strace $0xD0000000  }
0x3: {  	_ = 	snop  }
0x4: {  	_ = 	snop  }
0x5: {  	_ = 	snop  }
0x6: {  	_ = 	snop  }
0x7: {  	_ = 	snop  }
__scs_overlays_trampoline_lowered:
0x8: {  	[smem:$0x3FA3] =	sst s0  }
0x9: {  	[smem:$0x3FA4] =	sst s1  }
0xa: {  	[smem:$0x3FA5] =	sst s2  }
0xb: {  	[smem:$0x3FA6] =	sst s3  }
0xc: {  	[smem:$0x3FA7] =	sst s4  }
0xd: {  	[smem:$0x3FA8] =	sst s5  }
0xe: {  	[smem:$0x3FA9] =	sst s6  }
0xf: {  	[smem:$0x3FAA] =	sst s7  }
0x10: {  	[smem:$0x3FAB] =	sst s8  }
0x11: {  	[smem:$0x3FAC] =	sst s9;
	s0 =	simm.s32 @!p0 $0x0  }
0x12: {  	s1 =	sld [smem:$0x3F92];
	s0 =	simm.s32 @p0 $0x1  }
0x13: {  	[smem:$0x3FAD] =	sst s0;
	s0 =	simm.s32 @!p1 $0x0  }
0x14: {  	s2 =	sld [smem:$0x3F91];
	s0 =	simm.s32 @p1 $0x1  }
0x15: {  	[smem:$0x3FAE] =	sst s0;
	s0 =	simm.s32 @!p2 $0x0  }
0x16: {  	s3 =	sld [smem:$0x3FDB];
	s0 =	simm.s32 @p2 $0x1  }
0x17: {  	s4 =	simm.s32 $0x1BF5;
	[smem:$0x3FB0] =	sst s0  }
0x18: {  	s0 =	sld [smem:$0x3F93];
	_ =	swait.ge [sflag:s4], $0x0  }
0x19: {  	s7 =	sld [smem:$0x3F94]  }
0x1a: {  	s8 =	sadd.s32 $0xFFFFE003, lr  }
0x1b: {  	s9 =	sadd.s32 $0xFFFFFEF7, lr;
	s5 =	simm.s32 $0xFFFFFFFF;
	p2 =	slt.u32 s8, $0xFFFFF086  }
0x1c: {  	p1 =	slt.u32 s9, $0xF7A;
	s5 =	simm.s32 @!p2 $0x0  }
0x1d: {  	s5 =	simm.s32 @p1 $0x1;
	p0 =	seq.s32 s7, s2  }
0x1e: {  	s7 =	smul.u32 @!p0 $0xF7A, s2;
	p2 =	seq.s32 @!p0 s5, $0x0  }
0x1f: {  	s9 =	smul.u32 $0xF7A, s1;
	s8 =	simm.s32 @!p0 $0x1BF5;
	p2 =	por !p2, p0  }
0x20: {  	[sflag:s8] =	ssyncset.s32 @!p0 $0xFFFFF086;
	s6 =	sadd.s32 @!p0 s3, s7;
	s7 =	simm.s32 @!p0 $0x108  }
0x21: {  	s3 =	sadd.s32 s3, s9;
	s6 =	sadd.s32 @!p0 $0x88, s6;
	s7 =	simm.s32 @p2 $0x1082  }
0x22: {  	[simem:s7], [sflag:s8] =	dma.local @!p0 [hbm:s6], $0xF7A  }
0x23: {  	s9 =	sor.u32 $0xD0000000, s2;
	s6 =	simm.s32 $0x108;
	_ =	swait.ge @!p0 [sflag:s8], $0x0  }
0x24: {  	s3 =	sadd.s32 $0x88, s3;
	s6 =	simm.s32 @!p1 $0x1082;
	[sflag:s4] =	ssyncset.s32 $0xFFFFF086  }
0x25: {  	[simem:s6], [sflag:s4] =	dma.local [hbm:s3], $0xF7A  }
0x26: {  	[smem:$0x3F94] =	sst s1;
	(tag) =	ssettag s2;
	_ =	strace s9  }
0x27: {  	s1 =	sld [smem:$0x3FA4]  }
0x28: {  	s2 =	sld [smem:$0x3FA5]  }
0x29: {  	s4 =	sld [smem:$0x3FA7]  }
0x2a: {  	p0 =	seq.s32 s5, $0x0;
	s5 =	sld [smem:$0x3FA8]  }
0x2b: {  	s6 =	sld [smem:$0x3FA9]  }
0x2c: {  	s7 =	sld [smem:$0x3FAA]  }
0x2d: {  	s3 =	simm.s32 $0x108;
	s8 =	sld [smem:$0x3FAB]  }
0x2e: {  	s3 =	simm.s32 @!p0 $0x1082;
	s9 =	sld [smem:$0x3FAC]  }
0x2f: {  	lr =	sadd.s32 s0, s3;
	s0 =	sld [smem:$0x3FA3]  }
0x30: {  	s3 =	sld [smem:$0x3FA6]  }
0x31: {  	[smem:$0x3FAF] =	sst s10  }
0x32: {  	s10 =	sld [smem:$0x3FAD];
	_ =	sdelay $0x3  }
0x33: {  	p0 =	seq.s32 s10, $0x1;
	s10 =	sld [smem:$0x3FAF];
	_ =	sdelay $0x3  }
0x34: {  	[smem:$0x3FAF] =	sst s10  }
0x35: {  	s10 =	sld [smem:$0x3FAE];
	_ =	sdelay $0x3  }
0x36: {  	p1 =	seq.s32 s10, $0x1;
	s10 =	sld [smem:$0x3FAF];
	_ =	sdelay $0x3  }
0x37: {  	[smem:$0x3FAF] =	sst s10  }
0x38: {  	s10 =	sld [smem:$0x3FB0]  }
0x39: {  	_ = 	snop;
	(pc) =	sbr.ind lr, $3  }
0x3a: {  	_ = 	snop  }
0x3b: {  	_ = 	snop  }
0x3c: {  	p2 =	seq.s32 s10, $0x1;
	s10 =	sld [smem:$0x3FAF]  }
0x3d: {  	_ =	shalt  }
0x3e: {  	_ =	shalt  }
0x3f: {  	_ =	shalt  }
0x40: {  	_ =	shalt  }
0x41: {  	_ =	shalt  }
0x42: {  	_ =	shalt  }
0x43: {  	_ =	shalt  }
0x44: {  	_ =	shalt  }
0x45: {  	_ =	shalt  }
0x46: {  	_ =	shalt  }
0x47: {  	_ =	shalt  }
0x48: {  	_ =	shalt  }
0x49: {  	_ =	shalt  }
0x4a: {  	_ =	shalt  }
0x4b: {  	_ =	shalt  }
0x4c: {  	_ =	shalt  }
0x4d: {  	_ =	shalt  }
0x4e: {  	_ =	shalt  }
0x4f: {  	_ =	shalt  }
0x50: {  	_ =	shalt  }
0x51: {  	_ =	shalt  }
0x52: {  	_ =	shalt  }
0x53: {  	_ =	shalt  }
0x54: {  	_ =	shalt  }
0x55: {  	_ =	shalt  }
0x56: {  	_ =	shalt  }
0x57: {  	_ =	shalt  }
0x58: {  	_ =	shalt  }
0x59: {  	_ =	shalt  }
0x5a: {  	_ =	shalt  }
0x5b: {  	_ =	shalt  }
0x5c: {  	_ =	shalt  }
0x5d: {  	_ =	shalt  }
0x5e: {  	_ =	shalt  }
0x5f: {  	_ =	shalt  }
0x60: {  	_ =	shalt  }
0x61: {  	_ =	shalt  }
0x62: {  	_ =	shalt  }
0x63: {  	_ =	shalt  }
0x64: {  	_ =	shalt  }
0x65: {  	_ =	shalt  }
0x66: {  	_ =	shalt  }
0x67: {  	_ =	shalt  }
0x68: {  	_ =	shalt  }
0x69: {  	_ =	shalt  }
0x6a: {  	_ =	shalt  }
0x6b: {  	_ =	shalt  }
0x6c: {  	_ =	shalt  }
0x6d: {  	_ =	shalt  }
0x6e: {  	_ =	shalt  }
0x6f: {  	_ =	shalt  }
0x70: {  	_ =	shalt  }
0x71: {  	_ =	shalt  }
0x72: {  	_ =	shalt  }
0x73: {  	_ =	shalt  }
0x74: {  	_ =	shalt  }
0x75: {  	_ =	shalt  }
0x76: {  	_ =	shalt  }
0x77: {  	_ =	shalt  }
0x78: {  	_ =	shalt  }
0x79: {  	_ =	shalt  }
0x7a: {  	_ =	shalt  }
0x7b: {  	_ =	shalt  }
0x7c: {  	_ =	shalt  }
0x7d: {  	_ =	shalt  }
0x7e: {  	_ =	shalt  }
0x7f: {  	_ =	shalt  }
0x80: {  	_ =	shalt  }
0x81: {  	_ =	shalt  }
0x82: {  	_ =	shalt  }
0x83: {  	_ =	shalt  }
0x84: {  	_ =	shalt  }
0x85: {  	_ =	shalt  }
0x86: {  	_ =	shalt  }
0x87: {  	_ =	shalt  }
.Lfunc_end0:
.L_simem_size_0:
called_computation.4_lowered:
.L_overlay_start_0:
0x88: {  	s2 =	sld [smem:$0x3FD9]  }
0x89: {  	s3 =	sld [smem:$0x3FFE];
	_ =	sdelay $0x1  }
0x8a: {  	s1 =	srdreg.scid  }
0x8b: {  	s0 =	sand.u32 $0x1, s1  }
0x8c: {  	s16 =	sshll.u32 s0, $0xA;
	s2 =	sadd.s32 s3, s2  }
0x8d: {  	s2 =	sadd.s32 s2, s16  }
0x8e: {  	[smem:$0x3FBB] =	sst s2  }
0x8f: {  	_ = 	snop  }
0x90: {  	(tm) =	ssettm $0x1  }
0x91: {  	s17 =	sld [smem:$0x3FFB];
	_ =	sdelay $0x3  }
0x92: {  	_ =	strace s17  }
0x93: {  	s2 =	sld [smem:$0x3FFC];
	_ =	sdelay $0x3  }
0x94: {  	_ =	strace s2  }
0x95: {  	s2 =	sld [smem:$0x3FFD];
	_ =	sdelay $0x3  }
0x96: {  	_ =	strace s2  }
0x97: {  	_ =	strace $0x8FFFFFFF  }
0x98: {  	s18 =	sld [smem:$0x3FDB];
	_ =	sdelay $0x1  }
0x99: {  	s19 =	simm.s32 $_scs_section_size  }
0x9a: {  	s4 =	simm.s32 $_size__tile_overlayer_lowered;
	s5 =	simm.s32 $_tile_overlayer_lowered  }
0x9b: {  	s22 =	simm.s32 $0x1BFF;
	s21 =	sshll.u32 s5, $0x1;
	s2 =	sadd.s32 s19, s18  }
0x9c: {  	s6 =	simm.s32 $0x0;
	s20 =	sshll.u32 s4, $0x1;
	s4 =	sadd.s32 s21, s2  }
0x9d: {  	[timem:s6], [sflag:s22] =	dma.local [hbm:s4], s20  }
0x9e: {  	_ =	swait.ge [sflag:s22], s20  }
0x9f: {  	s3 =	ssub.s32 $0x0, s20;
	[sflag:s22] =	ssyncset.done $0x0  }
0xa0: {  	[sflag:s22] =	ssyncadd.s32 s3;
	_ =	sdelay $0x1  }
0xa1: {  	s23 =	simm.s32 $0x1B8B  }
0xa2: {  	_ =	swait.ge [sflag:s23], $0x1  }
0xa3: {  	[sflag:s23] =	ssyncset.done $0x0  }
0xa4: {  	s25 =	simm.s32 $0x1B8E;
	s24 =	sld [smem:$0x3FFE];
	[sflag:s23] =	ssyncadd.s32 $0xFFFFFFFF  }
0xa5: {  	s26 =	simm.s32 $execute0_lowered;
	[smem:$0x3FD2] =	sst s25  }
0xa6: {  	s4 =	sshll.u32 s26, $0x1;
	_ =	strace $0x80000052;
	[dreg:$0x1] =	wrdreg $0xFFFFFFFF  }
0xa7: {  	s28 =	simm.s32 $_size_execute0_lowered;
	s2 =	sadd.s32 s2, s4;
	[dreg:$0x0] =	wrdreg $0x0  }
0xa8: {  	s4 =	sshll.u32 s28, $0x1;
	[dreg:$0x2] =	wrdreg s2  }
0xa9: {  	[dreg:$0x3] =	wrdreg s4  }
0xaa: {  	[dreg:$0x4] =	wrdreg $0xC0  }
0xab: {  	_ =	task [dreg:s6], $0x5FFFF  }
0xac: {  	[dreg:$0x1] =	wrdreg $0xFFFFFFFF  }
0xad: {  	[dreg:$0x0] =	wrdreg $0x60  }
0xae: {  	[dreg:$0x2] =	wrdreg s24  }
0xaf: {  	[dreg:$0x3] =	wrdreg $0x9  }
0xb0: {  	_ =	task.clear_ibuf [dreg:s6], $0x4FFFF;
	_ =	strace $0x90000052  }
0xb1: {  	s29 =	simm.s32 $0x9;
	_ =	strace $0x80000054  }
0xb2: {  	_ =	swait.ge [sflag:s29], $0x1  }
0xb3: {  	[sflag:s29] =	ssyncadd.s32 $0xFFFFFFFF  }
0xb4: {  	_ =	strace $0x90000054  }
0xb5: {  	_ =	sfence  }
0xb6: {  	s30 =	sld [smem:$0x0];
	_ =	sdelay $0x2  }
0xb7: {  	s31 =	sshll.u32 s1, $0xD;
	s1 =	sshrl.u32 s1, $0x2  }
0xb8: {  	s3 =	sand.u32 $0x4000, s31;
	s1 =	sadd.s32 s1, s30  }
0xb9: {  	s0 =	sor.u32 s3, s0;
	s1 =	sshll.u32 s1, $0x11  }
0xba: {  	s0 =	sor.u32 s1, s0  }
0xbb: {  	s0 =	sadd.s32 $0x8F2B, s0  }
0xbc: {  	[sflag:s0] =	ssyncadd.remote.s32 $0x1  }
0xbd: {  	_ =	sfence.sel $0xFFFF  }
0xbe: {  	[dreg:$0x0] =	wrdreg $0xFFFFFFFF;
	(pc) =	sbr.abs _section_cstart, $3  }
0xbf: {  	[dreg:$0x1] =	wrdreg $0xFFFFFFFF  }
0xc0: {  	_ =	task.clear_ibuf [dreg:s6], $0x2FFFF;
	_ =	strace $0x9FFFFFFF  }
0xc1: {  	(tm) =	ssettm $0x7FFFFFFF  }
tec
execute0_lowered:
.L_overlay_start_1:
0x0: {  	(tag) =	ssettag $0x1  }
0x1: {  	s5 =	rddreg [dreg:$0x0]  }
0x2: {  	s0 =	rddreg [dreg:$0x1];
	s2 =	simm.s32 $0x0;
	s3 =	srdreg.scid  }
0x3: {  	s1 =	stileid.u32;
	s11 =	simm.s32 $0x4000;
	s12 =	simm.s32 $0x50  }
0x4: {  	s13 =	simm.s32 $0x8000;
	s14 =	simm.s32 $0xA800;
	s15 =	simm.s32 $0x1  }
0x5: {  	s16 =	simm.s32 $0x2;
	s17 =	simm.s32 $0xD000;
	s18 =	simm.s32 $0x0  }
0x6: {  	[smem:$0x7FF] =	sst s2;
	s4 =	sand.u32 $0x1, s3;
	s30 =	sshll.u32 s1, $0x1  }
0x7: {  	s3 =	sadd.s32 $0x52F200, s5;
	_ =	strace $0x80000053;
	s8 =	sor.u32 s4, s30  }
0x8: {  	s7 =	ssub.s32 $0x2, s4;
	s4 =	sadd.s32 $0x4D200, s5;
	s6 =	sshll.u32 s8, $0xB  }
0x9: {  	s31 =	sshrl.u32 s7, $0x1;
	s8 =	smul.u32 $0x138800, s8;
	s9 =	sadd.s32 s6, s5  }
0xa: {  	s5 =	sadd.s32 $0xA38600, s5;
	s10 =	ssub.s32 s7, s31;
	s6 =	sadd.s32 $0x6000, s9  }
0xb: {  	s7 =	sadd.s32 $0x16000, s9;
	s9 =	smax.u32 s10, $0x1;
	s10 =	simm.s32 $0x3  }
.LBB2_1:
0xc: {  	[tilespmem:s2], [sflag:$0x3] =	stream.linear.gather [hbm4b:s6+s2], $0x3E80, $0x38;
	[tilespmem:$0xF800] =	vst v63  }
0xd: {  	_ =	swait.ge [sflag:s10], $0x3E80  }
0xe: {  	[sflag:s10] =	ssyncset.done $0x0  }
0xf: {  	[sflag:s10] =	ssyncadd.s32 $0xFFFFC180  }
0x10: {  	[tilespmem:s11], [sflag:$0x3] =	stream.linear.gather [hbm4b:s7+s2], $0x3E80, $0x38;
	[tilespmem:$0xF800] =	vst v63  }
0x11: {  	_ =	swait.ge [sflag:s10], $0x3E80  }
0x12: {  	[sflag:s10] =	ssyncset.done $0x0  }
0x13: {  	s19 =	simm.s32 $0x0;
	[sflag:s10] =	ssyncadd.s32 $0xFFFFC180  }
.LBB2_2:
0x14: {  	s20 =	sshll.u32 s19, $0x7  }
0x15: {  	[tilespmem:s13], [sflag:$0x1] =	stream.indirect.gather [hbm4b:s3+s12], $0x80, s20, s12, $0xb8;
	[tilespmem:$0xF800] =	vst v63  }
0x16: {  	s20 =	sadd.s32 $0x4000, s20  }
0x17: {  	[tilespmem:s14], [sflag:$0x2] =	stream.indirect.gather [hbm4b:s4+s12], $0x80, s20, s12, $0xb8;
	[tilespmem:$0xF800] =	vst v63  }
0x18: {  	_ =	swait.ge [sflag:s15], $0x2800  }
0x19: {  	[sflag:s15] =	ssyncset.done $0x0  }
0x1a: {  	[sflag:s15] =	ssyncadd.s32 $0xFFFFD800  }
0x1b: {  	_ =	swait.ge [sflag:s16], $0x2800  }
0x1c: {  	[sflag:s16] =	ssyncset.done $0x0  }
0x1d: {  	s20 =	simm.s32 $0xF0;
	[sflag:s16] =	ssyncadd.s32 $0xFFFFD800  }
0x1e: {  	v0 =	vld [tilespmem:s20+$0xA800]  }
0x1f: {  	v1 =	vld [tilespmem:s20+$0x8000]  }
0x20: {  	v2 =	vld [tilespmem:s20+$0xA710]  }
0x21: {  	v3 =	vld [tilespmem:s20+$0x7F10]  }
0x22: {  	v4 =	vld [tilespmem:s20+$0xA720]  }
0x23: {  	v5 =	vld [tilespmem:s20+$0x7F20]  }
0x24: {  	v6 =	vld [tilespmem:s20+$0xA730]  }
0x25: {  	v7 =	vld [tilespmem:s20+$0xA740]  }
0x26: {  	v0 =	vmul.f32 v1, v0;
	v1 =	vld [tilespmem:s20+$0x7F30]  }
0x27: {  	v2 =	vmul.f32 v3, v2;
	v3 =	vld [tilespmem:s20+$0xA750]  }
0x28: {  	[tilespmem:s20+$0xD000] =	vst v0;
	v0 =	vld [tilespmem:s20+$0x7F40]  }
0x29: {  	[tilespmem:s20+$0xCF10] =	vst v2;
	v2 =	vmul.f32 v5, v4;
	v4 =	vld [tilespmem:s20+$0x7F50]  }
0x2a: {  	v5 =	vld [tilespmem:s20+$0x7F60]  }
0x2b: {  	[tilespmem:s20+$0xCF20] =	vst v2;
	v2 =	vld [tilespmem:s20+$0xA760];
	v1 =	vmul.f32 v1, v6  }
0x2c: {  	v6 =	vld [tilespmem:s20+$0x7F70]  }
0x2d: {  	[tilespmem:s20+$0xCF30] =	vst v1;
	v0 =	vmul.f32 v0, v7;
	v1 =	vld [tilespmem:s20+$0xA770]  }
0x2e: {  	v7 =	vld [tilespmem:s20+$0x7FC0]  }
0x2f: {  	[tilespmem:s20+$0xCF40] =	vst v0;
	v0 =	vmul.f32 v4, v3;
	v3 =	vld [tilespmem:s20+$0xA780]  }
0x30: {  	v4 =	vld [tilespmem:s20+$0x7F80]  }
0x31: {  	[tilespmem:s20+$0xCF50] =	vst v0;
	v0 =	vmul.f32 v5, v2;
	v2 =	vld [tilespmem:s20+$0xA790]  }
0x32: {  	v5 =	vld [tilespmem:s20+$0x7F90]  }
0x33: {  	[tilespmem:s20+$0xCF60] =	vst v0;
	v0 =	vmul.f32 v6, v1;
	v1 =	vld [tilespmem:s20+$0xA7A0]  }
0x34: {  	v6 =	vld [tilespmem:s20+$0x7FA0]  }
0x35: {  	[tilespmem:s20+$0xCF70] =	vst v0;
	v0 =	vmul.f32 v4, v3;
	v3 =	vld [tilespmem:s20+$0xA7B0]  }
0x36: {  	v4 =	vld [tilespmem:s20+$0x7FB0]  }
0x37: {  	[tilespmem:s20+$0xCF80] =	vst v0;
	v0 =	vmul.f32 v5, v2;
	v5 =	vld [tilespmem:s20+$0xA7C0]  }
0x38: {  	v8 =	vld [tilespmem:s20+$0x7FD0]  }
0x39: {  	[tilespmem:s20+$0xCF90] =	vst v0;
	v0 =	vmul.f32 v6, v1;
	v6 =	vld [tilespmem:s20+$0xA7D0]  }
0x3a: {  	v2 =	vld [tilespmem:s20+$0xA7E0]  }
0x3b: {  	[tilespmem:s20+$0xCFA0] =	vst v0;
	v0 =	vmul.f32 v4, v3;
	v3 =	vld [tilespmem:s20+$0x7FE0]  }
0x3c: {  	v4 =	vld [tilespmem:s20+$0x7FF0];
	v5 =	vmul.f32 v7, v5  }
0x3d: {  	s21 =	simm.s32 $0x1F0;
	[tilespmem:s20+$0xCFB0] =	vst v0;
	v0 =	vld [tilespmem:s20+$0xA7F0]  }
0x3e: {  	s22 =	simm.s32 $0xBC0;
	v1 =	vld [tilespmem:s21+$0xA800];
	[tilespmem:s20+$0xCFC0] =	vst v5;
	v5 =	vmul.f32 v8, v6  }
.LBB2_3:
0x3f: {  	p0 =	sne.s32 s22, $0x9FC0;
	v6 =	vld [tilespmem:s21+$0x8000]  }
0x40: {  	v7 =	vld [tilespmem:s21+$0xA710];
	[tilespmem:s20+$0xCFD0] =	vst v5;
	v2 =	vmul.f32 v3, v2  }
0x41: {  	v3 =	vld [tilespmem:s21+$0x7F10]  }
0x42: {  	v5 =	vld [tilespmem:s21+$0xA720];
	[tilespmem:s20+$0xCFE0] =	vst v2;
	v0 =	vmul.f32 v4, v0  }
0x43: {  	v2 =	vld [tilespmem:s21+$0x7F20]  }
0x44: {  	v4 =	vld [tilespmem:s21+$0xA730];
	v1 =	vmul.f32 v6, v1;
	[tilespmem:s20+$0xCFF0] =	vst v0;
	s20 =	smov.u32 s21  }
0x45: {  	v0 =	vld [tilespmem:s20+$0x7F30]  }
0x46: {  	v3 =	vmul.f32 v3, v7;
	v6 =	vld [tilespmem:s20+$0xA740];
	[tilespmem:s20+$0xD000] =	vst v1  }
0x47: {  	v1 =	vld [tilespmem:s20+$0x7F40]  }
0x48: {  	[tilespmem:s20+$0xCF10] =	vst v3;
	v2 =	vmul.f32 v2, v5;
	v3 =	vld [tilespmem:s20+$0xA750]  }
0x49: {  	v5 =	vld [tilespmem:s20+$0x7F50]  }
0x4a: {  	[tilespmem:s20+$0xCF20] =	vst v2;
	v0 =	vmul.f32 v0, v4;
	v2 =	vld [tilespmem:s20+$0xA760]  }
0x4b: {  	v4 =	vld [tilespmem:s20+$0x7F60]  }
0x4c: {  	[tilespmem:s20+$0xCF30] =	vst v0;
	v0 =	vmul.f32 v1, v6;
	v1 =	vld [tilespmem:s20+$0xA770]  }
0x4d: {  	v6 =	vld [tilespmem:s20+$0x7F70]  }
0x4e: {  	[tilespmem:s20+$0xCF40] =	vst v0;
	v0 =	vmul.f32 v5, v3;
	v3 =	vld [tilespmem:s20+$0xA780]  }
0x4f: {  	v5 =	vld [tilespmem:s20+$0x7F80]  }
0x50: {  	[tilespmem:s20+$0xCF50] =	vst v0;
	v0 =	vmul.f32 v4, v2;
	v2 =	vld [tilespmem:s20+$0xA790]  }
0x51: {  	v4 =	vld [tilespmem:s20+$0x7F90]  }
0x52: {  	[tilespmem:s20+$0xCF60] =	vst v0;
	v0 =	vmul.f32 v6, v1;
	v1 =	vld [tilespmem:s20+$0xA7A0]  }
0x53: {  	v6 =	vld [tilespmem:s20+$0x7FA0]  }
0x54: {  	[tilespmem:s20+$0xCF70] =	vst v0;
	v0 =	vmul.f32 v5, v3;
	v3 =	vld [tilespmem:s20+$0xA7B0]  }
0x55: {  	v5 =	vld [tilespmem:s20+$0x7FB0]  }
0x56: {  	[tilespmem:s20+$0xCF80] =	vst v0;
	v0 =	vmul.f32 v4, v2;
	v4 =	vld [tilespmem:s20+$0xA7C0]  }
0x57: {  	v7 =	vld [tilespmem:s20+$0x7FC0]  }
0x58: {  	[tilespmem:s20+$0xCF90] =	vst v0;
	v0 =	vmul.f32 v6, v1;
	v6 =	vld [tilespmem:s20+$0xA7D0]  }
0x59: {  	v8 =	vld [tilespmem:s20+$0x7FD0]  }
.Ltmp0:
0x5a: {  	[tilespmem:s20+$0xCFA0] =	vst v0;
	v0 =	vmul.f32 v5, v3;
	v2 =	vld [tilespmem:s20+$0xA7E0];
	(pc) =	sbr.rel @p0 .LBB2_3-.Ltmp0, $4  }
0x5b: {  	v3 =	vld [tilespmem:s20+$0x7FE0]  }
0x5c: {  	[tilespmem:s20+$0xCFB0] =	vst v0;
	v5 =	vmul.f32 v7, v4;
	v0 =	vld [tilespmem:s20+$0xA7F0]  }
0x5d: {  	s21 =	sshra.s32 s22, $0x2;
	v4 =	vld [tilespmem:s20+$0x7FF0]  }
0x5e: {  	s22 =	sadd.s32 $0x400, s22;
	v1 =	vld [tilespmem:s21+$0xA800];
	[tilespmem:s20+$0xCFC0] =	vst v5;
	v5 =	vmul.f32 v8, v6  }
0x5f: {  	v6 =	vld [tilespmem:s21+$0x8000]  }
0x60: {  	v7 =	vld [tilespmem:s21+$0xA710];
	[tilespmem:s20+$0xCFD0] =	vst v5;
	v2 =	vmul.f32 v3, v2  }
0x61: {  	v28 =	vld [tilespmem:s21+$0x7F10]  }
0x62: {  	v5 =	vld [tilespmem:s21+$0xA720];
	[tilespmem:s20+$0xCFE0] =	vst v2;
	v0 =	vmul.f32 v4, v0  }
0x63: {  	v2 =	vld [tilespmem:s21+$0x7F20]  }
0x64: {  	v29 =	vld [tilespmem:s21+$0xA730];
	[tilespmem:s20+$0xCFF0] =	vst v0  }
0x65: {  	v31 =	vld [tilespmem:s21+$0x7F30]  }
0x66: {  	v32 =	vld [tilespmem:s21+$0xA740]  }
0x67: {  	v33 =	vld [tilespmem:s21+$0x7F40]  }
0x68: {  	v34 =	vld [tilespmem:s21+$0xA750]  }
0x69: {  	v35 =	vld [tilespmem:s21+$0x7F50]  }
0x6a: {  	v36 =	vld [tilespmem:s21+$0xA760]  }
0x6b: {  	v37 =	vld [tilespmem:s21+$0x7F60]  }
0x6c: {  	v38 =	vld [tilespmem:s21+$0xA770]  }
0x6d: {  	v39 =	vld [tilespmem:s21+$0x7F70]  }
0x6e: {  	v41 =	vld [tilespmem:s21+$0xA780]  }
0x6f: {  	v42 =	vld [tilespmem:s21+$0x7F80]  }
0x70: {  	v44 =	vld [tilespmem:s21+$0xA790]  }
0x71: {  	v45 =	vld [tilespmem:s21+$0x7F90]  }
0x72: {  	v47 =	vld [tilespmem:s21+$0xA7A0]  }
0x73: {  	v30 =	vmul.f32 v6, v1;
	v48 =	vld [tilespmem:s21+$0x7FA0]  }
0x74: {  	v50 =	vld [tilespmem:s21+$0xA7B0];
	v3 =	vmul.f32 v28, v7  }
0x75: {  	v51 =	vld [tilespmem:s21+$0x7FB0];
	[tilespmem:s21+$0xD000] =	vst v30;
	v2 =	vmul.f32 v2, v5  }
0x76: {  	v53 =	vld [tilespmem:s21+$0xA7C0];
	[tilespmem:s21+$0xCF10] =	vst v3;
	v1 =	vmul.f32 v31, v29  }
0x77: {  	v54 =	vld [tilespmem:s21+$0x7FC0];
	[tilespmem:s21+$0xCF20] =	vst v2;
	v0 =	vmul.f32 v33, v32  }
0x78: {  	v56 =	vld [tilespmem:s21+$0xA7D0];
	v40 =	vmul.f32 v35, v34;
	[tilespmem:s21+$0xCF30] =	vst v1  }
0x79: {  	v57 =	vld [tilespmem:s21+$0x7FD0];
	v43 =	vmul.f32 v37, v36;
	[tilespmem:s21+$0xCF40] =	vst v0  }
0x7a: {  	v59 =	vld [tilespmem:s21+$0xA7E0];
	v46 =	vmul.f32 v39, v38;
	[tilespmem:s21+$0xCF50] =	vst v40  }
0x7b: {  	v60 =	vld [tilespmem:s21+$0x7FE0];
	v49 =	vmul.f32 v42, v41;
	[tilespmem:s21+$0xCF60] =	vst v43  }
0x7c: {  	v61 =	vld [tilespmem:s21+$0xA7F0];
	v52 =	vmul.f32 v45, v44;
	[tilespmem:s21+$0xCF70] =	vst v46  }
0x7d: {  	v62 =	vld [tilespmem:s21+$0x7FF0];
	v55 =	vmul.f32 v48, v47;
	[tilespmem:s21+$0xCF80] =	vst v49  }
0x7e: {  	v58 =	vmul.f32 v51, v50;
	[tilespmem:s21+$0xCF90] =	vst v52  }
0x7f: {  	v2 =	vmul.f32 v54, v53;
	[tilespmem:s21+$0xCFA0] =	vst v55  }
0x80: {  	s31 =	smul.u32 $0x2800, s19;
	v63 =	vmul.f32 v60, v59;
	[tilespmem:s21+$0xCFB0] =	vst v58  }
0x81: {  	v1 =	vmul.f32 v57, v56;
	[tilespmem:s21+$0xCFC0] =	vst v2  }
0x82: {  	s19 =	sadd.s32 $0x1, s19;
	s20 =	sadd.s32 s8, s31;
	v0 =	vmul.f32 v62, v61;
	[tilespmem:s21+$0xCFE0] =	vst v63  }
0x83: {  	p0 =	sne.s32 s19, $0x7D;
	s20 =	sshrl.u32 s20, $0x3;
	[tilespmem:s21+$0xCFD0] =	vst v1  }
.Ltmp1:
0x84: {  	s20 =	sadd.s32 s5, s20;
	[tilespmem:s21+$0xCFF0] =	vst v0;
	(pc) =	sbr.rel @p0 .LBB2_2-.Ltmp1, $4  }
0x85: {  	[hbm4b:s20+s2] =	stream.linear.scatter [tilespmem:s17], [sflag:$0x3], $0x2800, $0x38;
	[tilespmem:$0xF800] =	vst v63  }
0x86: {  	_ =	swait.ge [sflag:s10], $0x2800  }
0x87: {  	[sflag:s10] =	ssyncset.done $0x0  }
0x88: {  	[sflag:s10] =	ssyncadd.s32 $0xFFFFD800  }
0x89: {  	s18 =	sadd.s32 $0x1, s18  }
0x8a: {  	p0 =	sne.s32 s18, s9  }
.Ltmp2:
0x8b: {  	_ = 	snop;
	(pc) =	sbr.rel @p0 .LBB2_1-.Ltmp2, $1  }
0x8c: {  	_ =	sdelay $0x3  }
0x8d: {  	_ =	sfence.sel $0x180000  }
0x8e: {  	[bflag:$0x0] =	sbarrier.arrive $0xFFFF  }
0x8f: {  	p0 =	sne.s32 s1, $0x0;
	_ =	strace $0x90000053  }
0x90: {  	s0 =	sadd.s32 @!p0 $0x100000, s0;
	[bflag:$0x2] =	sbarrier.arrive $0xFFFF  }
0x91: {  	[sflag:s0] =	ssyncadd.tile.s32 @!p0 $0x1;
	_ =	shalt  }
.Lfunc_end2:
_tile_overlayer_lowered:
.L_overlay_start_2:
0x92: {  	(tag) =	ssettag $0x2  }
0x93: {  	s0 =	rddreg [dreg:$0x0];
	s2 =	stileid.u32  }
0x94: {  	s1 =	rddreg [dreg:$0x1];
	p0 =	sne.s32 s2, $0x0  }
0x95: {  	s3 =	rddreg [dreg:$0x2];
	[bflag:$0x3] =	sbarrier.arrive $0xFFFF;
	s2 =	simm.s32 @!p0 $0x1C03  }
0x96: {  	[timem:s3], [sflag:s2] =	dma.local @!p0 [hbm:s0], s1  }
0x97: {  	s0 =	simm.s32 @!p0 $0x3  }
0x98: {  	_ =	swait.ge @!p0 [sflag:s0], s1  }
0x99: {  	s1 =	ssub.s32 @!p0 $0x0, s1;
	[sflag:s0] =	ssyncset.done @!p0 $0x0  }
0x9a: {  	[sflag:s0] =	ssyncadd.s32 @!p0 s1  }
0x9b: {  	[bflag:$0x3] =	sbarrier.arrive $0xFFFF  }
0x9c: {  	_ =	shalt  }

// kernel: kernel.30.cloned.1.call-start
scs
__scs_entry_jumppad:
0x0: {  	(pc) =	sbr.rel $0x88, $3  }
0x1: {  	(tag) =	ssettag $0x0;
	lr =	simm.s32 $0x1  }
0x2: {  	[smem:$0x3F94] =	sst lr;
	_ =	strace $0xD0000000  }
0x3: {  	_ = 	snop  }
0x4: {  	_ = 	snop  }
0x5: {  	_ = 	snop  }
0x6: {  	_ = 	snop  }
0x7: {  	_ = 	snop  }
__scs_overlays_trampoline_lowered:
0x8: {  	[smem:$0x3FA3] =	sst s0  }
0x9: {  	[smem:$0x3FA4] =	sst s1  }
0xa: {  	[smem:$0x3FA5] =	sst s2  }
0xb: {  	[smem:$0x3FA6] =	sst s3  }
0xc: {  	[smem:$0x3FA7] =	sst s4  }
0xd: {  	[smem:$0x3FA8] =	sst s5  }
0xe: {  	[smem:$0x3FA9] =	sst s6  }
0xf: {  	[smem:$0x3FAA] =	sst s7  }
0x10: {  	[smem:$0x3FAB] =	sst s8  }
0x11: {  	[smem:$0x3FAC] =	sst s9;
	s0 =	simm.s32 @!p0 $0x0  }
0x12: {  	s1 =	sld [smem:$0x3F92];
	s0 =	simm.s32 @p0 $0x1  }
0x13: {  	[smem:$0x3FAD] =	sst s0;
	s0 =	simm.s32 @!p1 $0x0  }
0x14: {  	s2 =	sld [smem:$0x3F91];
	s0 =	simm.s32 @p1 $0x1  }
0x15: {  	[smem:$0x3FAE] =	sst s0;
	s0 =	simm.s32 @!p2 $0x0  }
0x16: {  	s3 =	sld [smem:$0x3FDB];
	s0 =	simm.s32 @p2 $0x1  }
0x17: {  	s4 =	simm.s32 $0x1BF5;
	[smem:$0x3FB0] =	sst s0  }
0x18: {  	s0 =	sld [smem:$0x3F93];
	_ =	swait.ge [sflag:s4], $0x0  }
0x19: {  	s7 =	sld [smem:$0x3F94]  }
0x1a: {  	s8 =	sadd.s32 $0xFFFFE003, lr  }
0x1b: {  	s9 =	sadd.s32 $0xFFFFFEF7, lr;
	s5 =	simm.s32 $0xFFFFFFFF;
	p2 =	slt.u32 s8, $0xFFFFF086  }
0x1c: {  	p1 =	slt.u32 s9, $0xF7A;
	s5 =	simm.s32 @!p2 $0x0  }
0x1d: {  	s5 =	simm.s32 @p1 $0x1;
	p0 =	seq.s32 s7, s2  }
0x1e: {  	s7 =	smul.u32 @!p0 $0xF7A, s2;
	p2 =	seq.s32 @!p0 s5, $0x0  }
0x1f: {  	s9 =	smul.u32 $0xF7A, s1;
	s8 =	simm.s32 @!p0 $0x1BF5;
	p2 =	por !p2, p0  }
0x20: {  	[sflag:s8] =	ssyncset.s32 @!p0 $0xFFFFF086;
	s6 =	sadd.s32 @!p0 s3, s7;
	s7 =	simm.s32 @!p0 $0x108  }
0x21: {  	s3 =	sadd.s32 s3, s9;
	s6 =	sadd.s32 @!p0 $0x88, s6;
	s7 =	simm.s32 @p2 $0x1082  }
0x22: {  	[simem:s7], [sflag:s8] =	dma.local @!p0 [hbm:s6], $0xF7A  }
0x23: {  	s9 =	sor.u32 $0xD0000000, s2;
	s6 =	simm.s32 $0x108;
	_ =	swait.ge @!p0 [sflag:s8], $0x0  }
0x24: {  	s3 =	sadd.s32 $0x88, s3;
	s6 =	simm.s32 @!p1 $0x1082;
	[sflag:s4] =	ssyncset.s32 $0xFFFFF086  }
0x25: {  	[simem:s6], [sflag:s4] =	dma.local [hbm:s3], $0xF7A  }
0x26: {  	[smem:$0x3F94] =	sst s1;
	(tag) =	ssettag s2;
	_ =	strace s9  }
0x27: {  	s1 =	sld [smem:$0x3FA4]  }
0x28: {  	s2 =	sld [smem:$0x3FA5]  }
0x29: {  	s4 =	sld [smem:$0x3FA7]  }
0x2a: {  	p0 =	seq.s32 s5, $0x0;
	s5 =	sld [smem:$0x3FA8]  }
0x2b: {  	s6 =	sld [smem:$0x3FA9]  }
0x2c: {  	s7 =	sld [smem:$0x3FAA]  }
0x2d: {  	s3 =	simm.s32 $0x108;
	s8 =	sld [smem:$0x3FAB]  }
0x2e: {  	s3 =	simm.s32 @!p0 $0x1082;
	s9 =	sld [smem:$0x3FAC]  }
0x2f: {  	lr =	sadd.s32 s0, s3;
	s0 =	sld [smem:$0x3FA3]  }
0x30: {  	s3 =	sld [smem:$0x3FA6]  }
0x31: {  	[smem:$0x3FAF] =	sst s10  }
0x32: {  	s10 =	sld [smem:$0x3FAD];
	_ =	sdelay $0x3  }
0x33: {  	p0 =	seq.s32 s10, $0x1;
	s10 =	sld [smem:$0x3FAF];
	_ =	sdelay $0x3  }
0x34: {  	[smem:$0x3FAF] =	sst s10  }
0x35: {  	s10 =	sld [smem:$0x3FAE];
	_ =	sdelay $0x3  }
0x36: {  	p1 =	seq.s32 s10, $0x1;
	s10 =	sld [smem:$0x3FAF];
	_ =	sdelay $0x3  }
0x37: {  	[smem:$0x3FAF] =	sst s10  }
0x38: {  	s10 =	sld [smem:$0x3FB0]  }
0x39: {  	_ = 	snop;
	(pc) =	sbr.ind lr, $3  }
0x3a: {  	_ = 	snop  }
0x3b: {  	_ = 	snop  }
0x3c: {  	p2 =	seq.s32 s10, $0x1;
	s10 =	sld [smem:$0x3FAF]  }
0x3d: {  	_ =	shalt  }
0x3e: {  	_ =	shalt  }
0x3f: {  	_ =	shalt  }
0x40: {  	_ =	shalt  }
0x41: {  	_ =	shalt  }
0x42: {  	_ =	shalt  }
0x43: {  	_ =	shalt  }
0x44: {  	_ =	shalt  }
0x45: {  	_ =	shalt  }
0x46: {  	_ =	shalt  }
0x47: {  	_ =	shalt  }
0x48: {  	_ =	shalt  }
0x49: {  	_ =	shalt  }
0x4a: {  	_ =	shalt  }
0x4b: {  	_ =	shalt  }
0x4c: {  	_ =	shalt  }
0x4d: {  	_ =	shalt  }
0x4e: {  	_ =	shalt  }
0x4f: {  	_ =	shalt  }
0x50: {  	_ =	shalt  }
0x51: {  	_ =	shalt  }
0x52: {  	_ =	shalt  }
0x53: {  	_ =	shalt  }
0x54: {  	_ =	shalt  }
0x55: {  	_ =	shalt  }
0x56: {  	_ =	shalt  }
0x57: {  	_ =	shalt  }
0x58: {  	_ =	shalt  }
0x59: {  	_ =	shalt  }
0x5a: {  	_ =	shalt  }
0x5b: {  	_ =	shalt  }
0x5c: {  	_ =	shalt  }
0x5d: {  	_ =	shalt  }
0x5e: {  	_ =	shalt  }
0x5f: {  	_ =	shalt  }
0x60: {  	_ =	shalt  }
0x61: {  	_ =	shalt  }
0x62: {  	_ =	shalt  }
0x63: {  	_ =	shalt  }
0x64: {  	_ =	shalt  }
0x65: {  	_ =	shalt  }
0x66: {  	_ =	shalt  }
0x67: {  	_ =	shalt  }
0x68: {  	_ =	shalt  }
0x69: {  	_ =	shalt  }
0x6a: {  	_ =	shalt  }
0x6b: {  	_ =	shalt  }
0x6c: {  	_ =	shalt  }
0x6d: {  	_ =	shalt  }
0x6e: {  	_ =	shalt  }
0x6f: {  	_ =	shalt  }
0x70: {  	_ =	shalt  }
0x71: {  	_ =	shalt  }
0x72: {  	_ =	shalt  }
0x73: {  	_ =	shalt  }
0x74: {  	_ =	shalt  }
0x75: {  	_ =	shalt  }
0x76: {  	_ =	shalt  }
0x77: {  	_ =	shalt  }
0x78: {  	_ =	shalt  }
0x79: {  	_ =	shalt  }
0x7a: {  	_ =	shalt  }
0x7b: {  	_ =	shalt  }
0x7c: {  	_ =	shalt  }
0x7d: {  	_ =	shalt  }
0x7e: {  	_ =	shalt  }
0x7f: {  	_ =	shalt  }
0x80: {  	_ =	shalt  }
0x81: {  	_ =	shalt  }
0x82: {  	_ =	shalt  }
0x83: {  	_ =	shalt  }
0x84: {  	_ =	shalt  }
0x85: {  	_ =	shalt  }
0x86: {  	_ =	shalt  }
0x87: {  	_ =	shalt  }
.Lfunc_end0:
.L_simem_size_0:
called_computation.5_lowered:
.L_overlay_start_0:
0x88: {  	s2 =	sld [smem:$0x3FD9]  }
0x89: {  	s3 =	sld [smem:$0x3FFE];
	_ =	sdelay $0x1  }
0x8a: {  	s1 =	srdreg.scid  }
0x8b: {  	s0 =	sand.u32 $0x1, s1  }
0x8c: {  	s16 =	sshll.u32 s0, $0xA;
	s2 =	sadd.s32 s3, s2  }
0x8d: {  	s2 =	sadd.s32 s2, s16  }
0x8e: {  	[smem:$0x3FBB] =	sst s2  }
0x8f: {  	_ = 	snop  }
0x90: {  	(tm) =	ssettm $0x1  }
0x91: {  	s17 =	sld [smem:$0x3FFB];
	_ =	sdelay $0x3  }
0x92: {  	_ =	strace s17  }
0x93: {  	s2 =	sld [smem:$0x3FFC];
	_ =	sdelay $0x3  }
0x94: {  	_ =	strace s2  }
0x95: {  	s2 =	sld [smem:$0x3FFD];
	_ =	sdelay $0x3  }
0x96: {  	_ =	strace s2  }
0x97: {  	_ =	strace $0x8FFFFFFF  }
0x98: {  	s18 =	sld [smem:$0x3FDB];
	_ =	sdelay $0x1  }
0x99: {  	s19 =	simm.s32 $_scs_section_size  }
0x9a: {  	s4 =	simm.s32 $_size__tile_overlayer_lowered;
	s5 =	simm.s32 $_tile_overlayer_lowered  }
0x9b: {  	s22 =	simm.s32 $0x1BFF;
	s21 =	sshll.u32 s5, $0x1;
	s2 =	sadd.s32 s19, s18  }
0x9c: {  	s6 =	simm.s32 $0x0;
	s20 =	sshll.u32 s4, $0x1;
	s4 =	sadd.s32 s21, s2  }
0x9d: {  	[timem:s6], [sflag:s22] =	dma.local [hbm:s4], s20  }
0x9e: {  	_ =	swait.ge [sflag:s22], s20  }
0x9f: {  	s3 =	ssub.s32 $0x0, s20;
	[sflag:s22] =	ssyncset.done $0x0  }
0xa0: {  	[sflag:s22] =	ssyncadd.s32 s3;
	_ =	sdelay $0x1  }
0xa1: {  	s23 =	simm.s32 $0x1B8B  }
0xa2: {  	_ =	swait.ge [sflag:s23], $0x1  }
0xa3: {  	[sflag:s23] =	ssyncset.done $0x0  }
0xa4: {  	s25 =	simm.s32 $0x1B8E;
	s24 =	sld [smem:$0x3FFE];
	[sflag:s23] =	ssyncadd.s32 $0xFFFFFFFF  }
0xa5: {  	s26 =	simm.s32 $execute0_lowered;
	[smem:$0x3FD2] =	sst s25  }
0xa6: {  	s4 =	sshll.u32 s26, $0x1;
	_ =	strace $0x80000055;
	[dreg:$0x1] =	wrdreg $0xFFFFFFFF  }
0xa7: {  	s28 =	simm.s32 $_size_execute0_lowered;
	s2 =	sadd.s32 s2, s4;
	[dreg:$0x0] =	wrdreg $0x0  }
0xa8: {  	s4 =	sshll.u32 s28, $0x1;
	[dreg:$0x2] =	wrdreg s2  }
0xa9: {  	[dreg:$0x3] =	wrdreg s4  }
0xaa: {  	[dreg:$0x4] =	wrdreg $0xC0  }
0xab: {  	_ =	task [dreg:s6], $0x5FFFF  }
0xac: {  	[dreg:$0x1] =	wrdreg $0xFFFFFFFF  }
0xad: {  	[dreg:$0x0] =	wrdreg $0x60  }
0xae: {  	[dreg:$0x2] =	wrdreg s24  }
0xaf: {  	[dreg:$0x3] =	wrdreg $0x9  }
0xb0: {  	_ =	task.clear_ibuf [dreg:s6], $0x4FFFF;
	_ =	strace $0x90000055  }
0xb1: {  	s29 =	simm.s32 $0x9;
	_ =	strace $0x80000057  }
0xb2: {  	_ =	swait.ge [sflag:s29], $0x1  }
0xb3: {  	[sflag:s29] =	ssyncadd.s32 $0xFFFFFFFF  }
0xb4: {  	_ =	strace $0x90000057  }
0xb5: {  	_ =	sfence  }
0xb6: {  	s30 =	sld [smem:$0x0];
	_ =	sdelay $0x2  }
0xb7: {  	s31 =	sshll.u32 s1, $0xD;
	s1 =	sshrl.u32 s1, $0x2  }
0xb8: {  	s3 =	sand.u32 $0x4000, s31;
	s1 =	sadd.s32 s1, s30  }
0xb9: {  	s0 =	sor.u32 s3, s0;
	s1 =	sshll.u32 s1, $0x11  }
0xba: {  	s0 =	sor.u32 s1, s0  }
0xbb: {  	s0 =	sadd.s32 $0x8F2B, s0  }
0xbc: {  	[sflag:s0] =	ssyncadd.remote.s32 $0x1  }
0xbd: {  	_ =	sfence.sel $0xFFFF  }
0xbe: {  	[dreg:$0x0] =	wrdreg $0xFFFFFFFF;
	(pc) =	sbr.abs _section_cstart, $3  }
0xbf: {  	[dreg:$0x1] =	wrdreg $0xFFFFFFFF  }
0xc0: {  	_ =	task.clear_ibuf [dreg:s6], $0x2FFFF;
	_ =	strace $0x9FFFFFFF  }
0xc1: {  	(tm) =	ssettm $0x7FFFFFFF  }
tec
execute0_lowered:
.L_overlay_start_1:
0x0: {  	(tag) =	ssettag $0x1  }
0x1: {  	s1 =	srdreg.scid;
	s0 =	stileid.u32  }
0x2: {  	s5 =	rddreg [dreg:$0x0];
	s2 =	simm.s32 $0x0;
	s11 =	simm.s32 $0x4000  }
0x3: {  	s12 =	simm.s32 $0x8000;
	s13 =	simm.s32 $0xA800;
	s14 =	simm.s32 $0xCF80  }
0x4: {  	s15 =	simm.s32 $0xF700;
	s3 =	sand.u32 $0x1, s1;
	s4 =	smul.u32 $0x271000, s0  }
0x5: {  	s16 =	simm.s32 $0x80;
	s1 =	rddreg [dreg:$0x1];
	s6 =	smul.u32 $0x138800, s3  }
0x6: {  	v0 =	vlaneseq.u32;
	s17 =	simm.s32 $0x200;
	s18 =	simm.s32 $0x0;
	[smem:$0x7FF] =	sst s2  }
0x7: {  	s29 =	sshll.u32 s0, $0x1;
	v0 =	vmul.u32 $0x80, v0;
	_ =	strace $0x80000056;
	s4 =	sadd.s32 s6, s4  }
0x8: {  	s6 =	sor.u32 s3, s29;
	s3 =	ssub.s32 $0x2, s3;
	s4 =	sshrl.u32 s4, $0x3  }
0x9: {  	v1 =	vimm.f32 $0.0e+00;
	v2 =	vor.u32 $0x1, v0;
	v4 =	vor.u32 $0x800, v0;
	s7 =	sshll.u32 s6, $0xB;
	s6 =	smul.u32 $0x13C0, s6;
	s31 =	sshrl.u32 s3, $0x1  }
0xa: {  	v5 =	vor.u32 $0x801, v0;
	v6 =	vor.u32 $0x802, v0;
	v7 =	vor.u32 $0x1000, v0;
	s9 =	sadd.s32 s4, s5;
	s30 =	sadd.s32 s7, s5;
	s10 =	ssub.s32 s3, s31  }
0xb: {  	v8 =	vor.u32 $0x1001, v0;
	v9 =	vor.u32 $0x1002, v0;
	v10 =	vor.u32 $0x1800, v0;
	s8 =	sadd.s32 s6, s5;
	s3 =	sadd.s32 $0x6000, s30;
	s4 =	sadd.s32 $0x16000, s30  }
0xc: {  	v3 =	vor.u32 $0x2, v0;
	v11 =	vor.u32 $0x1801, v0;
	v12 =	vor.u32 $0x1802, v0;
	s9 =	sadd.s32 $0x26000, s9;
	s5 =	sadd.s32 $0x508000, s8;
	s6 =	sadd.s32 $0x508010, s8  }
0xd: {  	v13 =	vor.u32 $0x2000, v0;
	v14 =	vor.u32 $0x2001, v0;
	v15 =	vor.u32 $0x2002, v0;
	s7 =	sadd.s32 $0x508020, s8;
	s8 =	smax.u32 s10, $0x1;
	s10 =	simm.s32 $0x1  }
.LBB2_1:
0xe: {  	[tilespmem:s2], [sflag:$0x1] =	stream.linear.gather [hbm4b:s3+s2], $0x3E80, $0x38;
	[tilespmem:$0x11E80] =	vst v63  }
0xf: {  	_ =	swait.ge [sflag:s10], $0x3E80  }
0x10: {  	[sflag:s10] =	ssyncset.done $0x0  }
0x11: {  	[sflag:s10] =	ssyncadd.s32 $0xFFFFC180  }
0x12: {  	[tilespmem:s11], [sflag:$0x1] =	stream.linear.gather [hbm4b:s4+s2], $0x3E80, $0x38;
	[tilespmem:$0x11E80] =	vst v63  }
0x13: {  	_ =	swait.ge [sflag:s10], $0x3E80  }
0x14: {  	[sflag:s10] =	ssyncset.done $0x0  }
0x15: {  	s19 =	simm.s32 $0x0;
	[sflag:s10] =	ssyncadd.s32 $0xFFFFC180  }
.LBB2_2:
0x16: {  	p0 =	sne.s32 s19, $0x9C00  }
.Ltmp0:
0x17: {  	_ = 	snop;
	(pc) =	sbr.rel @p0 .LBB2_2-.Ltmp0, $4  }
0x18: {  	s20 =	sshra.s32 s19, $0x2  }
0x19: {  	[tilespmem:s20+$0xA800] =	vst v1  }
0x1a: {  	[tilespmem:s20+$0xCF80] =	vst v1  }
0x1b: {  	s19 =	sadd.s32 $0x40, s19;
	[tilespmem:s20+$0xF700] =	vst v1  }
0x1c: {  	[tilespmem:s12], [sflag:$0x1] =	stream.linear.gather [hbm4b:s9+s2], $0x2800, $0x38;
	[tilespmem:$0x11E80] =	vst v63  }
0x1d: {  	_ =	swait.ge [sflag:s10], $0x2800  }
0x1e: {  	[sflag:s10] =	ssyncset.done $0x0  }
0x1f: {  	s19 =	simm.s32 $0x0;
	[sflag:s10] =	ssyncadd.s32 $0xFFFFD800  }
0x20: {  	v16 =	vld [tilespmem:s19+$0x0]  }
0x21: {  	v17 =	vld.idx.msk [tilespmem:v0+s12+$0x0], $0xffff  }
0x22: {  	v18 =	vld [tilespmem:s19+$0x4000];
	_ =	sdelay $0x4  }
0x23: {  	v19 =	vsub.f32 $0.0e+00, v17;
	_ =	sdelay $0x1  }
0x24: {  	[tilespmem:v16+s13+$0x0] =	vst.idx.add.f32.msk $0xffff, v19  }
0x25: {  	[tilespmem:v18+s13+$0x0] =	vst.idx.add.f32.msk $0xffff, v17  }
0x26: {  	v17 =	vld.idx.msk [tilespmem:v2+s12+$0x0], $0xffff;
	_ =	sdelay $0x4  }
0x27: {  	v19 =	vsub.f32 $0.0e+00, v17;
	_ =	sdelay $0x1  }
0x28: {  	[tilespmem:v16+s14+$0x0] =	vst.idx.add.f32.msk $0xffff, v19  }
0x29: {  	[tilespmem:v18+s14+$0x0] =	vst.idx.add.f32.msk $0xffff, v17  }
0x2a: {  	v17 =	vld.idx.msk [tilespmem:v3+s12+$0x0], $0xffff;
	_ =	sdelay $0x4  }
0x2b: {  	v19 =	vsub.f32 $0.0e+00, v17;
	_ =	sdelay $0x1  }
0x2c: {  	[tilespmem:v16+s15+$0x0] =	vst.idx.add.f32.msk $0xffff, v19  }
0x2d: {  	[tilespmem:v18+s15+$0x0] =	vst.idx.add.f32.msk $0xffff, v17  }
0x2e: {  	v16 =	vld [tilespmem:s19+$0x10]  }
0x2f: {  	v17 =	vld.idx.msk [tilespmem:v4+s12+$0x0], $0xffff  }
0x30: {  	v18 =	vld [tilespmem:s19+$0x4010];
	_ =	sdelay $0x4  }
0x31: {  	v19 =	vsub.f32 $0.0e+00, v17;
	_ =	sdelay $0x1  }
0x32: {  	[tilespmem:v16+s13+$0x0] =	vst.idx.add.f32.msk $0xffff, v19  }
0x33: {  	[tilespmem:v18+s13+$0x0] =	vst.idx.add.f32.msk $0xffff, v17  }
0x34: {  	v17 =	vld.idx.msk [tilespmem:v5+s12+$0x0], $0xffff;
	_ =	sdelay $0x4  }
0x35: {  	v19 =	vsub.f32 $0.0e+00, v17;
	_ =	sdelay $0x1  }
0x36: {  	[tilespmem:v16+s14+$0x0] =	vst.idx.add.f32.msk $0xffff, v19  }
0x37: {  	[tilespmem:v18+s14+$0x0] =	vst.idx.add.f32.msk $0xffff, v17  }
0x38: {  	v17 =	vld.idx.msk [tilespmem:v6+s12+$0x0], $0xffff;
	_ =	sdelay $0x4  }
0x39: {  	v19 =	vsub.f32 $0.0e+00, v17;
	_ =	sdelay $0x1  }
0x3a: {  	[tilespmem:v16+s15+$0x0] =	vst.idx.add.f32.msk $0xffff, v19  }
0x3b: {  	[tilespmem:v18+s15+$0x0] =	vst.idx.add.f32.msk $0xffff, v17  }
0x3c: {  	v16 =	vld [tilespmem:s19+$0x20]  }
0x3d: {  	v17 =	vld.idx.msk [tilespmem:v7+s12+$0x0], $0xffff  }
0x3e: {  	v18 =	vld [tilespmem:s19+$0x4020];
	_ =	sdelay $0x4  }
0x3f: {  	v19 =	vsub.f32 $0.0e+00, v17;
	_ =	sdelay $0x1  }
0x40: {  	[tilespmem:v16+s13+$0x0] =	vst.idx.add.f32.msk $0xffff, v19  }
0x41: {  	[tilespmem:v18+s13+$0x0] =	vst.idx.add.f32.msk $0xffff, v17  }
0x42: {  	v17 =	vld.idx.msk [tilespmem:v8+s12+$0x0], $0xffff;
	_ =	sdelay $0x4  }
0x43: {  	v19 =	vsub.f32 $0.0e+00, v17;
	_ =	sdelay $0x1  }
0x44: {  	[tilespmem:v16+s14+$0x0] =	vst.idx.add.f32.msk $0xffff, v19  }
0x45: {  	[tilespmem:v18+s14+$0x0] =	vst.idx.add.f32.msk $0xffff, v17  }
0x46: {  	v17 =	vld.idx.msk [tilespmem:v9+s12+$0x0], $0xffff;
	_ =	sdelay $0x4  }
0x47: {  	v19 =	vsub.f32 $0.0e+00, v17;
	_ =	sdelay $0x1  }
0x48: {  	[tilespmem:v16+s15+$0x0] =	vst.idx.add.f32.msk $0xffff, v19  }
0x49: {  	[tilespmem:v18+s15+$0x0] =	vst.idx.add.f32.msk $0xffff, v17  }
0x4a: {  	v16 =	vld [tilespmem:s19+$0x30]  }
0x4b: {  	v17 =	vld.idx.msk [tilespmem:v10+s12+$0x0], $0xffff  }
0x4c: {  	v18 =	vld [tilespmem:s19+$0x4030];
	_ =	sdelay $0x4  }
0x4d: {  	v19 =	vsub.f32 $0.0e+00, v17;
	_ =	sdelay $0x1  }
0x4e: {  	[tilespmem:v16+s13+$0x0] =	vst.idx.add.f32.msk $0xffff, v19  }
0x4f: {  	[tilespmem:v18+s13+$0x0] =	vst.idx.add.f32.msk $0xffff, v17  }
0x50: {  	v17 =	vld.idx.msk [tilespmem:v11+s12+$0x0], $0xffff;
	_ =	sdelay $0x4  }
0x51: {  	v19 =	vsub.f32 $0.0e+00, v17;
	_ =	sdelay $0x1  }
0x52: {  	[tilespmem:v16+s14+$0x0] =	vst.idx.add.f32.msk $0xffff, v19  }
0x53: {  	[tilespmem:v18+s14+$0x0] =	vst.idx.add.f32.msk $0xffff, v17  }
0x54: {  	v17 =	vld.idx.msk [tilespmem:v12+s12+$0x0], $0xffff;
	_ =	sdelay $0x4  }
0x55: {  	v19 =	vsub.f32 $0.0e+00, v17;
	_ =	sdelay $0x1  }
0x56: {  	[tilespmem:v16+s15+$0x0] =	vst.idx.add.f32.msk $0xffff, v19  }
0x57: {  	[tilespmem:v18+s15+$0x0] =	vst.idx.add.f32.msk $0xffff, v17  }
0x58: {  	v16 =	vld [tilespmem:s19+$0x40]  }
0x59: {  	v18 =	vld.idx.msk [tilespmem:v13+s12+$0x0], $0xffff  }
0x5a: {  	v17 =	vld [tilespmem:s19+$0x4040];
	_ =	sdelay $0x4  }
0x5b: {  	v19 =	vsub.f32 $0.0e+00, v18;
	_ =	sdelay $0x1  }
0x5c: {  	[tilespmem:v16+s13+$0x0] =	vst.idx.add.f32.msk $0xffff, v19  }
0x5d: {  	[tilespmem:v17+s13+$0x0] =	vst.idx.add.f32.msk $0xffff, v18  }
0x5e: {  	v18 =	vld.idx.msk [tilespmem:v14+s12+$0x0], $0xffff;
	_ =	sdelay $0x4  }
0x5f: {  	v19 =	vsub.f32 $0.0e+00, v18;
	_ =	sdelay $0x1  }
0x60: {  	[tilespmem:v16+s14+$0x0] =	vst.idx.add.f32.msk $0xffff, v19  }
0x61: {  	[tilespmem:v17+s14+$0x0] =	vst.idx.add.f32.msk $0xffff, v18  }
0x62: {  	s20 =	smov.u32 s9;
	s19 =	simm.s32 $0x200;
	v18 =	vld.idx.msk [tilespmem:v15+s12+$0x0], $0xffff  }
.LBB2_4:
0x63: {  	p0 =	sne.s32 s19, $0xF800  }
0x64: {  	s20 =	sadd.s32 $0x500, s20;
	s21 =	smov.u32 s19;
	s19 =	sadd.s32 $0x200, s19  }
0x65: {  	_ =	sdelay $0x2  }
0x66: {  	v19 =	vsub.f32 $0.0e+00, v18;
	_ =	sdelay $0x1  }
0x67: {  	[tilespmem:v16+s15+$0x0] =	vst.idx.add.f32.msk $0xffff, v19  }
0x68: {  	[tilespmem:v17+s15+$0x0] =	vst.idx.add.f32.msk $0xffff, v18  }
0x69: {  	[tilespmem:s12], [sflag:$0x1] =	stream.linear.gather [hbm4b:s20+s2], $0x2800, $0x38;
	[tilespmem:$0x11E80] =	vst v63  }
0x6a: {  	_ =	swait.ge [sflag:s10], $0x2800  }
0x6b: {  	[sflag:s10] =	ssyncset.done $0x0  }
0x6c: {  	s21 =	sshra.s32 s21, $0x2;
	[sflag:s10] =	ssyncadd.s32 $0xFFFFD800  }
0x6d: {  	v16 =	vld [tilespmem:s21+$0x0]  }
0x6e: {  	v17 =	vld.idx.msk [tilespmem:v0+s12+$0x0], $0xffff  }
0x6f: {  	v18 =	vld [tilespmem:s21+$0x4000];
	_ =	sdelay $0x4  }
0x70: {  	v19 =	vsub.f32 $0.0e+00, v17;
	_ =	sdelay $0x1  }
0x71: {  	[tilespmem:v16+s13+$0x0] =	vst.idx.add.f32.msk $0xffff, v19  }
0x72: {  	[tilespmem:v18+s13+$0x0] =	vst.idx.add.f32.msk $0xffff, v17  }
0x73: {  	v17 =	vld.idx.msk [tilespmem:v2+s12+$0x0], $0xffff;
	_ =	sdelay $0x5  }
0x74: {  	v19 =	vsub.f32 $0.0e+00, v17;
	_ =	sdelay $0x1  }
0x75: {  	[tilespmem:v16+s14+$0x0] =	vst.idx.add.f32.msk $0xffff, v19  }
0x76: {  	[tilespmem:v18+s14+$0x0] =	vst.idx.add.f32.msk $0xffff, v17  }
0x77: {  	v17 =	vld.idx.msk [tilespmem:v3+s12+$0x0], $0xffff;
	_ =	sdelay $0x5  }
0x78: {  	v19 =	vsub.f32 $0.0e+00, v17;
	_ =	sdelay $0x1  }
0x79: {  	[tilespmem:v16+s15+$0x0] =	vst.idx.add.f32.msk $0xffff, v19  }
0x7a: {  	[tilespmem:v18+s15+$0x0] =	vst.idx.add.f32.msk $0xffff, v17  }
0x7b: {  	v16 =	vld [tilespmem:s21+$0x10]  }
0x7c: {  	v17 =	vld.idx.msk [tilespmem:v4+s12+$0x0], $0xffff  }
0x7d: {  	v18 =	vld [tilespmem:s21+$0x4010];
	_ =	sdelay $0x4  }
0x7e: {  	v19 =	vsub.f32 $0.0e+00, v17;
	_ =	sdelay $0x1  }
0x7f: {  	[tilespmem:v16+s13+$0x0] =	vst.idx.add.f32.msk $0xffff, v19  }
0x80: {  	[tilespmem:v18+s13+$0x0] =	vst.idx.add.f32.msk $0xffff, v17  }
0x81: {  	v17 =	vld.idx.msk [tilespmem:v5+s12+$0x0], $0xffff;
	_ =	sdelay $0x5  }
0x82: {  	v19 =	vsub.f32 $0.0e+00, v17;
	_ =	sdelay $0x1  }
0x83: {  	[tilespmem:v16+s14+$0x0] =	vst.idx.add.f32.msk $0xffff, v19  }
0x84: {  	[tilespmem:v18+s14+$0x0] =	vst.idx.add.f32.msk $0xffff, v17  }
0x85: {  	v17 =	vld.idx.msk [tilespmem:v6+s12+$0x0], $0xffff;
	_ =	sdelay $0x5  }
0x86: {  	v19 =	vsub.f32 $0.0e+00, v17;
	_ =	sdelay $0x1  }
0x87: {  	[tilespmem:v16+s15+$0x0] =	vst.idx.add.f32.msk $0xffff, v19  }
0x88: {  	[tilespmem:v18+s15+$0x0] =	vst.idx.add.f32.msk $0xffff, v17  }
0x89: {  	v16 =	vld [tilespmem:s21+$0x20]  }
0x8a: {  	v17 =	vld.idx.msk [tilespmem:v7+s12+$0x0], $0xffff  }
0x8b: {  	v18 =	vld [tilespmem:s21+$0x4020];
	_ =	sdelay $0x4  }
0x8c: {  	v19 =	vsub.f32 $0.0e+00, v17;
	_ =	sdelay $0x1  }
0x8d: {  	[tilespmem:v16+s13+$0x0] =	vst.idx.add.f32.msk $0xffff, v19  }
0x8e: {  	[tilespmem:v18+s13+$0x0] =	vst.idx.add.f32.msk $0xffff, v17  }
0x8f: {  	v17 =	vld.idx.msk [tilespmem:v8+s12+$0x0], $0xffff;
	_ =	sdelay $0x5  }
0x90: {  	v19 =	vsub.f32 $0.0e+00, v17;
	_ =	sdelay $0x1  }
0x91: {  	[tilespmem:v16+s14+$0x0] =	vst.idx.add.f32.msk $0xffff, v19  }
0x92: {  	[tilespmem:v18+s14+$0x0] =	vst.idx.add.f32.msk $0xffff, v17  }
0x93: {  	v17 =	vld.idx.msk [tilespmem:v9+s12+$0x0], $0xffff;
	_ =	sdelay $0x5  }
0x94: {  	v19 =	vsub.f32 $0.0e+00, v17;
	_ =	sdelay $0x1  }
0x95: {  	[tilespmem:v16+s15+$0x0] =	vst.idx.add.f32.msk $0xffff, v19  }
0x96: {  	[tilespmem:v18+s15+$0x0] =	vst.idx.add.f32.msk $0xffff, v17  }
0x97: {  	v16 =	vld [tilespmem:s21+$0x30]  }
0x98: {  	v17 =	vld.idx.msk [tilespmem:v10+s12+$0x0], $0xffff  }
0x99: {  	v18 =	vld [tilespmem:s21+$0x4030];
	_ =	sdelay $0x4  }
0x9a: {  	v19 =	vsub.f32 $0.0e+00, v17;
	_ =	sdelay $0x1  }
0x9b: {  	[tilespmem:v16+s13+$0x0] =	vst.idx.add.f32.msk $0xffff, v19  }
0x9c: {  	[tilespmem:v18+s13+$0x0] =	vst.idx.add.f32.msk $0xffff, v17  }
0x9d: {  	v17 =	vld.idx.msk [tilespmem:v11+s12+$0x0], $0xffff;
	_ =	sdelay $0x5  }
0x9e: {  	v19 =	vsub.f32 $0.0e+00, v17;
	_ =	sdelay $0x1  }
0x9f: {  	[tilespmem:v16+s14+$0x0] =	vst.idx.add.f32.msk $0xffff, v19  }
0xa0: {  	[tilespmem:v18+s14+$0x0] =	vst.idx.add.f32.msk $0xffff, v17  }
0xa1: {  	v17 =	vld.idx.msk [tilespmem:v12+s12+$0x0], $0xffff;
	_ =	sdelay $0x5  }
0xa2: {  	v19 =	vsub.f32 $0.0e+00, v17;
	_ =	sdelay $0x1  }
0xa3: {  	[tilespmem:v16+s15+$0x0] =	vst.idx.add.f32.msk $0xffff, v19  }
0xa4: {  	[tilespmem:v18+s15+$0x0] =	vst.idx.add.f32.msk $0xffff, v17  }
0xa5: {  	v16 =	vld [tilespmem:s21+$0x40]  }
0xa6: {  	v18 =	vld.idx.msk [tilespmem:v13+s12+$0x0], $0xffff  }
0xa7: {  	v17 =	vld [tilespmem:s21+$0x4040];
	_ =	sdelay $0x4  }
0xa8: {  	v19 =	vsub.f32 $0.0e+00, v18;
	_ =	sdelay $0x1  }
0xa9: {  	[tilespmem:v16+s13+$0x0] =	vst.idx.add.f32.msk $0xffff, v19  }
0xaa: {  	[tilespmem:v17+s13+$0x0] =	vst.idx.add.f32.msk $0xffff, v18  }
0xab: {  	v18 =	vld.idx.msk [tilespmem:v14+s12+$0x0], $0xffff;
	_ =	sdelay $0x5  }
.Ltmp1:
0xac: {  	v19 =	vsub.f32 $0.0e+00, v18;
	(pc) =	sbr.rel @p0 .LBB2_4-.Ltmp1, $4  }
0xad: {  	_ = 	snop  }
0xae: {  	[tilespmem:v16+s14+$0x0] =	vst.idx.add.f32.msk $0xffff, v19  }
0xaf: {  	[tilespmem:v17+s14+$0x0] =	vst.idx.add.f32.msk $0xffff, v18  }
0xb0: {  	v18 =	vld.idx.msk [tilespmem:v15+s12+$0x0], $0xffff  }
0xb1: {  	_ =	sdelay $0x3  }
0xb2: {  	v19 =	vsub.f32 $0.0e+00, v18;
	_ =	sdelay $0x1  }
0xb3: {  	[tilespmem:v16+s15+$0x0] =	vst.idx.add.f32.msk $0xffff, v19  }
0xb4: {  	[tilespmem:v17+s15+$0x0] =	vst.idx.add.f32.msk $0xffff, v18  }
0xb5: {  	[hbm4b:s5+s16] =	stream.strided.scatter [tilespmem:s13], [sflag:$0x1], $0x2780, s17, s16, $0x38;
	[tilespmem:$0x11E80] =	vst v63  }
0xb6: {  	_ =	swait.ge [sflag:s10], $0x2780  }
0xb7: {  	[sflag:s10] =	ssyncset.done $0x0  }
0xb8: {  	[sflag:s10] =	ssyncadd.s32 $0xFFFFD880  }
0xb9: {  	[hbm4b:s6+s16] =	stream.strided.scatter [tilespmem:s14], [sflag:$0x1], $0x2780, s17, s16, $0x38;
	[tilespmem:$0x11E80] =	vst v63  }
0xba: {  	s18 =	sadd.s32 $0x1, s18;
	_ =	swait.ge [sflag:s10], $0x2780  }
0xbb: {  	p0 =	sne.s32 s18, s8;
	[sflag:s10] =	ssyncset.done $0x0  }
.Ltmp2:
0xbc: {  	[sflag:s10] =	ssyncadd.s32 $0xFFFFD880;
	(pc) =	sbr.rel @p0 .LBB2_1-.Ltmp2, $4  }
0xbd: {  	[hbm4b:s7+s16] =	stream.strided.scatter [tilespmem:s15], [sflag:$0x1], $0x2780, s17, s16, $0x38;
	[tilespmem:$0x11E80] =	vst v63  }
0xbe: {  	_ =	swait.ge [sflag:s10], $0x2780  }
0xbf: {  	[sflag:s10] =	ssyncset.done $0x0  }
0xc0: {  	[sflag:s10] =	ssyncadd.s32 $0xFFFFD880  }
0xc1: {  	_ =	sfence.sel $0x180000  }
0xc2: {  	[bflag:$0x0] =	sbarrier.arrive $0xFFFF  }
0xc3: {  	p0 =	sne.s32 s0, $0x0;
	_ =	strace $0x90000056  }
0xc4: {  	s0 =	sadd.s32 @!p0 $0x100000, s1;
	[bflag:$0x2] =	sbarrier.arrive $0xFFFF  }
0xc5: {  	[sflag:s0] =	ssyncadd.tile.s32 @!p0 $0x1;
	_ =	shalt  }
.Lfunc_end2:
_tile_overlayer_lowered:
.L_overlay_start_2:
0xc6: {  	(tag) =	ssettag $0x2  }
0xc7: {  	s0 =	rddreg [dreg:$0x0];
	s2 =	stileid.u32  }
0xc8: {  	s1 =	rddreg [dreg:$0x1];
	p0 =	sne.s32 s2, $0x0  }
0xc9: {  	s3 =	rddreg [dreg:$0x2];
	[bflag:$0x3] =	sbarrier.arrive $0xFFFF;
	s2 =	simm.s32 @!p0 $0x1C01  }
0xca: {  	[timem:s3], [sflag:s2] =	dma.local @!p0 [hbm:s0], s1  }
0xcb: {  	s0 =	simm.s32 @!p0 $0x1  }
0xcc: {  	_ =	swait.ge @!p0 [sflag:s0], s1  }
0xcd: {  	s1 =	ssub.s32 @!p0 $0x0, s1;
	[sflag:s0] =	ssyncset.done @!p0 $0x0  }
0xce: {  	[sflag:s0] =	ssyncadd.s32 @!p0 s1  }
0xcf: {  	[bflag:$0x3] =	sbarrier.arrive $0xFFFF  }
0xd0: {  	_ =	shalt  }

</sc_bundles>
